<compile_context>
chip_gen: v7x
topology: tpu7x:2x2x1
jax: 0.10.2.dev20260603
libtpu: 0.0.44.dev20260713+nightly
codegen_flags: <defaults>
</compile_context>

<pallas_src>
import functools

import jax
import jax.numpy as jnp
from jax import lax
from jax.experimental import pallas as pl
from jax.experimental.pallas import tpu as pltpu
from jax.experimental.pallas import tpu_sc as plsc

N = 10000
E = 160000
D_FEAT = 128
D_EDGE = 16
HID = 16
N_GRAPHS = 64

NC = 2
NS = 16
C = 128
NCHUNK = 40
EPT = C * NCHUNK
E_PAD = NC * NS * EPT
TW = HID * HID + HID
N_AGG = 10112
ROWS_PT = N_AGG // NS



def _h_body(ea_ref, w_ref, b_ref, h1_ref, h2_ref, h3_ref):
    h = jnp.maximum(jnp.dot(ea_ref[...], w_ref[...]) + b_ref[...], 0.0)
    h1_ref[...] = h[:, 0:HID]
    h2_ref[...] = h[:, HID:2 * HID]
    h3_ref[...] = h[:, 2 * HID:3 * HID]


def _edge_mlp(ea, w1cat, b1cat):
    blk = 2048
    return pl.pallas_call(
        _h_body,
        grid=(E_PAD // blk,),
        in_specs=[
            pl.BlockSpec((blk, D_EDGE), lambda i: (i, 0)),
            pl.BlockSpec((D_EDGE, 3 * HID), lambda i: (0, 0)),
            pl.BlockSpec((1, 3 * HID), lambda i: (0, 0)),
        ],
        out_specs=[
            pl.BlockSpec((blk, HID), lambda i: (i, 0)),
            pl.BlockSpec((blk, HID), lambda i: (i, 0)),
            pl.BlockSpec((blk, HID), lambda i: (i, 0)),
        ],
        out_shape=[jax.ShapeDtypeStruct((E_PAD, HID), jnp.float32)] * 3,
    )(ea, w1cat, b1cat)


def _t1_body(x_ref, a_ref, t_ref, r_ref):
    t = jnp.dot(x_ref[...], a_ref[...])
    t_ref[...] = t[:, :TW]
    r_ref[...] = t[:, TW:TW + HID]


def _table_first(x, a):
    blk = 2000
    return pl.pallas_call(
        _t1_body,
        grid=(N // blk,),
        in_specs=[
            pl.BlockSpec((blk, D_FEAT), lambda i: (i, 0)),
            pl.BlockSpec((D_FEAT, TW + HID), lambda i: (0, 0)),
        ],
        out_specs=[
            pl.BlockSpec((blk, TW), lambda i: (i, 0)),
            pl.BlockSpec((blk, HID), lambda i: (i, 0)),
        ],
        out_shape=[
            jax.ShapeDtypeStruct((N, TW), jnp.float32),
            jax.ShapeDtypeStruct((N, HID), jnp.float32),
        ],
    )(x, a)


def _tn_body(a0_ref, a1_ref, r_ref, b_ref, a_ref, t_ref, rout_ref):
    x = jnp.maximum(a0_ref[...] + a1_ref[...] + r_ref[...] + b_ref[...], 0.0)
    t = jnp.dot(x, a_ref[...])
    t_ref[...] = t[:, :TW]
    rout_ref[...] = t[:, TW:TW + HID]


def _table_next(agg0, agg1, root, bias, a):
    blk = 2000
    return pl.pallas_call(
        _tn_body,
        grid=(N // blk,),
        in_specs=[
            pl.BlockSpec((blk, HID), lambda i: (i, 0)),
            pl.BlockSpec((blk, HID), lambda i: (i, 0)),
            pl.BlockSpec((blk, HID), lambda i: (i, 0)),
            pl.BlockSpec((1, HID), lambda i: (0, 0)),
            pl.BlockSpec((HID, TW + HID), lambda i: (0, 0)),
        ],
        out_specs=[
            pl.BlockSpec((blk, TW), lambda i: (i, 0)),
            pl.BlockSpec((blk, HID), lambda i: (i, 0)),
        ],
        out_shape=[
            jax.ShapeDtypeStruct((N, TW), jnp.float32),
            jax.ShapeDtypeStruct((N, HID), jnp.float32),
        ],
    )(agg0, agg1, root, bias, a)


def _pool_body(a0_ref, a1_ref, r_ref, bias_ref, batch_ref,
               w1_ref, b1_ref, w2_ref, b2_ref, out_ref):
    x = a0_ref[...] + a1_ref[...] + r_ref[...] + bias_ref[...]
    gid = lax.broadcasted_iota(jnp.int32, (N_GRAPHS, N), 0)
    p = (gid == batch_ref[...]).astype(jnp.float32)
    sums = jnp.dot(p, x)
    counts = jnp.sum(p, axis=1, keepdims=True)
    g = sums / jnp.maximum(counts, 1.0)
    g = jnp.maximum(jnp.dot(g, w1_ref[...]) + b1_ref[...], 0.0)
    out_ref[...] = jnp.dot(g, w2_ref[...]) + b2_ref[...]


def _pool_mlp(agg0, agg1, root, bias, batch_row, w1, b1, w2, b2):
    return pl.pallas_call(
        _pool_body,
        grid=(1,),
        in_specs=[
            pl.BlockSpec((N, HID), lambda i: (0, 0)),
            pl.BlockSpec((N, HID), lambda i: (0, 0)),
            pl.BlockSpec((N, HID), lambda i: (0, 0)),
            pl.BlockSpec((1, HID), lambda i: (0, 0)),
            pl.BlockSpec((1, N), lambda i: (0, 0)),
            pl.BlockSpec((HID, HID), lambda i: (0, 0)),
            pl.BlockSpec((1, HID), lambda i: (0, 0)),
            pl.BlockSpec((HID, 1), lambda i: (0, 0)),
            pl.BlockSpec((1, 1), lambda i: (0, 0)),
        ],
        out_specs=pl.BlockSpec((N_GRAPHS, 1), lambda i: (0, 0)),
        out_shape=jax.ShapeDtypeStruct((N_GRAPHS, 1), jnp.float32),
    )(agg0, agg1, root, bias, batch_row, w1, b1, w2, b2)



def _sc_edge_body(t_hbm, h_hbm, ei_hbm, zero_hbm, out_hbm,
                  src_v0, src_v1, dst_v0, dst_v1, h_v0, h_v1,
                  rows_v0, rows_v1, msg_v0, msg_v1, agg_sh,
                  sem_i0, sem_i1, sem_d0, sem_d1, sem_h0, sem_h1,
                  sem_g0, sem_g1, sem_s0, sem_s1):
    src_v = (src_v0, src_v1)
    dst_v = (dst_v0, dst_v1)
    h_v = (h_v0, h_v1)
    rows_v = (rows_v0, rows_v1)
    msg_v = (msg_v0, msg_v1)
    sem_i = (sem_i0, sem_i1)
    sem_d = (sem_d0, sem_d1)
    sem_h = (sem_h0, sem_h1)
    sem_g = (sem_g0, sem_g1)
    sem_s = (sem_s0, sem_s1)

    c = lax.axis_index("c")
    s = lax.axis_index("s")
    base0 = (c * NS + s) * EPT
    rs = s * ROWS_PT

    def issue_src(ch, b):
        pltpu.async_copy(ei_hbm.at[0, pl.ds(base0 + ch * C, C)],
                         src_v[b], sem_i[b])

    def issue_dsth(ch, b):
        pltpu.async_copy(ei_hbm.at[1, pl.ds(base0 + ch * C, C)],
                         dst_v[b], sem_d[b])
        pltpu.async_copy(h_hbm.at[pl.ds(base0 + ch * C, C)],
                         h_v[b], sem_h[b])

    pltpu.sync_copy(zero_hbm, agg_sh.at[pl.ds(rs, ROWS_PT)])
    plsc.subcore_barrier()

    issue_src(0, 0)
    pltpu.make_async_copy(ei_hbm.at[0, pl.ds(base0, C)], src_v[0],
                          sem_i[0]).wait()
    pltpu.async_copy(t_hbm.at[src_v[0]], rows_v[0], sem_g[0])
    issue_dsth(0, 0)
    issue_src(1, 1)

    def pair_body(i, carry):
        for b in (0, 1):
            ch = 2 * i + b
            o = 1 - b
            pltpu.make_async_copy(t_hbm.at[src_v[b]], rows_v[b],
                                  sem_g[b]).wait()

            @pl.when(ch + 2 < NCHUNK)
            def _():
                issue_src(ch + 2, b)

            @pl.when(ch + 1 < NCHUNK)
            def _():
                pltpu.make_async_copy(
                    ei_hbm.at[0, pl.ds(base0, C)], src_v[o], sem_i[o]).wait()
                pltpu.async_copy(t_hbm.at[src_v[o]], rows_v[o], sem_g[o])

                @pl.when(ch >= 1)
                def _():
                    pltpu.make_async_copy(
                        msg_v[o], agg_sh.at[dst_v[o]], sem_s[o]).wait()

                issue_dsth(ch + 1, o)

            pltpu.make_async_copy(
                h_hbm.at[pl.ds(base0, C)], h_v[b], sem_h[b]).wait()

            @plsc.parallel_loop(0, C, unroll=4)
            def edge_body(e):
                hvec = h_v[b][e]
                acc = None
                for k in range(HID):
                    w = jnp.broadcast_to(hvec[k], (HID,))
                    term = w * rows_v[b][e, pl.ds(k * HID, HID)]
                    acc = term if acc is None else acc + term
                acc = acc + rows_v[b][e, pl.ds(HID * HID, HID)]
                msg_v[b][e] = acc

            pltpu.make_async_copy(
                ei_hbm.at[1, pl.ds(base0, C)], dst_v[b], sem_d[b]).wait()
            pltpu.async_copy(msg_v[b], agg_sh.at[dst_v[b]], sem_s[b],
                             add=True)
        return carry

    lax.fori_loop(0, NCHUNK // 2, pair_body, 0)
    for b in (0, 1):
        pltpu.make_async_copy(msg_v[b], agg_sh.at[dst_v[b]], sem_s[b]).wait()
    plsc.subcore_barrier()
    pltpu.sync_copy(agg_sh.at[pl.ds(rs, ROWS_PT)],
                    out_hbm.at[c, pl.ds(rs, ROWS_PT)])


@functools.lru_cache(maxsize=1)
def _build_sc_edge():
    mesh = plsc.VectorSubcoreMesh(
        core_axis_name="c", subcore_axis_name="s",
        num_cores=NC, num_subcores=NS)
    return pl.kernel(
        _sc_edge_body,
        out_type=jax.ShapeDtypeStruct((NC, N_AGG, HID), jnp.float32),
        mesh=mesh,
        compiler_params=pltpu.CompilerParams(use_tc_tiling_on_sc=False),
        scratch_types=(
            [pltpu.VMEM((C,), jnp.int32)] * 4 +
            [pltpu.VMEM((C, HID), jnp.float32)] * 2 +
            [pltpu.VMEM((C, TW), jnp.float32)] * 2 +
            [pltpu.VMEM((C, HID), jnp.float32)] * 2 +
            [pltpu.VMEM_SHARED((N_AGG, HID), jnp.float32)] +
            [pltpu.SemaphoreType.DMA] * 10
        ),
    )


def _sc_edge(t, h, ei_pad, zero_blk):
    return _build_sc_edge()(t, h, ei_pad, zero_blk)



def _make_a(conv, in_dim):
    w2r = conv["nnW2"].reshape(HID, in_dim, HID)
    return jnp.concatenate(
        [
            w2r.transpose(1, 0, 2).reshape(in_dim, HID * HID),
            conv["nnb2"].reshape(in_dim, HID),
            conv["rootW"],
        ],
        axis=1,
    )


def kernel(x_p, x_d, edge_attr_p, edge_attr_d, x_p_batch, edge_index_p, params):
    npad = E_PAD - E
    ei_pad = jnp.concatenate(
        [edge_index_p,
         jnp.stack([jnp.zeros((npad,), jnp.int32),
                    jnp.full((npad,), N, jnp.int32)])], axis=1)
    ea_pad = jnp.concatenate(
        [edge_attr_p, jnp.zeros((npad, D_EDGE), jnp.float32)], axis=0)

    convs = params["convs"]
    w1cat = jnp.concatenate([cv["nnW1"] for cv in convs], axis=1)
    b1cat = jnp.concatenate([cv["nnb1"] for cv in convs]).reshape(1, 3 * HID)
    a_mats = [
        _make_a(convs[0], D_FEAT),
        _make_a(convs[1], HID),
        _make_a(convs[2], HID),
    ]
    zero_blk = jnp.zeros((ROWS_PT, HID), jnp.float32)

    h1, h2, h3 = _edge_mlp(ea_pad, w1cat, b1cat)
    hs = [h1, h2, h3]

    t, root = _table_first(x_p, a_mats[0])
    for l in range(3):
        agg = _sc_edge(t, hs[l], ei_pad, zero_blk)
        if l < 2:
            t, root = _table_next(
                agg[0], agg[1], root,
                convs[l]["bias"].reshape(1, HID), a_mats[l + 1])

    w1, b1 = params["lin1"]
    w2, b2 = params["lin2"]
    return _pool_mlp(
        agg[0], agg[1], root, convs[2]["bias"].reshape(1, HID),
        x_p_batch.reshape(1, N).astype(jnp.int32),
        w1, b1.reshape(1, HID), w2, b2.reshape(1, 1))

# --- scband reference (transcript-rebuilt; emitter-appended) ---
"""Pipeline reference for scband-nnconv-prot-10024453669562 (READ-ONLY COPY).

The authoritative reference and input builder live on the scoring server;
editing this copy changes nothing except your own understanding.
"""

import jax, jax.numpy as jnp
import numpy as np

N = 10000
E = 160000
D_FEAT = 128
D_EDGE = 16
HID = 16
N_GRAPHS = 64


def _init_linear(key, fan_in, fan_out):
    k1, k2 = jax.random.split(key)
    bound = 1.0 / np.sqrt(fan_in)
    W = jax.random.uniform(k1, (fan_in, fan_out), minval=-bound, maxval=bound, dtype=jnp.float32)
    b = jax.random.uniform(k2, (fan_out,), minval=-bound, maxval=bound, dtype=jnp.float32)
    return W, b


def _init_conv(key, in_dim, out_dim):
    ks = jax.random.split(key, 4)
    nnW1, nnb1 = _init_linear(ks[0], D_EDGE, HID)
    nnW2, nnb2 = _init_linear(ks[1], HID, in_dim * out_dim)
    rootW, _ = _init_linear(ks[2], in_dim, out_dim)
    bias = jnp.zeros((out_dim,), dtype=jnp.float32)
    return {"nnW1": nnW1, "nnb1": nnb1, "nnW2": nnW2, "nnb2": nnb2, "rootW": rootW, "bias": bias}


def setup_inputs(seed: int = 0):
    key = jax.random.key(seed)
    ks = jax.random.split(key, 12)
    x_p = jax.random.normal(ks[0], (N, D_FEAT), dtype=jnp.float32)
    x_d = jax.random.normal(ks[1], (N, D_FEAT), dtype=jnp.float32)
    edge_attr_p = jax.random.normal(ks[2], (E, D_EDGE), dtype=jnp.float32)
    edge_attr_d = jax.random.normal(ks[3], (E, D_EDGE), dtype=jnp.float32)
    x_p_batch = jnp.sort(jax.random.randint(ks[4], (N,), 0, N_GRAPHS, dtype=jnp.int32))
    edge_index_p = jax.random.randint(ks[5], (2, E), 0, N, dtype=jnp.int32)
    params = {
        "convs": [
            _init_conv(ks[6], D_FEAT, HID),
            _init_conv(ks[7], HID, HID),
            _init_conv(ks[8], HID, HID),
        ],
        "lin1": _init_linear(ks[9], HID, HID),
        "lin2": _init_linear(ks[10], HID, 1),
    }
    return {
        "x_p": x_p,
        "x_d": x_d,
        "edge_attr_p": edge_attr_p,
        "edge_attr_d": edge_attr_d,
        "x_p_batch": x_p_batch,
        "edge_index_p": edge_index_p,
        "params": params,
    }


def _nnconv(x, src, dst, edge_attr, p, in_dim, out_dim):
    # NNConv (ECC): per-edge weight matrix W_e = nn(edge_attr).reshape(in, out)
    # message_e = x[src_e] @ W_e ; aggregate (sum) at dst ; add root transform + bias.
    h = jax.nn.relu(edge_attr @ p["nnW1"] + p["nnb1"])
    W2r = p["nnW2"].reshape(HID, in_dim, out_dim)
    b2r = p["nnb2"].reshape(in_dim, out_dim)
    xj = jnp.take(x, src, axis=0)
    # reassociated contraction: avoids materializing [E, in*out]; math identical
    tmp = jnp.einsum('ei,hio->eho', xj, W2r)
    msg = jnp.einsum('eh,eho->eo', h, tmp) + xj @ b2r
    agg = jax.ops.segment_sum(msg, dst, num_segments=N)
    return agg + x @ p["rootW"] + p["bias"]


def _forward(x_p, edge_attr_p, x_p_batch, edge_index_p, params):
    src = edge_index_p[0]
    dst = edge_index_p[1]
    dims = [(D_FEAT, HID), (HID, HID), (HID, HID)]
    x = x_p
    n_convs = len(params["convs"])
    for i in range(n_convs):
        di, do = dims[i]
        x = _nnconv(x, src, dst, edge_attr_p, params["convs"][i], di, do)
        if i < n_convs - 1:
            x = jax.nn.relu(x)
    # global_mean_pool over x_p_batch
    sums = jax.ops.segment_sum(x, x_p_batch, num_segments=N_GRAPHS)
    counts = jax.ops.segment_sum(jnp.ones((N,), dtype=jnp.float32), x_p_batch, num_segments=N_GRAPHS)
    g = sums / jnp.maximum(counts, 1.0)[:, None]
    # F.dropout(p=0.5) is identity in eval mode
    W1, b1 = params["lin1"]
    W2, b2 = params["lin2"]
    g = jax.nn.relu(g @ W1 + b1)
    return g @ W2 + b2


def reference(x_p, x_d, edge_attr_p, edge_attr_d, x_p_batch, edge_index_p, params):
    # NNConvProt.forward only uses the protein branch (x_p, edge_attr_p, data.x_p_batch, data.edge_index_p)
    return _forward(x_p, edge_attr_p, x_p_batch, edge_index_p, params)

if __name__ == "__main__":
    import jax
    _d = setup_inputs()
    print(jax.jit(kernel)(*tuple(_d.values())))

</pallas_src>

<mosaic_0001>
#map = affine_map<(d0, d1) -> (0, 0)>
#map1 = affine_map<(d0, d1) -> (0, 0, 0)>
module attributes {stable_mosaic.version = 14 : i64} {
  func.func @_sc_edge_body(%arg0: i32, %arg1: i32, %arg2: memref<10000x272xf32, #tpu.memory_space<hbm>>, %arg3: memref<163840x16xf32, #tpu.memory_space<hbm>>, %arg4: memref<2x163840xi32, #tpu.memory_space<hbm>>, %arg5: memref<632x16xf32, #tpu.memory_space<hbm>>, %arg6: memref<2x10112x16xf32, #tpu.memory_space<hbm>>, %arg7: memref<128xi32, #tpu.memory_space<vmem>>, %arg8: memref<128xi32, #tpu.memory_space<vmem>>, %arg9: memref<128xi32, #tpu.memory_space<vmem>>, %arg10: memref<128xi32, #tpu.memory_space<vmem>>, %arg11: memref<128x16xf32, #tpu.memory_space<vmem>>, %arg12: memref<128x16xf32, #tpu.memory_space<vmem>>, %arg13: memref<128x272xf32, #tpu.memory_space<vmem>>, %arg14: memref<128x272xf32, #tpu.memory_space<vmem>>, %arg15: memref<128x16xf32, #tpu.memory_space<vmem>>, %arg16: memref<128x16xf32, #tpu.memory_space<vmem>>, %arg17: memref<10112x16xf32, #tpu.memory_space<vmem_shared>>, %arg18: memref<!tpu.dma_semaphore, #tpu.memory_space<semaphore_mem>>, %arg19: memref<!tpu.dma_semaphore, #tpu.memory_space<semaphore_mem>>, %arg20: memref<!tpu.dma_semaphore, #tpu.memory_space<semaphore_mem>>, %arg21: memref<!tpu.dma_semaphore, #tpu.memory_space<semaphore_mem>>, %arg22: memref<!tpu.dma_semaphore, #tpu.memory_space<semaphore_mem>>, %arg23: memref<!tpu.dma_semaphore, #tpu.memory_space<semaphore_mem>>, %arg24: memref<!tpu.dma_semaphore, #tpu.memory_space<semaphore_mem>>, %arg25: memref<!tpu.dma_semaphore, #tpu.memory_space<semaphore_mem>>, %arg26: memref<!tpu.dma_semaphore, #tpu.memory_space<semaphore_mem>>, %arg27: memref<!tpu.dma_semaphore, #tpu.memory_space<semaphore_mem>>) attributes {dimension_semantics = [#tpu.dimension_semantics<core_parallel>, #tpu.dimension_semantics<subcore_parallel>], iteration_bounds = array<i64: 2, 16>, scalar_prefetch = 0 : i64, scratch_operands = 21 : i64, tpu.core_type = #tpu.core_type<sc_vector_subcore>, window_params = [{transform_indices = #map}, {transform_indices = #map}, {transform_indices = #map}, {transform_indices = #map}, {transform_indices = #map1}]} {
    %mul3A = arith.constant 16 : i32
    %mul3A_0 = arith.muli %arg0, %mul3A : i32
    %add3A = arith.addi %mul3A_0, %arg1 : i32
    %mul3A_1 = arith.constant 5120 : i32
    %mul3A_2 = arith.muli %add3A, %mul3A_1 : i32
    %mul3A_3 = arith.constant 632 : i32
    %mul3A_4 = arith.muli %arg1, %mul3A_3 : i32
    "tpu.region"() ({
      %run_scoped3A = tpu.sem_alloc : memref<!tpu.dma_semaphore, #tpu.memory_space<semaphore_mem>>
      %dma_start3A_50 = arith.constant 0 : i32
      %dma_start3A_51 = tpu.memref_slice %arg17[%mul3A_4, %dma_start3A_50] : memref<10112x16xf32, #tpu.memory_space<vmem_shared>> -> memref<632x16xf32, #tpu.memory_space<vmem_shared>>
      tpu.enqueue_dma source(%arg5 : memref<632x16xf32, #tpu.memory_space<hbm>>) target(%dma_start3A_51 : memref<632x16xf32, #tpu.memory_space<vmem_shared>>) target_semaphore(%run_scoped3A : memref<!tpu.dma_semaphore, #tpu.memory_space<semaphore_mem>>)
      %dma_wait3A_52 = arith.constant 0 : i32
      %dma_wait3A_53 = tpu.memref_slice %arg17[%mul3A_4, %dma_wait3A_52] : memref<10112x16xf32, #tpu.memory_space<vmem_shared>> -> memref<632x16xf32, #tpu.memory_space<vmem_shared>>
      tpu.wait_dma2 semaphore(%run_scoped3A : memref<!tpu.dma_semaphore, #tpu.memory_space<semaphore_mem>>) src(%arg5 : memref<632x16xf32, #tpu.memory_space<hbm>>) dst(%dma_wait3A_53 : memref<632x16xf32, #tpu.memory_space<vmem_shared>>)
      tpu.yield
    }) : () -> ()
    %barrier3A = arith.constant 0 : index
    tpu.barrier barrier_id(%barrier3A)
    %add3A_5 = arith.constant 0 : i32
    %add3A_6 = arith.addi %mul3A_2, %add3A_5 : i32
    %dma_start3A = arith.constant 0 : i32
    %dma_start3A_7 = tpu.memref_slice %arg4[%dma_start3A, %add3A_6] : memref<2x163840xi32, #tpu.memory_space<hbm>> -> memref<1x128xi32, #tpu.memory_space<hbm>>
    %dma_start3A_8 = tpu.memref_squeeze %dma_start3A_7 : memref<1x128xi32, #tpu.memory_space<hbm>> -> memref<128xi32, #tpu.memory_space<hbm>>
    %dma_start3A_9 = tpu.memref_slice %arg4[%dma_start3A, %add3A_6] : memref<2x163840xi32, #tpu.memory_space<hbm>> -> memref<1x128xi32, #tpu.memory_space<hbm>>
    %dma_start3A_10 = tpu.memref_squeeze %dma_start3A_9 : memref<1x128xi32, #tpu.memory_space<hbm>> -> memref<128xi32, #tpu.memory_space<hbm>>
    tpu.enqueue_dma source(%dma_start3A_10 : memref<128xi32, #tpu.memory_space<hbm>>) target(%arg7 : memref<128xi32, #tpu.memory_space<vmem>>) target_semaphore(%arg18 : memref<!tpu.dma_semaphore, #tpu.memory_space<semaphore_mem>>)
    %dma_wait3A = arith.constant 0 : i32
    %dma_wait3A_11 = tpu.memref_slice %arg4[%dma_wait3A, %mul3A_2] : memref<2x163840xi32, #tpu.memory_space<hbm>> -> memref<1x128xi32, #tpu.memory_space<hbm>>
    %dma_wait3A_12 = tpu.memref_squeeze %dma_wait3A_11 : memref<1x128xi32, #tpu.memory_space<hbm>> -> memref<128xi32, #tpu.memory_space<hbm>>
    %dma_wait3A_13 = tpu.memref_slice %arg4[%dma_wait3A, %mul3A_2] : memref<2x163840xi32, #tpu.memory_space<hbm>> -> memref<1x128xi32, #tpu.memory_space<hbm>>
    %dma_wait3A_14 = tpu.memref_squeeze %dma_wait3A_13 : memref<1x128xi32, #tpu.memory_space<hbm>> -> memref<128xi32, #tpu.memory_space<hbm>>
    tpu.wait_dma2 semaphore(%arg18 : memref<!tpu.dma_semaphore, #tpu.memory_space<semaphore_mem>>) src(%dma_wait3A_14 : memref<128xi32, #tpu.memory_space<hbm>>) dst(%arg7 : memref<128xi32, #tpu.memory_space<vmem>>)
    %dma_start3A_15 = arith.constant 0 : i32
    %dma_start3A_16 = arith.constant 0 : i32
    %dma_start3A_17 = tpu.memref_slice %arg2[%dma_start3A_15, %dma_start3A_16] : memref<10000x272xf32, #tpu.memory_space<hbm>> -> memref<10000x272xf32, #tpu.memory_space<hbm>>
    tpu.enqueue_indirect_dma source(%dma_start3A_17 : memref<10000x272xf32, #tpu.memory_space<hbm>>) target(%arg13 : memref<128x272xf32, #tpu.memory_space<vmem>>) offsets(%arg7 : memref<128xi32, #tpu.memory_space<vmem>>) semaphore(%arg24 : memref<!tpu.dma_semaphore, #tpu.memory_space<semaphore_mem>>)
    %add3A_18 = arith.constant 0 : i32
    %add3A_19 = arith.addi %mul3A_2, %add3A_18 : i32
    %dma_start3A_20 = arith.constant 1 : i32
    %dma_start3A_21 = tpu.memref_slice %arg4[%dma_start3A_20, %add3A_19] : memref<2x163840xi32, #tpu.memory_space<hbm>> -> memref<1x128xi32, #tpu.memory_space<hbm>>
    %dma_start3A_22 = tpu.memref_squeeze %dma_start3A_21 : memref<1x128xi32, #tpu.memory_space<hbm>> -> memref<128xi32, #tpu.memory_space<hbm>>
    %dma_start3A_23 = tpu.memref_slice %arg4[%dma_start3A_20, %add3A_19] : memref<2x163840xi32, #tpu.memory_space<hbm>> -> memref<1x128xi32, #tpu.memory_space<hbm>>
    %dma_start3A_24 = tpu.memref_squeeze %dma_start3A_23 : memref<1x128xi32, #tpu.memory_space<hbm>> -> memref<128xi32, #tpu.memory_space<hbm>>
    tpu.enqueue_dma source(%dma_start3A_24 : memref<128xi32, #tpu.memory_space<hbm>>) target(%arg9 : memref<128xi32, #tpu.memory_space<vmem>>) target_semaphore(%arg20 : memref<!tpu.dma_semaphore, #tpu.memory_space<semaphore_mem>>)
    %add3A_25 = arith.constant 0 : i32
    %add3A_26 = arith.addi %mul3A_2, %add3A_25 : i32
    %dma_start3A_27 = arith.constant 0 : i32
    %dma_start3A_28 = tpu.memref_slice %arg3[%add3A_26, %dma_start3A_27] : memref<163840x16xf32, #tpu.memory_space<hbm>> -> memref<128x16xf32, #tpu.memory_space<hbm>>
    %dma_start3A_29 = arith.constant 0 : i32
    %dma_start3A_30 = tpu.memref_slice %arg3[%add3A_26, %dma_start3A_29] : memref<163840x16xf32, #tpu.memory_space<hbm>> -> memref<128x16xf32, #tpu.memory_space<hbm>>
    tpu.enqueue_dma source(%dma_start3A_30 : memref<128x16xf32, #tpu.memory_space<hbm>>) target(%arg11 : memref<128x16xf32, #tpu.memory_space<vmem>>) target_semaphore(%arg22 : memref<!tpu.dma_semaphore, #tpu.memory_space<semaphore_mem>>)
    %add3A_31 = arith.constant 128 : i32
    %add3A_32 = arith.addi %mul3A_2, %add3A_31 : i32
    %dma_start3A_33 = arith.constant 0 : i32
    %dma_start3A_34 = tpu.memref_slice %arg4[%dma_start3A_33, %add3A_32] : memref<2x163840xi32, #tpu.memory_space<hbm>> -> memref<1x128xi32, #tpu.memory_space<hbm>>
    %dma_start3A_35 = tpu.memref_squeeze %dma_start3A_34 : memref<1x128xi32, #tpu.memory_space<hbm>> -> memref<128xi32, #tpu.memory_space<hbm>>
    %dma_start3A_36 = tpu.memref_slice %arg4[%dma_start3A_33, %add3A_32] : memref<2x163840xi32, #tpu.memory_space<hbm>> -> memref<1x128xi32, #tpu.memory_space<hbm>>
    %dma_start3A_37 = tpu.memref_squeeze %dma_start3A_36 : memref<1x128xi32, #tpu.memory_space<hbm>> -> memref<128xi32, #tpu.memory_space<hbm>>
    tpu.enqueue_dma source(%dma_start3A_37 : memref<128xi32, #tpu.memory_space<hbm>>) target(%arg8 : memref<128xi32, #tpu.memory_space<vmem>>) target_semaphore(%arg19 : memref<!tpu.dma_semaphore, #tpu.memory_space<semaphore_mem>>)
    %scan3A = arith.constant 0 : i32
    %scan3A_38 = arith.constant 0 : i32
    %scan3A_39 = arith.constant 20 : i32
    %scan3A_40 = arith.addi %scan3A_38, %scan3A_39 : i32
    %scan3A_41 = arith.constant 1 : i32
    scf.for %scan3A_50 = %scan3A_38 to %scan3A_40 step %scan3A_41  : i32 {
      %mul3A_51 = arith.constant 2 : i32
      %mul3A_52 = arith.muli %mul3A_51, %scan3A_50 : i32
      %add3A_53 = arith.constant 0 : i32
      %add3A_54 = arith.addi %mul3A_52, %add3A_53 : i32
      %dma_wait3A_55 = arith.constant 0 : i32
      %dma_wait3A_56 = arith.constant 0 : i32
      %dma_wait3A_57 = tpu.memref_slice %arg2[%dma_wait3A_55, %dma_wait3A_56] : memref<10000x272xf32, #tpu.memory_space<hbm>> -> memref<10000x272xf32, #tpu.memory_space<hbm>>
      tpu.wait_indirect_dma semaphore(%arg24 : memref<!tpu.dma_semaphore, #tpu.memory_space<semaphore_mem>>) src(%dma_wait3A_57 : memref<10000x272xf32, #tpu.memory_space<hbm>>) dst(%arg13 : memref<128x272xf32, #tpu.memory_space<vmem>>)
      %add3A_58 = arith.constant 2 : i32
      %add3A_59 = arith.addi %add3A_54, %add3A_58 : i32
      %lt3A = arith.constant 40 : i32
      %lt3A_60 = arith.cmpi slt, %add3A_59, %lt3A : i32
      %convert_element_type3A = arith.extui %lt3A_60 : i1 to i32
      %cond3A = arith.constant 0 : i32
      %cond3A_61 = arith.cmpi ne, %convert_element_type3A, %cond3A : i32
      scf.if %cond3A_61 {
        %add3A_119 = arith.constant 2 : i32
        %add3A_120 = arith.addi %add3A_54, %add3A_119 : i32
        %mul3A_121 = arith.constant 128 : i32
        %mul3A_122 = arith.muli %add3A_120, %mul3A_121 : i32
        %add3A_123 = arith.addi %mul3A_2, %mul3A_122 : i32
        %dma_start3A_124 = arith.constant 0 : i32
        %dma_start3A_125 = tpu.memref_slice %arg4[%dma_start3A_124, %add3A_123] : memref<2x163840xi32, #tpu.memory_space<hbm>> -> memref<1x128xi32, #tpu.memory_space<hbm>>
        %dma_start3A_126 = tpu.memref_squeeze %dma_start3A_125 : memref<1x128xi32, #tpu.memory_space<hbm>> -> memref<128xi32, #tpu.memory_space<hbm>>
        %dma_start3A_127 = tpu.memref_slice %arg4[%dma_start3A_124, %add3A_123] : memref<2x163840xi32, #tpu.memory_space<hbm>> -> memref<1x128xi32, #tpu.memory_space<hbm>>
        %dma_start3A_128 = tpu.memref_squeeze %dma_start3A_127 : memref<1x128xi32, #tpu.memory_space<hbm>> -> memref<128xi32, #tpu.memory_space<hbm>>
        tpu.enqueue_dma source(%dma_start3A_128 : memref<128xi32, #tpu.memory_space<hbm>>) target(%arg7 : memref<128xi32, #tpu.memory_space<vmem>>) target_semaphore(%arg18 : memref<!tpu.dma_semaphore, #tpu.memory_space<semaphore_mem>>)
      } else {
      }
      %add3A_62 = arith.constant 1 : i32
      %add3A_63 = arith.addi %add3A_54, %add3A_62 : i32
      %lt3A_64 = arith.constant 40 : i32
      %lt3A_65 = arith.cmpi slt, %add3A_63, %lt3A_64 : i32
      %convert_element_type3A_66 = arith.extui %lt3A_65 : i1 to i32
      %cond3A_67 = arith.constant 0 : i32
      %cond3A_68 = arith.cmpi ne, %convert_element_type3A_66, %cond3A_67 : i32
      scf.if %cond3A_68 {
        %dma_wait3A_119 = arith.constant 0 : i32
        %dma_wait3A_120 = tpu.memref_slice %arg4[%dma_wait3A_119, %mul3A_2] : memref<2x163840xi32, #tpu.memory_space<hbm>> -> memref<1x128xi32, #tpu.memory_space<hbm>>
        %dma_wait3A_121 = tpu.memref_squeeze %dma_wait3A_120 : memref<1x128xi32, #tpu.memory_space<hbm>> -> memref<128xi32, #tpu.memory_space<hbm>>
        %dma_wait3A_122 = tpu.memref_slice %arg4[%dma_wait3A_119, %mul3A_2] : memref<2x163840xi32, #tpu.memory_space<hbm>> -> memref<1x128xi32, #tpu.memory_space<hbm>>
        %dma_wait3A_123 = tpu.memref_squeeze %dma_wait3A_122 : memref<1x128xi32, #tpu.memory_space<hbm>> -> memref<128xi32, #tpu.memory_space<hbm>>
        tpu.wait_dma2 semaphore(%arg19 : memref<!tpu.dma_semaphore, #tpu.memory_space<semaphore_mem>>) src(%dma_wait3A_123 : memref<128xi32, #tpu.memory_space<hbm>>) dst(%arg8 : memref<128xi32, #tpu.memory_space<vmem>>)
        %dma_start3A_124 = arith.constant 0 : i32
        %dma_start3A_125 = arith.constant 0 : i32
        %dma_start3A_126 = tpu.memref_slice %arg2[%dma_start3A_124, %dma_start3A_125] : memref<10000x272xf32, #tpu.memory_space<hbm>> -> memref<10000x272xf32, #tpu.memory_space<hbm>>
        tpu.enqueue_indirect_dma source(%dma_start3A_126 : memref<10000x272xf32, #tpu.memory_space<hbm>>) target(%arg14 : memref<128x272xf32, #tpu.memory_space<vmem>>) offsets(%arg8 : memref<128xi32, #tpu.memory_space<vmem>>) semaphore(%arg25 : memref<!tpu.dma_semaphore, #tpu.memory_space<semaphore_mem>>)
        %ge3A = arith.constant 1 : i32
        %ge3A_127 = arith.cmpi sge, %add3A_54, %ge3A : i32
        %convert_element_type3A_128 = arith.extui %ge3A_127 : i1 to i32
        %cond3A_129 = arith.constant 0 : i32
        %cond3A_130 = arith.cmpi ne, %convert_element_type3A_128, %cond3A_129 : i32
        scf.if %cond3A_130 {
          %dma_wait3A_148 = arith.constant 0 : i32
          %dma_wait3A_149 = arith.constant 0 : i32
          %dma_wait3A_150 = tpu.memref_slice %arg17[%dma_wait3A_148, %dma_wait3A_149] : memref<10112x16xf32, #tpu.memory_space<vmem_shared>> -> memref<10112x16xf32, #tpu.memory_space<vmem_shared>>
          tpu.wait_indirect_dma semaphore(%arg27 : memref<!tpu.dma_semaphore, #tpu.memory_space<semaphore_mem>>) src(%arg16 : memref<128x16xf32, #tpu.memory_space<vmem>>) dst(%dma_wait3A_150 : memref<10112x16xf32, #tpu.memory_space<vmem_shared>>)
        } else {
        }
        %add3A_131 = arith.constant 1 : i32
        %add3A_132 = arith.addi %add3A_54, %add3A_131 : i32
        %mul3A_133 = arith.constant 128 : i32
        %mul3A_134 = arith.muli %add3A_132, %mul3A_133 : i32
        %add3A_135 = arith.addi %mul3A_2, %mul3A_134 : i32
        %dma_start3A_136 = arith.constant 1 : i32
        %dma_start3A_137 = tpu.memref_slice %arg4[%dma_start3A_136, %add3A_135] : memref<2x163840xi32, #tpu.memory_space<hbm>> -> memref<1x128xi32, #tpu.memory_space<hbm>>
        %dma_start3A_138 = tpu.memref_squeeze %dma_start3A_137 : memref<1x128xi32, #tpu.memory_space<hbm>> -> memref<128xi32, #tpu.memory_space<hbm>>
        %dma_start3A_139 = tpu.memref_slice %arg4[%dma_start3A_136, %add3A_135] : memref<2x163840xi32, #tpu.memory_space<hbm>> -> memref<1x128xi32, #tpu.memory_space<hbm>>
        %dma_start3A_140 = tpu.memref_squeeze %dma_start3A_139 : memref<1x128xi32, #tpu.memory_space<hbm>> -> memref<128xi32, #tpu.memory_space<hbm>>
        tpu.enqueue_dma source(%dma_start3A_140 : memref<128xi32, #tpu.memory_space<hbm>>) target(%arg10 : memref<128xi32, #tpu.memory_space<vmem>>) target_semaphore(%arg21 : memref<!tpu.dma_semaphore, #tpu.memory_space<semaphore_mem>>)
        %mul3A_141 = arith.constant 128 : i32
        %mul3A_142 = arith.muli %add3A_132, %mul3A_141 : i32
        %add3A_143 = arith.addi %mul3A_2, %mul3A_142 : i32
        %dma_start3A_144 = arith.constant 0 : i32
        %dma_start3A_145 = tpu.memref_slice %arg3[%add3A_143, %dma_start3A_144] : memref<163840x16xf32, #tpu.memory_space<hbm>> -> memref<128x16xf32, #tpu.memory_space<hbm>>
        %dma_start3A_146 = arith.constant 0 : i32
        %dma_start3A_147 = tpu.memref_slice %arg3[%add3A_143, %dma_start3A_146] : memref<163840x16xf32, #tpu.memory_space<hbm>> -> memref<128x16xf32, #tpu.memory_space<hbm>>
        tpu.enqueue_dma source(%dma_start3A_147 : memref<128x16xf32, #tpu.memory_space<hbm>>) target(%arg12 : memref<128x16xf32, #tpu.memory_space<vmem>>) target_semaphore(%arg23 : memref<!tpu.dma_semaphore, #tpu.memory_space<semaphore_mem>>)
      } else {
      }
      %dma_wait3A_69 = arith.constant 0 : i32
      %dma_wait3A_70 = tpu.memref_slice %arg3[%mul3A_2, %dma_wait3A_69] : memref<163840x16xf32, #tpu.memory_space<hbm>> -> memref<128x16xf32, #tpu.memory_space<hbm>>
      %dma_wait3A_71 = arith.constant 0 : i32
      %dma_wait3A_72 = tpu.memref_slice %arg3[%mul3A_2, %dma_wait3A_71] : memref<163840x16xf32, #tpu.memory_space<hbm>> -> memref<128x16xf32, #tpu.memory_space<hbm>>
      tpu.wait_dma2 semaphore(%arg22 : memref<!tpu.dma_semaphore, #tpu.memory_space<semaphore_mem>>) src(%dma_wait3A_72 : memref<128x16xf32, #tpu.memory_space<hbm>>) dst(%arg11 : memref<128x16xf32, #tpu.memory_space<vmem>>)
      %parallel_loop3A = arith.constant 0 : i32
      %parallel_loop3A_73 = arith.constant 128 : i32
      %parallel_loop3A_74 = arith.constant 1 : i32
      scf.for %parallel_loop3A_119 = %parallel_loop3A to %parallel_loop3A_73 step %parallel_loop3A_74  : i32 {
        %parallel_loop3A_120 = arith.index_cast %parallel_loop3A_119 : i32 to index
        %parallel_loop3A_121 = arith.constant 0 : index
        %parallel_loop3A_122 = tpu.vector_load %arg11[%parallel_loop3A_120, %parallel_loop3A_121] {strides = array<i32>} : memref<128x16xf32, #tpu.memory_space<vmem>>, vector<1x16xf32>,
        %parallel_loop3A_123 = vector.shape_cast %parallel_loop3A_122 : vector<1x16xf32> to vector<16xf32>
        %parallel_loop3A_124 = vector.extract_strided_slice %parallel_loop3A_123 {offsets = [0], sizes = [1], strides = [1]} : vector<16xf32> to vector<1xf32>
        %parallel_loop3A_125 = vector.extract %parallel_loop3A_124[0] : f32 from vector<1xf32>
        %parallel_loop3A_126 = vector.broadcast %parallel_loop3A_125 : f32 to vector<16xf32>
        %parallel_loop3A_127 = arith.index_cast %parallel_loop3A_119 : i32 to index
        %parallel_loop3A_128 = arith.constant 0 : index
        %parallel_loop3A_129 = tpu.vector_load %arg13[%parallel_loop3A_127, %parallel_loop3A_128] {strides = array<i32>} : memref<128x272xf32, #tpu.memory_space<vmem>>, vector<1x16xf32>,
        %parallel_loop3A_130 = vector.shape_cast %parallel_loop3A_129 : vector<1x16xf32> to vector<16xf32>
        %parallel_loop3A_131 = arith.mulf %parallel_loop3A_126, %parallel_loop3A_130 : vector<16xf32>
        %parallel_loop3A_132 = vector.extract_strided_slice %parallel_loop3A_123 {offsets = [1], sizes = [1], strides = [1]} : vector<16xf32> to vector<1xf32>
        %parallel_loop3A_133 = vector.extract %parallel_loop3A_132[0] : f32 from vector<1xf32>
        %parallel_loop3A_134 = vector.broadcast %parallel_loop3A_133 : f32 to vector<16xf32>
        %parallel_loop3A_135 = arith.index_cast %parallel_loop3A_119 : i32 to index
        %parallel_loop3A_136 = arith.constant 16 : index
        %parallel_loop3A_137 = tpu.vector_load %arg13[%parallel_loop3A_135, %parallel_loop3A_136] {strides = array<i32>} : memref<128x272xf32, #tpu.memory_space<vmem>>, vector<1x16xf32>,
        %parallel_loop3A_138 = vector.shape_cast %parallel_loop3A_137 : vector<1x16xf32> to vector<16xf32>
        %parallel_loop3A_139 = arith.mulf %parallel_loop3A_134, %parallel_loop3A_138 : vector<16xf32>
        %parallel_loop3A_140 = arith.addf %parallel_loop3A_131, %parallel_loop3A_139 : vector<16xf32>
        %parallel_loop3A_141 = vector.extract_strided_slice %parallel_loop3A_123 {offsets = [2], sizes = [1], strides = [1]} : vector<16xf32> to vector<1xf32>
        %parallel_loop3A_142 = vector.extract %parallel_loop3A_141[0] : f32 from vector<1xf32>
        %parallel_loop3A_143 = vector.broadcast %parallel_loop3A_142 : f32 to vector<16xf32>
        %parallel_loop3A_144 = arith.index_cast %parallel_loop3A_119 : i32 to index
        %parallel_loop3A_145 = arith.constant 32 : index
        %parallel_loop3A_146 = tpu.vector_load %arg13[%parallel_loop3A_144, %parallel_loop3A_145] {strides = array<i32>} : memref<128x272xf32, #tpu.memory_space<vmem>>, vector<1x16xf32>,
        %parallel_loop3A_147 = vector.shape_cast %parallel_loop3A_146 : vector<1x16xf32> to vector<16xf32>
        %parallel_loop3A_148 = arith.mulf %parallel_loop3A_143, %parallel_loop3A_147 : vector<16xf32>
        %parallel_loop3A_149 = arith.addf %parallel_loop3A_140, %parallel_loop3A_148 : vector<16xf32>
        %parallel_loop3A_150 = vector.extract_strided_slice %parallel_loop3A_123 {offsets = [3], sizes = [1], strides = [1]} : vector<16xf32> to vector<1xf32>
        %parallel_loop3A_151 = vector.extract %parallel_loop3A_150[0] : f32 from vector<1xf32>
        %parallel_loop3A_152 = vector.broadcast %parallel_loop3A_151 : f32 to vector<16xf32>
        %parallel_loop3A_153 = arith.index_cast %parallel_loop3A_119 : i32 to index
        %parallel_loop3A_154 = arith.constant 48 : index
        %parallel_loop3A_155 = tpu.vector_load %arg13[%parallel_loop3A_153, %parallel_loop3A_154] {strides = array<i32>} : memref<128x272xf32, #tpu.memory_space<vmem>>, vector<1x16xf32>,
        %parallel_loop3A_156 = vector.shape_cast %parallel_loop3A_155 : vector<1x16xf32> to vector<16xf32>
        %parallel_loop3A_157 = arith.mulf %parallel_loop3A_152, %parallel_loop3A_156 : vector<16xf32>
        %parallel_loop3A_158 = arith.addf %parallel_loop3A_149, %parallel_loop3A_157 : vector<16xf32>
        %parallel_loop3A_159 = vector.extract_strided_slice %parallel_loop3A_123 {offsets = [4], sizes = [1], strides = [1]} : vector<16xf32> to vector<1xf32>
        %parallel_loop3A_160 = vector.extract %parallel_loop3A_159[0] : f32 from vector<1xf32>
        %parallel_loop3A_161 = vector.broadcast %parallel_loop3A_160 : f32 to vector<16xf32>
        %parallel_loop3A_162 = arith.index_cast %parallel_loop3A_119 : i32 to index
        %parallel_loop3A_163 = arith.constant 64 : index
        %parallel_loop3A_164 = tpu.vector_load %arg13[%parallel_loop3A_162, %parallel_loop3A_163] {strides = array<i32>} : memref<128x272xf32, #tpu.memory_space<vmem>>, vector<1x16xf32>,
        %parallel_loop3A_165 = vector.shape_cast %parallel_loop3A_164 : vector<1x16xf32> to vector<16xf32>
        %parallel_loop3A_166 = arith.mulf %parallel_loop3A_161, %parallel_loop3A_165 : vector<16xf32>
        %parallel_loop3A_167 = arith.addf %parallel_loop3A_158, %parallel_loop3A_166 : vector<16xf32>
        %parallel_loop3A_168 = vector.extract_strided_slice %parallel_loop3A_123 {offsets = [5], sizes = [1], strides = [1]} : vector<16xf32> to vector<1xf32>
        %parallel_loop3A_169 = vector.extract %parallel_loop3A_168[0] : f32 from vector<1xf32>
        %parallel_loop3A_170 = vector.broadcast %parallel_loop3A_169 : f32 to vector<16xf32>
        %parallel_loop3A_171 = arith.index_cast %parallel_loop3A_119 : i32 to index
        %parallel_loop3A_172 = arith.constant 80 : index
        %parallel_loop3A_173 = tpu.vector_load %arg13[%parallel_loop3A_171, %parallel_loop3A_172] {strides = array<i32>} : memref<128x272xf32, #tpu.memory_space<vmem>>, vector<1x16xf32>,
        %parallel_loop3A_174 = vector.shape_cast %parallel_loop3A_173 : vector<1x16xf32> to vector<16xf32>
        %parallel_loop3A_175 = arith.mulf %parallel_loop3A_170, %parallel_loop3A_174 : vector<16xf32>
        %parallel_loop3A_176 = arith.addf %parallel_loop3A_167, %parallel_loop3A_175 : vector<16xf32>
        %parallel_loop3A_177 = vector.extract_strided_slice %parallel_loop3A_123 {offsets = [6], sizes = [1], strides = [1]} : vector<16xf32> to vector<1xf32>
        %parallel_loop3A_178 = vector.extract %parallel_loop3A_177[0] : f32 from vector<1xf32>
        %parallel_loop3A_179 = vector.broadcast %parallel_loop3A_178 : f32 to vector<16xf32>
        %parallel_loop3A_180 = arith.index_cast %parallel_loop3A_119 : i32 to index
        %parallel_loop3A_181 = arith.constant 96 : index
        %parallel_loop3A_182 = tpu.vector_load %arg13[%parallel_loop3A_180, %parallel_loop3A_181] {strides = array<i32>} : memref<128x272xf32, #tpu.memory_space<vmem>>, vector<1x16xf32>,
        %parallel_loop3A_183 = vector.shape_cast %parallel_loop3A_182 : vector<1x16xf32> to vector<16xf32>
        %parallel_loop3A_184 = arith.mulf %parallel_loop3A_179, %parallel_loop3A_183 : vector<16xf32>
        %parallel_loop3A_185 = arith.addf %parallel_loop3A_176, %parallel_loop3A_184 : vector<16xf32>
        %parallel_loop3A_186 = vector.extract_strided_slice %parallel_loop3A_123 {offsets = [7], sizes = [1], strides = [1]} : vector<16xf32> to vector<1xf32>
        %parallel_loop3A_187 = vector.extract %parallel_loop3A_186[0] : f32 from vector<1xf32>
        %parallel_loop3A_188 = vector.broadcast %parallel_loop3A_187 : f32 to vector<16xf32>
        %parallel_loop3A_189 = arith.index_cast %parallel_loop3A_119 : i32 to index
        %parallel_loop3A_190 = arith.constant 112 : index
        %parallel_loop3A_191 = tpu.vector_load %arg13[%parallel_loop3A_189, %parallel_loop3A_190] {strides = array<i32>} : memref<128x272xf32, #tpu.memory_space<vmem>>, vector<1x16xf32>,
        %parallel_loop3A_192 = vector.shape_cast %parallel_loop3A_191 : vector<1x16xf32> to vector<16xf32>
        %parallel_loop3A_193 = arith.mulf %parallel_loop3A_188, %parallel_loop3A_192 : vector<16xf32>
        %parallel_loop3A_194 = arith.addf %parallel_loop3A_185, %parallel_loop3A_193 : vector<16xf32>
        %parallel_loop3A_195 = vector.extract_strided_slice %parallel_loop3A_123 {offsets = [8], sizes = [1], strides = [1]} : vector<16xf32> to vector<1xf32>
        %parallel_loop3A_196 = vector.extract %parallel_loop3A_195[0] : f32 from vector<1xf32>
        %parallel_loop3A_197 = vector.broadcast %parallel_loop3A_196 : f32 to vector<16xf32>
        %parallel_loop3A_198 = arith.index_cast %parallel_loop3A_119 : i32 to index
        %parallel_loop3A_199 = arith.constant 128 : index
        %parallel_loop3A_200 = tpu.vector_load %arg13[%parallel_loop3A_198, %parallel_loop3A_199] {strides = array<i32>} : memref<128x272xf32, #tpu.memory_space<vmem>>, vector<1x16xf32>,
        %parallel_loop3A_201 = vector.shape_cast %parallel_loop3A_200 : vector<1x16xf32> to vector<16xf32>
        %parallel_loop3A_202 = arith.mulf %parallel_loop3A_197, %parallel_loop3A_201 : vector<16xf32>
        %parallel_loop3A_203 = arith.addf %parallel_loop3A_194, %parallel_loop3A_202 : vector<16xf32>
        %parallel_loop3A_204 = vector.extract_strided_slice %parallel_loop3A_123 {offsets = [9], sizes = [1], strides = [1]} : vector<16xf32> to vector<1xf32>
        %parallel_loop3A_205 = vector.extract %parallel_loop3A_204[0] : f32 from vector<1xf32>
        %parallel_loop3A_206 = vector.broadcast %parallel_loop3A_205 : f32 to vector<16xf32>
        %parallel_loop3A_207 = arith.index_cast %parallel_loop3A_119 : i32 to index
        %parallel_loop3A_208 = arith.constant 144 : index
        %parallel_loop3A_209 = tpu.vector_load %arg13[%parallel_loop3A_207, %parallel_loop3A_208] {strides = array<i32>} : memref<128x272xf32, #tpu.memory_space<vmem>>, vector<1x16xf32>,
        %parallel_loop3A_210 = vector.shape_cast %parallel_loop3A_209 : vector<1x16xf32> to vector<16xf32>
        %parallel_loop3A_211 = arith.mulf %parallel_loop3A_206, %parallel_loop3A_210 : vector<16xf32>
        %parallel_loop3A_212 = arith.addf %parallel_loop3A_203, %parallel_loop3A_211 : vector<16xf32>
        %parallel_loop3A_213 = vector.extract_strided_slice %parallel_loop3A_123 {offsets = [10], sizes = [1], strides = [1]} : vector<16xf32> to vector<1xf32>
        %parallel_loop3A_214 = vector.extract %parallel_loop3A_213[0] : f32 from vector<1xf32>
        %parallel_loop3A_215 = vector.broadcast %parallel_loop3A_214 : f32 to vector<16xf32>
        %parallel_loop3A_216 = arith.index_cast %parallel_loop3A_119 : i32 to index
        %parallel_loop3A_217 = arith.constant 160 : index
        %parallel_loop3A_218 = tpu.vector_load %arg13[%parallel_loop3A_216, %parallel_loop3A_217] {strides = array<i32>} : memref<128x272xf32, #tpu.memory_space<vmem>>, vector<1x16xf32>,
        %parallel_loop3A_219 = vector.shape_cast %parallel_loop3A_218 : vector<1x16xf32> to vector<16xf32>
        %parallel_loop3A_220 = arith.mulf %parallel_loop3A_215, %parallel_loop3A_219 : vector<16xf32>
        %parallel_loop3A_221 = arith.addf %parallel_loop3A_212, %parallel_loop3A_220 : vector<16xf32>
        %parallel_loop3A_222 = vector.extract_strided_slice %parallel_loop3A_123 {offsets = [11], sizes = [1], strides = [1]} : vector<16xf32> to vector<1xf32>
        %parallel_loop3A_223 = vector.extract %parallel_loop3A_222[0] : f32 from vector<1xf32>
        %parallel_loop3A_224 = vector.broadcast %parallel_loop3A_223 : f32 to vector<16xf32>
        %parallel_loop3A_225 = arith.index_cast %parallel_loop3A_119 : i32 to index
        %parallel_loop3A_226 = arith.constant 176 : index
        %parallel_loop3A_227 = tpu.vector_load %arg13[%parallel_loop3A_225, %parallel_loop3A_226] {strides = array<i32>} : memref<128x272xf32, #tpu.memory_space<vmem>>, vector<1x16xf32>,
        %parallel_loop3A_228 = vector.shape_cast %parallel_loop3A_227 : vector<1x16xf32> to vector<16xf32>
        %parallel_loop3A_229 = arith.mulf %parallel_loop3A_224, %parallel_loop3A_228 : vector<16xf32>
        %parallel_loop3A_230 = arith.addf %parallel_loop3A_221, %parallel_loop3A_229 : vector<16xf32>
        %parallel_loop3A_231 = vector.extract_strided_slice %parallel_loop3A_123 {offsets = [12], sizes = [1], strides = [1]} : vector<16xf32> to vector<1xf32>
        %parallel_loop3A_232 = vector.extract %parallel_loop3A_231[0] : f32 from vector<1xf32>
        %parallel_loop3A_233 = vector.broadcast %parallel_loop3A_232 : f32 to vector<16xf32>
        %parallel_loop3A_234 = arith.index_cast %parallel_loop3A_119 : i32 to index
        %parallel_loop3A_235 = arith.constant 192 : index
        %parallel_loop3A_236 = tpu.vector_load %arg13[%parallel_loop3A_234, %parallel_loop3A_235] {strides = array<i32>} : memref<128x272xf32, #tpu.memory_space<vmem>>, vector<1x16xf32>,
        %parallel_loop3A_237 = vector.shape_cast %parallel_loop3A_236 : vector<1x16xf32> to vector<16xf32>
        %parallel_loop3A_238 = arith.mulf %parallel_loop3A_233, %parallel_loop3A_237 : vector<16xf32>
        %parallel_loop3A_239 = arith.addf %parallel_loop3A_230, %parallel_loop3A_238 : vector<16xf32>
        %parallel_loop3A_240 = vector.extract_strided_slice %parallel_loop3A_123 {offsets = [13], sizes = [1], strides = [1]} : vector<16xf32> to vector<1xf32>
        %parallel_loop3A_241 = vector.extract %parallel_loop3A_240[0] : f32 from vector<1xf32>
        %parallel_loop3A_242 = vector.broadcast %parallel_loop3A_241 : f32 to vector<16xf32>
        %parallel_loop3A_243 = arith.index_cast %parallel_loop3A_119 : i32 to index
        %parallel_loop3A_244 = arith.constant 208 : index
        %parallel_loop3A_245 = tpu.vector_load %arg13[%parallel_loop3A_243, %parallel_loop3A_244] {strides = array<i32>} : memref<128x272xf32, #tpu.memory_space<vmem>>, vector<1x16xf32>,
        %parallel_loop3A_246 = vector.shape_cast %parallel_loop3A_245 : vector<1x16xf32> to vector<16xf32>
        %parallel_loop3A_247 = arith.mulf %parallel_loop3A_242, %parallel_loop3A_246 : vector<16xf32>
        %parallel_loop3A_248 = arith.addf %parallel_loop3A_239, %parallel_loop3A_247 : vector<16xf32>
        %parallel_loop3A_249 = vector.extract_strided_slice %parallel_loop3A_123 {offsets = [14], sizes = [1], strides = [1]} : vector<16xf32> to vector<1xf32>
        %parallel_loop3A_250 = vector.extract %parallel_loop3A_249[0] : f32 from vector<1xf32>
        %parallel_loop3A_251 = vector.broadcast %parallel_loop3A_250 : f32 to vector<16xf32>
        %parallel_loop3A_252 = arith.index_cast %parallel_loop3A_119 : i32 to index
        %parallel_loop3A_253 = arith.constant 224 : index
        %parallel_loop3A_254 = tpu.vector_load %arg13[%parallel_loop3A_252, %parallel_loop3A_253] {strides = array<i32>} : memref<128x272xf32, #tpu.memory_space<vmem>>, vector<1x16xf32>,
        %parallel_loop3A_255 = vector.shape_cast %parallel_loop3A_254 : vector<1x16xf32> to vector<16xf32>
        %parallel_loop3A_256 = arith.mulf %parallel_loop3A_251, %parallel_loop3A_255 : vector<16xf32>
        %parallel_loop3A_257 = arith.addf %parallel_loop3A_248, %parallel_loop3A_256 : vector<16xf32>
        %parallel_loop3A_258 = vector.extract_strided_slice %parallel_loop3A_123 {offsets = [15], sizes = [1], strides = [1]} : vector<16xf32> to vector<1xf32>
        %parallel_loop3A_259 = vector.extract %parallel_loop3A_258[0] : f32 from vector<1xf32>
        %parallel_loop3A_260 = vector.broadcast %parallel_loop3A_259 : f32 to vector<16xf32>
        %parallel_loop3A_261 = arith.index_cast %parallel_loop3A_119 : i32 to index
        %parallel_loop3A_262 = arith.constant 240 : index
        %parallel_loop3A_263 = tpu.vector_load %arg13[%parallel_loop3A_261, %parallel_loop3A_262] {strides = array<i32>} : memref<128x272xf32, #tpu.memory_space<vmem>>, vector<1x16xf32>,
        %parallel_loop3A_264 = vector.shape_cast %parallel_loop3A_263 : vector<1x16xf32> to vector<16xf32>
        %parallel_loop3A_265 = arith.mulf %parallel_loop3A_260, %parallel_loop3A_264 : vector<16xf32>
        %parallel_loop3A_266 = arith.addf %parallel_loop3A_257, %parallel_loop3A_265 : vector<16xf32>
        %parallel_loop3A_267 = arith.index_cast %parallel_loop3A_119 : i32 to index
        %parallel_loop3A_268 = arith.constant 256 : index
        %parallel_loop3A_269 = tpu.vector_load %arg13[%parallel_loop3A_267, %parallel_loop3A_268] {strides = array<i32>} : memref<128x272xf32, #tpu.memory_space<vmem>>, vector<1x16xf32>,
        %parallel_loop3A_270 = vector.shape_cast %parallel_loop3A_269 : vector<1x16xf32> to vector<16xf32>
        %parallel_loop3A_271 = arith.addf %parallel_loop3A_266, %parallel_loop3A_270 : vector<16xf32>
        %parallel_loop3A_272 = arith.index_cast %parallel_loop3A_119 : i32 to index
        %parallel_loop3A_273 = arith.constant 0 : index
        %parallel_loop3A_274 = tpu.vector_load %arg15[%parallel_loop3A_272, %parallel_loop3A_273] {strides = array<i32>} : memref<128x16xf32, #tpu.memory_space<vmem>>, vector<1x16xf32>,
        %parallel_loop3A_275 = vector.shape_cast %parallel_loop3A_274 : vector<1x16xf32> to vector<16xf32>
        %parallel_loop3A_276 = vector.shape_cast %parallel_loop3A_271 : vector<16xf32> to vector<1x16xf32>
        tpu.vector_store %arg15[%parallel_loop3A_272, %parallel_loop3A_273], %parallel_loop3A_276 {strides = array<i32>} : memref<128x16xf32, #tpu.memory_space<vmem>>, vector<1x16xf32>,
      } {sc.loop_unroll_factor = 4 : i64, sc.parallel_access}
      %dma_wait3A_75 = arith.constant 1 : i32
      %dma_wait3A_76 = tpu.memref_slice %arg4[%dma_wait3A_75, %mul3A_2] : memref<2x163840xi32, #tpu.memory_space<hbm>> -> memref<1x128xi32, #tpu.memory_space<hbm>>
      %dma_wait3A_77 = tpu.memref_squeeze %dma_wait3A_76 : memref<1x128xi32, #tpu.memory_space<hbm>> -> memref<128xi32, #tpu.memory_space<hbm>>
      %dma_wait3A_78 = tpu.memref_slice %arg4[%dma_wait3A_75, %mul3A_2] : memref<2x163840xi32, #tpu.memory_space<hbm>> -> memref<1x128xi32, #tpu.memory_space<hbm>>
      %dma_wait3A_79 = tpu.memref_squeeze %dma_wait3A_78 : memref<1x128xi32, #tpu.memory_space<hbm>> -> memref<128xi32, #tpu.memory_space<hbm>>
      tpu.wait_dma2 semaphore(%arg20 : memref<!tpu.dma_semaphore, #tpu.memory_space<semaphore_mem>>) src(%dma_wait3A_79 : memref<128xi32, #tpu.memory_space<hbm>>) dst(%arg9 : memref<128xi32, #tpu.memory_space<vmem>>)
      %dma_start3A_80 = arith.constant 0 : i32
      %dma_start3A_81 = arith.constant 0 : i32
      %dma_start3A_82 = tpu.memref_slice %arg17[%dma_start3A_80, %dma_start3A_81] : memref<10112x16xf32, #tpu.memory_space<vmem_shared>> -> memref<10112x16xf32, #tpu.memory_space<vmem_shared>>
      tpu.enqueue_indirect_dma source(%arg15 : memref<128x16xf32, #tpu.memory_space<vmem>>) target(%dma_start3A_82 : memref<10112x16xf32, #tpu.memory_space<vmem_shared>>) offsets(%arg9 : memref<128xi32, #tpu.memory_space<vmem>>) semaphore(%arg26 : memref<!tpu.dma_semaphore, #tpu.memory_space<semaphore_mem>>) {add = true}
      %mul3A_83 = arith.constant 2 : i32
      %mul3A_84 = arith.muli %mul3A_83, %scan3A_50 : i32
      %add3A_85 = arith.constant 1 : i32
      %add3A_86 = arith.addi %mul3A_84, %add3A_85 : i32
      %dma_wait3A_87 = arith.constant 0 : i32
      %dma_wait3A_88 = arith.constant 0 : i32
      %dma_wait3A_89 = tpu.memref_slice %arg2[%dma_wait3A_87, %dma_wait3A_88] : memref<10000x272xf32, #tpu.memory_space<hbm>> -> memref<10000x272xf32, #tpu.memory_space<hbm>>
      tpu.wait_indirect_dma semaphore(%arg25 : memref<!tpu.dma_semaphore, #tpu.memory_space<semaphore_mem>>) src(%dma_wait3A_89 : memref<10000x272xf32, #tpu.memory_space<hbm>>) dst(%arg14 : memref<128x272xf32, #tpu.memory_space<vmem>>)
      %add3A_90 = arith.constant 2 : i32
      %add3A_91 = arith.addi %add3A_86, %add3A_90 : i32
      %lt3A_92 = arith.constant 40 : i32
      %lt3A_93 = arith.cmpi slt, %add3A_91, %lt3A_92 : i32
      %convert_element_type3A_94 = arith.extui %lt3A_93 : i1 to i32
      %cond3A_95 = arith.constant 0 : i32
      %cond3A_96 = arith.cmpi ne, %convert_element_type3A_94, %cond3A_95 : i32
      scf.if %cond3A_96 {
        %add3A_119 = arith.constant 2 : i32
        %add3A_120 = arith.addi %add3A_86, %add3A_119 : i32
        %mul3A_121 = arith.constant 128 : i32
        %mul3A_122 = arith.muli %add3A_120, %mul3A_121 : i32
        %add3A_123 = arith.addi %mul3A_2, %mul3A_122 : i32
        %dma_start3A_124 = arith.constant 0 : i32
        %dma_start3A_125 = tpu.memref_slice %arg4[%dma_start3A_124, %add3A_123] : memref<2x163840xi32, #tpu.memory_space<hbm>> -> memref<1x128xi32, #tpu.memory_space<hbm>>
        %dma_start3A_126 = tpu.memref_squeeze %dma_start3A_125 : memref<1x128xi32, #tpu.memory_space<hbm>> -> memref<128xi32, #tpu.memory_space<hbm>>
        %dma_start3A_127 = tpu.memref_slice %arg4[%dma_start3A_124, %add3A_123] : memref<2x163840xi32, #tpu.memory_space<hbm>> -> memref<1x128xi32, #tpu.memory_space<hbm>>
        %dma_start3A_128 = tpu.memref_squeeze %dma_start3A_127 : memref<1x128xi32, #tpu.memory_space<hbm>> -> memref<128xi32, #tpu.memory_space<hbm>>
        tpu.enqueue_dma source(%dma_start3A_128 : memref<128xi32, #tpu.memory_space<hbm>>) target(%arg8 : memref<128xi32, #tpu.memory_space<vmem>>) target_semaphore(%arg19 : memref<!tpu.dma_semaphore, #tpu.memory_space<semaphore_mem>>)
      } else {
      }
      %add3A_97 = arith.constant 1 : i32
      %add3A_98 = arith.addi %add3A_86, %add3A_97 : i32
      %lt3A_99 = arith.constant 40 : i32
      %lt3A_100 = arith.cmpi slt, %add3A_98, %lt3A_99 : i32
      %convert_element_type3A_101 = arith.extui %lt3A_100 : i1 to i32
      %cond3A_102 = arith.constant 0 : i32
      %cond3A_103 = arith.cmpi ne, %convert_element_type3A_101, %cond3A_102 : i32
      scf.if %cond3A_103 {
        %dma_wait3A_119 = arith.constant 0 : i32
        %dma_wait3A_120 = tpu.memref_slice %arg4[%dma_wait3A_119, %mul3A_2] : memref<2x163840xi32, #tpu.memory_space<hbm>> -> memref<1x128xi32, #tpu.memory_space<hbm>>
        %dma_wait3A_121 = tpu.memref_squeeze %dma_wait3A_120 : memref<1x128xi32, #tpu.memory_space<hbm>> -> memref<128xi32, #tpu.memory_space<hbm>>
        %dma_wait3A_122 = tpu.memref_slice %arg4[%dma_wait3A_119, %mul3A_2] : memref<2x163840xi32, #tpu.memory_space<hbm>> -> memref<1x128xi32, #tpu.memory_space<hbm>>
        %dma_wait3A_123 = tpu.memref_squeeze %dma_wait3A_122 : memref<1x128xi32, #tpu.memory_space<hbm>> -> memref<128xi32, #tpu.memory_space<hbm>>
        tpu.wait_dma2 semaphore(%arg18 : memref<!tpu.dma_semaphore, #tpu.memory_space<semaphore_mem>>) src(%dma_wait3A_123 : memref<128xi32, #tpu.memory_space<hbm>>) dst(%arg7 : memref<128xi32, #tpu.memory_space<vmem>>)
        %dma_start3A_124 = arith.constant 0 : i32
        %dma_start3A_125 = arith.constant 0 : i32
        %dma_start3A_126 = tpu.memref_slice %arg2[%dma_start3A_124, %dma_start3A_125] : memref<10000x272xf32, #tpu.memory_space<hbm>> -> memref<10000x272xf32, #tpu.memory_space<hbm>>
        tpu.enqueue_indirect_dma source(%dma_start3A_126 : memref<10000x272xf32, #tpu.memory_space<hbm>>) target(%arg13 : memref<128x272xf32, #tpu.memory_space<vmem>>) offsets(%arg7 : memref<128xi32, #tpu.memory_space<vmem>>) semaphore(%arg24 : memref<!tpu.dma_semaphore, #tpu.memory_space<semaphore_mem>>)
        %ge3A = arith.constant 1 : i32
        %ge3A_127 = arith.cmpi sge, %add3A_86, %ge3A : i32
        %convert_element_type3A_128 = arith.extui %ge3A_127 : i1 to i32
        %cond3A_129 = arith.constant 0 : i32
        %cond3A_130 = arith.cmpi ne, %convert_element_type3A_128, %cond3A_129 : i32
        scf.if %cond3A_130 {
          %dma_wait3A_148 = arith.constant 0 : i32
          %dma_wait3A_149 = arith.constant 0 : i32
          %dma_wait3A_150 = tpu.memref_slice %arg17[%dma_wait3A_148, %dma_wait3A_149] : memref<10112x16xf32, #tpu.memory_space<vmem_shared>> -> memref<10112x16xf32, #tpu.memory_space<vmem_shared>>
          tpu.wait_indirect_dma semaphore(%arg26 : memref<!tpu.dma_semaphore, #tpu.memory_space<semaphore_mem>>) src(%arg15 : memref<128x16xf32, #tpu.memory_space<vmem>>) dst(%dma_wait3A_150 : memref<10112x16xf32, #tpu.memory_space<vmem_shared>>)
        } else {
        }
        %add3A_131 = arith.constant 1 : i32
        %add3A_132 = arith.addi %add3A_86, %add3A_131 : i32
        %mul3A_133 = arith.constant 128 : i32
        %mul3A_134 = arith.muli %add3A_132, %mul3A_133 : i32
        %add3A_135 = arith.addi %mul3A_2, %mul3A_134 : i32
        %dma_start3A_136 = arith.constant 1 : i32
        %dma_start3A_137 = tpu.memref_slice %arg4[%dma_start3A_136, %add3A_135] : memref<2x163840xi32, #tpu.memory_space<hbm>> -> memref<1x128xi32, #tpu.memory_space<hbm>>
        %dma_start3A_138 = tpu.memref_squeeze %dma_start3A_137 : memref<1x128xi32, #tpu.memory_space<hbm>> -> memref<128xi32, #tpu.memory_space<hbm>>
        %dma_start3A_139 = tpu.memref_slice %arg4[%dma_start3A_136, %add3A_135] : memref<2x163840xi32, #tpu.memory_space<hbm>> -> memref<1x128xi32, #tpu.memory_space<hbm>>
        %dma_start3A_140 = tpu.memref_squeeze %dma_start3A_139 : memref<1x128xi32, #tpu.memory_space<hbm>> -> memref<128xi32, #tpu.memory_space<hbm>>
        tpu.enqueue_dma source(%dma_start3A_140 : memref<128xi32, #tpu.memory_space<hbm>>) target(%arg9 : memref<128xi32, #tpu.memory_space<vmem>>) target_semaphore(%arg20 : memref<!tpu.dma_semaphore, #tpu.memory_space<semaphore_mem>>)
        %mul3A_141 = arith.constant 128 : i32
        %mul3A_142 = arith.muli %add3A_132, %mul3A_141 : i32
        %add3A_143 = arith.addi %mul3A_2, %mul3A_142 : i32
        %dma_start3A_144 = arith.constant 0 : i32
        %dma_start3A_145 = tpu.memref_slice %arg3[%add3A_143, %dma_start3A_144] : memref<163840x16xf32, #tpu.memory_space<hbm>> -> memref<128x16xf32, #tpu.memory_space<hbm>>
        %dma_start3A_146 = arith.constant 0 : i32
        %dma_start3A_147 = tpu.memref_slice %arg3[%add3A_143, %dma_start3A_146] : memref<163840x16xf32, #tpu.memory_space<hbm>> -> memref<128x16xf32, #tpu.memory_space<hbm>>
        tpu.enqueue_dma source(%dma_start3A_147 : memref<128x16xf32, #tpu.memory_space<hbm>>) target(%arg11 : memref<128x16xf32, #tpu.memory_space<vmem>>) target_semaphore(%arg22 : memref<!tpu.dma_semaphore, #tpu.memory_space<semaphore_mem>>)
      } else {
      }
      %dma_wait3A_104 = arith.constant 0 : i32
      %dma_wait3A_105 = tpu.memref_slice %arg3[%mul3A_2, %dma_wait3A_104] : memref<163840x16xf32, #tpu.memory_space<hbm>> -> memref<128x16xf32, #tpu.memory_space<hbm>>
      %dma_wait3A_106 = arith.constant 0 : i32
      %dma_wait3A_107 = tpu.memref_slice %arg3[%mul3A_2, %dma_wait3A_106] : memref<163840x16xf32, #tpu.memory_space<hbm>> -> memref<128x16xf32, #tpu.memory_space<hbm>>
      tpu.wait_dma2 semaphore(%arg23 : memref<!tpu.dma_semaphore, #tpu.memory_space<semaphore_mem>>) src(%dma_wait3A_107 : memref<128x16xf32, #tpu.memory_space<hbm>>) dst(%arg12 : memref<128x16xf32, #tpu.memory_space<vmem>>)
      %parallel_loop3A_108 = arith.constant 0 : i32
      %parallel_loop3A_109 = arith.constant 128 : i32
      %parallel_loop3A_110 = arith.constant 1 : i32
      scf.for %parallel_loop3A_119 = %parallel_loop3A_108 to %parallel_loop3A_109 step %parallel_loop3A_110  : i32 {
        %parallel_loop3A_120 = arith.index_cast %parallel_loop3A_119 : i32 to index
        %parallel_loop3A_121 = arith.constant 0 : index
        %parallel_loop3A_122 = tpu.vector_load %arg12[%parallel_loop3A_120, %parallel_loop3A_121] {strides = array<i32>} : memref<128x16xf32, #tpu.memory_space<vmem>>, vector<1x16xf32>,
        %parallel_loop3A_123 = vector.shape_cast %parallel_loop3A_122 : vector<1x16xf32> to vector<16xf32>
        %parallel_loop3A_124 = vector.extract_strided_slice %parallel_loop3A_123 {offsets = [0], sizes = [1], strides = [1]} : vector<16xf32> to vector<1xf32>
        %parallel_loop3A_125 = vector.extract %parallel_loop3A_124[0] : f32 from vector<1xf32>
        %parallel_loop3A_126 = vector.broadcast %parallel_loop3A_125 : f32 to vector<16xf32>
        %parallel_loop3A_127 = arith.index_cast %parallel_loop3A_119 : i32 to index
        %parallel_loop3A_128 = arith.constant 0 : index
        %parallel_loop3A_129 = tpu.vector_load %arg14[%parallel_loop3A_127, %parallel_loop3A_128] {strides = array<i32>} : memref<128x272xf32, #tpu.memory_space<vmem>>, vector<1x16xf32>,
        %parallel_loop3A_130 = vector.shape_cast %parallel_loop3A_129 : vector<1x16xf32> to vector<16xf32>
        %parallel_loop3A_131 = arith.mulf %parallel_loop3A_126, %parallel_loop3A_130 : vector<16xf32>
        %parallel_loop3A_132 = vector.extract_strided_slice %parallel_loop3A_123 {offsets = [1], sizes = [1], strides = [1]} : vector<16xf32> to vector<1xf32>
        %parallel_loop3A_133 = vector.extract %parallel_loop3A_132[0] : f32 from vector<1xf32>
        %parallel_loop3A_134 = vector.broadcast %parallel_loop3A_133 : f32 to vector<16xf32>
        %parallel_loop3A_135 = arith.index_cast %parallel_loop3A_119 : i32 to index
        %parallel_loop3A_136 = arith.constant 16 : index
        %parallel_loop3A_137 = tpu.vector_load %arg14[%parallel_loop3A_135, %parallel_loop3A_136] {strides = array<i32>} : memref<128x272xf32, #tpu.memory_space<vmem>>, vector<1x16xf32>,
        %parallel_loop3A_138 = vector.shape_cast %parallel_loop3A_137 : vector<1x16xf32> to vector<16xf32>
        %parallel_loop3A_139 = arith.mulf %parallel_loop3A_134, %parallel_loop3A_138 : vector<16xf32>
        %parallel_loop3A_140 = arith.addf %parallel_loop3A_131, %parallel_loop3A_139 : vector<16xf32>
        %parallel_loop3A_141 = vector.extract_strided_slice %parallel_loop3A_123 {offsets = [2], sizes = [1], strides = [1]} : vector<16xf32> to vector<1xf32>
        %parallel_loop3A_142 = vector.extract %parallel_loop3A_141[0] : f32 from vector<1xf32>
        %parallel_loop3A_143 = vector.broadcast %parallel_loop3A_142 : f32 to vector<16xf32>
        %parallel_loop3A_144 = arith.index_cast %parallel_loop3A_119 : i32 to index
        %parallel_loop3A_145 = arith.constant 32 : index
        %parallel_loop3A_146 = tpu.vector_load %arg14[%parallel_loop3A_144, %parallel_loop3A_145] {strides = array<i32>} : memref<128x272xf32, #tpu.memory_space<vmem>>, vector<1x16xf32>,
        %parallel_loop3A_147 = vector.shape_cast %parallel_loop3A_146 : vector<1x16xf32> to vector<16xf32>
        %parallel_loop3A_148 = arith.mulf %parallel_loop3A_143, %parallel_loop3A_147 : vector<16xf32>
        %parallel_loop3A_149 = arith.addf %parallel_loop3A_140, %parallel_loop3A_148 : vector<16xf32>
        %parallel_loop3A_150 = vector.extract_strided_slice %parallel_loop3A_123 {offsets = [3], sizes = [1], strides = [1]} : vector<16xf32> to vector<1xf32>
        %parallel_loop3A_151 = vector.extract %parallel_loop3A_150[0] : f32 from vector<1xf32>
        %parallel_loop3A_152 = vector.broadcast %parallel_loop3A_151 : f32 to vector<16xf32>
        %parallel_loop3A_153 = arith.index_cast %parallel_loop3A_119 : i32 to index
        %parallel_loop3A_154 = arith.constant 48 : index
        %parallel_loop3A_155 = tpu.vector_load %arg14[%parallel_loop3A_153, %parallel_loop3A_154] {strides = array<i32>} : memref<128x272xf32, #tpu.memory_space<vmem>>, vector<1x16xf32>,
        %parallel_loop3A_156 = vector.shape_cast %parallel_loop3A_155 : vector<1x16xf32> to vector<16xf32>
        %parallel_loop3A_157 = arith.mulf %parallel_loop3A_152, %parallel_loop3A_156 : vector<16xf32>
        %parallel_loop3A_158 = arith.addf %parallel_loop3A_149, %parallel_loop3A_157 : vector<16xf32>
        %parallel_loop3A_159 = vector.extract_strided_slice %parallel_loop3A_123 {offsets = [4], sizes = [1], strides = [1]} : vector<16xf32> to vector<1xf32>
        %parallel_loop3A_160 = vector.extract %parallel_loop3A_159[0] : f32 from vector<1xf32>
        %parallel_loop3A_161 = vector.broadcast %parallel_loop3A_160 : f32 to vector<16xf32>
        %parallel_loop3A_162 = arith.index_cast %parallel_loop3A_119 : i32 to index
        %parallel_loop3A_163 = arith.constant 64 : index
        %parallel_loop3A_164 = tpu.vector_load %arg14[%parallel_loop3A_162, %parallel_loop3A_163] {strides = array<i32>} : memref<128x272xf32, #tpu.memory_space<vmem>>, vector<1x16xf32>,
        %parallel_loop3A_165 = vector.shape_cast %parallel_loop3A_164 : vector<1x16xf32> to vector<16xf32>
        %parallel_loop3A_166 = arith.mulf %parallel_loop3A_161, %parallel_loop3A_165 : vector<16xf32>
        %parallel_loop3A_167 = arith.addf %parallel_loop3A_158, %parallel_loop3A_166 : vector<16xf32>
        %parallel_loop3A_168 = vector.extract_strided_slice %parallel_loop3A_123 {offsets = [5], sizes = [1], strides = [1]} : vector<16xf32> to vector<1xf32>
        %parallel_loop3A_169 = vector.extract %parallel_loop3A_168[0] : f32 from vector<1xf32>
        %parallel_loop3A_170 = vector.broadcast %parallel_loop3A_169 : f32 to vector<16xf32>
        %parallel_loop3A_171 = arith.index_cast %parallel_loop3A_119 : i32 to index
        %parallel_loop3A_172 = arith.constant 80 : index
        %parallel_loop3A_173 = tpu.vector_load %arg14[%parallel_loop3A_171, %parallel_loop3A_172] {strides = array<i32>} : memref<128x272xf32, #tpu.memory_space<vmem>>, vector<1x16xf32>,
        %parallel_loop3A_174 = vector.shape_cast %parallel_loop3A_173 : vector<1x16xf32> to vector<16xf32>
        %parallel_loop3A_175 = arith.mulf %parallel_loop3A_170, %parallel_loop3A_174 : vector<16xf32>
        %parallel_loop3A_176 = arith.addf %parallel_loop3A_167, %parallel_loop3A_175 : vector<16xf32>
        %parallel_loop3A_177 = vector.extract_strided_slice %parallel_loop3A_123 {offsets = [6], sizes = [1], strides = [1]} : vector<16xf32> to vector<1xf32>
        %parallel_loop3A_178 = vector.extract %parallel_loop3A_177[0] : f32 from vector<1xf32>
        %parallel_loop3A_179 = vector.broadcast %parallel_loop3A_178 : f32 to vector<16xf32>
        %parallel_loop3A_180 = arith.index_cast %parallel_loop3A_119 : i32 to index
        %parallel_loop3A_181 = arith.constant 96 : index
        %parallel_loop3A_182 = tpu.vector_load %arg14[%parallel_loop3A_180, %parallel_loop3A_181] {strides = array<i32>} : memref<128x272xf32, #tpu.memory_space<vmem>>, vector<1x16xf32>,
        %parallel_loop3A_183 = vector.shape_cast %parallel_loop3A_182 : vector<1x16xf32> to vector<16xf32>
        %parallel_loop3A_184 = arith.mulf %parallel_loop3A_179, %parallel_loop3A_183 : vector<16xf32>
        %parallel_loop3A_185 = arith.addf %parallel_loop3A_176, %parallel_loop3A_184 : vector<16xf32>
        %parallel_loop3A_186 = vector.extract_strided_slice %parallel_loop3A_123 {offsets = [7], sizes = [1], strides = [1]} : vector<16xf32> to vector<1xf32>
        %parallel_loop3A_187 = vector.extract %parallel_loop3A_186[0] : f32 from vector<1xf32>
        %parallel_loop3A_188 = vector.broadcast %parallel_loop3A_187 : f32 to vector<16xf32>
        %parallel_loop3A_189 = arith.index_cast %parallel_loop3A_119 : i32 to index
        %parallel_loop3A_190 = arith.constant 112 : index
        %parallel_loop3A_191 = tpu.vector_load %arg14[%parallel_loop3A_189, %parallel_loop3A_190] {strides = array<i32>} : memref<128x272xf32, #tpu.memory_space<vmem>>, vector<1x16xf32>,
        %parallel_loop3A_192 = vector.shape_cast %parallel_loop3A_191 : vector<1x16xf32> to vector<16xf32>
        %parallel_loop3A_193 = arith.mulf %parallel_loop3A_188, %parallel_loop3A_192 : vector<16xf32>
        %parallel_loop3A_194 = arith.addf %parallel_loop3A_185, %parallel_loop3A_193 : vector<16xf32>
        %parallel_loop3A_195 = vector.extract_strided_slice %parallel_loop3A_123 {offsets = [8], sizes = [1], strides = [1]} : vector<16xf32> to vector<1xf32>
        %parallel_loop3A_196 = vector.extract %parallel_loop3A_195[0] : f32 from vector<1xf32>
        %parallel_loop3A_197 = vector.broadcast %parallel_loop3A_196 : f32 to vector<16xf32>
        %parallel_loop3A_198 = arith.index_cast %parallel_loop3A_119 : i32 to index
        %parallel_loop3A_199 = arith.constant 128 : index
        %parallel_loop3A_200 = tpu.vector_load %arg14[%parallel_loop3A_198, %parallel_loop3A_199] {strides = array<i32>} : memref<128x272xf32, #tpu.memory_space<vmem>>, vector<1x16xf32>,
        %parallel_loop3A_201 = vector.shape_cast %parallel_loop3A_200 : vector<1x16xf32> to vector<16xf32>
        %parallel_loop3A_202 = arith.mulf %parallel_loop3A_197, %parallel_loop3A_201 : vector<16xf32>
        %parallel_loop3A_203 = arith.addf %parallel_loop3A_194, %parallel_loop3A_202 : vector<16xf32>
        %parallel_loop3A_204 = vector.extract_strided_slice %parallel_loop3A_123 {offsets = [9], sizes = [1], strides = [1]} : vector<16xf32> to vector<1xf32>
        %parallel_loop3A_205 = vector.extract %parallel_loop3A_204[0] : f32 from vector<1xf32>
        %parallel_loop3A_206 = vector.broadcast %parallel_loop3A_205 : f32 to vector<16xf32>
        %parallel_loop3A_207 = arith.index_cast %parallel_loop3A_119 : i32 to index
        %parallel_loop3A_208 = arith.constant 144 : index
        %parallel_loop3A_209 = tpu.vector_load %arg14[%parallel_loop3A_207, %parallel_loop3A_208] {strides = array<i32>} : memref<128x272xf32, #tpu.memory_space<vmem>>, vector<1x16xf32>,
        %parallel_loop3A_210 = vector.shape_cast %parallel_loop3A_209 : vector<1x16xf32> to vector<16xf32>
        %parallel_loop3A_211 = arith.mulf %parallel_loop3A_206, %parallel_loop3A_210 : vector<16xf32>
        %parallel_loop3A_212 = arith.addf %parallel_loop3A_203, %parallel_loop3A_211 : vector<16xf32>
        %parallel_loop3A_213 = vector.extract_strided_slice %parallel_loop3A_123 {offsets = [10], sizes = [1], strides = [1]} : vector<16xf32> to vector<1xf32>
        %parallel_loop3A_214 = vector.extract %parallel_loop3A_213[0] : f32 from vector<1xf32>
        %parallel_loop3A_215 = vector.broadcast %parallel_loop3A_214 : f32 to vector<16xf32>
        %parallel_loop3A_216 = arith.index_cast %parallel_loop3A_119 : i32 to index
        %parallel_loop3A_217 = arith.constant 160 : index
        %parallel_loop3A_218 = tpu.vector_load %arg14[%parallel_loop3A_216, %parallel_loop3A_217] {strides = array<i32>} : memref<128x272xf32, #tpu.memory_space<vmem>>, vector<1x16xf32>,
        %parallel_loop3A_219 = vector.shape_cast %parallel_loop3A_218 : vector<1x16xf32> to vector<16xf32>
        %parallel_loop3A_220 = arith.mulf %parallel_loop3A_215, %parallel_loop3A_219 : vector<16xf32>
        %parallel_loop3A_221 = arith.addf %parallel_loop3A_212, %parallel_loop3A_220 : vector<16xf32>
        %parallel_loop3A_222 = vector.extract_strided_slice %parallel_loop3A_123 {offsets = [11], sizes = [1], strides = [1]} : vector<16xf32> to vector<1xf32>
        %parallel_loop3A_223 = vector.extract %parallel_loop3A_222[0] : f32 from vector<1xf32>
        %parallel_loop3A_224 = vector.broadcast %parallel_loop3A_223 : f32 to vector<16xf32>
        %parallel_loop3A_225 = arith.index_cast %parallel_loop3A_119 : i32 to index
        %parallel_loop3A_226 = arith.constant 176 : index
        %parallel_loop3A_227 = tpu.vector_load %arg14[%parallel_loop3A_225, %parallel_loop3A_226] {strides = array<i32>} : memref<128x272xf32, #tpu.memory_space<vmem>>, vector<1x16xf32>,
        %parallel_loop3A_228 = vector.shape_cast %parallel_loop3A_227 : vector<1x16xf32> to vector<16xf32>
        %parallel_loop3A_229 = arith.mulf %parallel_loop3A_224, %parallel_loop3A_228 : vector<16xf32>
        %parallel_loop3A_230 = arith.addf %parallel_loop3A_221, %parallel_loop3A_229 : vector<16xf32>
        %parallel_loop3A_231 = vector.extract_strided_slice %parallel_loop3A_123 {offsets = [12], sizes = [1], strides = [1]} : vector<16xf32> to vector<1xf32>
        %parallel_loop3A_232 = vector.extract %parallel_loop3A_231[0] : f32 from vector<1xf32>
        %parallel_loop3A_233 = vector.broadcast %parallel_loop3A_232 : f32 to vector<16xf32>
        %parallel_loop3A_234 = arith.index_cast %parallel_loop3A_119 : i32 to index
        %parallel_loop3A_235 = arith.constant 192 : index
        %parallel_loop3A_236 = tpu.vector_load %arg14[%parallel_loop3A_234, %parallel_loop3A_235] {strides = array<i32>} : memref<128x272xf32, #tpu.memory_space<vmem>>, vector<1x16xf32>,
        %parallel_loop3A_237 = vector.shape_cast %parallel_loop3A_236 : vector<1x16xf32> to vector<16xf32>
        %parallel_loop3A_238 = arith.mulf %parallel_loop3A_233, %parallel_loop3A_237 : vector<16xf32>
        %parallel_loop3A_239 = arith.addf %parallel_loop3A_230, %parallel_loop3A_238 : vector<16xf32>
        %parallel_loop3A_240 = vector.extract_strided_slice %parallel_loop3A_123 {offsets = [13], sizes = [1], strides = [1]} : vector<16xf32> to vector<1xf32>
        %parallel_loop3A_241 = vector.extract %parallel_loop3A_240[0] : f32 from vector<1xf32>
        %parallel_loop3A_242 = vector.broadcast %parallel_loop3A_241 : f32 to vector<16xf32>
        %parallel_loop3A_243 = arith.index_cast %parallel_loop3A_119 : i32 to index
        %parallel_loop3A_244 = arith.constant 208 : index
        %parallel_loop3A_245 = tpu.vector_load %arg14[%parallel_loop3A_243, %parallel_loop3A_244] {strides = array<i32>} : memref<128x272xf32, #tpu.memory_space<vmem>>, vector<1x16xf32>,
        %parallel_loop3A_246 = vector.shape_cast %parallel_loop3A_245 : vector<1x16xf32> to vector<16xf32>
        %parallel_loop3A_247 = arith.mulf %parallel_loop3A_242, %parallel_loop3A_246 : vector<16xf32>
        %parallel_loop3A_248 = arith.addf %parallel_loop3A_239, %parallel_loop3A_247 : vector<16xf32>
        %parallel_loop3A_249 = vector.extract_strided_slice %parallel_loop3A_123 {offsets = [14], sizes = [1], strides = [1]} : vector<16xf32> to vector<1xf32>
        %parallel_loop3A_250 = vector.extract %parallel_loop3A_249[0] : f32 from vector<1xf32>
        %parallel_loop3A_251 = vector.broadcast %parallel_loop3A_250 : f32 to vector<16xf32>
        %parallel_loop3A_252 = arith.index_cast %parallel_loop3A_119 : i32 to index
        %parallel_loop3A_253 = arith.constant 224 : index
        %parallel_loop3A_254 = tpu.vector_load %arg14[%parallel_loop3A_252, %parallel_loop3A_253] {strides = array<i32>} : memref<128x272xf32, #tpu.memory_space<vmem>>, vector<1x16xf32>,
        %parallel_loop3A_255 = vector.shape_cast %parallel_loop3A_254 : vector<1x16xf32> to vector<16xf32>
        %parallel_loop3A_256 = arith.mulf %parallel_loop3A_251, %parallel_loop3A_255 : vector<16xf32>
        %parallel_loop3A_257 = arith.addf %parallel_loop3A_248, %parallel_loop3A_256 : vector<16xf32>
        %parallel_loop3A_258 = vector.extract_strided_slice %parallel_loop3A_123 {offsets = [15], sizes = [1], strides = [1]} : vector<16xf32> to vector<1xf32>
        %parallel_loop3A_259 = vector.extract %parallel_loop3A_258[0] : f32 from vector<1xf32>
        %parallel_loop3A_260 = vector.broadcast %parallel_loop3A_259 : f32 to vector<16xf32>
        %parallel_loop3A_261 = arith.index_cast %parallel_loop3A_119 : i32 to index
        %parallel_loop3A_262 = arith.constant 240 : index
        %parallel_loop3A_263 = tpu.vector_load %arg14[%parallel_loop3A_261, %parallel_loop3A_262] {strides = array<i32>} : memref<128x272xf32, #tpu.memory_space<vmem>>, vector<1x16xf32>,
        %parallel_loop3A_264 = vector.shape_cast %parallel_loop3A_263 : vector<1x16xf32> to vector<16xf32>
        %parallel_loop3A_265 = arith.mulf %parallel_loop3A_260, %parallel_loop3A_264 : vector<16xf32>
        %parallel_loop3A_266 = arith.addf %parallel_loop3A_257, %parallel_loop3A_265 : vector<16xf32>
        %parallel_loop3A_267 = arith.index_cast %parallel_loop3A_119 : i32 to index
        %parallel_loop3A_268 = arith.constant 256 : index
        %parallel_loop3A_269 = tpu.vector_load %arg14[%parallel_loop3A_267, %parallel_loop3A_268] {strides = array<i32>} : memref<128x272xf32, #tpu.memory_space<vmem>>, vector<1x16xf32>,
        %parallel_loop3A_270 = vector.shape_cast %parallel_loop3A_269 : vector<1x16xf32> to vector<16xf32>
        %parallel_loop3A_271 = arith.addf %parallel_loop3A_266, %parallel_loop3A_270 : vector<16xf32>
        %parallel_loop3A_272 = arith.index_cast %parallel_loop3A_119 : i32 to index
        %parallel_loop3A_273 = arith.constant 0 : index
        %parallel_loop3A_274 = tpu.vector_load %arg16[%parallel_loop3A_272, %parallel_loop3A_273] {strides = array<i32>} : memref<128x16xf32, #tpu.memory_space<vmem>>, vector<1x16xf32>,
        %parallel_loop3A_275 = vector.shape_cast %parallel_loop3A_274 : vector<1x16xf32> to vector<16xf32>
        %parallel_loop3A_276 = vector.shape_cast %parallel_loop3A_271 : vector<16xf32> to vector<1x16xf32>
        tpu.vector_store %arg16[%parallel_loop3A_272, %parallel_loop3A_273], %parallel_loop3A_276 {strides = array<i32>} : memref<128x16xf32, #tpu.memory_space<vmem>>, vector<1x16xf32>,
      } {sc.loop_unroll_factor = 4 : i64, sc.parallel_access}
      %dma_wait3A_111 = arith.constant 1 : i32
      %dma_wait3A_112 = tpu.memref_slice %arg4[%dma_wait3A_111, %mul3A_2] : memref<2x163840xi32, #tpu.memory_space<hbm>> -> memref<1x128xi32, #tpu.memory_space<hbm>>
      %dma_wait3A_113 = tpu.memref_squeeze %dma_wait3A_112 : memref<1x128xi32, #tpu.memory_space<hbm>> -> memref<128xi32, #tpu.memory_space<hbm>>
      %dma_wait3A_114 = tpu.memref_slice %arg4[%dma_wait3A_111, %mul3A_2] : memref<2x163840xi32, #tpu.memory_space<hbm>> -> memref<1x128xi32, #tpu.memory_space<hbm>>
      %dma_wait3A_115 = tpu.memref_squeeze %dma_wait3A_114 : memref<1x128xi32, #tpu.memory_space<hbm>> -> memref<128xi32, #tpu.memory_space<hbm>>
      tpu.wait_dma2 semaphore(%arg21 : memref<!tpu.dma_semaphore, #tpu.memory_space<semaphore_mem>>) src(%dma_wait3A_115 : memref<128xi32, #tpu.memory_space<hbm>>) dst(%arg10 : memref<128xi32, #tpu.memory_space<vmem>>)
      %dma_start3A_116 = arith.constant 0 : i32
      %dma_start3A_117 = arith.constant 0 : i32
      %dma_start3A_118 = tpu.memref_slice %arg17[%dma_start3A_116, %dma_start3A_117] : memref<10112x16xf32, #tpu.memory_space<vmem_shared>> -> memref<10112x16xf32, #tpu.memory_space<vmem_shared>>
      tpu.enqueue_indirect_dma source(%arg16 : memref<128x16xf32, #tpu.memory_space<vmem>>) target(%dma_start3A_118 : memref<10112x16xf32, #tpu.memory_space<vmem_shared>>) offsets(%arg10 : memref<128xi32, #tpu.memory_space<vmem>>) semaphore(%arg27 : memref<!tpu.dma_semaphore, #tpu.memory_space<semaphore_mem>>) {add = true}
    }
    %scan3A_42 = arith.constant 20 : i32
    %dma_wait3A_43 = arith.constant 0 : i32
    %dma_wait3A_44 = arith.constant 0 : i32
    %dma_wait3A_45 = tpu.memref_slice %arg17[%dma_wait3A_43, %dma_wait3A_44] : memref<10112x16xf32, #tpu.memory_space<vmem_shared>> -> memref<10112x16xf32, #tpu.memory_space<vmem_shared>>
    tpu.wait_indirect_dma semaphore(%arg26 : memref<!tpu.dma_semaphore, #tpu.memory_space<semaphore_mem>>) src(%arg15 : memref<128x16xf32, #tpu.memory_space<vmem>>) dst(%dma_wait3A_45 : memref<10112x16xf32, #tpu.memory_space<vmem_shared>>)
    %dma_wait3A_46 = arith.constant 0 : i32
    %dma_wait3A_47 = arith.constant 0 : i32
    %dma_wait3A_48 = tpu.memref_slice %arg17[%dma_wait3A_46, %dma_wait3A_47] : memref<10112x16xf32, #tpu.memory_space<vmem_shared>> -> memref<10112x16xf32, #tpu.memory_space<vmem_shared>>
    tpu.wait_indirect_dma semaphore(%arg27 : memref<!tpu.dma_semaphore, #tpu.memory_space<semaphore_mem>>) src(%arg16 : memref<128x16xf32, #tpu.memory_space<vmem>>) dst(%dma_wait3A_48 : memref<10112x16xf32, #tpu.memory_space<vmem_shared>>)
    %barrier3A_49 = arith.constant 0 : index
    tpu.barrier barrier_id(%barrier3A_49)
    "tpu.region"() ({
      %run_scoped3A = tpu.sem_alloc : memref<!tpu.dma_semaphore, #tpu.memory_space<semaphore_mem>>
      %dma_start3A_50 = arith.constant 0 : i32
      %dma_start3A_51 = tpu.memref_slice %arg6[%arg0, %mul3A_4, %dma_start3A_50] : memref<2x10112x16xf32, #tpu.memory_space<hbm>> -> memref<1x632x16xf32, #tpu.memory_space<hbm>>
      %dma_start3A_52 = tpu.memref_squeeze %dma_start3A_51 : memref<1x632x16xf32, #tpu.memory_space<hbm>> -> memref<632x16xf32, #tpu.memory_space<hbm>>
      %dma_start3A_53 = arith.constant 0 : i32
      %dma_start3A_54 = tpu.memref_slice %arg17[%mul3A_4, %dma_start3A_53] : memref<10112x16xf32, #tpu.memory_space<vmem_shared>> -> memref<632x16xf32, #tpu.memory_space<vmem_shared>>
      tpu.enqueue_dma source(%dma_start3A_54 : memref<632x16xf32, #tpu.memory_space<vmem_shared>>) target(%dma_start3A_52 : memref<632x16xf32, #tpu.memory_space<hbm>>) target_semaphore(%run_scoped3A : memref<!tpu.dma_semaphore, #tpu.memory_space<semaphore_mem>>)
      %dma_wait3A_55 = arith.constant 0 : i32
      %dma_wait3A_56 = tpu.memref_slice %arg6[%arg0, %mul3A_4, %dma_wait3A_55] : memref<2x10112x16xf32, #tpu.memory_space<hbm>> -> memref<1x632x16xf32, #tpu.memory_space<hbm>>
      %dma_wait3A_57 = tpu.memref_squeeze %dma_wait3A_56 : memref<1x632x16xf32, #tpu.memory_space<hbm>> -> memref<632x16xf32, #tpu.memory_space<hbm>>
      %dma_wait3A_58 = arith.constant 0 : i32
      %dma_wait3A_59 = tpu.memref_slice %arg17[%mul3A_4, %dma_wait3A_58] : memref<10112x16xf32, #tpu.memory_space<vmem_shared>> -> memref<632x16xf32, #tpu.memory_space<vmem_shared>>
      tpu.wait_dma2 semaphore(%run_scoped3A : memref<!tpu.dma_semaphore, #tpu.memory_space<semaphore_mem>>) src(%dma_wait3A_59 : memref<632x16xf32, #tpu.memory_space<vmem_shared>>) dst(%dma_wait3A_57 : memref<632x16xf32, #tpu.memory_space<hbm>>)
      tpu.yield
    }) : () -> ()
    return
  }
}

#map = affine_map<(d0, d1) -> (0, 0)>
#map1 = affine_map<(d0, d1) -> (0, 0, 0)>
module attributes {stable_mosaic.version = 14 : i64} {
  func.func @_sc_edge_body(%arg0: i32, %arg1: i32, %arg2: memref<10000x272xf32, #tpu.memory_space<hbm>>, %arg3: memref<163840x16xf32, #tpu.memory_space<hbm>>, %arg4: memref<2x163840xi32, #tpu.memory_space<hbm>>, %arg5: memref<632x16xf32, #tpu.memory_space<hbm>>, %arg6: memref<2x10112x16xf32, #tpu.memory_space<hbm>>, %arg7: memref<128xi32, #tpu.memory_space<vmem>>, %arg8: memref<128xi32, #tpu.memory_space<vmem>>, %arg9: memref<128xi32, #tpu.memory_space<vmem>>, %arg10: memref<128xi32, #tpu.memory_space<vmem>>, %arg11: memref<128x16xf32, #tpu.memory_space<vmem>>, %arg12: memref<128x16xf32, #tpu.memory_space<vmem>>, %arg13: memref<128x272xf32, #tpu.memory_space<vmem>>, %arg14: memref<128x272xf32, #tpu.memory_space<vmem>>, %arg15: memref<128x16xf32, #tpu.memory_space<vmem>>, %arg16: memref<128x16xf32, #tpu.memory_space<vmem>>, %arg17: memref<10112x16xf32, #tpu.memory_space<vmem_shared>>, %arg18: memref<!tpu.dma_semaphore, #tpu.memory_space<semaphore_mem>>, %arg19: memref<!tpu.dma_semaphore, #tpu.memory_space<semaphore_mem>>, %arg20: memref<!tpu.dma_semaphore, #tpu.memory_space<semaphore_mem>>, %arg21: memref<!tpu.dma_semaphore, #tpu.memory_space<semaphore_mem>>, %arg22: memref<!tpu.dma_semaphore, #tpu.memory_space<semaphore_mem>>, %arg23: memref<!tpu.dma_semaphore, #tpu.memory_space<semaphore_mem>>, %arg24: memref<!tpu.dma_semaphore, #tpu.memory_space<semaphore_mem>>, %arg25: memref<!tpu.dma_semaphore, #tpu.memory_space<semaphore_mem>>, %arg26: memref<!tpu.dma_semaphore, #tpu.memory_space<semaphore_mem>>, %arg27: memref<!tpu.dma_semaphore, #tpu.memory_space<semaphore_mem>>) attributes {dimension_semantics = [#tpu.dimension_semantics<core_parallel>, #tpu.dimension_semantics<subcore_parallel>], iteration_bounds = array<i64: 2, 16>, scalar_prefetch = 0 : i64, scratch_operands = 21 : i64, tpu.core_type = #tpu.core_type<sc_vector_subcore>, window_params = [{transform_indices = #map}, {transform_indices = #map}, {transform_indices = #map}, {transform_indices = #map}, {transform_indices = #map1}]} {
    %mul3A = arith.constant 16 : i32
    %mul3A_0 = arith.muli %arg0, %mul3A : i32
    %add3A = arith.addi %mul3A_0, %arg1 : i32
    %mul3A_1 = arith.constant 5120 : i32
    %mul3A_2 = arith.muli %add3A, %mul3A_1 : i32
    %mul3A_3 = arith.constant 632 : i32
    %mul3A_4 = arith.muli %arg1, %mul3A_3 : i32
    "tpu.region"() ({
      %run_scoped3A = tpu.sem_alloc : memref<!tpu.dma_semaphore, #tpu.memory_space<semaphore_mem>>
      %dma_start3A_50 = arith.constant 0 : i32
      %dma_start3A_51 = tpu.memref_slice %arg17[%mul3A_4, %dma_start3A_50] : memref<10112x16xf32, #tpu.memory_space<vmem_shared>> -> memref<632x16xf32, #tpu.memory_space<vmem_shared>>
      tpu.enqueue_dma source(%arg5 : memref<632x16xf32, #tpu.memory_space<hbm>>) target(%dma_start3A_51 : memref<632x16xf32, #tpu.memory_space<vmem_shared>>) target_semaphore(%run_scoped3A : memref<!tpu.dma_semaphore, #tpu.memory_space<semaphore_mem>>)
      %dma_wait3A_52 = arith.constant 0 : i32
      %dma_wait3A_53 = tpu.memref_slice %arg17[%mul3A_4, %dma_wait3A_52] : memref<10112x16xf32, #tpu.memory_space<vmem_shared>> -> memref<632x16xf32, #tpu.memory_space<vmem_shared>>
      tpu.wait_dma2 semaphore(%run_scoped3A : memref<!tpu.dma_semaphore, #tpu.memory_space<semaphore_mem>>) src(%arg5 : memref<632x16xf32, #tpu.memory_space<hbm>>) dst(%dma_wait3A_53 : memref<632x16xf32, #tpu.memory_space<vmem_shared>>)
      tpu.yield
    }) : () -> ()
    %barrier3A = arith.constant 0 : index
    tpu.barrier barrier_id(%barrier3A)
    %add3A_5 = arith.constant 0 : i32
    %add3A_6 = arith.addi %mul3A_2, %add3A_5 : i32
    %dma_start3A = arith.constant 0 : i32
    %dma_start3A_7 = tpu.memref_slice %arg4[%dma_start3A, %add3A_6] : memref<2x163840xi32, #tpu.memory_space<hbm>> -> memref<1x128xi32, #tpu.memory_space<hbm>>
    %dma_start3A_8 = tpu.memref_squeeze %dma_start3A_7 : memref<1x128xi32, #tpu.memory_space<hbm>> -> memref<128xi32, #tpu.memory_space<hbm>>
    %dma_start3A_9 = tpu.memref_slice %arg4[%dma_start3A, %add3A_6] : memref<2x163840xi32, #tpu.memory_space<hbm>> -> memref<1x128xi32, #tpu.memory_space<hbm>>
    %dma_start3A_10 = tpu.memref_squeeze %dma_start3A_9 : memref<1x128xi32, #tpu.memory_space<hbm>> -> memref<128xi32, #tpu.memory_space<hbm>>
    tpu.enqueue_dma source(%dma_start3A_10 : memref<128xi32, #tpu.memory_space<hbm>>) target(%arg7 : memref<128xi32, #tpu.memory_space<vmem>>) target_semaphore(%arg18 : memref<!tpu.dma_semaphore, #tpu.memory_space<semaphore_mem>>)
    %dma_wait3A = arith.constant 0 : i32
    %dma_wait3A_11 = tpu.memref_slice %arg4[%dma_wait3A, %mul3A_2] : memref<2x163840xi32, #tpu.memory_space<hbm>> -> memref<1x128xi32, #tpu.memory_space<hbm>>
    %dma_wait3A_12 = tpu.memref_squeeze %dma_wait3A_11 : memref<1x128xi32, #tpu.memory_space<hbm>> -> memref<128xi32, #tpu.memory_space<hbm>>
    %dma_wait3A_13 = tpu.memref_slice %arg4[%dma_wait3A, %mul3A_2] : memref<2x163840xi32, #tpu.memory_space<hbm>> -> memref<1x128xi32, #tpu.memory_space<hbm>>
    %dma_wait3A_14 = tpu.memref_squeeze %dma_wait3A_13 : memref<1x128xi32, #tpu.memory_space<hbm>> -> memref<128xi32, #tpu.memory_space<hbm>>
    tpu.wait_dma2 semaphore(%arg18 : memref<!tpu.dma_semaphore, #tpu.memory_space<semaphore_mem>>) src(%dma_wait3A_14 : memref<128xi32, #tpu.memory_space<hbm>>) dst(%arg7 : memref<128xi32, #tpu.memory_space<vmem>>)
    %dma_start3A_15 = arith.constant 0 : i32
    %dma_start3A_16 = arith.constant 0 : i32
    %dma_start3A_17 = tpu.memref_slice %arg2[%dma_start3A_15, %dma_start3A_16] : memref<10000x272xf32, #tpu.memory_space<hbm>> -> memref<10000x272xf32, #tpu.memory_space<hbm>>
    tpu.enqueue_indirect_dma source(%dma_start3A_17 : memref<10000x272xf32, #tpu.memory_space<hbm>>) target(%arg13 : memref<128x272xf32, #tpu.memory_space<vmem>>) offsets(%arg7 : memref<128xi32, #tpu.memory_space<vmem>>) semaphore(%arg24 : memref<!tpu.dma_semaphore, #tpu.memory_space<semaphore_mem>>)
    %add3A_18 = arith.constant 0 : i32
    %add3A_19 = arith.addi %mul3A_2, %add3A_18 : i32
    %dma_start3A_20 = arith.constant 1 : i32
    %dma_start3A_21 = tpu.memref_slice %arg4[%dma_start3A_20, %add3A_19] : memref<2x163840xi32, #tpu.memory_space<hbm>> -> memref<1x128xi32, #tpu.memory_space<hbm>>
    %dma_start3A_22 = tpu.memref_squeeze %dma_start3A_21 : memref<1x128xi32, #tpu.memory_space<hbm>> -> memref<128xi32, #tpu.memory_space<hbm>>
    %dma_start3A_23 = tpu.memref_slice %arg4[%dma_start3A_20, %add3A_19] : memref<2x163840xi32, #tpu.memory_space<hbm>> -> memref<1x128xi32, #tpu.memory_space<hbm>>
    %dma_start3A_24 = tpu.memref_squeeze %dma_start3A_23 : memref<1x128xi32, #tpu.memory_space<hbm>> -> memref<128xi32, #tpu.memory_space<hbm>>
    tpu.enqueue_dma source(%dma_start3A_24 : memref<128xi32, #tpu.memory_space<hbm>>) target(%arg9 : memref<128xi32, #tpu.memory_space<vmem>>) target_semaphore(%arg20 : memref<!tpu.dma_semaphore, #tpu.memory_space<semaphore_mem>>)
    %add3A_25 = arith.constant 0 : i32
    %add3A_26 = arith.addi %mul3A_2, %add3A_25 : i32
    %dma_start3A_27 = arith.constant 0 : i32
    %dma_start3A_28 = tpu.memref_slice %arg3[%add3A_26, %dma_start3A_27] : memref<163840x16xf32, #tpu.memory_space<hbm>> -> memref<128x16xf32, #tpu.memory_space<hbm>>
    %dma_start3A_29 = arith.constant 0 : i32
    %dma_start3A_30 = tpu.memref_slice %arg3[%add3A_26, %dma_start3A_29] : memref<163840x16xf32, #tpu.memory_space<hbm>> -> memref<128x16xf32, #tpu.memory_space<hbm>>
    tpu.enqueue_dma source(%dma_start3A_30 : memref<128x16xf32, #tpu.memory_space<hbm>>) target(%arg11 : memref<128x16xf32, #tpu.memory_space<vmem>>) target_semaphore(%arg22 : memref<!tpu.dma_semaphore, #tpu.memory_space<semaphore_mem>>)
    %add3A_31 = arith.constant 128 : i32
    %add3A_32 = arith.addi %mul3A_2, %add3A_31 : i32
    %dma_start3A_33 = arith.constant 0 : i32
    %dma_start3A_34 = tpu.memref_slice %arg4[%dma_start3A_33, %add3A_32] : memref<2x163840xi32, #tpu.memory_space<hbm>> -> memref<1x128xi32, #tpu.memory_space<hbm>>
    %dma_start3A_35 = tpu.memref_squeeze %dma_start3A_34 : memref<1x128xi32, #tpu.memory_space<hbm>> -> memref<128xi32, #tpu.memory_space<hbm>>
    %dma_start3A_36 = tpu.memref_slice %arg4[%dma_start3A_33, %add3A_32] : memref<2x163840xi32, #tpu.memory_space<hbm>> -> memref<1x128xi32, #tpu.memory_space<hbm>>
    %dma_start3A_37 = tpu.memref_squeeze %dma_start3A_36 : memref<1x128xi32, #tpu.memory_space<hbm>> -> memref<128xi32, #tpu.memory_space<hbm>>
    tpu.enqueue_dma source(%dma_start3A_37 : memref<128xi32, #tpu.memory_space<hbm>>) target(%arg8 : memref<128xi32, #tpu.memory_space<vmem>>) target_semaphore(%arg19 : memref<!tpu.dma_semaphore, #tpu.memory_space<semaphore_mem>>)
    %scan3A = arith.constant 0 : i32
    %scan3A_38 = arith.constant 0 : i32
    %scan3A_39 = arith.constant 20 : i32
    %scan3A_40 = arith.addi %scan3A_38, %scan3A_39 : i32
    %scan3A_41 = arith.constant 1 : i32
    scf.for %scan3A_50 = %scan3A_38 to %scan3A_40 step %scan3A_41  : i32 {
      %mul3A_51 = arith.constant 2 : i32
      %mul3A_52 = arith.muli %mul3A_51, %scan3A_50 : i32
      %add3A_53 = arith.constant 0 : i32
      %add3A_54 = arith.addi %mul3A_52, %add3A_53 : i32
      %dma_wait3A_55 = arith.constant 0 : i32
      %dma_wait3A_56 = arith.constant 0 : i32
      %dma_wait3A_57 = tpu.memref_slice %arg2[%dma_wait3A_55, %dma_wait3A_56] : memref<10000x272xf32, #tpu.memory_space<hbm>> -> memref<10000x272xf32, #tpu.memory_space<hbm>>
      tpu.wait_indirect_dma semaphore(%arg24 : memref<!tpu.dma_semaphore, #tpu.memory_space<semaphore_mem>>) src(%dma_wait3A_57 : memref<10000x272xf32, #tpu.memory_space<hbm>>) dst(%arg13 : memref<128x272xf32, #tpu.memory_space<vmem>>)
      %add3A_58 = arith.constant 2 : i32
      %add3A_59 = arith.addi %add3A_54, %add3A_58 : i32
      %lt3A = arith.constant 40 : i32
      %lt3A_60 = arith.cmpi slt, %add3A_59, %lt3A : i32
      %convert_element_type3A = arith.extui %lt3A_60 : i1 to i32
      %cond3A = arith.constant 0 : i32
      %cond3A_61 = arith.cmpi ne, %convert_element_type3A, %cond3A : i32
      scf.if %cond3A_61 {
        %add3A_119 = arith.constant 2 : i32
        %add3A_120 = arith.addi %add3A_54, %add3A_119 : i32
        %mul3A_121 = arith.constant 128 : i32
        %mul3A_122 = arith.muli %add3A_120, %mul3A_121 : i32
        %add3A_123 = arith.addi %mul3A_2, %mul3A_122 : i32
        %dma_start3A_124 = arith.constant 0 : i32
        %dma_start3A_125 = tpu.memref_slice %arg4[%dma_start3A_124, %add3A_123] : memref<2x163840xi32, #tpu.memory_space<hbm>> -> memref<1x128xi32, #tpu.memory_space<hbm>>
        %dma_start3A_126 = tpu.memref_squeeze %dma_start3A_125 : memref<1x128xi32, #tpu.memory_space<hbm>> -> memref<128xi32, #tpu.memory_space<hbm>>
        %dma_start3A_127 = tpu.memref_slice %arg4[%dma_start3A_124, %add3A_123] : memref<2x163840xi32, #tpu.memory_space<hbm>> -> memref<1x128xi32, #tpu.memory_space<hbm>>
        %dma_start3A_128 = tpu.memref_squeeze %dma_start3A_127 : memref<1x128xi32, #tpu.memory_space<hbm>> -> memref<128xi32, #tpu.memory_space<hbm>>
        tpu.enqueue_dma source(%dma_start3A_128 : memref<128xi32, #tpu.memory_space<hbm>>) target(%arg7 : memref<128xi32, #tpu.memory_space<vmem>>) target_semaphore(%arg18 : memref<!tpu.dma_semaphore, #tpu.memory_space<semaphore_mem>>)
      } else {
      }
      %add3A_62 = arith.constant 1 : i32
      %add3A_63 = arith.addi %add3A_54, %add3A_62 : i32
      %lt3A_64 = arith.constant 40 : i32
      %lt3A_65 = arith.cmpi slt, %add3A_63, %lt3A_64 : i32
      %convert_element_type3A_66 = arith.extui %lt3A_65 : i1 to i32
      %cond3A_67 = arith.constant 0 : i32
      %cond3A_68 = arith.cmpi ne, %convert_element_type3A_66, %cond3A_67 : i32
      scf.if %cond3A_68 {
        %dma_wait3A_119 = arith.constant 0 : i32
        %dma_wait3A_120 = tpu.memref_slice %arg4[%dma_wait3A_119, %mul3A_2] : memref<2x163840xi32, #tpu.memory_space<hbm>> -> memref<1x128xi32, #tpu.memory_space<hbm>>
        %dma_wait3A_121 = tpu.memref_squeeze %dma_wait3A_120 : memref<1x128xi32, #tpu.memory_space<hbm>> -> memref<128xi32, #tpu.memory_space<hbm>>
        %dma_wait3A_122 = tpu.memref_slice %arg4[%dma_wait3A_119, %mul3A_2] : memref<2x163840xi32, #tpu.memory_space<hbm>> -> memref<1x128xi32, #tpu.memory_space<hbm>>
        %dma_wait3A_123 = tpu.memref_squeeze %dma_wait3A_122 : memref<1x128xi32, #tpu.memory_space<hbm>> -> memref<128xi32, #tpu.memory_space<hbm>>
        tpu.wait_dma2 semaphore(%arg19 : memref<!tpu.dma_semaphore, #tpu.memory_space<semaphore_mem>>) src(%dma_wait3A_123 : memref<128xi32, #tpu.memory_space<hbm>>) dst(%arg8 : memref<128xi32, #tpu.memory_space<vmem>>)
        %dma_start3A_124 = arith.constant 0 : i32
        %dma_start3A_125 = arith.constant 0 : i32
        %dma_start3A_126 = tpu.memref_slice %arg2[%dma_start3A_124, %dma_start3A_125] : memref<10000x272xf32, #tpu.memory_space<hbm>> -> memref<10000x272xf32, #tpu.memory_space<hbm>>
        tpu.enqueue_indirect_dma source(%dma_start3A_126 : memref<10000x272xf32, #tpu.memory_space<hbm>>) target(%arg14 : memref<128x272xf32, #tpu.memory_space<vmem>>) offsets(%arg8 : memref<128xi32, #tpu.memory_space<vmem>>) semaphore(%arg25 : memref<!tpu.dma_semaphore, #tpu.memory_space<semaphore_mem>>)
        %ge3A = arith.constant 1 : i32
        %ge3A_127 = arith.cmpi sge, %add3A_54, %ge3A : i32
        %convert_element_type3A_128 = arith.extui %ge3A_127 : i1 to i32
        %cond3A_129 = arith.constant 0 : i32
        %cond3A_130 = arith.cmpi ne, %convert_element_type3A_128, %cond3A_129 : i32
        scf.if %cond3A_130 {
          %dma_wait3A_148 = arith.constant 0 : i32
          %dma_wait3A_149 = arith.constant 0 : i32
          %dma_wait3A_150 = tpu.memref_slice %arg17[%dma_wait3A_148, %dma_wait3A_149] : memref<10112x16xf32, #tpu.memory_space<vmem_shared>> -> memref<10112x16xf32, #tpu.memory_space<vmem_shared>>
          tpu.wait_indirect_dma semaphore(%arg27 : memref<!tpu.dma_semaphore, #tpu.memory_space<semaphore_mem>>) src(%arg16 : memref<128x16xf32, #tpu.memory_space<vmem>>) dst(%dma_wait3A_150 : memref<10112x16xf32, #tpu.memory_space<vmem_shared>>)
        } else {
        }
        %add3A_131 = arith.constant 1 : i32
        %add3A_132 = arith.addi %add3A_54, %add3A_131 : i32
        %mul3A_133 = arith.constant 128 : i32
        %mul3A_134 = arith.muli %add3A_132, %mul3A_133 : i32
        %add3A_135 = arith.addi %mul3A_2, %mul3A_134 : i32
        %dma_start3A_136 = arith.constant 1 : i32
        %dma_start3A_137 = tpu.memref_slice %arg4[%dma_start3A_136, %add3A_135] : memref<2x163840xi32, #tpu.memory_space<hbm>> -> memref<1x128xi32, #tpu.memory_space<hbm>>
        %dma_start3A_138 = tpu.memref_squeeze %dma_start3A_137 : memref<1x128xi32, #tpu.memory_space<hbm>> -> memref<128xi32, #tpu.memory_space<hbm>>
        %dma_start3A_139 = tpu.memref_slice %arg4[%dma_start3A_136, %add3A_135] : memref<2x163840xi32, #tpu.memory_space<hbm>> -> memref<1x128xi32, #tpu.memory_space<hbm>>
        %dma_start3A_140 = tpu.memref_squeeze %dma_start3A_139 : memref<1x128xi32, #tpu.memory_space<hbm>> -> memref<128xi32, #tpu.memory_space<hbm>>
        tpu.enqueue_dma source(%dma_start3A_140 : memref<128xi32, #tpu.memory_space<hbm>>) target(%arg10 : memref<128xi32, #tpu.memory_space<vmem>>) target_semaphore(%arg21 : memref<!tpu.dma_semaphore, #tpu.memory_space<semaphore_mem>>)
        %mul3A_141 = arith.constant 128 : i32
        %mul3A_142 = arith.muli %add3A_132, %mul3A_141 : i32
        %add3A_143 = arith.addi %mul3A_2, %mul3A_142 : i32
        %dma_start3A_144 = arith.constant 0 : i32
        %dma_start3A_145 = tpu.memref_slice %arg3[%add3A_143, %dma_start3A_144] : memref<163840x16xf32, #tpu.memory_space<hbm>> -> memref<128x16xf32, #tpu.memory_space<hbm>>
        %dma_start3A_146 = arith.constant 0 : i32
        %dma_start3A_147 = tpu.memref_slice %arg3[%add3A_143, %dma_start3A_146] : memref<163840x16xf32, #tpu.memory_space<hbm>> -> memref<128x16xf32, #tpu.memory_space<hbm>>
        tpu.enqueue_dma source(%dma_start3A_147 : memref<128x16xf32, #tpu.memory_space<hbm>>) target(%arg12 : memref<128x16xf32, #tpu.memory_space<vmem>>) target_semaphore(%arg23 : memref<!tpu.dma_semaphore, #tpu.memory_space<semaphore_mem>>)
      } else {
      }
      %dma_wait3A_69 = arith.constant 0 : i32
      %dma_wait3A_70 = tpu.memref_slice %arg3[%mul3A_2, %dma_wait3A_69] : memref<163840x16xf32, #tpu.memory_space<hbm>> -> memref<128x16xf32, #tpu.memory_space<hbm>>
      %dma_wait3A_71 = arith.constant 0 : i32
      %dma_wait3A_72 = tpu.memref_slice %arg3[%mul3A_2, %dma_wait3A_71] : memref<163840x16xf32, #tpu.memory_space<hbm>> -> memref<128x16xf32, #tpu.memory_space<hbm>>
      tpu.wait_dma2 semaphore(%arg22 : memref<!tpu.dma_semaphore, #tpu.memory_space<semaphore_mem>>) src(%dma_wait3A_72 : memref<128x16xf32, #tpu.memory_space<hbm>>) dst(%arg11 : memref<128x16xf32, #tpu.memory_space<vmem>>)
      %parallel_loop3A = arith.constant 0 : i32
      %parallel_loop3A_73 = arith.constant 128 : i32
      %parallel_loop3A_74 = arith.constant 1 : i32
      scf.for %parallel_loop3A_119 = %parallel_loop3A to %parallel_loop3A_73 step %parallel_loop3A_74  : i32 {
        %parallel_loop3A_120 = arith.index_cast %parallel_loop3A_119 : i32 to index
        %parallel_loop3A_121 = arith.constant 0 : index
        %parallel_loop3A_122 = tpu.vector_load %arg11[%parallel_loop3A_120, %parallel_loop3A_121] {strides = array<i32>} : memref<128x16xf32, #tpu.memory_space<vmem>>, vector<1x16xf32>,
        %parallel_loop3A_123 = vector.shape_cast %parallel_loop3A_122 : vector<1x16xf32> to vector<16xf32>
        %parallel_loop3A_124 = vector.extract_strided_slice %parallel_loop3A_123 {offsets = [0], sizes = [1], strides = [1]} : vector<16xf32> to vector<1xf32>
        %parallel_loop3A_125 = vector.extract %parallel_loop3A_124[0] : f32 from vector<1xf32>
        %parallel_loop3A_126 = vector.broadcast %parallel_loop3A_125 : f32 to vector<16xf32>
        %parallel_loop3A_127 = arith.index_cast %parallel_loop3A_119 : i32 to index
        %parallel_loop3A_128 = arith.constant 0 : index
        %parallel_loop3A_129 = tpu.vector_load %arg13[%parallel_loop3A_127, %parallel_loop3A_128] {strides = array<i32>} : memref<128x272xf32, #tpu.memory_space<vmem>>, vector<1x16xf32>,
        %parallel_loop3A_130 = vector.shape_cast %parallel_loop3A_129 : vector<1x16xf32> to vector<16xf32>
        %parallel_loop3A_131 = arith.mulf %parallel_loop3A_126, %parallel_loop3A_130 : vector<16xf32>
        %parallel_loop3A_132 = vector.extract_strided_slice %parallel_loop3A_123 {offsets = [1], sizes = [1], strides = [1]} : vector<16xf32> to vector<1xf32>
        %parallel_loop3A_133 = vector.extract %parallel_loop3A_132[0] : f32 from vector<1xf32>
        %parallel_loop3A_134 = vector.broadcast %parallel_loop3A_133 : f32 to vector<16xf32>
        %parallel_loop3A_135 = arith.index_cast %parallel_loop3A_119 : i32 to index
        %parallel_loop3A_136 = arith.constant 16 : index
        %parallel_loop3A_137 = tpu.vector_load %arg13[%parallel_loop3A_135, %parallel_loop3A_136] {strides = array<i32>} : memref<128x272xf32, #tpu.memory_space<vmem>>, vector<1x16xf32>,
        %parallel_loop3A_138 = vector.shape_cast %parallel_loop3A_137 : vector<1x16xf32> to vector<16xf32>
        %parallel_loop3A_139 = arith.mulf %parallel_loop3A_134, %parallel_loop3A_138 : vector<16xf32>
        %parallel_loop3A_140 = arith.addf %parallel_loop3A_131, %parallel_loop3A_139 : vector<16xf32>
        %parallel_loop3A_141 = vector.extract_strided_slice %parallel_loop3A_123 {offsets = [2], sizes = [1], strides = [1]} : vector<16xf32> to vector<1xf32>
        %parallel_loop3A_142 = vector.extract %parallel_loop3A_141[0] : f32 from vector<1xf32>
        %parallel_loop3A_143 = vector.broadcast %parallel_loop3A_142 : f32 to vector<16xf32>
        %parallel_loop3A_144 = arith.index_cast %parallel_loop3A_119 : i32 to index
        %parallel_loop3A_145 = arith.constant 32 : index
        %parallel_loop3A_146 = tpu.vector_load %arg13[%parallel_loop3A_144, %parallel_loop3A_145] {strides = array<i32>} : memref<128x272xf32, #tpu.memory_space<vmem>>, vector<1x16xf32>,
        %parallel_loop3A_147 = vector.shape_cast %parallel_loop3A_146 : vector<1x16xf32> to vector<16xf32>
        %parallel_loop3A_148 = arith.mulf %parallel_loop3A_143, %parallel_loop3A_147 : vector<16xf32>
        %parallel_loop3A_149 = arith.addf %parallel_loop3A_140, %parallel_loop3A_148 : vector<16xf32>
        %parallel_loop3A_150 = vector.extract_strided_slice %parallel_loop3A_123 {offsets = [3], sizes = [1], strides = [1]} : vector<16xf32> to vector<1xf32>
        %parallel_loop3A_151 = vector.extract %parallel_loop3A_150[0] : f32 from vector<1xf32>
        %parallel_loop3A_152 = vector.broadcast %parallel_loop3A_151 : f32 to vector<16xf32>
        %parallel_loop3A_153 = arith.index_cast %parallel_loop3A_119 : i32 to index
        %parallel_loop3A_154 = arith.constant 48 : index
        %parallel_loop3A_155 = tpu.vector_load %arg13[%parallel_loop3A_153, %parallel_loop3A_154] {strides = array<i32>} : memref<128x272xf32, #tpu.memory_space<vmem>>, vector<1x16xf32>,
        %parallel_loop3A_156 = vector.shape_cast %parallel_loop3A_155 : vector<1x16xf32> to vector<16xf32>
        %parallel_loop3A_157 = arith.mulf %parallel_loop3A_152, %parallel_loop3A_156 : vector<16xf32>
        %parallel_loop3A_158 = arith.addf %parallel_loop3A_149, %parallel_loop3A_157 : vector<16xf32>
        %parallel_loop3A_159 = vector.extract_strided_slice %parallel_loop3A_123 {offsets = [4], sizes = [1], strides = [1]} : vector<16xf32> to vector<1xf32>
        %parallel_loop3A_160 = vector.extract %parallel_loop3A_159[0] : f32 from vector<1xf32>
        %parallel_loop3A_161 = vector.broadcast %parallel_loop3A_160 : f32 to vector<16xf32>
        %parallel_loop3A_162 = arith.index_cast %parallel_loop3A_119 : i32 to index
        %parallel_loop3A_163 = arith.constant 64 : index
        %parallel_loop3A_164 = tpu.vector_load %arg13[%parallel_loop3A_162, %parallel_loop3A_163] {strides = array<i32>} : memref<128x272xf32, #tpu.memory_space<vmem>>, vector<1x16xf32>,
        %parallel_loop3A_165 = vector.shape_cast %parallel_loop3A_164 : vector<1x16xf32> to vector<16xf32>
        %parallel_loop3A_166 = arith.mulf %parallel_loop3A_161, %parallel_loop3A_165 : vector<16xf32>
        %parallel_loop3A_167 = arith.addf %parallel_loop3A_158, %parallel_loop3A_166 : vector<16xf32>
        %parallel_loop3A_168 = vector.extract_strided_slice %parallel_loop3A_123 {offsets = [5], sizes = [1], strides = [1]} : vector<16xf32> to vector<1xf32>
        %parallel_loop3A_169 = vector.extract %parallel_loop3A_168[0] : f32 from vector<1xf32>
        %parallel_loop3A_170 = vector.broadcast %parallel_loop3A_169 : f32 to vector<16xf32>
        %parallel_loop3A_171 = arith.index_cast %parallel_loop3A_119 : i32 to index
        %parallel_loop3A_172 = arith.constant 80 : index
        %parallel_loop3A_173 = tpu.vector_load %arg13[%parallel_loop3A_171, %parallel_loop3A_172] {strides = array<i32>} : memref<128x272xf32, #tpu.memory_space<vmem>>, vector<1x16xf32>,
        %parallel_loop3A_174 = vector.shape_cast %parallel_loop3A_173 : vector<1x16xf32> to vector<16xf32>
        %parallel_loop3A_175 = arith.mulf %parallel_loop3A_170, %parallel_loop3A_174 : vector<16xf32>
        %parallel_loop3A_176 = arith.addf %parallel_loop3A_167, %parallel_loop3A_175 : vector<16xf32>
        %parallel_loop3A_177 = vector.extract_strided_slice %parallel_loop3A_123 {offsets = [6], sizes = [1], strides = [1]} : vector<16xf32> to vector<1xf32>
        %parallel_loop3A_178 = vector.extract %parallel_loop3A_177[0] : f32 from vector<1xf32>
        %parallel_loop3A_179 = vector.broadcast %parallel_loop3A_178 : f32 to vector<16xf32>
        %parallel_loop3A_180 = arith.index_cast %parallel_loop3A_119 : i32 to index
        %parallel_loop3A_181 = arith.constant 96 : index
        %parallel_loop3A_182 = tpu.vector_load %arg13[%parallel_loop3A_180, %parallel_loop3A_181] {strides = array<i32>} : memref<128x272xf32, #tpu.memory_space<vmem>>, vector<1x16xf32>,
        %parallel_loop3A_183 = vector.shape_cast %parallel_loop3A_182 : vector<1x16xf32> to vector<16xf32>
        %parallel_loop3A_184 = arith.mulf %parallel_loop3A_179, %parallel_loop3A_183 : vector<16xf32>
        %parallel_loop3A_185 = arith.addf %parallel_loop3A_176, %parallel_loop3A_184 : vector<16xf32>
        %parallel_loop3A_186 = vector.extract_strided_slice %parallel_loop3A_123 {offsets = [7], sizes = [1], strides = [1]} : vector<16xf32> to vector<1xf32>
        %parallel_loop3A_187 = vector.extract %parallel_loop3A_186[0] : f32 from vector<1xf32>
        %parallel_loop3A_188 = vector.broadcast %parallel_loop3A_187 : f32 to vector<16xf32>
        %parallel_loop3A_189 = arith.index_cast %parallel_loop3A_119 : i32 to index
        %parallel_loop3A_190 = arith.constant 112 : index
        %parallel_loop3A_191 = tpu.vector_load %arg13[%parallel_loop3A_189, %parallel_loop3A_190] {strides = array<i32>} : memref<128x272xf32, #tpu.memory_space<vmem>>, vector<1x16xf32>,
        %parallel_loop3A_192 = vector.shape_cast %parallel_loop3A_191 : vector<1x16xf32> to vector<16xf32>
        %parallel_loop3A_193 = arith.mulf %parallel_loop3A_188, %parallel_loop3A_192 : vector<16xf32>
        %parallel_loop3A_194 = arith.addf %parallel_loop3A_185, %parallel_loop3A_193 : vector<16xf32>
        %parallel_loop3A_195 = vector.extract_strided_slice %parallel_loop3A_123 {offsets = [8], sizes = [1], strides = [1]} : vector<16xf32> to vector<1xf32>
        %parallel_loop3A_196 = vector.extract %parallel_loop3A_195[0] : f32 from vector<1xf32>
        %parallel_loop3A_197 = vector.broadcast %parallel_loop3A_196 : f32 to vector<16xf32>
        %parallel_loop3A_198 = arith.index_cast %parallel_loop3A_119 : i32 to index
        %parallel_loop3A_199 = arith.constant 128 : index
        %parallel_loop3A_200 = tpu.vector_load %arg13[%parallel_loop3A_198, %parallel_loop3A_199] {strides = array<i32>} : memref<128x272xf32, #tpu.memory_space<vmem>>, vector<1x16xf32>,
        %parallel_loop3A_201 = vector.shape_cast %parallel_loop3A_200 : vector<1x16xf32> to vector<16xf32>
        %parallel_loop3A_202 = arith.mulf %parallel_loop3A_197, %parallel_loop3A_201 : vector<16xf32>
        %parallel_loop3A_203 = arith.addf %parallel_loop3A_194, %parallel_loop3A_202 : vector<16xf32>
        %parallel_loop3A_204 = vector.extract_strided_slice %parallel_loop3A_123 {offsets = [9], sizes = [1], strides = [1]} : vector<16xf32> to vector<1xf32>
        %parallel_loop3A_205 = vector.extract %parallel_loop3A_204[0] : f32 from vector<1xf32>
        %parallel_loop3A_206 = vector.broadcast %parallel_loop3A_205 : f32 to vector<16xf32>
        %parallel_loop3A_207 = arith.index_cast %parallel_loop3A_119 : i32 to index
        %parallel_loop3A_208 = arith.constant 144 : index
        %parallel_loop3A_209 = tpu.vector_load %arg13[%parallel_loop3A_207, %parallel_loop3A_208] {strides = array<i32>} : memref<128x272xf32, #tpu.memory_space<vmem>>, vector<1x16xf32>,
        %parallel_loop3A_210 = vector.shape_cast %parallel_loop3A_209 : vector<1x16xf32> to vector<16xf32>
        %parallel_loop3A_211 = arith.mulf %parallel_loop3A_206, %parallel_loop3A_210 : vector<16xf32>
        %parallel_loop3A_212 = arith.addf %parallel_loop3A_203, %parallel_loop3A_211 : vector<16xf32>
        %parallel_loop3A_213 = vector.extract_strided_slice %parallel_loop3A_123 {offsets = [10], sizes = [1], strides = [1]} : vector<16xf32> to vector<1xf32>
        %parallel_loop3A_214 = vector.extract %parallel_loop3A_213[0] : f32 from vector<1xf32>
        %parallel_loop3A_215 = vector.broadcast %parallel_loop3A_214 : f32 to vector<16xf32>
        %parallel_loop3A_216 = arith.index_cast %parallel_loop3A_119 : i32 to index
        %parallel_loop3A_217 = arith.constant 160 : index
        %parallel_loop3A_218 = tpu.vector_load %arg13[%parallel_loop3A_216, %parallel_loop3A_217] {strides = array<i32>} : memref<128x272xf32, #tpu.memory_space<vmem>>, vector<1x16xf32>,
        %parallel_loop3A_219 = vector.shape_cast %parallel_loop3A_218 : vector<1x16xf32> to vector<16xf32>
        %parallel_loop3A_220 = arith.mulf %parallel_loop3A_215, %parallel_loop3A_219 : vector<16xf32>
        %parallel_loop3A_221 = arith.addf %parallel_loop3A_212, %parallel_loop3A_220 : vector<16xf32>
        %parallel_loop3A_222 = vector.extract_strided_slice %parallel_loop3A_123 {offsets = [11], sizes = [1], strides = [1]} : vector<16xf32> to vector<1xf32>
        %parallel_loop3A_223 = vector.extract %parallel_loop3A_222[0] : f32 from vector<1xf32>
        %parallel_loop3A_224 = vector.broadcast %parallel_loop3A_223 : f32 to vector<16xf32>
        %parallel_loop3A_225 = arith.index_cast %parallel_loop3A_119 : i32 to index
        %parallel_loop3A_226 = arith.constant 176 : index
        %parallel_loop3A_227 = tpu.vector_load %arg13[%parallel_loop3A_225, %parallel_loop3A_226] {strides = array<i32>} : memref<128x272xf32, #tpu.memory_space<vmem>>, vector<1x16xf32>,
        %parallel_loop3A_228 = vector.shape_cast %parallel_loop3A_227 : vector<1x16xf32> to vector<16xf32>
        %parallel_loop3A_229 = arith.mulf %parallel_loop3A_224, %parallel_loop3A_228 : vector<16xf32>
        %parallel_loop3A_230 = arith.addf %parallel_loop3A_221, %parallel_loop3A_229 : vector<16xf32>
        %parallel_loop3A_231 = vector.extract_strided_slice %parallel_loop3A_123 {offsets = [12], sizes = [1], strides = [1]} : vector<16xf32> to vector<1xf32>
        %parallel_loop3A_232 = vector.extract %parallel_loop3A_231[0] : f32 from vector<1xf32>
        %parallel_loop3A_233 = vector.broadcast %parallel_loop3A_232 : f32 to vector<16xf32>
        %parallel_loop3A_234 = arith.index_cast %parallel_loop3A_119 : i32 to index
        %parallel_loop3A_235 = arith.constant 192 : index
        %parallel_loop3A_236 = tpu.vector_load %arg13[%parallel_loop3A_234, %parallel_loop3A_235] {strides = array<i32>} : memref<128x272xf32, #tpu.memory_space<vmem>>, vector<1x16xf32>,
        %parallel_loop3A_237 = vector.shape_cast %parallel_loop3A_236 : vector<1x16xf32> to vector<16xf32>
        %parallel_loop3A_238 = arith.mulf %parallel_loop3A_233, %parallel_loop3A_237 : vector<16xf32>
        %parallel_loop3A_239 = arith.addf %parallel_loop3A_230, %parallel_loop3A_238 : vector<16xf32>
        %parallel_loop3A_240 = vector.extract_strided_slice %parallel_loop3A_123 {offsets = [13], sizes = [1], strides = [1]} : vector<16xf32> to vector<1xf32>
        %parallel_loop3A_241 = vector.extract %parallel_loop3A_240[0] : f32 from vector<1xf32>
        %parallel_loop3A_242 = vector.broadcast %parallel_loop3A_241 : f32 to vector<16xf32>
        %parallel_loop3A_243 = arith.index_cast %parallel_loop3A_119 : i32 to index
        %parallel_loop3A_244 = arith.constant 208 : index
        %parallel_loop3A_245 = tpu.vector_load %arg13[%parallel_loop3A_243, %parallel_loop3A_244] {strides = array<i32>} : memref<128x272xf32, #tpu.memory_space<vmem>>, vector<1x16xf32>,
        %parallel_loop3A_246 = vector.shape_cast %parallel_loop3A_245 : vector<1x16xf32> to vector<16xf32>
        %parallel_loop3A_247 = arith.mulf %parallel_loop3A_242, %parallel_loop3A_246 : vector<16xf32>
        %parallel_loop3A_248 = arith.addf %parallel_loop3A_239, %parallel_loop3A_247 : vector<16xf32>
        %parallel_loop3A_249 = vector.extract_strided_slice %parallel_loop3A_123 {offsets = [14], sizes = [1], strides = [1]} : vector<16xf32> to vector<1xf32>
        %parallel_loop3A_250 = vector.extract %parallel_loop3A_249[0] : f32 from vector<1xf32>
        %parallel_loop3A_251 = vector.broadcast %parallel_loop3A_250 : f32 to vector<16xf32>
        %parallel_loop3A_252 = arith.index_cast %parallel_loop3A_119 : i32 to index
        %parallel_loop3A_253 = arith.constant 224 : index
        %parallel_loop3A_254 = tpu.vector_load %arg13[%parallel_loop3A_252, %parallel_loop3A_253] {strides = array<i32>} : memref<128x272xf32, #tpu.memory_space<vmem>>, vector<1x16xf32>,
        %parallel_loop3A_255 = vector.shape_cast %parallel_loop3A_254 : vector<1x16xf32> to vector<16xf32>
        %parallel_loop3A_256 = arith.mulf %parallel_loop3A_251, %parallel_loop3A_255 : vector<16xf32>
        %parallel_loop3A_257 = arith.addf %parallel_loop3A_248, %parallel_loop3A_256 : vector<16xf32>
        %parallel_loop3A_258 = vector.extract_strided_slice %parallel_loop3A_123 {offsets = [15], sizes = [1], strides = [1]} : vector<16xf32> to vector<1xf32>
        %parallel_loop3A_259 = vector.extract %parallel_loop3A_258[0] : f32 from vector<1xf32>
        %parallel_loop3A_260 = vector.broadcast %parallel_loop3A_259 : f32 to vector<16xf32>
        %parallel_loop3A_261 = arith.index_cast %parallel_loop3A_119 : i32 to index
        %parallel_loop3A_262 = arith.constant 240 : index
        %parallel_loop3A_263 = tpu.vector_load %arg13[%parallel_loop3A_261, %parallel_loop3A_262] {strides = array<i32>} : memref<128x272xf32, #tpu.memory_space<vmem>>, vector<1x16xf32>,
        %parallel_loop3A_264 = vector.shape_cast %parallel_loop3A_263 : vector<1x16xf32> to vector<16xf32>
        %parallel_loop3A_265 = arith.mulf %parallel_loop3A_260, %parallel_loop3A_264 : vector<16xf32>
        %parallel_loop3A_266 = arith.addf %parallel_loop3A_257, %parallel_loop3A_265 : vector<16xf32>
        %parallel_loop3A_267 = arith.index_cast %parallel_loop3A_119 : i32 to index
        %parallel_loop3A_268 = arith.constant 256 : index
        %parallel_loop3A_269 = tpu.vector_load %arg13[%parallel_loop3A_267, %parallel_loop3A_268] {strides = array<i32>} : memref<128x272xf32, #tpu.memory_space<vmem>>, vector<1x16xf32>,
        %parallel_loop3A_270 = vector.shape_cast %parallel_loop3A_269 : vector<1x16xf32> to vector<16xf32>
        %parallel_loop3A_271 = arith.addf %parallel_loop3A_266, %parallel_loop3A_270 : vector<16xf32>
        %parallel_loop3A_272 = arith.index_cast %parallel_loop3A_119 : i32 to index
        %parallel_loop3A_273 = arith.constant 0 : index
        %parallel_loop3A_274 = tpu.vector_load %arg15[%parallel_loop3A_272, %parallel_loop3A_273] {strides = array<i32>} : memref<128x16xf32, #tpu.memory_space<vmem>>, vector<1x16xf32>,
        %parallel_loop3A_275 = vector.shape_cast %parallel_loop3A_274 : vector<1x16xf32> to vector<16xf32>
        %parallel_loop3A_276 = vector.shape_cast %parallel_loop3A_271 : vector<16xf32> to vector<1x16xf32>
        tpu.vector_store %arg15[%parallel_loop3A_272, %parallel_loop3A_273], %parallel_loop3A_276 {strides = array<i32>} : memref<128x16xf32, #tpu.memory_space<vmem>>, vector<1x16xf32>,
      } {sc.loop_unroll_factor = 4 : i64, sc.parallel_access}
      %dma_wait3A_75 = arith.constant 1 : i32
      %dma_wait3A_76 = tpu.memref_slice %arg4[%dma_wait3A_75, %mul3A_2] : memref<2x163840xi32, #tpu.memory_space<hbm>> -> memref<1x128xi32, #tpu.memory_space<hbm>>
      %dma_wait3A_77 = tpu.memref_squeeze %dma_wait3A_76 : memref<1x128xi32, #tpu.memory_space<hbm>> -> memref<128xi32, #tpu.memory_space<hbm>>
      %dma_wait3A_78 = tpu.memref_slice %arg4[%dma_wait3A_75, %mul3A_2] : memref<2x163840xi32, #tpu.memory_space<hbm>> -> memref<1x128xi32, #tpu.memory_space<hbm>>
      %dma_wait3A_79 = tpu.memref_squeeze %dma_wait3A_78 : memref<1x128xi32, #tpu.memory_space<hbm>> -> memref<128xi32, #tpu.memory_space<hbm>>
      tpu.wait_dma2 semaphore(%arg20 : memref<!tpu.dma_semaphore, #tpu.memory_space<semaphore_mem>>) src(%dma_wait3A_79 : memref<128xi32, #tpu.memory_space<hbm>>) dst(%arg9 : memref<128xi32, #tpu.memory_space<vmem>>)
      %dma_start3A_80 = arith.constant 0 : i32
      %dma_start3A_81 = arith.constant 0 : i32
      %dma_start3A_82 = tpu.memref_slice %arg17[%dma_start3A_80, %dma_start3A_81] : memref<10112x16xf32, #tpu.memory_space<vmem_shared>> -> memref<10112x16xf32, #tpu.memory_space<vmem_shared>>
      tpu.enqueue_indirect_dma source(%arg15 : memref<128x16xf32, #tpu.memory_space<vmem>>) target(%dma_start3A_82 : memref<10112x16xf32, #tpu.memory_space<vmem_shared>>) offsets(%arg9 : memref<128xi32, #tpu.memory_space<vmem>>) semaphore(%arg26 : memref<!tpu.dma_semaphore, #tpu.memory_space<semaphore_mem>>) {add = true}
      %mul3A_83 = arith.constant 2 : i32
      %mul3A_84 = arith.muli %mul3A_83, %scan3A_50 : i32
      %add3A_85 = arith.constant 1 : i32
      %add3A_86 = arith.addi %mul3A_84, %add3A_85 : i32
      %dma_wait3A_87 = arith.constant 0 : i32
      %dma_wait3A_88 = arith.constant 0 : i32
      %dma_wait3A_89 = tpu.memref_slice %arg2[%dma_wait3A_87, %dma_wait3A_88] : memref<10000x272xf32, #tpu.memory_space<hbm>> -> memref<10000x272xf32, #tpu.memory_space<hbm>>
      tpu.wait_indirect_dma semaphore(%arg25 : memref<!tpu.dma_semaphore, #tpu.memory_space<semaphore_mem>>) src(%dma_wait3A_89 : memref<10000x272xf32, #tpu.memory_space<hbm>>) dst(%arg14 : memref<128x272xf32, #tpu.memory_space<vmem>>)
      %add3A_90 = arith.constant 2 : i32
      %add3A_91 = arith.addi %add3A_86, %add3A_90 : i32
      %lt3A_92 = arith.constant 40 : i32
      %lt3A_93 = arith.cmpi slt, %add3A_91, %lt3A_92 : i32
      %convert_element_type3A_94 = arith.extui %lt3A_93 : i1 to i32
      %cond3A_95 = arith.constant 0 : i32
      %cond3A_96 = arith.cmpi ne, %convert_element_type3A_94, %cond3A_95 : i32
      scf.if %cond3A_96 {
        %add3A_119 = arith.constant 2 : i32
        %add3A_120 = arith.addi %add3A_86, %add3A_119 : i32
        %mul3A_121 = arith.constant 128 : i32
        %mul3A_122 = arith.muli %add3A_120, %mul3A_121 : i32
        %add3A_123 = arith.addi %mul3A_2, %mul3A_122 : i32
        %dma_start3A_124 = arith.constant 0 : i32
        %dma_start3A_125 = tpu.memref_slice %arg4[%dma_start3A_124, %add3A_123] : memref<2x163840xi32, #tpu.memory_space<hbm>> -> memref<1x128xi32, #tpu.memory_space<hbm>>
        %dma_start3A_126 = tpu.memref_squeeze %dma_start3A_125 : memref<1x128xi32, #tpu.memory_space<hbm>> -> memref<128xi32, #tpu.memory_space<hbm>>
        %dma_start3A_127 = tpu.memref_slice %arg4[%dma_start3A_124, %add3A_123] : memref<2x163840xi32, #tpu.memory_space<hbm>> -> memref<1x128xi32, #tpu.memory_space<hbm>>
        %dma_start3A_128 = tpu.memref_squeeze %dma_start3A_127 : memref<1x128xi32, #tpu.memory_space<hbm>> -> memref<128xi32, #tpu.memory_space<hbm>>
        tpu.enqueue_dma source(%dma_start3A_128 : memref<128xi32, #tpu.memory_space<hbm>>) target(%arg8 : memref<128xi32, #tpu.memory_space<vmem>>) target_semaphore(%arg19 : memref<!tpu.dma_semaphore, #tpu.memory_space<semaphore_mem>>)
      } else {
      }
      %add3A_97 = arith.constant 1 : i32
      %add3A_98 = arith.addi %add3A_86, %add3A_97 : i32
      %lt3A_99 = arith.constant 40 : i32
      %lt3A_100 = arith.cmpi slt, %add3A_98, %lt3A_99 : i32
      %convert_element_type3A_101 = arith.extui %lt3A_100 : i1 to i32
      %cond3A_102 = arith.constant 0 : i32
      %cond3A_103 = arith.cmpi ne, %convert_element_type3A_101, %cond3A_102 : i32
      scf.if %cond3A_103 {
        %dma_wait3A_119 = arith.constant 0 : i32
        %dma_wait3A_120 = tpu.memref_slice %arg4[%dma_wait3A_119, %mul3A_2] : memref<2x163840xi32, #tpu.memory_space<hbm>> -> memref<1x128xi32, #tpu.memory_space<hbm>>
        %dma_wait3A_121 = tpu.memref_squeeze %dma_wait3A_120 : memref<1x128xi32, #tpu.memory_space<hbm>> -> memref<128xi32, #tpu.memory_space<hbm>>
        %dma_wait3A_122 = tpu.memref_slice %arg4[%dma_wait3A_119, %mul3A_2] : memref<2x163840xi32, #tpu.memory_space<hbm>> -> memref<1x128xi32, #tpu.memory_space<hbm>>
        %dma_wait3A_123 = tpu.memref_squeeze %dma_wait3A_122 : memref<1x128xi32, #tpu.memory_space<hbm>> -> memref<128xi32, #tpu.memory_space<hbm>>
        tpu.wait_dma2 semaphore(%arg18 : memref<!tpu.dma_semaphore, #tpu.memory_space<semaphore_mem>>) src(%dma_wait3A_123 : memref<128xi32, #tpu.memory_space<hbm>>) dst(%arg7 : memref<128xi32, #tpu.memory_space<vmem>>)
        %dma_start3A_124 = arith.constant 0 : i32
        %dma_start3A_125 = arith.constant 0 : i32
        %dma_start3A_126 = tpu.memref_slice %arg2[%dma_start3A_124, %dma_start3A_125] : memref<10000x272xf32, #tpu.memory_space<hbm>> -> memref<10000x272xf32, #tpu.memory_space<hbm>>
        tpu.enqueue_indirect_dma source(%dma_start3A_126 : memref<10000x272xf32, #tpu.memory_space<hbm>>) target(%arg13 : memref<128x272xf32, #tpu.memory_space<vmem>>) offsets(%arg7 : memref<128xi32, #tpu.memory_space<vmem>>) semaphore(%arg24 : memref<!tpu.dma_semaphore, #tpu.memory_space<semaphore_mem>>)
        %ge3A = arith.constant 1 : i32
        %ge3A_127 = arith.cmpi sge, %add3A_86, %ge3A : i32
        %convert_element_type3A_128 = arith.extui %ge3A_127 : i1 to i32
        %cond3A_129 = arith.constant 0 : i32
        %cond3A_130 = arith.cmpi ne, %convert_element_type3A_128, %cond3A_129 : i32
        scf.if %cond3A_130 {
          %dma_wait3A_148 = arith.constant 0 : i32
          %dma_wait3A_149 = arith.constant 0 : i32
          %dma_wait3A_150 = tpu.memref_slice %arg17[%dma_wait3A_148, %dma_wait3A_149] : memref<10112x16xf32, #tpu.memory_space<vmem_shared>> -> memref<10112x16xf32, #tpu.memory_space<vmem_shared>>
          tpu.wait_indirect_dma semaphore(%arg26 : memref<!tpu.dma_semaphore, #tpu.memory_space<semaphore_mem>>) src(%arg15 : memref<128x16xf32, #tpu.memory_space<vmem>>) dst(%dma_wait3A_150 : memref<10112x16xf32, #tpu.memory_space<vmem_shared>>)
        } else {
        }
        %add3A_131 = arith.constant 1 : i32
        %add3A_132 = arith.addi %add3A_86, %add3A_131 : i32
        %mul3A_133 = arith.constant 128 : i32
        %mul3A_134 = arith.muli %add3A_132, %mul3A_133 : i32
        %add3A_135 = arith.addi %mul3A_2, %mul3A_134 : i32
        %dma_start3A_136 = arith.constant 1 : i32
        %dma_start3A_137 = tpu.memref_slice %arg4[%dma_start3A_136, %add3A_135] : memref<2x163840xi32, #tpu.memory_space<hbm>> -> memref<1x128xi32, #tpu.memory_space<hbm>>
        %dma_start3A_138 = tpu.memref_squeeze %dma_start3A_137 : memref<1x128xi32, #tpu.memory_space<hbm>> -> memref<128xi32, #tpu.memory_space<hbm>>
        %dma_start3A_139 = tpu.memref_slice %arg4[%dma_start3A_136, %add3A_135] : memref<2x163840xi32, #tpu.memory_space<hbm>> -> memref<1x128xi32, #tpu.memory_space<hbm>>
        %dma_start3A_140 = tpu.memref_squeeze %dma_start3A_139 : memref<1x128xi32, #tpu.memory_space<hbm>> -> memref<128xi32, #tpu.memory_space<hbm>>
        tpu.enqueue_dma source(%dma_start3A_140 : memref<128xi32, #tpu.memory_space<hbm>>) target(%arg9 : memref<128xi32, #tpu.memory_space<vmem>>) target_semaphore(%arg20 : memref<!tpu.dma_semaphore, #tpu.memory_space<semaphore_mem>>)
        %mul3A_141 = arith.constant 128 : i32
        %mul3A_142 = arith.muli %add3A_132, %mul3A_141 : i32
        %add3A_143 = arith.addi %mul3A_2, %mul3A_142 : i32
        %dma_start3A_144 = arith.constant 0 : i32
        %dma_start3A_145 = tpu.memref_slice %arg3[%add3A_143, %dma_start3A_144] : memref<163840x16xf32, #tpu.memory_space<hbm>> -> memref<128x16xf32, #tpu.memory_space<hbm>>
        %dma_start3A_146 = arith.constant 0 : i32
        %dma_start3A_147 = tpu.memref_slice %arg3[%add3A_143, %dma_start3A_146] : memref<163840x16xf32, #tpu.memory_space<hbm>> -> memref<128x16xf32, #tpu.memory_space<hbm>>
        tpu.enqueue_dma source(%dma_start3A_147 : memref<128x16xf32, #tpu.memory_space<hbm>>) target(%arg11 : memref<128x16xf32, #tpu.memory_space<vmem>>) target_semaphore(%arg22 : memref<!tpu.dma_semaphore, #tpu.memory_space<semaphore_mem>>)
      } else {
      }
      %dma_wait3A_104 = arith.constant 0 : i32
      %dma_wait3A_105 = tpu.memref_slice %arg3[%mul3A_2, %dma_wait3A_104] : memref<163840x16xf32, #tpu.memory_space<hbm>> -> memref<128x16xf32, #tpu.memory_space<hbm>>
      %dma_wait3A_106 = arith.constant 0 : i32
      %dma_wait3A_107 = tpu.memref_slice %arg3[%mul3A_2, %dma_wait3A_106] : memref<163840x16xf32, #tpu.memory_space<hbm>> -> memref<128x16xf32, #tpu.memory_space<hbm>>
      tpu.wait_dma2 semaphore(%arg23 : memref<!tpu.dma_semaphore, #tpu.memory_space<semaphore_mem>>) src(%dma_wait3A_107 : memref<128x16xf32, #tpu.memory_space<hbm>>) dst(%arg12 : memref<128x16xf32, #tpu.memory_space<vmem>>)
      %parallel_loop3A_108 = arith.constant 0 : i32
      %parallel_loop3A_109 = arith.constant 128 : i32
      %parallel_loop3A_110 = arith.constant 1 : i32
      scf.for %parallel_loop3A_119 = %parallel_loop3A_108 to %parallel_loop3A_109 step %parallel_loop3A_110  : i32 {
        %parallel_loop3A_120 = arith.index_cast %parallel_loop3A_119 : i32 to index
        %parallel_loop3A_121 = arith.constant 0 : index
        %parallel_loop3A_122 = tpu.vector_load %arg12[%parallel_loop3A_120, %parallel_loop3A_121] {strides = array<i32>} : memref<128x16xf32, #tpu.memory_space<vmem>>, vector<1x16xf32>,
        %parallel_loop3A_123 = vector.shape_cast %parallel_loop3A_122 : vector<1x16xf32> to vector<16xf32>
        %parallel_loop3A_124 = vector.extract_strided_slice %parallel_loop3A_123 {offsets = [0], sizes = [1], strides = [1]} : vector<16xf32> to vector<1xf32>
        %parallel_loop3A_125 = vector.extract %parallel_loop3A_124[0] : f32 from vector<1xf32>
        %parallel_loop3A_126 = vector.broadcast %parallel_loop3A_125 : f32 to vector<16xf32>
        %parallel_loop3A_127 = arith.index_cast %parallel_loop3A_119 : i32 to index
        %parallel_loop3A_128 = arith.constant 0 : index
        %parallel_loop3A_129 = tpu.vector_load %arg14[%parallel_loop3A_127, %parallel_loop3A_128] {strides = array<i32>} : memref<128x272xf32, #tpu.memory_space<vmem>>, vector<1x16xf32>,
        %parallel_loop3A_130 = vector.shape_cast %parallel_loop3A_129 : vector<1x16xf32> to vector<16xf32>
        %parallel_loop3A_131 = arith.mulf %parallel_loop3A_126, %parallel_loop3A_130 : vector<16xf32>
        %parallel_loop3A_132 = vector.extract_strided_slice %parallel_loop3A_123 {offsets = [1], sizes = [1], strides = [1]} : vector<16xf32> to vector<1xf32>
        %parallel_loop3A_133 = vector.extract %parallel_loop3A_132[0] : f32 from vector<1xf32>
        %parallel_loop3A_134 = vector.broadcast %parallel_loop3A_133 : f32 to vector<16xf32>
        %parallel_loop3A_135 = arith.index_cast %parallel_loop3A_119 : i32 to index
        %parallel_loop3A_136 = arith.constant 16 : index
        %parallel_loop3A_137 = tpu.vector_load %arg14[%parallel_loop3A_135, %parallel_loop3A_136] {strides = array<i32>} : memref<128x272xf32, #tpu.memory_space<vmem>>, vector<1x16xf32>,
        %parallel_loop3A_138 = vector.shape_cast %parallel_loop3A_137 : vector<1x16xf32> to vector<16xf32>
        %parallel_loop3A_139 = arith.mulf %parallel_loop3A_134, %parallel_loop3A_138 : vector<16xf32>
        %parallel_loop3A_140 = arith.addf %parallel_loop3A_131, %parallel_loop3A_139 : vector<16xf32>
        %parallel_loop3A_141 = vector.extract_strided_slice %parallel_loop3A_123 {offsets = [2], sizes = [1], strides = [1]} : vector<16xf32> to vector<1xf32>
        %parallel_loop3A_142 = vector.extract %parallel_loop3A_141[0] : f32 from vector<1xf32>
        %parallel_loop3A_143 = vector.broadcast %parallel_loop3A_142 : f32 to vector<16xf32>
        %parallel_loop3A_144 = arith.index_cast %parallel_loop3A_119 : i32 to index
        %parallel_loop3A_145 = arith.constant 32 : index
        %parallel_loop3A_146 = tpu.vector_load %arg14[%parallel_loop3A_144, %parallel_loop3A_145] {strides = array<i32>} : memref<128x272xf32, #tpu.memory_space<vmem>>, vector<1x16xf32>,
        %parallel_loop3A_147 = vector.shape_cast %parallel_loop3A_146 : vector<1x16xf32> to vector<16xf32>
        %parallel_loop3A_148 = arith.mulf %parallel_loop3A_143, %parallel_loop3A_147 : vector<16xf32>
        %parallel_loop3A_149 = arith.addf %parallel_loop3A_140, %parallel_loop3A_148 : vector<16xf32>
        %parallel_loop3A_150 = vector.extract_strided_slice %parallel_loop3A_123 {offsets = [3], sizes = [1], strides = [1]} : vector<16xf32> to vector<1xf32>
        %parallel_loop3A_151 = vector.extract %parallel_loop3A_150[0] : f32 from vector<1xf32>
        %parallel_loop3A_152 = vector.broadcast %parallel_loop3A_151 : f32 to vector<16xf32>
        %parallel_loop3A_153 = arith.index_cast %parallel_loop3A_119 : i32 to index
        %parallel_loop3A_154 = arith.constant 48 : index
        %parallel_loop3A_155 = tpu.vector_load %arg14[%parallel_loop3A_153, %parallel_loop3A_154] {strides = array<i32>} : memref<128x272xf32, #tpu.memory_space<vmem>>, vector<1x16xf32>,
        %parallel_loop3A_156 = vector.shape_cast %parallel_loop3A_155 : vector<1x16xf32> to vector<16xf32>
        %parallel_loop3A_157 = arith.mulf %parallel_loop3A_152, %parallel_loop3A_156 : vector<16xf32>
        %parallel_loop3A_158 = arith.addf %parallel_loop3A_149, %parallel_loop3A_157 : vector<16xf32>
        %parallel_loop3A_159 = vector.extract_strided_slice %parallel_loop3A_123 {offsets = [4], sizes = [1], strides = [1]} : vector<16xf32> to vector<1xf32>
        %parallel_loop3A_160 = vector.extract %parallel_loop3A_159[0] : f32 from vector<1xf32>
        %parallel_loop3A_161 = vector.broadcast %parallel_loop3A_160 : f32 to vector<16xf32>
        %parallel_loop3A_162 = arith.index_cast %parallel_loop3A_119 : i32 to index
        %parallel_loop3A_163 = arith.constant 64 : index
        %parallel_loop3A_164 = tpu.vector_load %arg14[%parallel_loop3A_162, %parallel_loop3A_163] {strides = array<i32>} : memref<128x272xf32, #tpu.memory_space<vmem>>, vector<1x16xf32>,
        %parallel_loop3A_165 = vector.shape_cast %parallel_loop3A_164 : vector<1x16xf32> to vector<16xf32>
        %parallel_loop3A_166 = arith.mulf %parallel_loop3A_161, %parallel_loop3A_165 : vector<16xf32>
        %parallel_loop3A_167 = arith.addf %parallel_loop3A_158, %parallel_loop3A_166 : vector<16xf32>
        %parallel_loop3A_168 = vector.extract_strided_slice %parallel_loop3A_123 {offsets = [5], sizes = [1], strides = [1]} : vector<16xf32> to vector<1xf32>
        %parallel_loop3A_169 = vector.extract %parallel_loop3A_168[0] : f32 from vector<1xf32>
        %parallel_loop3A_170 = vector.broadcast %parallel_loop3A_169 : f32 to vector<16xf32>
        %parallel_loop3A_171 = arith.index_cast %parallel_loop3A_119 : i32 to index
        %parallel_loop3A_172 = arith.constant 80 : index
        %parallel_loop3A_173 = tpu.vector_load %arg14[%parallel_loop3A_171, %parallel_loop3A_172] {strides = array<i32>} : memref<128x272xf32, #tpu.memory_space<vmem>>, vector<1x16xf32>,
        %parallel_loop3A_174 = vector.shape_cast %parallel_loop3A_173 : vector<1x16xf32> to vector<16xf32>
        %parallel_loop3A_175 = arith.mulf %parallel_loop3A_170, %parallel_loop3A_174 : vector<16xf32>
        %parallel_loop3A_176 = arith.addf %parallel_loop3A_167, %parallel_loop3A_175 : vector<16xf32>
        %parallel_loop3A_177 = vector.extract_strided_slice %parallel_loop3A_123 {offsets = [6], sizes = [1], strides = [1]} : vector<16xf32> to vector<1xf32>
        %parallel_loop3A_178 = vector.extract %parallel_loop3A_177[0] : f32 from vector<1xf32>
        %parallel_loop3A_179 = vector.broadcast %parallel_loop3A_178 : f32 to vector<16xf32>
        %parallel_loop3A_180 = arith.index_cast %parallel_loop3A_119 : i32 to index
        %parallel_loop3A_181 = arith.constant 96 : index
        %parallel_loop3A_182 = tpu.vector_load %arg14[%parallel_loop3A_180, %parallel_loop3A_181] {strides = array<i32>} : memref<128x272xf32, #tpu.memory_space<vmem>>, vector<1x16xf32>,
        %parallel_loop3A_183 = vector.shape_cast %parallel_loop3A_182 : vector<1x16xf32> to vector<16xf32>
        %parallel_loop3A_184 = arith.mulf %parallel_loop3A_179, %parallel_loop3A_183 : vector<16xf32>
        %parallel_loop3A_185 = arith.addf %parallel_loop3A_176, %parallel_loop3A_184 : vector<16xf32>
        %parallel_loop3A_186 = vector.extract_strided_slice %parallel_loop3A_123 {offsets = [7], sizes = [1], strides = [1]} : vector<16xf32> to vector<1xf32>
        %parallel_loop3A_187 = vector.extract %parallel_loop3A_186[0] : f32 from vector<1xf32>
        %parallel_loop3A_188 = vector.broadcast %parallel_loop3A_187 : f32 to vector<16xf32>
        %parallel_loop3A_189 = arith.index_cast %parallel_loop3A_119 : i32 to index
        %parallel_loop3A_190 = arith.constant 112 : index
        %parallel_loop3A_191 = tpu.vector_load %arg14[%parallel_loop3A_189, %parallel_loop3A_190] {strides = array<i32>} : memref<128x272xf32, #tpu.memory_space<vmem>>, vector<1x16xf32>,
        %parallel_loop3A_192 = vector.shape_cast %parallel_loop3A_191 : vector<1x16xf32> to vector<16xf32>
        %parallel_loop3A_193 = arith.mulf %parallel_loop3A_188, %parallel_loop3A_192 : vector<16xf32>
        %parallel_loop3A_194 = arith.addf %parallel_loop3A_185, %parallel_loop3A_193 : vector<16xf32>
        %parallel_loop3A_195 = vector.extract_strided_slice %parallel_loop3A_123 {offsets = [8], sizes = [1], strides = [1]} : vector<16xf32> to vector<1xf32>
        %parallel_loop3A_196 = vector.extract %parallel_loop3A_195[0] : f32 from vector<1xf32>
        %parallel_loop3A_197 = vector.broadcast %parallel_loop3A_196 : f32 to vector<16xf32>
        %parallel_loop3A_198 = arith.index_cast %parallel_loop3A_119 : i32 to index
        %parallel_loop3A_199 = arith.constant 128 : index
        %parallel_loop3A_200 = tpu.vector_load %arg14[%parallel_loop3A_198, %parallel_loop3A_199] {strides = array<i32>} : memref<128x272xf32, #tpu.memory_space<vmem>>, vector<1x16xf32>,
        %parallel_loop3A_201 = vector.shape_cast %parallel_loop3A_200 : vector<1x16xf32> to vector<16xf32>
        %parallel_loop3A_202 = arith.mulf %parallel_loop3A_197, %parallel_loop3A_201 : vector<16xf32>
        %parallel_loop3A_203 = arith.addf %parallel_loop3A_194, %parallel_loop3A_202 : vector<16xf32>
        %parallel_loop3A_204 = vector.extract_strided_slice %parallel_loop3A_123 {offsets = [9], sizes = [1], strides = [1]} : vector<16xf32> to vector<1xf32>
        %parallel_loop3A_205 = vector.extract %parallel_loop3A_204[0] : f32 from vector<1xf32>
        %parallel_loop3A_206 = vector.broadcast %parallel_loop3A_205 : f32 to vector<16xf32>
        %parallel_loop3A_207 = arith.index_cast %parallel_loop3A_119 : i32 to index
        %parallel_loop3A_208 = arith.constant 144 : index
        %parallel_loop3A_209 = tpu.vector_load %arg14[%parallel_loop3A_207, %parallel_loop3A_208] {strides = array<i32>} : memref<128x272xf32, #tpu.memory_space<vmem>>, vector<1x16xf32>,
        %parallel_loop3A_210 = vector.shape_cast %parallel_loop3A_209 : vector<1x16xf32> to vector<16xf32>
        %parallel_loop3A_211 = arith.mulf %parallel_loop3A_206, %parallel_loop3A_210 : vector<16xf32>
        %parallel_loop3A_212 = arith.addf %parallel_loop3A_203, %parallel_loop3A_211 : vector<16xf32>
        %parallel_loop3A_213 = vector.extract_strided_slice %parallel_loop3A_123 {offsets = [10], sizes = [1], strides = [1]} : vector<16xf32> to vector<1xf32>
        %parallel_loop3A_214 = vector.extract %parallel_loop3A_213[0] : f32 from vector<1xf32>
        %parallel_loop3A_215 = vector.broadcast %parallel_loop3A_214 : f32 to vector<16xf32>
        %parallel_loop3A_216 = arith.index_cast %parallel_loop3A_119 : i32 to index
        %parallel_loop3A_217 = arith.constant 160 : index
        %parallel_loop3A_218 = tpu.vector_load %arg14[%parallel_loop3A_216, %parallel_loop3A_217] {strides = array<i32>} : memref<128x272xf32, #tpu.memory_space<vmem>>, vector<1x16xf32>,
        %parallel_loop3A_219 = vector.shape_cast %parallel_loop3A_218 : vector<1x16xf32> to vector<16xf32>
        %parallel_loop3A_220 = arith.mulf %parallel_loop3A_215, %parallel_loop3A_219 : vector<16xf32>
        %parallel_loop3A_221 = arith.addf %parallel_loop3A_212, %parallel_loop3A_220 : vector<16xf32>
        %parallel_loop3A_222 = vector.extract_strided_slice %parallel_loop3A_123 {offsets = [11], sizes = [1], strides = [1]} : vector<16xf32> to vector<1xf32>
        %parallel_loop3A_223 = vector.extract %parallel_loop3A_222[0] : f32 from vector<1xf32>
        %parallel_loop3A_224 = vector.broadcast %parallel_loop3A_223 : f32 to vector<16xf32>
        %parallel_loop3A_225 = arith.index_cast %parallel_loop3A_119 : i32 to index
        %parallel_loop3A_226 = arith.constant 176 : index
        %parallel_loop3A_227 = tpu.vector_load %arg14[%parallel_loop3A_225, %parallel_loop3A_226] {strides = array<i32>} : memref<128x272xf32, #tpu.memory_space<vmem>>, vector<1x16xf32>,
        %parallel_loop3A_228 = vector.shape_cast %parallel_loop3A_227 : vector<1x16xf32> to vector<16xf32>
        %parallel_loop3A_229 = arith.mulf %parallel_loop3A_224, %parallel_loop3A_228 : vector<16xf32>
        %parallel_loop3A_230 = arith.addf %parallel_loop3A_221, %parallel_loop3A_229 : vector<16xf32>
        %parallel_loop3A_231 = vector.extract_strided_slice %parallel_loop3A_123 {offsets = [12], sizes = [1], strides = [1]} : vector<16xf32> to vector<1xf32>
        %parallel_loop3A_232 = vector.extract %parallel_loop3A_231[0] : f32 from vector<1xf32>
        %parallel_loop3A_233 = vector.broadcast %parallel_loop3A_232 : f32 to vector<16xf32>
        %parallel_loop3A_234 = arith.index_cast %parallel_loop3A_119 : i32 to index
        %parallel_loop3A_235 = arith.constant 192 : index
        %parallel_loop3A_236 = tpu.vector_load %arg14[%parallel_loop3A_234, %parallel_loop3A_235] {strides = array<i32>} : memref<128x272xf32, #tpu.memory_space<vmem>>, vector<1x16xf32>,
        %parallel_loop3A_237 = vector.shape_cast %parallel_loop3A_236 : vector<1x16xf32> to vector<16xf32>
        %parallel_loop3A_238 = arith.mulf %parallel_loop3A_233, %parallel_loop3A_237 : vector<16xf32>
        %parallel_loop3A_239 = arith.addf %parallel_loop3A_230, %parallel_loop3A_238 : vector<16xf32>
        %parallel_loop3A_240 = vector.extract_strided_slice %parallel_loop3A_123 {offsets = [13], sizes = [1], strides = [1]} : vector<16xf32> to vector<1xf32>
        %parallel_loop3A_241 = vector.extract %parallel_loop3A_240[0] : f32 from vector<1xf32>
        %parallel_loop3A_242 = vector.broadcast %parallel_loop3A_241 : f32 to vector<16xf32>
        %parallel_loop3A_243 = arith.index_cast %parallel_loop3A_119 : i32 to index
        %parallel_loop3A_244 = arith.constant 208 : index
        %parallel_loop3A_245 = tpu.vector_load %arg14[%parallel_loop3A_243, %parallel_loop3A_244] {strides = array<i32>} : memref<128x272xf32, #tpu.memory_space<vmem>>, vector<1x16xf32>,
        %parallel_loop3A_246 = vector.shape_cast %parallel_loop3A_245 : vector<1x16xf32> to vector<16xf32>
        %parallel_loop3A_247 = arith.mulf %parallel_loop3A_242, %parallel_loop3A_246 : vector<16xf32>
        %parallel_loop3A_248 = arith.addf %parallel_loop3A_239, %parallel_loop3A_247 : vector<16xf32>
        %parallel_loop3A_249 = vector.extract_strided_slice %parallel_loop3A_123 {offsets = [14], sizes = [1], strides = [1]} : vector<16xf32> to vector<1xf32>
        %parallel_loop3A_250 = vector.extract %parallel_loop3A_249[0] : f32 from vector<1xf32>
        %parallel_loop3A_251 = vector.broadcast %parallel_loop3A_250 : f32 to vector<16xf32>
        %parallel_loop3A_252 = arith.index_cast %parallel_loop3A_119 : i32 to index
        %parallel_loop3A_253 = arith.constant 224 : index
        %parallel_loop3A_254 = tpu.vector_load %arg14[%parallel_loop3A_252, %parallel_loop3A_253] {strides = array<i32>} : memref<128x272xf32, #tpu.memory_space<vmem>>, vector<1x16xf32>,
        %parallel_loop3A_255 = vector.shape_cast %parallel_loop3A_254 : vector<1x16xf32> to vector<16xf32>
        %parallel_loop3A_256 = arith.mulf %parallel_loop3A_251, %parallel_loop3A_255 : vector<16xf32>
        %parallel_loop3A_257 = arith.addf %parallel_loop3A_248, %parallel_loop3A_256 : vector<16xf32>
        %parallel_loop3A_258 = vector.extract_strided_slice %parallel_loop3A_123 {offsets = [15], sizes = [1], strides = [1]} : vector<16xf32> to vector<1xf32>
        %parallel_loop3A_259 = vector.extract %parallel_loop3A_258[0] : f32 from vector<1xf32>
        %parallel_loop3A_260 = vector.broadcast %parallel_loop3A_259 : f32 to vector<16xf32>
        %parallel_loop3A_261 = arith.index_cast %parallel_loop3A_119 : i32 to index
        %parallel_loop3A_262 = arith.constant 240 : index
        %parallel_loop3A_263 = tpu.vector_load %arg14[%parallel_loop3A_261, %parallel_loop3A_262] {strides = array<i32>} : memref<128x272xf32, #tpu.memory_space<vmem>>, vector<1x16xf32>,
        %parallel_loop3A_264 = vector.shape_cast %parallel_loop3A_263 : vector<1x16xf32> to vector<16xf32>
        %parallel_loop3A_265 = arith.mulf %parallel_loop3A_260, %parallel_loop3A_264 : vector<16xf32>
        %parallel_loop3A_266 = arith.addf %parallel_loop3A_257, %parallel_loop3A_265 : vector<16xf32>
        %parallel_loop3A_267 = arith.index_cast %parallel_loop3A_119 : i32 to index
        %parallel_loop3A_268 = arith.constant 256 : index
        %parallel_loop3A_269 = tpu.vector_load %arg14[%parallel_loop3A_267, %parallel_loop3A_268] {strides = array<i32>} : memref<128x272xf32, #tpu.memory_space<vmem>>, vector<1x16xf32>,
        %parallel_loop3A_270 = vector.shape_cast %parallel_loop3A_269 : vector<1x16xf32> to vector<16xf32>
        %parallel_loop3A_271 = arith.addf %parallel_loop3A_266, %parallel_loop3A_270 : vector<16xf32>
        %parallel_loop3A_272 = arith.index_cast %parallel_loop3A_119 : i32 to index
        %parallel_loop3A_273 = arith.constant 0 : index
        %parallel_loop3A_274 = tpu.vector_load %arg16[%parallel_loop3A_272, %parallel_loop3A_273] {strides = array<i32>} : memref<128x16xf32, #tpu.memory_space<vmem>>, vector<1x16xf32>,
        %parallel_loop3A_275 = vector.shape_cast %parallel_loop3A_274 : vector<1x16xf32> to vector<16xf32>
        %parallel_loop3A_276 = vector.shape_cast %parallel_loop3A_271 : vector<16xf32> to vector<1x16xf32>
        tpu.vector_store %arg16[%parallel_loop3A_272, %parallel_loop3A_273], %parallel_loop3A_276 {strides = array<i32>} : memref<128x16xf32, #tpu.memory_space<vmem>>, vector<1x16xf32>,
      } {sc.loop_unroll_factor = 4 : i64, sc.parallel_access}
      %dma_wait3A_111 = arith.constant 1 : i32
      %dma_wait3A_112 = tpu.memref_slice %arg4[%dma_wait3A_111, %mul3A_2] : memref<2x163840xi32, #tpu.memory_space<hbm>> -> memref<1x128xi32, #tpu.memory_space<hbm>>
      %dma_wait3A_113 = tpu.memref_squeeze %dma_wait3A_112 : memref<1x128xi32, #tpu.memory_space<hbm>> -> memref<128xi32, #tpu.memory_space<hbm>>
      %dma_wait3A_114 = tpu.memref_slice %arg4[%dma_wait3A_111, %mul3A_2] : memref<2x163840xi32, #tpu.memory_space<hbm>> -> memref<1x128xi32, #tpu.memory_space<hbm>>
      %dma_wait3A_115 = tpu.memref_squeeze %dma_wait3A_114 : memref<1x128xi32, #tpu.memory_space<hbm>> -> memref<128xi32, #tpu.memory_space<hbm>>
      tpu.wait_dma2 semaphore(%arg21 : memref<!tpu.dma_semaphore, #tpu.memory_space<semaphore_mem>>) src(%dma_wait3A_115 : memref<128xi32, #tpu.memory_space<hbm>>) dst(%arg10 : memref<128xi32, #tpu.memory_space<vmem>>)
      %dma_start3A_116 = arith.constant 0 : i32
      %dma_start3A_117 = arith.constant 0 : i32
      %dma_start3A_118 = tpu.memref_slice %arg17[%dma_start3A_116, %dma_start3A_117] : memref<10112x16xf32, #tpu.memory_space<vmem_shared>> -> memref<10112x16xf32, #tpu.memory_space<vmem_shared>>
      tpu.enqueue_indirect_dma source(%arg16 : memref<128x16xf32, #tpu.memory_space<vmem>>) target(%dma_start3A_118 : memref<10112x16xf32, #tpu.memory_space<vmem_shared>>) offsets(%arg10 : memref<128xi32, #tpu.memory_space<vmem>>) semaphore(%arg27 : memref<!tpu.dma_semaphore, #tpu.memory_space<semaphore_mem>>) {add = true}
    }
    %scan3A_42 = arith.constant 20 : i32
    %dma_wait3A_43 = arith.constant 0 : i32
    %dma_wait3A_44 = arith.constant 0 : i32
    %dma_wait3A_45 = tpu.memref_slice %arg17[%dma_wait3A_43, %dma_wait3A_44] : memref<10112x16xf32, #tpu.memory_space<vmem_shared>> -> memref<10112x16xf32, #tpu.memory_space<vmem_shared>>
    tpu.wait_indirect_dma semaphore(%arg26 : memref<!tpu.dma_semaphore, #tpu.memory_space<semaphore_mem>>) src(%arg15 : memref<128x16xf32, #tpu.memory_space<vmem>>) dst(%dma_wait3A_45 : memref<10112x16xf32, #tpu.memory_space<vmem_shared>>)
    %dma_wait3A_46 = arith.constant 0 : i32
    %dma_wait3A_47 = arith.constant 0 : i32
    %dma_wait3A_48 = tpu.memref_slice %arg17[%dma_wait3A_46, %dma_wait3A_47] : memref<10112x16xf32, #tpu.memory_space<vmem_shared>> -> memref<10112x16xf32, #tpu.memory_space<vmem_shared>>
    tpu.wait_indirect_dma semaphore(%arg27 : memref<!tpu.dma_semaphore, #tpu.memory_space<semaphore_mem>>) src(%arg16 : memref<128x16xf32, #tpu.memory_space<vmem>>) dst(%dma_wait3A_48 : memref<10112x16xf32, #tpu.memory_space<vmem_shared>>)
    %barrier3A_49 = arith.constant 0 : index
    tpu.barrier barrier_id(%barrier3A_49)
    "tpu.region"() ({
      %run_scoped3A = tpu.sem_alloc : memref<!tpu.dma_semaphore, #tpu.memory_space<semaphore_mem>>
      %dma_start3A_50 = arith.constant 0 : i32
      %dma_start3A_51 = tpu.memref_slice %arg6[%arg0, %mul3A_4, %dma_start3A_50] : memref<2x10112x16xf32, #tpu.memory_space<hbm>> -> memref<1x632x16xf32, #tpu.memory_space<hbm>>
      %dma_start3A_52 = tpu.memref_squeeze %dma_start3A_51 : memref<1x632x16xf32, #tpu.memory_space<hbm>> -> memref<632x16xf32, #tpu.memory_space<hbm>>
      %dma_start3A_53 = arith.constant 0 : i32
      %dma_start3A_54 = tpu.memref_slice %arg17[%mul3A_4, %dma_start3A_53] : memref<10112x16xf32, #tpu.memory_space<vmem_shared>> -> memref<632x16xf32, #tpu.memory_space<vmem_shared>>
      tpu.enqueue_dma source(%dma_start3A_54 : memref<632x16xf32, #tpu.memory_space<vmem_shared>>) target(%dma_start3A_52 : memref<632x16xf32, #tpu.memory_space<hbm>>) target_semaphore(%run_scoped3A : memref<!tpu.dma_semaphore, #tpu.memory_space<semaphore_mem>>)
      %dma_wait3A_55 = arith.constant 0 : i32
      %dma_wait3A_56 = tpu.memref_slice %arg6[%arg0, %mul3A_4, %dma_wait3A_55] : memref<2x10112x16xf32, #tpu.memory_space<hbm>> -> memref<1x632x16xf32, #tpu.memory_space<hbm>>
      %dma_wait3A_57 = tpu.memref_squeeze %dma_wait3A_56 : memref<1x632x16xf32, #tpu.memory_space<hbm>> -> memref<632x16xf32, #tpu.memory_space<hbm>>
      %dma_wait3A_58 = arith.constant 0 : i32
      %dma_wait3A_59 = tpu.memref_slice %arg17[%mul3A_4, %dma_wait3A_58] : memref<10112x16xf32, #tpu.memory_space<vmem_shared>> -> memref<632x16xf32, #tpu.memory_space<vmem_shared>>
      tpu.wait_dma2 semaphore(%run_scoped3A : memref<!tpu.dma_semaphore, #tpu.memory_space<semaphore_mem>>) src(%dma_wait3A_59 : memref<632x16xf32, #tpu.memory_space<vmem_shared>>) dst(%dma_wait3A_57 : memref<632x16xf32, #tpu.memory_space<hbm>>)
      tpu.yield
    }) : () -> ()
    return
  }
}

#map = affine_map<(d0, d1) -> (0, 0)>
#map1 = affine_map<(d0, d1) -> (0, 0, 0)>
module attributes {stable_mosaic.version = 14 : i64} {
  func.func @_sc_edge_body(%arg0: i32, %arg1: i32, %arg2: memref<10000x272xf32, #tpu.memory_space<hbm>>, %arg3: memref<163840x16xf32, #tpu.memory_space<hbm>>, %arg4: memref<2x163840xi32, #tpu.memory_space<hbm>>, %arg5: memref<632x16xf32, #tpu.memory_space<hbm>>, %arg6: memref<2x10112x16xf32, #tpu.memory_space<hbm>>, %arg7: memref<128xi32, #tpu.memory_space<vmem>>, %arg8: memref<128xi32, #tpu.memory_space<vmem>>, %arg9: memref<128xi32, #tpu.memory_space<vmem>>, %arg10: memref<128xi32, #tpu.memory_space<vmem>>, %arg11: memref<128x16xf32, #tpu.memory_space<vmem>>, %arg12: memref<128x16xf32, #tpu.memory_space<vmem>>, %arg13: memref<128x272xf32, #tpu.memory_space<vmem>>, %arg14: memref<128x272xf32, #tpu.memory_space<vmem>>, %arg15: memref<128x16xf32, #tpu.memory_space<vmem>>, %arg16: memref<128x16xf32, #tpu.memory_space<vmem>>, %arg17: memref<10112x16xf32, #tpu.memory_space<vmem_shared>>, %arg18: memref<!tpu.dma_semaphore, #tpu.memory_space<semaphore_mem>>, %arg19: memref<!tpu.dma_semaphore, #tpu.memory_space<semaphore_mem>>, %arg20: memref<!tpu.dma_semaphore, #tpu.memory_space<semaphore_mem>>, %arg21: memref<!tpu.dma_semaphore, #tpu.memory_space<semaphore_mem>>, %arg22: memref<!tpu.dma_semaphore, #tpu.memory_space<semaphore_mem>>, %arg23: memref<!tpu.dma_semaphore, #tpu.memory_space<semaphore_mem>>, %arg24: memref<!tpu.dma_semaphore, #tpu.memory_space<semaphore_mem>>, %arg25: memref<!tpu.dma_semaphore, #tpu.memory_space<semaphore_mem>>, %arg26: memref<!tpu.dma_semaphore, #tpu.memory_space<semaphore_mem>>, %arg27: memref<!tpu.dma_semaphore, #tpu.memory_space<semaphore_mem>>) attributes {dimension_semantics = [#tpu.dimension_semantics<core_parallel>, #tpu.dimension_semantics<subcore_parallel>], iteration_bounds = array<i64: 2, 16>, scalar_prefetch = 0 : i64, scratch_operands = 21 : i64, tpu.core_type = #tpu.core_type<sc_vector_subcore>, window_params = [{transform_indices = #map}, {transform_indices = #map}, {transform_indices = #map}, {transform_indices = #map}, {transform_indices = #map1}]} {
    %mul3A = arith.constant 16 : i32
    %mul3A_0 = arith.muli %arg0, %mul3A : i32
    %add3A = arith.addi %mul3A_0, %arg1 : i32
    %mul3A_1 = arith.constant 5120 : i32
    %mul3A_2 = arith.muli %add3A, %mul3A_1 : i32
    %mul3A_3 = arith.constant 632 : i32
    %mul3A_4 = arith.muli %arg1, %mul3A_3 : i32
    "tpu.region"() ({
      %run_scoped3A = tpu.sem_alloc : memref<!tpu.dma_semaphore, #tpu.memory_space<semaphore_mem>>
      %dma_start3A_50 = arith.constant 0 : i32
      %dma_start3A_51 = tpu.memref_slice %arg17[%mul3A_4, %dma_start3A_50] : memref<10112x16xf32, #tpu.memory_space<vmem_shared>> -> memref<632x16xf32, #tpu.memory_space<vmem_shared>>
      tpu.enqueue_dma source(%arg5 : memref<632x16xf32, #tpu.memory_space<hbm>>) target(%dma_start3A_51 : memref<632x16xf32, #tpu.memory_space<vmem_shared>>) target_semaphore(%run_scoped3A : memref<!tpu.dma_semaphore, #tpu.memory_space<semaphore_mem>>)
      %dma_wait3A_52 = arith.constant 0 : i32
      %dma_wait3A_53 = tpu.memref_slice %arg17[%mul3A_4, %dma_wait3A_52] : memref<10112x16xf32, #tpu.memory_space<vmem_shared>> -> memref<632x16xf32, #tpu.memory_space<vmem_shared>>
      tpu.wait_dma2 semaphore(%run_scoped3A : memref<!tpu.dma_semaphore, #tpu.memory_space<semaphore_mem>>) src(%arg5 : memref<632x16xf32, #tpu.memory_space<hbm>>) dst(%dma_wait3A_53 : memref<632x16xf32, #tpu.memory_space<vmem_shared>>)
      tpu.yield
    }) : () -> ()
    %barrier3A = arith.constant 0 : index
    tpu.barrier barrier_id(%barrier3A)
    %add3A_5 = arith.constant 0 : i32
    %add3A_6 = arith.addi %mul3A_2, %add3A_5 : i32
    %dma_start3A = arith.constant 0 : i32
    %dma_start3A_7 = tpu.memref_slice %arg4[%dma_start3A, %add3A_6] : memref<2x163840xi32, #tpu.memory_space<hbm>> -> memref<1x128xi32, #tpu.memory_space<hbm>>
    %dma_start3A_8 = tpu.memref_squeeze %dma_start3A_7 : memref<1x128xi32, #tpu.memory_space<hbm>> -> memref<128xi32, #tpu.memory_space<hbm>>
    %dma_start3A_9 = tpu.memref_slice %arg4[%dma_start3A, %add3A_6] : memref<2x163840xi32, #tpu.memory_space<hbm>> -> memref<1x128xi32, #tpu.memory_space<hbm>>
    %dma_start3A_10 = tpu.memref_squeeze %dma_start3A_9 : memref<1x128xi32, #tpu.memory_space<hbm>> -> memref<128xi32, #tpu.memory_space<hbm>>
    tpu.enqueue_dma source(%dma_start3A_10 : memref<128xi32, #tpu.memory_space<hbm>>) target(%arg7 : memref<128xi32, #tpu.memory_space<vmem>>) target_semaphore(%arg18 : memref<!tpu.dma_semaphore, #tpu.memory_space<semaphore_mem>>)
    %dma_wait3A = arith.constant 0 : i32
    %dma_wait3A_11 = tpu.memref_slice %arg4[%dma_wait3A, %mul3A_2] : memref<2x163840xi32, #tpu.memory_space<hbm>> -> memref<1x128xi32, #tpu.memory_space<hbm>>
    %dma_wait3A_12 = tpu.memref_squeeze %dma_wait3A_11 : memref<1x128xi32, #tpu.memory_space<hbm>> -> memref<128xi32, #tpu.memory_space<hbm>>
    %dma_wait3A_13 = tpu.memref_slice %arg4[%dma_wait3A, %mul3A_2] : memref<2x163840xi32, #tpu.memory_space<hbm>> -> memref<1x128xi32, #tpu.memory_space<hbm>>
    %dma_wait3A_14 = tpu.memref_squeeze %dma_wait3A_13 : memref<1x128xi32, #tpu.memory_space<hbm>> -> memref<128xi32, #tpu.memory_space<hbm>>
    tpu.wait_dma2 semaphore(%arg18 : memref<!tpu.dma_semaphore, #tpu.memory_space<semaphore_mem>>) src(%dma_wait3A_14 : memref<128xi32, #tpu.memory_space<hbm>>) dst(%arg7 : memref<128xi32, #tpu.memory_space<vmem>>)
    %dma_start3A_15 = arith.constant 0 : i32
    %dma_start3A_16 = arith.constant 0 : i32
    %dma_start3A_17 = tpu.memref_slice %arg2[%dma_start3A_15, %dma_start3A_16] : memref<10000x272xf32, #tpu.memory_space<hbm>> -> memref<10000x272xf32, #tpu.memory_space<hbm>>
    tpu.enqueue_indirect_dma source(%dma_start3A_17 : memref<10000x272xf32, #tpu.memory_space<hbm>>) target(%arg13 : memref<128x272xf32, #tpu.memory_space<vmem>>) offsets(%arg7 : memref<128xi32, #tpu.memory_space<vmem>>) semaphore(%arg24 : memref<!tpu.dma_semaphore, #tpu.memory_space<semaphore_mem>>)
    %add3A_18 = arith.constant 0 : i32
    %add3A_19 = arith.addi %mul3A_2, %add3A_18 : i32
    %dma_start3A_20 = arith.constant 1 : i32
    %dma_start3A_21 = tpu.memref_slice %arg4[%dma_start3A_20, %add3A_19] : memref<2x163840xi32, #tpu.memory_space<hbm>> -> memref<1x128xi32, #tpu.memory_space<hbm>>
    %dma_start3A_22 = tpu.memref_squeeze %dma_start3A_21 : memref<1x128xi32, #tpu.memory_space<hbm>> -> memref<128xi32, #tpu.memory_space<hbm>>
    %dma_start3A_23 = tpu.memref_slice %arg4[%dma_start3A_20, %add3A_19] : memref<2x163840xi32, #tpu.memory_space<hbm>> -> memref<1x128xi32, #tpu.memory_space<hbm>>
    %dma_start3A_24 = tpu.memref_squeeze %dma_start3A_23 : memref<1x128xi32, #tpu.memory_space<hbm>> -> memref<128xi32, #tpu.memory_space<hbm>>
    tpu.enqueue_dma source(%dma_start3A_24 : memref<128xi32, #tpu.memory_space<hbm>>) target(%arg9 : memref<128xi32, #tpu.memory_space<vmem>>) target_semaphore(%arg20 : memref<!tpu.dma_semaphore, #tpu.memory_space<semaphore_mem>>)
    %add3A_25 = arith.constant 0 : i32
    %add3A_26 = arith.addi %mul3A_2, %add3A_25 : i32
    %dma_start3A_27 = arith.constant 0 : i32
    %dma_start3A_28 = tpu.memref_slice %arg3[%add3A_26, %dma_start3A_27] : memref<163840x16xf32, #tpu.memory_space<hbm>> -> memref<128x16xf32, #tpu.memory_space<hbm>>
    %dma_start3A_29 = arith.constant 0 : i32
    %dma_start3A_30 = tpu.memref_slice %arg3[%add3A_26, %dma_start3A_29] : memref<163840x16xf32, #tpu.memory_space<hbm>> -> memref<128x16xf32, #tpu.memory_space<hbm>>
    tpu.enqueue_dma source(%dma_start3A_30 : memref<128x16xf32, #tpu.memory_space<hbm>>) target(%arg11 : memref<128x16xf32, #tpu.memory_space<vmem>>) target_semaphore(%arg22 : memref<!tpu.dma_semaphore, #tpu.memory_space<semaphore_mem>>)
    %add3A_31 = arith.constant 128 : i32
    %add3A_32 = arith.addi %mul3A_2, %add3A_31 : i32
    %dma_start3A_33 = arith.constant 0 : i32
    %dma_start3A_34 = tpu.memref_slice %arg4[%dma_start3A_33, %add3A_32] : memref<2x163840xi32, #tpu.memory_space<hbm>> -> memref<1x128xi32, #tpu.memory_space<hbm>>
    %dma_start3A_35 = tpu.memref_squeeze %dma_start3A_34 : memref<1x128xi32, #tpu.memory_space<hbm>> -> memref<128xi32, #tpu.memory_space<hbm>>
    %dma_start3A_36 = tpu.memref_slice %arg4[%dma_start3A_33, %add3A_32] : memref<2x163840xi32, #tpu.memory_space<hbm>> -> memref<1x128xi32, #tpu.memory_space<hbm>>
    %dma_start3A_37 = tpu.memref_squeeze %dma_start3A_36 : memref<1x128xi32, #tpu.memory_space<hbm>> -> memref<128xi32, #tpu.memory_space<hbm>>
    tpu.enqueue_dma source(%dma_start3A_37 : memref<128xi32, #tpu.memory_space<hbm>>) target(%arg8 : memref<128xi32, #tpu.memory_space<vmem>>) target_semaphore(%arg19 : memref<!tpu.dma_semaphore, #tpu.memory_space<semaphore_mem>>)
    %scan3A = arith.constant 0 : i32
    %scan3A_38 = arith.constant 0 : i32
    %scan3A_39 = arith.constant 20 : i32
    %scan3A_40 = arith.addi %scan3A_38, %scan3A_39 : i32
    %scan3A_41 = arith.constant 1 : i32
    scf.for %scan3A_50 = %scan3A_38 to %scan3A_40 step %scan3A_41  : i32 {
      %mul3A_51 = arith.constant 2 : i32
      %mul3A_52 = arith.muli %mul3A_51, %scan3A_50 : i32
      %add3A_53 = arith.constant 0 : i32
      %add3A_54 = arith.addi %mul3A_52, %add3A_53 : i32
      %dma_wait3A_55 = arith.constant 0 : i32
      %dma_wait3A_56 = arith.constant 0 : i32
      %dma_wait3A_57 = tpu.memref_slice %arg2[%dma_wait3A_55, %dma_wait3A_56] : memref<10000x272xf32, #tpu.memory_space<hbm>> -> memref<10000x272xf32, #tpu.memory_space<hbm>>
      tpu.wait_indirect_dma semaphore(%arg24 : memref<!tpu.dma_semaphore, #tpu.memory_space<semaphore_mem>>) src(%dma_wait3A_57 : memref<10000x272xf32, #tpu.memory_space<hbm>>) dst(%arg13 : memref<128x272xf32, #tpu.memory_space<vmem>>)
      %add3A_58 = arith.constant 2 : i32
      %add3A_59 = arith.addi %add3A_54, %add3A_58 : i32
      %lt3A = arith.constant 40 : i32
      %lt3A_60 = arith.cmpi slt, %add3A_59, %lt3A : i32
      %convert_element_type3A = arith.extui %lt3A_60 : i1 to i32
      %cond3A = arith.constant 0 : i32
      %cond3A_61 = arith.cmpi ne, %convert_element_type3A, %cond3A : i32
      scf.if %cond3A_61 {
        %add3A_119 = arith.constant 2 : i32
        %add3A_120 = arith.addi %add3A_54, %add3A_119 : i32
        %mul3A_121 = arith.constant 128 : i32
        %mul3A_122 = arith.muli %add3A_120, %mul3A_121 : i32
        %add3A_123 = arith.addi %mul3A_2, %mul3A_122 : i32
        %dma_start3A_124 = arith.constant 0 : i32
        %dma_start3A_125 = tpu.memref_slice %arg4[%dma_start3A_124, %add3A_123] : memref<2x163840xi32, #tpu.memory_space<hbm>> -> memref<1x128xi32, #tpu.memory_space<hbm>>
        %dma_start3A_126 = tpu.memref_squeeze %dma_start3A_125 : memref<1x128xi32, #tpu.memory_space<hbm>> -> memref<128xi32, #tpu.memory_space<hbm>>
        %dma_start3A_127 = tpu.memref_slice %arg4[%dma_start3A_124, %add3A_123] : memref<2x163840xi32, #tpu.memory_space<hbm>> -> memref<1x128xi32, #tpu.memory_space<hbm>>
        %dma_start3A_128 = tpu.memref_squeeze %dma_start3A_127 : memref<1x128xi32, #tpu.memory_space<hbm>> -> memref<128xi32, #tpu.memory_space<hbm>>
        tpu.enqueue_dma source(%dma_start3A_128 : memref<128xi32, #tpu.memory_space<hbm>>) target(%arg7 : memref<128xi32, #tpu.memory_space<vmem>>) target_semaphore(%arg18 : memref<!tpu.dma_semaphore, #tpu.memory_space<semaphore_mem>>)
      } else {
      }
      %add3A_62 = arith.constant 1 : i32
      %add3A_63 = arith.addi %add3A_54, %add3A_62 : i32
      %lt3A_64 = arith.constant 40 : i32
      %lt3A_65 = arith.cmpi slt, %add3A_63, %lt3A_64 : i32
      %convert_element_type3A_66 = arith.extui %lt3A_65 : i1 to i32
      %cond3A_67 = arith.constant 0 : i32
      %cond3A_68 = arith.cmpi ne, %convert_element_type3A_66, %cond3A_67 : i32
      scf.if %cond3A_68 {
        %dma_wait3A_119 = arith.constant 0 : i32
        %dma_wait3A_120 = tpu.memref_slice %arg4[%dma_wait3A_119, %mul3A_2] : memref<2x163840xi32, #tpu.memory_space<hbm>> -> memref<1x128xi32, #tpu.memory_space<hbm>>
        %dma_wait3A_121 = tpu.memref_squeeze %dma_wait3A_120 : memref<1x128xi32, #tpu.memory_space<hbm>> -> memref<128xi32, #tpu.memory_space<hbm>>
        %dma_wait3A_122 = tpu.memref_slice %arg4[%dma_wait3A_119, %mul3A_2] : memref<2x163840xi32, #tpu.memory_space<hbm>> -> memref<1x128xi32, #tpu.memory_space<hbm>>
        %dma_wait3A_123 = tpu.memref_squeeze %dma_wait3A_122 : memref<1x128xi32, #tpu.memory_space<hbm>> -> memref<128xi32, #tpu.memory_space<hbm>>
        tpu.wait_dma2 semaphore(%arg19 : memref<!tpu.dma_semaphore, #tpu.memory_space<semaphore_mem>>) src(%dma_wait3A_123 : memref<128xi32, #tpu.memory_space<hbm>>) dst(%arg8 : memref<128xi32, #tpu.memory_space<vmem>>)
        %dma_start3A_124 = arith.constant 0 : i32
        %dma_start3A_125 = arith.constant 0 : i32
        %dma_start3A_126 = tpu.memref_slice %arg2[%dma_start3A_124, %dma_start3A_125] : memref<10000x272xf32, #tpu.memory_space<hbm>> -> memref<10000x272xf32, #tpu.memory_space<hbm>>
        tpu.enqueue_indirect_dma source(%dma_start3A_126 : memref<10000x272xf32, #tpu.memory_space<hbm>>) target(%arg14 : memref<128x272xf32, #tpu.memory_space<vmem>>) offsets(%arg8 : memref<128xi32, #tpu.memory_space<vmem>>) semaphore(%arg25 : memref<!tpu.dma_semaphore, #tpu.memory_space<semaphore_mem>>)
        %ge3A = arith.constant 1 : i32
        %ge3A_127 = arith.cmpi sge, %add3A_54, %ge3A : i32
        %convert_element_type3A_128 = arith.extui %ge3A_127 : i1 to i32
        %cond3A_129 = arith.constant 0 : i32
        %cond3A_130 = arith.cmpi ne, %convert_element_type3A_128, %cond3A_129 : i32
        scf.if %cond3A_130 {
          %dma_wait3A_148 = arith.constant 0 : i32
          %dma_wait3A_149 = arith.constant 0 : i32
          %dma_wait3A_150 = tpu.memref_slice %arg17[%dma_wait3A_148, %dma_wait3A_149] : memref<10112x16xf32, #tpu.memory_space<vmem_shared>> -> memref<10112x16xf32, #tpu.memory_space<vmem_shared>>
          tpu.wait_indirect_dma semaphore(%arg27 : memref<!tpu.dma_semaphore, #tpu.memory_space<semaphore_mem>>) src(%arg16 : memref<128x16xf32, #tpu.memory_space<vmem>>) dst(%dma_wait3A_150 : memref<10112x16xf32, #tpu.memory_space<vmem_shared>>)
        } else {
        }
        %add3A_131 = arith.constant 1 : i32
        %add3A_132 = arith.addi %add3A_54, %add3A_131 : i32
        %mul3A_133 = arith.constant 128 : i32
        %mul3A_134 = arith.muli %add3A_132, %mul3A_133 : i32
        %add3A_135 = arith.addi %mul3A_2, %mul3A_134 : i32
        %dma_start3A_136 = arith.constant 1 : i32
        %dma_start3A_137 = tpu.memref_slice %arg4[%dma_start3A_136, %add3A_135] : memref<2x163840xi32, #tpu.memory_space<hbm>> -> memref<1x128xi32, #tpu.memory_space<hbm>>
        %dma_start3A_138 = tpu.memref_squeeze %dma_start3A_137 : memref<1x128xi32, #tpu.memory_space<hbm>> -> memref<128xi32, #tpu.memory_space<hbm>>
        %dma_start3A_139 = tpu.memref_slice %arg4[%dma_start3A_136, %add3A_135] : memref<2x163840xi32, #tpu.memory_space<hbm>> -> memref<1x128xi32, #tpu.memory_space<hbm>>
        %dma_start3A_140 = tpu.memref_squeeze %dma_start3A_139 : memref<1x128xi32, #tpu.memory_space<hbm>> -> memref<128xi32, #tpu.memory_space<hbm>>
        tpu.enqueue_dma source(%dma_start3A_140 : memref<128xi32, #tpu.memory_space<hbm>>) target(%arg10 : memref<128xi32, #tpu.memory_space<vmem>>) target_semaphore(%arg21 : memref<!tpu.dma_semaphore, #tpu.memory_space<semaphore_mem>>)
        %mul3A_141 = arith.constant 128 : i32
        %mul3A_142 = arith.muli %add3A_132, %mul3A_141 : i32
        %add3A_143 = arith.addi %mul3A_2, %mul3A_142 : i32
        %dma_start3A_144 = arith.constant 0 : i32
        %dma_start3A_145 = tpu.memref_slice %arg3[%add3A_143, %dma_start3A_144] : memref<163840x16xf32, #tpu.memory_space<hbm>> -> memref<128x16xf32, #tpu.memory_space<hbm>>
        %dma_start3A_146 = arith.constant 0 : i32
        %dma_start3A_147 = tpu.memref_slice %arg3[%add3A_143, %dma_start3A_146] : memref<163840x16xf32, #tpu.memory_space<hbm>> -> memref<128x16xf32, #tpu.memory_space<hbm>>
        tpu.enqueue_dma source(%dma_start3A_147 : memref<128x16xf32, #tpu.memory_space<hbm>>) target(%arg12 : memref<128x16xf32, #tpu.memory_space<vmem>>) target_semaphore(%arg23 : memref<!tpu.dma_semaphore, #tpu.memory_space<semaphore_mem>>)
      } else {
      }
      %dma_wait3A_69 = arith.constant 0 : i32
      %dma_wait3A_70 = tpu.memref_slice %arg3[%mul3A_2, %dma_wait3A_69] : memref<163840x16xf32, #tpu.memory_space<hbm>> -> memref<128x16xf32, #tpu.memory_space<hbm>>
      %dma_wait3A_71 = arith.constant 0 : i32
      %dma_wait3A_72 = tpu.memref_slice %arg3[%mul3A_2, %dma_wait3A_71] : memref<163840x16xf32, #tpu.memory_space<hbm>> -> memref<128x16xf32, #tpu.memory_space<hbm>>
      tpu.wait_dma2 semaphore(%arg22 : memref<!tpu.dma_semaphore, #tpu.memory_space<semaphore_mem>>) src(%dma_wait3A_72 : memref<128x16xf32, #tpu.memory_space<hbm>>) dst(%arg11 : memref<128x16xf32, #tpu.memory_space<vmem>>)
      %parallel_loop3A = arith.constant 0 : i32
      %parallel_loop3A_73 = arith.constant 128 : i32
      %parallel_loop3A_74 = arith.constant 1 : i32
      scf.for %parallel_loop3A_119 = %parallel_loop3A to %parallel_loop3A_73 step %parallel_loop3A_74  : i32 {
        %parallel_loop3A_120 = arith.index_cast %parallel_loop3A_119 : i32 to index
        %parallel_loop3A_121 = arith.constant 0 : index
        %parallel_loop3A_122 = tpu.vector_load %arg11[%parallel_loop3A_120, %parallel_loop3A_121] {strides = array<i32>} : memref<128x16xf32, #tpu.memory_space<vmem>>, vector<1x16xf32>,
        %parallel_loop3A_123 = vector.shape_cast %parallel_loop3A_122 : vector<1x16xf32> to vector<16xf32>
        %parallel_loop3A_124 = vector.extract_strided_slice %parallel_loop3A_123 {offsets = [0], sizes = [1], strides = [1]} : vector<16xf32> to vector<1xf32>
        %parallel_loop3A_125 = vector.extract %parallel_loop3A_124[0] : f32 from vector<1xf32>
        %parallel_loop3A_126 = vector.broadcast %parallel_loop3A_125 : f32 to vector<16xf32>
        %parallel_loop3A_127 = arith.index_cast %parallel_loop3A_119 : i32 to index
        %parallel_loop3A_128 = arith.constant 0 : index
        %parallel_loop3A_129 = tpu.vector_load %arg13[%parallel_loop3A_127, %parallel_loop3A_128] {strides = array<i32>} : memref<128x272xf32, #tpu.memory_space<vmem>>, vector<1x16xf32>,
        %parallel_loop3A_130 = vector.shape_cast %parallel_loop3A_129 : vector<1x16xf32> to vector<16xf32>
        %parallel_loop3A_131 = arith.mulf %parallel_loop3A_126, %parallel_loop3A_130 : vector<16xf32>
        %parallel_loop3A_132 = vector.extract_strided_slice %parallel_loop3A_123 {offsets = [1], sizes = [1], strides = [1]} : vector<16xf32> to vector<1xf32>
        %parallel_loop3A_133 = vector.extract %parallel_loop3A_132[0] : f32 from vector<1xf32>
        %parallel_loop3A_134 = vector.broadcast %parallel_loop3A_133 : f32 to vector<16xf32>
        %parallel_loop3A_135 = arith.index_cast %parallel_loop3A_119 : i32 to index
        %parallel_loop3A_136 = arith.constant 16 : index
        %parallel_loop3A_137 = tpu.vector_load %arg13[%parallel_loop3A_135, %parallel_loop3A_136] {strides = array<i32>} : memref<128x272xf32, #tpu.memory_space<vmem>>, vector<1x16xf32>,
        %parallel_loop3A_138 = vector.shape_cast %parallel_loop3A_137 : vector<1x16xf32> to vector<16xf32>
        %parallel_loop3A_139 = arith.mulf %parallel_loop3A_134, %parallel_loop3A_138 : vector<16xf32>
        %parallel_loop3A_140 = arith.addf %parallel_loop3A_131, %parallel_loop3A_139 : vector<16xf32>
        %parallel_loop3A_141 = vector.extract_strided_slice %parallel_loop3A_123 {offsets = [2], sizes = [1], strides = [1]} : vector<16xf32> to vector<1xf32>
        %parallel_loop3A_142 = vector.extract %parallel_loop3A_141[0] : f32 from vector<1xf32>
        %parallel_loop3A_143 = vector.broadcast %parallel_loop3A_142 : f32 to vector<16xf32>
        %parallel_loop3A_144 = arith.index_cast %parallel_loop3A_119 : i32 to index
        %parallel_loop3A_145 = arith.constant 32 : index
        %parallel_loop3A_146 = tpu.vector_load %arg13[%parallel_loop3A_144, %parallel_loop3A_145] {strides = array<i32>} : memref<128x272xf32, #tpu.memory_space<vmem>>, vector<1x16xf32>,
        %parallel_loop3A_147 = vector.shape_cast %parallel_loop3A_146 : vector<1x16xf32> to vector<16xf32>
        %parallel_loop3A_148 = arith.mulf %parallel_loop3A_143, %parallel_loop3A_147 : vector<16xf32>
        %parallel_loop3A_149 = arith.addf %parallel_loop3A_140, %parallel_loop3A_148 : vector<16xf32>
        %parallel_loop3A_150 = vector.extract_strided_slice %parallel_loop3A_123 {offsets = [3], sizes = [1], strides = [1]} : vector<16xf32> to vector<1xf32>
        %parallel_loop3A_151 = vector.extract %parallel_loop3A_150[0] : f32 from vector<1xf32>
        %parallel_loop3A_152 = vector.broadcast %parallel_loop3A_151 : f32 to vector<16xf32>
        %parallel_loop3A_153 = arith.index_cast %parallel_loop3A_119 : i32 to index
        %parallel_loop3A_154 = arith.constant 48 : index
        %parallel_loop3A_155 = tpu.vector_load %arg13[%parallel_loop3A_153, %parallel_loop3A_154] {strides = array<i32>} : memref<128x272xf32, #tpu.memory_space<vmem>>, vector<1x16xf32>,
        %parallel_loop3A_156 = vector.shape_cast %parallel_loop3A_155 : vector<1x16xf32> to vector<16xf32>
        %parallel_loop3A_157 = arith.mulf %parallel_loop3A_152, %parallel_loop3A_156 : vector<16xf32>
        %parallel_loop3A_158 = arith.addf %parallel_loop3A_149, %parallel_loop3A_157 : vector<16xf32>
        %parallel_loop3A_159 = vector.extract_strided_slice %parallel_loop3A_123 {offsets = [4], sizes = [1], strides = [1]} : vector<16xf32> to vector<1xf32>
        %parallel_loop3A_160 = vector.extract %parallel_loop3A_159[0] : f32 from vector<1xf32>
        %parallel_loop3A_161 = vector.broadcast %parallel_loop3A_160 : f32 to vector<16xf32>
        %parallel_loop3A_162 = arith.index_cast %parallel_loop3A_119 : i32 to index
        %parallel_loop3A_163 = arith.constant 64 : index
        %parallel_loop3A_164 = tpu.vector_load %arg13[%parallel_loop3A_162, %parallel_loop3A_163] {strides = array<i32>} : memref<128x272xf32, #tpu.memory_space<vmem>>, vector<1x16xf32>,
        %parallel_loop3A_165 = vector.shape_cast %parallel_loop3A_164 : vector<1x16xf32> to vector<16xf32>
        %parallel_loop3A_166 = arith.mulf %parallel_loop3A_161, %parallel_loop3A_165 : vector<16xf32>
        %parallel_loop3A_167 = arith.addf %parallel_loop3A_158, %parallel_loop3A_166 : vector<16xf32>
        %parallel_loop3A_168 = vector.extract_strided_slice %parallel_loop3A_123 {offsets = [5], sizes = [1], strides = [1]} : vector<16xf32> to vector<1xf32>
        %parallel_loop3A_169 = vector.extract %parallel_loop3A_168[0] : f32 from vector<1xf32>
        %parallel_loop3A_170 = vector.broadcast %parallel_loop3A_169 : f32 to vector<16xf32>
        %parallel_loop3A_171 = arith.index_cast %parallel_loop3A_119 : i32 to index
        %parallel_loop3A_172 = arith.constant 80 : index
        %parallel_loop3A_173 = tpu.vector_load %arg13[%parallel_loop3A_171, %parallel_loop3A_172] {strides = array<i32>} : memref<128x272xf32, #tpu.memory_space<vmem>>, vector<1x16xf32>,
        %parallel_loop3A_174 = vector.shape_cast %parallel_loop3A_173 : vector<1x16xf32> to vector<16xf32>
        %parallel_loop3A_175 = arith.mulf %parallel_loop3A_170, %parallel_loop3A_174 : vector<16xf32>
        %parallel_loop3A_176 = arith.addf %parallel_loop3A_167, %parallel_loop3A_175 : vector<16xf32>
        %parallel_loop3A_177 = vector.extract_strided_slice %parallel_loop3A_123 {offsets = [6], sizes = [1], strides = [1]} : vector<16xf32> to vector<1xf32>
        %parallel_loop3A_178 = vector.extract %parallel_loop3A_177[0] : f32 from vector<1xf32>
        %parallel_loop3A_179 = vector.broadcast %parallel_loop3A_178 : f32 to vector<16xf32>
        %parallel_loop3A_180 = arith.index_cast %parallel_loop3A_119 : i32 to index
        %parallel_loop3A_181 = arith.constant 96 : index
        %parallel_loop3A_182 = tpu.vector_load %arg13[%parallel_loop3A_180, %parallel_loop3A_181] {strides = array<i32>} : memref<128x272xf32, #tpu.memory_space<vmem>>, vector<1x16xf32>,
        %parallel_loop3A_183 = vector.shape_cast %parallel_loop3A_182 : vector<1x16xf32> to vector<16xf32>
        %parallel_loop3A_184 = arith.mulf %parallel_loop3A_179, %parallel_loop3A_183 : vector<16xf32>
        %parallel_loop3A_185 = arith.addf %parallel_loop3A_176, %parallel_loop3A_184 : vector<16xf32>
        %parallel_loop3A_186 = vector.extract_strided_slice %parallel_loop3A_123 {offsets = [7], sizes = [1], strides = [1]} : vector<16xf32> to vector<1xf32>
        %parallel_loop3A_187 = vector.extract %parallel_loop3A_186[0] : f32 from vector<1xf32>
        %parallel_loop3A_188 = vector.broadcast %parallel_loop3A_187 : f32 to vector<16xf32>
        %parallel_loop3A_189 = arith.index_cast %parallel_loop3A_119 : i32 to index
        %parallel_loop3A_190 = arith.constant 112 : index
        %parallel_loop3A_191 = tpu.vector_load %arg13[%parallel_loop3A_189, %parallel_loop3A_190] {strides = array<i32>} : memref<128x272xf32, #tpu.memory_space<vmem>>, vector<1x16xf32>,
        %parallel_loop3A_192 = vector.shape_cast %parallel_loop3A_191 : vector<1x16xf32> to vector<16xf32>
        %parallel_loop3A_193 = arith.mulf %parallel_loop3A_188, %parallel_loop3A_192 : vector<16xf32>
        %parallel_loop3A_194 = arith.addf %parallel_loop3A_185, %parallel_loop3A_193 : vector<16xf32>
        %parallel_loop3A_195 = vector.extract_strided_slice %parallel_loop3A_123 {offsets = [8], sizes = [1], strides = [1]} : vector<16xf32> to vector<1xf32>
        %parallel_loop3A_196 = vector.extract %parallel_loop3A_195[0] : f32 from vector<1xf32>
        %parallel_loop3A_197 = vector.broadcast %parallel_loop3A_196 : f32 to vector<16xf32>
        %parallel_loop3A_198 = arith.index_cast %parallel_loop3A_119 : i32 to index
        %parallel_loop3A_199 = arith.constant 128 : index
        %parallel_loop3A_200 = tpu.vector_load %arg13[%parallel_loop3A_198, %parallel_loop3A_199] {strides = array<i32>} : memref<128x272xf32, #tpu.memory_space<vmem>>, vector<1x16xf32>,
        %parallel_loop3A_201 = vector.shape_cast %parallel_loop3A_200 : vector<1x16xf32> to vector<16xf32>
        %parallel_loop3A_202 = arith.mulf %parallel_loop3A_197, %parallel_loop3A_201 : vector<16xf32>
        %parallel_loop3A_203 = arith.addf %parallel_loop3A_194, %parallel_loop3A_202 : vector<16xf32>
        %parallel_loop3A_204 = vector.extract_strided_slice %parallel_loop3A_123 {offsets = [9], sizes = [1], strides = [1]} : vector<16xf32> to vector<1xf32>
        %parallel_loop3A_205 = vector.extract %parallel_loop3A_204[0] : f32 from vector<1xf32>
        %parallel_loop3A_206 = vector.broadcast %parallel_loop3A_205 : f32 to vector<16xf32>
        %parallel_loop3A_207 = arith.index_cast %parallel_loop3A_119 : i32 to index
        %parallel_loop3A_208 = arith.constant 144 : index
        %parallel_loop3A_209 = tpu.vector_load %arg13[%parallel_loop3A_207, %parallel_loop3A_208] {strides = array<i32>} : memref<128x272xf32, #tpu.memory_space<vmem>>, vector<1x16xf32>,
        %parallel_loop3A_210 = vector.shape_cast %parallel_loop3A_209 : vector<1x16xf32> to vector<16xf32>
        %parallel_loop3A_211 = arith.mulf %parallel_loop3A_206, %parallel_loop3A_210 : vector<16xf32>
        %parallel_loop3A_212 = arith.addf %parallel_loop3A_203, %parallel_loop3A_211 : vector<16xf32>
        %parallel_loop3A_213 = vector.extract_strided_slice %parallel_loop3A_123 {offsets = [10], sizes = [1], strides = [1]} : vector<16xf32> to vector<1xf32>
        %parallel_loop3A_214 = vector.extract %parallel_loop3A_213[0] : f32 from vector<1xf32>
        %parallel_loop3A_215 = vector.broadcast %parallel_loop3A_214 : f32 to vector<16xf32>
        %parallel_loop3A_216 = arith.index_cast %parallel_loop3A_119 : i32 to index
        %parallel_loop3A_217 = arith.constant 160 : index
        %parallel_loop3A_218 = tpu.vector_load %arg13[%parallel_loop3A_216, %parallel_loop3A_217] {strides = array<i32>} : memref<128x272xf32, #tpu.memory_space<vmem>>, vector<1x16xf32>,
        %parallel_loop3A_219 = vector.shape_cast %parallel_loop3A_218 : vector<1x16xf32> to vector<16xf32>
        %parallel_loop3A_220 = arith.mulf %parallel_loop3A_215, %parallel_loop3A_219 : vector<16xf32>
        %parallel_loop3A_221 = arith.addf %parallel_loop3A_212, %parallel_loop3A_220 : vector<16xf32>
        %parallel_loop3A_222 = vector.extract_strided_slice %parallel_loop3A_123 {offsets = [11], sizes = [1], strides = [1]} : vector<16xf32> to vector<1xf32>
        %parallel_loop3A_223 = vector.extract %parallel_loop3A_222[0] : f32 from vector<1xf32>
        %parallel_loop3A_224 = vector.broadcast %parallel_loop3A_223 : f32 to vector<16xf32>
        %parallel_loop3A_225 = arith.index_cast %parallel_loop3A_119 : i32 to index
        %parallel_loop3A_226 = arith.constant 176 : index
        %parallel_loop3A_227 = tpu.vector_load %arg13[%parallel_loop3A_225, %parallel_loop3A_226] {strides = array<i32>} : memref<128x272xf32, #tpu.memory_space<vmem>>, vector<1x16xf32>,
        %parallel_loop3A_228 = vector.shape_cast %parallel_loop3A_227 : vector<1x16xf32> to vector<16xf32>
        %parallel_loop3A_229 = arith.mulf %parallel_loop3A_224, %parallel_loop3A_228 : vector<16xf32>
        %parallel_loop3A_230 = arith.addf %parallel_loop3A_221, %parallel_loop3A_229 : vector<16xf32>
        %parallel_loop3A_231 = vector.extract_strided_slice %parallel_loop3A_123 {offsets = [12], sizes = [1], strides = [1]} : vector<16xf32> to vector<1xf32>
        %parallel_loop3A_232 = vector.extract %parallel_loop3A_231[0] : f32 from vector<1xf32>
        %parallel_loop3A_233 = vector.broadcast %parallel_loop3A_232 : f32 to vector<16xf32>
        %parallel_loop3A_234 = arith.index_cast %parallel_loop3A_119 : i32 to index
        %parallel_loop3A_235 = arith.constant 192 : index
        %parallel_loop3A_236 = tpu.vector_load %arg13[%parallel_loop3A_234, %parallel_loop3A_235] {strides = array<i32>} : memref<128x272xf32, #tpu.memory_space<vmem>>, vector<1x16xf32>,
        %parallel_loop3A_237 = vector.shape_cast %parallel_loop3A_236 : vector<1x16xf32> to vector<16xf32>
        %parallel_loop3A_238 = arith.mulf %parallel_loop3A_233, %parallel_loop3A_237 : vector<16xf32>
        %parallel_loop3A_239 = arith.addf %parallel_loop3A_230, %parallel_loop3A_238 : vector<16xf32>
        %parallel_loop3A_240 = vector.extract_strided_slice %parallel_loop3A_123 {offsets = [13], sizes = [1], strides = [1]} : vector<16xf32> to vector<1xf32>
        %parallel_loop3A_241 = vector.extract %parallel_loop3A_240[0] : f32 from vector<1xf32>
        %parallel_loop3A_242 = vector.broadcast %parallel_loop3A_241 : f32 to vector<16xf32>
        %parallel_loop3A_243 = arith.index_cast %parallel_loop3A_119 : i32 to index
        %parallel_loop3A_244 = arith.constant 208 : index
        %parallel_loop3A_245 = tpu.vector_load %arg13[%parallel_loop3A_243, %parallel_loop3A_244] {strides = array<i32>} : memref<128x272xf32, #tpu.memory_space<vmem>>, vector<1x16xf32>,
        %parallel_loop3A_246 = vector.shape_cast %parallel_loop3A_245 : vector<1x16xf32> to vector<16xf32>
        %parallel_loop3A_247 = arith.mulf %parallel_loop3A_242, %parallel_loop3A_246 : vector<16xf32>
        %parallel_loop3A_248 = arith.addf %parallel_loop3A_239, %parallel_loop3A_247 : vector<16xf32>
        %parallel_loop3A_249 = vector.extract_strided_slice %parallel_loop3A_123 {offsets = [14], sizes = [1], strides = [1]} : vector<16xf32> to vector<1xf32>
        %parallel_loop3A_250 = vector.extract %parallel_loop3A_249[0] : f32 from vector<1xf32>
        %parallel_loop3A_251 = vector.broadcast %parallel_loop3A_250 : f32 to vector<16xf32>
        %parallel_loop3A_252 = arith.index_cast %parallel_loop3A_119 : i32 to index
        %parallel_loop3A_253 = arith.constant 224 : index
        %parallel_loop3A_254 = tpu.vector_load %arg13[%parallel_loop3A_252, %parallel_loop3A_253] {strides = array<i32>} : memref<128x272xf32, #tpu.memory_space<vmem>>, vector<1x16xf32>,
        %parallel_loop3A_255 = vector.shape_cast %parallel_loop3A_254 : vector<1x16xf32> to vector<16xf32>
        %parallel_loop3A_256 = arith.mulf %parallel_loop3A_251, %parallel_loop3A_255 : vector<16xf32>
        %parallel_loop3A_257 = arith.addf %parallel_loop3A_248, %parallel_loop3A_256 : vector<16xf32>
        %parallel_loop3A_258 = vector.extract_strided_slice %parallel_loop3A_123 {offsets = [15], sizes = [1], strides = [1]} : vector<16xf32> to vector<1xf32>
        %parallel_loop3A_259 = vector.extract %parallel_loop3A_258[0] : f32 from vector<1xf32>
        %parallel_loop3A_260 = vector.broadcast %parallel_loop3A_259 : f32 to vector<16xf32>
        %parallel_loop3A_261 = arith.index_cast %parallel_loop3A_119 : i32 to index
        %parallel_loop3A_262 = arith.constant 240 : index
        %parallel_loop3A_263 = tpu.vector_load %arg13[%parallel_loop3A_261, %parallel_loop3A_262] {strides = array<i32>} : memref<128x272xf32, #tpu.memory_space<vmem>>, vector<1x16xf32>,
        %parallel_loop3A_264 = vector.shape_cast %parallel_loop3A_263 : vector<1x16xf32> to vector<16xf32>
        %parallel_loop3A_265 = arith.mulf %parallel_loop3A_260, %parallel_loop3A_264 : vector<16xf32>
        %parallel_loop3A_266 = arith.addf %parallel_loop3A_257, %parallel_loop3A_265 : vector<16xf32>
        %parallel_loop3A_267 = arith.index_cast %parallel_loop3A_119 : i32 to index
        %parallel_loop3A_268 = arith.constant 256 : index
        %parallel_loop3A_269 = tpu.vector_load %arg13[%parallel_loop3A_267, %parallel_loop3A_268] {strides = array<i32>} : memref<128x272xf32, #tpu.memory_space<vmem>>, vector<1x16xf32>,
        %parallel_loop3A_270 = vector.shape_cast %parallel_loop3A_269 : vector<1x16xf32> to vector<16xf32>
        %parallel_loop3A_271 = arith.addf %parallel_loop3A_266, %parallel_loop3A_270 : vector<16xf32>
        %parallel_loop3A_272 = arith.index_cast %parallel_loop3A_119 : i32 to index
        %parallel_loop3A_273 = arith.constant 0 : index
        %parallel_loop3A_274 = tpu.vector_load %arg15[%parallel_loop3A_272, %parallel_loop3A_273] {strides = array<i32>} : memref<128x16xf32, #tpu.memory_space<vmem>>, vector<1x16xf32>,
        %parallel_loop3A_275 = vector.shape_cast %parallel_loop3A_274 : vector<1x16xf32> to vector<16xf32>
        %parallel_loop3A_276 = vector.shape_cast %parallel_loop3A_271 : vector<16xf32> to vector<1x16xf32>
        tpu.vector_store %arg15[%parallel_loop3A_272, %parallel_loop3A_273], %parallel_loop3A_276 {strides = array<i32>} : memref<128x16xf32, #tpu.memory_space<vmem>>, vector<1x16xf32>,
      } {sc.loop_unroll_factor = 4 : i64, sc.parallel_access}
      %dma_wait3A_75 = arith.constant 1 : i32
      %dma_wait3A_76 = tpu.memref_slice %arg4[%dma_wait3A_75, %mul3A_2] : memref<2x163840xi32, #tpu.memory_space<hbm>> -> memref<1x128xi32, #tpu.memory_space<hbm>>
      %dma_wait3A_77 = tpu.memref_squeeze %dma_wait3A_76 : memref<1x128xi32, #tpu.memory_space<hbm>> -> memref<128xi32, #tpu.memory_space<hbm>>
      %dma_wait3A_78 = tpu.memref_slice %arg4[%dma_wait3A_75, %mul3A_2] : memref<2x163840xi32, #tpu.memory_space<hbm>> -> memref<1x128xi32, #tpu.memory_space<hbm>>
      %dma_wait3A_79 = tpu.memref_squeeze %dma_wait3A_78 : memref<1x128xi32, #tpu.memory_space<hbm>> -> memref<128xi32, #tpu.memory_space<hbm>>
      tpu.wait_dma2 semaphore(%arg20 : memref<!tpu.dma_semaphore, #tpu.memory_space<semaphore_mem>>) src(%dma_wait3A_79 : memref<128xi32, #tpu.memory_space<hbm>>) dst(%arg9 : memref<128xi32, #tpu.memory_space<vmem>>)
      %dma_start3A_80 = arith.constant 0 : i32
      %dma_start3A_81 = arith.constant 0 : i32
      %dma_start3A_82 = tpu.memref_slice %arg17[%dma_start3A_80, %dma_start3A_81] : memref<10112x16xf32, #tpu.memory_space<vmem_shared>> -> memref<10112x16xf32, #tpu.memory_space<vmem_shared>>
      tpu.enqueue_indirect_dma source(%arg15 : memref<128x16xf32, #tpu.memory_space<vmem>>) target(%dma_start3A_82 : memref<10112x16xf32, #tpu.memory_space<vmem_shared>>) offsets(%arg9 : memref<128xi32, #tpu.memory_space<vmem>>) semaphore(%arg26 : memref<!tpu.dma_semaphore, #tpu.memory_space<semaphore_mem>>) {add = true}
      %mul3A_83 = arith.constant 2 : i32
      %mul3A_84 = arith.muli %mul3A_83, %scan3A_50 : i32
      %add3A_85 = arith.constant 1 : i32
      %add3A_86 = arith.addi %mul3A_84, %add3A_85 : i32
      %dma_wait3A_87 = arith.constant 0 : i32
      %dma_wait3A_88 = arith.constant 0 : i32
      %dma_wait3A_89 = tpu.memref_slice %arg2[%dma_wait3A_87, %dma_wait3A_88] : memref<10000x272xf32, #tpu.memory_space<hbm>> -> memref<10000x272xf32, #tpu.memory_space<hbm>>
      tpu.wait_indirect_dma semaphore(%arg25 : memref<!tpu.dma_semaphore, #tpu.memory_space<semaphore_mem>>) src(%dma_wait3A_89 : memref<10000x272xf32, #tpu.memory_space<hbm>>) dst(%arg14 : memref<128x272xf32, #tpu.memory_space<vmem>>)
      %add3A_90 = arith.constant 2 : i32
      %add3A_91 = arith.addi %add3A_86, %add3A_90 : i32
      %lt3A_92 = arith.constant 40 : i32
      %lt3A_93 = arith.cmpi slt, %add3A_91, %lt3A_92 : i32
      %convert_element_type3A_94 = arith.extui %lt3A_93 : i1 to i32
      %cond3A_95 = arith.constant 0 : i32
      %cond3A_96 = arith.cmpi ne, %convert_element_type3A_94, %cond3A_95 : i32
      scf.if %cond3A_96 {
        %add3A_119 = arith.constant 2 : i32
        %add3A_120 = arith.addi %add3A_86, %add3A_119 : i32
        %mul3A_121 = arith.constant 128 : i32
        %mul3A_122 = arith.muli %add3A_120, %mul3A_121 : i32
        %add3A_123 = arith.addi %mul3A_2, %mul3A_122 : i32
        %dma_start3A_124 = arith.constant 0 : i32
        %dma_start3A_125 = tpu.memref_slice %arg4[%dma_start3A_124, %add3A_123] : memref<2x163840xi32, #tpu.memory_space<hbm>> -> memref<1x128xi32, #tpu.memory_space<hbm>>
        %dma_start3A_126 = tpu.memref_squeeze %dma_start3A_125 : memref<1x128xi32, #tpu.memory_space<hbm>> -> memref<128xi32, #tpu.memory_space<hbm>>
        %dma_start3A_127 = tpu.memref_slice %arg4[%dma_start3A_124, %add3A_123] : memref<2x163840xi32, #tpu.memory_space<hbm>> -> memref<1x128xi32, #tpu.memory_space<hbm>>
        %dma_start3A_128 = tpu.memref_squeeze %dma_start3A_127 : memref<1x128xi32, #tpu.memory_space<hbm>> -> memref<128xi32, #tpu.memory_space<hbm>>
        tpu.enqueue_dma source(%dma_start3A_128 : memref<128xi32, #tpu.memory_space<hbm>>) target(%arg8 : memref<128xi32, #tpu.memory_space<vmem>>) target_semaphore(%arg19 : memref<!tpu.dma_semaphore, #tpu.memory_space<semaphore_mem>>)
      } else {
      }
      %add3A_97 = arith.constant 1 : i32
      %add3A_98 = arith.addi %add3A_86, %add3A_97 : i32
      %lt3A_99 = arith.constant 40 : i32
      %lt3A_100 = arith.cmpi slt, %add3A_98, %lt3A_99 : i32
      %convert_element_type3A_101 = arith.extui %lt3A_100 : i1 to i32
      %cond3A_102 = arith.constant 0 : i32
      %cond3A_103 = arith.cmpi ne, %convert_element_type3A_101, %cond3A_102 : i32
      scf.if %cond3A_103 {
        %dma_wait3A_119 = arith.constant 0 : i32
        %dma_wait3A_120 = tpu.memref_slice %arg4[%dma_wait3A_119, %mul3A_2] : memref<2x163840xi32, #tpu.memory_space<hbm>> -> memref<1x128xi32, #tpu.memory_space<hbm>>
        %dma_wait3A_121 = tpu.memref_squeeze %dma_wait3A_120 : memref<1x128xi32, #tpu.memory_space<hbm>> -> memref<128xi32, #tpu.memory_space<hbm>>
        %dma_wait3A_122 = tpu.memref_slice %arg4[%dma_wait3A_119, %mul3A_2] : memref<2x163840xi32, #tpu.memory_space<hbm>> -> memref<1x128xi32, #tpu.memory_space<hbm>>
        %dma_wait3A_123 = tpu.memref_squeeze %dma_wait3A_122 : memref<1x128xi32, #tpu.memory_space<hbm>> -> memref<128xi32, #tpu.memory_space<hbm>>
        tpu.wait_dma2 semaphore(%arg18 : memref<!tpu.dma_semaphore, #tpu.memory_space<semaphore_mem>>) src(%dma_wait3A_123 : memref<128xi32, #tpu.memory_space<hbm>>) dst(%arg7 : memref<128xi32, #tpu.memory_space<vmem>>)
        %dma_start3A_124 = arith.constant 0 : i32
        %dma_start3A_125 = arith.constant 0 : i32
        %dma_start3A_126 = tpu.memref_slice %arg2[%dma_start3A_124, %dma_start3A_125] : memref<10000x272xf32, #tpu.memory_space<hbm>> -> memref<10000x272xf32, #tpu.memory_space<hbm>>
        tpu.enqueue_indirect_dma source(%dma_start3A_126 : memref<10000x272xf32, #tpu.memory_space<hbm>>) target(%arg13 : memref<128x272xf32, #tpu.memory_space<vmem>>) offsets(%arg7 : memref<128xi32, #tpu.memory_space<vmem>>) semaphore(%arg24 : memref<!tpu.dma_semaphore, #tpu.memory_space<semaphore_mem>>)
        %ge3A = arith.constant 1 : i32
        %ge3A_127 = arith.cmpi sge, %add3A_86, %ge3A : i32
        %convert_element_type3A_128 = arith.extui %ge3A_127 : i1 to i32
        %cond3A_129 = arith.constant 0 : i32
        %cond3A_130 = arith.cmpi ne, %convert_element_type3A_128, %cond3A_129 : i32
        scf.if %cond3A_130 {
          %dma_wait3A_148 = arith.constant 0 : i32
          %dma_wait3A_149 = arith.constant 0 : i32
          %dma_wait3A_150 = tpu.memref_slice %arg17[%dma_wait3A_148, %dma_wait3A_149] : memref<10112x16xf32, #tpu.memory_space<vmem_shared>> -> memref<10112x16xf32, #tpu.memory_space<vmem_shared>>
          tpu.wait_indirect_dma semaphore(%arg26 : memref<!tpu.dma_semaphore, #tpu.memory_space<semaphore_mem>>) src(%arg15 : memref<128x16xf32, #tpu.memory_space<vmem>>) dst(%dma_wait3A_150 : memref<10112x16xf32, #tpu.memory_space<vmem_shared>>)
        } else {
        }
        %add3A_131 = arith.constant 1 : i32
        %add3A_132 = arith.addi %add3A_86, %add3A_131 : i32
        %mul3A_133 = arith.constant 128 : i32
        %mul3A_134 = arith.muli %add3A_132, %mul3A_133 : i32
        %add3A_135 = arith.addi %mul3A_2, %mul3A_134 : i32
        %dma_start3A_136 = arith.constant 1 : i32
        %dma_start3A_137 = tpu.memref_slice %arg4[%dma_start3A_136, %add3A_135] : memref<2x163840xi32, #tpu.memory_space<hbm>> -> memref<1x128xi32, #tpu.memory_space<hbm>>
        %dma_start3A_138 = tpu.memref_squeeze %dma_start3A_137 : memref<1x128xi32, #tpu.memory_space<hbm>> -> memref<128xi32, #tpu.memory_space<hbm>>
        %dma_start3A_139 = tpu.memref_slice %arg4[%dma_start3A_136, %add3A_135] : memref<2x163840xi32, #tpu.memory_space<hbm>> -> memref<1x128xi32, #tpu.memory_space<hbm>>
        %dma_start3A_140 = tpu.memref_squeeze %dma_start3A_139 : memref<1x128xi32, #tpu.memory_space<hbm>> -> memref<128xi32, #tpu.memory_space<hbm>>
        tpu.enqueue_dma source(%dma_start3A_140 : memref<128xi32, #tpu.memory_space<hbm>>) target(%arg9 : memref<128xi32, #tpu.memory_space<vmem>>) target_semaphore(%arg20 : memref<!tpu.dma_semaphore, #tpu.memory_space<semaphore_mem>>)
        %mul3A_141 = arith.constant 128 : i32
        %mul3A_142 = arith.muli %add3A_132, %mul3A_141 : i32
        %add3A_143 = arith.addi %mul3A_2, %mul3A_142 : i32
        %dma_start3A_144 = arith.constant 0 : i32
        %dma_start3A_145 = tpu.memref_slice %arg3[%add3A_143, %dma_start3A_144] : memref<163840x16xf32, #tpu.memory_space<hbm>> -> memref<128x16xf32, #tpu.memory_space<hbm>>
        %dma_start3A_146 = arith.constant 0 : i32
        %dma_start3A_147 = tpu.memref_slice %arg3[%add3A_143, %dma_start3A_146] : memref<163840x16xf32, #tpu.memory_space<hbm>> -> memref<128x16xf32, #tpu.memory_space<hbm>>
        tpu.enqueue_dma source(%dma_start3A_147 : memref<128x16xf32, #tpu.memory_space<hbm>>) target(%arg11 : memref<128x16xf32, #tpu.memory_space<vmem>>) target_semaphore(%arg22 : memref<!tpu.dma_semaphore, #tpu.memory_space<semaphore_mem>>)
      } else {
      }
      %dma_wait3A_104 = arith.constant 0 : i32
      %dma_wait3A_105 = tpu.memref_slice %arg3[%mul3A_2, %dma_wait3A_104] : memref<163840x16xf32, #tpu.memory_space<hbm>> -> memref<128x16xf32, #tpu.memory_space<hbm>>
      %dma_wait3A_106 = arith.constant 0 : i32
      %dma_wait3A_107 = tpu.memref_slice %arg3[%mul3A_2, %dma_wait3A_106] : memref<163840x16xf32, #tpu.memory_space<hbm>> -> memref<128x16xf32, #tpu.memory_space<hbm>>
      tpu.wait_dma2 semaphore(%arg23 : memref<!tpu.dma_semaphore, #tpu.memory_space<semaphore_mem>>) src(%dma_wait3A_107 : memref<128x16xf32, #tpu.memory_space<hbm>>) dst(%arg12 : memref<128x16xf32, #tpu.memory_space<vmem>>)
      %parallel_loop3A_108 = arith.constant 0 : i32
      %parallel_loop3A_109 = arith.constant 128 : i32
      %parallel_loop3A_110 = arith.constant 1 : i32
      scf.for %parallel_loop3A_119 = %parallel_loop3A_108 to %parallel_loop3A_109 step %parallel_loop3A_110  : i32 {
        %parallel_loop3A_120 = arith.index_cast %parallel_loop3A_119 : i32 to index
        %parallel_loop3A_121 = arith.constant 0 : index
        %parallel_loop3A_122 = tpu.vector_load %arg12[%parallel_loop3A_120, %parallel_loop3A_121] {strides = array<i32>} : memref<128x16xf32, #tpu.memory_space<vmem>>, vector<1x16xf32>,
        %parallel_loop3A_123 = vector.shape_cast %parallel_loop3A_122 : vector<1x16xf32> to vector<16xf32>
        %parallel_loop3A_124 = vector.extract_strided_slice %parallel_loop3A_123 {offsets = [0], sizes = [1], strides = [1]} : vector<16xf32> to vector<1xf32>
        %parallel_loop3A_125 = vector.extract %parallel_loop3A_124[0] : f32 from vector<1xf32>
        %parallel_loop3A_126 = vector.broadcast %parallel_loop3A_125 : f32 to vector<16xf32>
        %parallel_loop3A_127 = arith.index_cast %parallel_loop3A_119 : i32 to index
        %parallel_loop3A_128 = arith.constant 0 : index
        %parallel_loop3A_129 = tpu.vector_load %arg14[%parallel_loop3A_127, %parallel_loop3A_128] {strides = array<i32>} : memref<128x272xf32, #tpu.memory_space<vmem>>, vector<1x16xf32>,
        %parallel_loop3A_130 = vector.shape_cast %parallel_loop3A_129 : vector<1x16xf32> to vector<16xf32>
        %parallel_loop3A_131 = arith.mulf %parallel_loop3A_126, %parallel_loop3A_130 : vector<16xf32>
        %parallel_loop3A_132 = vector.extract_strided_slice %parallel_loop3A_123 {offsets = [1], sizes = [1], strides = [1]} : vector<16xf32> to vector<1xf32>
        %parallel_loop3A_133 = vector.extract %parallel_loop3A_132[0] : f32 from vector<1xf32>
        %parallel_loop3A_134 = vector.broadcast %parallel_loop3A_133 : f32 to vector<16xf32>
        %parallel_loop3A_135 = arith.index_cast %parallel_loop3A_119 : i32 to index
        %parallel_loop3A_136 = arith.constant 16 : index
        %parallel_loop3A_137 = tpu.vector_load %arg14[%parallel_loop3A_135, %parallel_loop3A_136] {strides = array<i32>} : memref<128x272xf32, #tpu.memory_space<vmem>>, vector<1x16xf32>,
        %parallel_loop3A_138 = vector.shape_cast %parallel_loop3A_137 : vector<1x16xf32> to vector<16xf32>
        %parallel_loop3A_139 = arith.mulf %parallel_loop3A_134, %parallel_loop3A_138 : vector<16xf32>
        %parallel_loop3A_140 = arith.addf %parallel_loop3A_131, %parallel_loop3A_139 : vector<16xf32>
        %parallel_loop3A_141 = vector.extract_strided_slice %parallel_loop3A_123 {offsets = [2], sizes = [1], strides = [1]} : vector<16xf32> to vector<1xf32>
        %parallel_loop3A_142 = vector.extract %parallel_loop3A_141[0] : f32 from vector<1xf32>
        %parallel_loop3A_143 = vector.broadcast %parallel_loop3A_142 : f32 to vector<16xf32>
        %parallel_loop3A_144 = arith.index_cast %parallel_loop3A_119 : i32 to index
        %parallel_loop3A_145 = arith.constant 32 : index
        %parallel_loop3A_146 = tpu.vector_load %arg14[%parallel_loop3A_144, %parallel_loop3A_145] {strides = array<i32>} : memref<128x272xf32, #tpu.memory_space<vmem>>, vector<1x16xf32>,
        %parallel_loop3A_147 = vector.shape_cast %parallel_loop3A_146 : vector<1x16xf32> to vector<16xf32>
        %parallel_loop3A_148 = arith.mulf %parallel_loop3A_143, %parallel_loop3A_147 : vector<16xf32>
        %parallel_loop3A_149 = arith.addf %parallel_loop3A_140, %parallel_loop3A_148 : vector<16xf32>
        %parallel_loop3A_150 = vector.extract_strided_slice %parallel_loop3A_123 {offsets = [3], sizes = [1], strides = [1]} : vector<16xf32> to vector<1xf32>
        %parallel_loop3A_151 = vector.extract %parallel_loop3A_150[0] : f32 from vector<1xf32>
        %parallel_loop3A_152 = vector.broadcast %parallel_loop3A_151 : f32 to vector<16xf32>
        %parallel_loop3A_153 = arith.index_cast %parallel_loop3A_119 : i32 to index
        %parallel_loop3A_154 = arith.constant 48 : index
        %parallel_loop3A_155 = tpu.vector_load %arg14[%parallel_loop3A_153, %parallel_loop3A_154] {strides = array<i32>} : memref<128x272xf32, #tpu.memory_space<vmem>>, vector<1x16xf32>,
        %parallel_loop3A_156 = vector.shape_cast %parallel_loop3A_155 : vector<1x16xf32> to vector<16xf32>
        %parallel_loop3A_157 = arith.mulf %parallel_loop3A_152, %parallel_loop3A_156 : vector<16xf32>
        %parallel_loop3A_158 = arith.addf %parallel_loop3A_149, %parallel_loop3A_157 : vector<16xf32>
        %parallel_loop3A_159 = vector.extract_strided_slice %parallel_loop3A_123 {offsets = [4], sizes = [1], strides = [1]} : vector<16xf32> to vector<1xf32>
        %parallel_loop3A_160 = vector.extract %parallel_loop3A_159[0] : f32 from vector<1xf32>
        %parallel_loop3A_161 = vector.broadcast %parallel_loop3A_160 : f32 to vector<16xf32>
        %parallel_loop3A_162 = arith.index_cast %parallel_loop3A_119 : i32 to index
        %parallel_loop3A_163 = arith.constant 64 : index
        %parallel_loop3A_164 = tpu.vector_load %arg14[%parallel_loop3A_162, %parallel_loop3A_163] {strides = array<i32>} : memref<128x272xf32, #tpu.memory_space<vmem>>, vector<1x16xf32>,
        %parallel_loop3A_165 = vector.shape_cast %parallel_loop3A_164 : vector<1x16xf32> to vector<16xf32>
        %parallel_loop3A_166 = arith.mulf %parallel_loop3A_161, %parallel_loop3A_165 : vector<16xf32>
        %parallel_loop3A_167 = arith.addf %parallel_loop3A_158, %parallel_loop3A_166 : vector<16xf32>
        %parallel_loop3A_168 = vector.extract_strided_slice %parallel_loop3A_123 {offsets = [5], sizes = [1], strides = [1]} : vector<16xf32> to vector<1xf32>
        %parallel_loop3A_169 = vector.extract %parallel_loop3A_168[0] : f32 from vector<1xf32>
        %parallel_loop3A_170 = vector.broadcast %parallel_loop3A_169 : f32 to vector<16xf32>
        %parallel_loop3A_171 = arith.index_cast %parallel_loop3A_119 : i32 to index
        %parallel_loop3A_172 = arith.constant 80 : index
        %parallel_loop3A_173 = tpu.vector_load %arg14[%parallel_loop3A_171, %parallel_loop3A_172] {strides = array<i32>} : memref<128x272xf32, #tpu.memory_space<vmem>>, vector<1x16xf32>,
        %parallel_loop3A_174 = vector.shape_cast %parallel_loop3A_173 : vector<1x16xf32> to vector<16xf32>
        %parallel_loop3A_175 = arith.mulf %parallel_loop3A_170, %parallel_loop3A_174 : vector<16xf32>
        %parallel_loop3A_176 = arith.addf %parallel_loop3A_167, %parallel_loop3A_175 : vector<16xf32>
        %parallel_loop3A_177 = vector.extract_strided_slice %parallel_loop3A_123 {offsets = [6], sizes = [1], strides = [1]} : vector<16xf32> to vector<1xf32>
        %parallel_loop3A_178 = vector.extract %parallel_loop3A_177[0] : f32 from vector<1xf32>
        %parallel_loop3A_179 = vector.broadcast %parallel_loop3A_178 : f32 to vector<16xf32>
        %parallel_loop3A_180 = arith.index_cast %parallel_loop3A_119 : i32 to index
        %parallel_loop3A_181 = arith.constant 96 : index
        %parallel_loop3A_182 = tpu.vector_load %arg14[%parallel_loop3A_180, %parallel_loop3A_181] {strides = array<i32>} : memref<128x272xf32, #tpu.memory_space<vmem>>, vector<1x16xf32>,
        %parallel_loop3A_183 = vector.shape_cast %parallel_loop3A_182 : vector<1x16xf32> to vector<16xf32>
        %parallel_loop3A_184 = arith.mulf %parallel_loop3A_179, %parallel_loop3A_183 : vector<16xf32>
        %parallel_loop3A_185 = arith.addf %parallel_loop3A_176, %parallel_loop3A_184 : vector<16xf32>
        %parallel_loop3A_186 = vector.extract_strided_slice %parallel_loop3A_123 {offsets = [7], sizes = [1], strides = [1]} : vector<16xf32> to vector<1xf32>
        %parallel_loop3A_187 = vector.extract %parallel_loop3A_186[0] : f32 from vector<1xf32>
        %parallel_loop3A_188 = vector.broadcast %parallel_loop3A_187 : f32 to vector<16xf32>
        %parallel_loop3A_189 = arith.index_cast %parallel_loop3A_119 : i32 to index
        %parallel_loop3A_190 = arith.constant 112 : index
        %parallel_loop3A_191 = tpu.vector_load %arg14[%parallel_loop3A_189, %parallel_loop3A_190] {strides = array<i32>} : memref<128x272xf32, #tpu.memory_space<vmem>>, vector<1x16xf32>,
        %parallel_loop3A_192 = vector.shape_cast %parallel_loop3A_191 : vector<1x16xf32> to vector<16xf32>
        %parallel_loop3A_193 = arith.mulf %parallel_loop3A_188, %parallel_loop3A_192 : vector<16xf32>
        %parallel_loop3A_194 = arith.addf %parallel_loop3A_185, %parallel_loop3A_193 : vector<16xf32>
        %parallel_loop3A_195 = vector.extract_strided_slice %parallel_loop3A_123 {offsets = [8], sizes = [1], strides = [1]} : vector<16xf32> to vector<1xf32>
        %parallel_loop3A_196 = vector.extract %parallel_loop3A_195[0] : f32 from vector<1xf32>
        %parallel_loop3A_197 = vector.broadcast %parallel_loop3A_196 : f32 to vector<16xf32>
        %parallel_loop3A_198 = arith.index_cast %parallel_loop3A_119 : i32 to index
        %parallel_loop3A_199 = arith.constant 128 : index
        %parallel_loop3A_200 = tpu.vector_load %arg14[%parallel_loop3A_198, %parallel_loop3A_199] {strides = array<i32>} : memref<128x272xf32, #tpu.memory_space<vmem>>, vector<1x16xf32>,
        %parallel_loop3A_201 = vector.shape_cast %parallel_loop3A_200 : vector<1x16xf32> to vector<16xf32>
        %parallel_loop3A_202 = arith.mulf %parallel_loop3A_197, %parallel_loop3A_201 : vector<16xf32>
        %parallel_loop3A_203 = arith.addf %parallel_loop3A_194, %parallel_loop3A_202 : vector<16xf32>
        %parallel_loop3A_204 = vector.extract_strided_slice %parallel_loop3A_123 {offsets = [9], sizes = [1], strides = [1]} : vector<16xf32> to vector<1xf32>
        %parallel_loop3A_205 = vector.extract %parallel_loop3A_204[0] : f32 from vector<1xf32>
        %parallel_loop3A_206 = vector.broadcast %parallel_loop3A_205 : f32 to vector<16xf32>
        %parallel_loop3A_207 = arith.index_cast %parallel_loop3A_119 : i32 to index
        %parallel_loop3A_208 = arith.constant 144 : index
        %parallel_loop3A_209 = tpu.vector_load %arg14[%parallel_loop3A_207, %parallel_loop3A_208] {strides = array<i32>} : memref<128x272xf32, #tpu.memory_space<vmem>>, vector<1x16xf32>,
        %parallel_loop3A_210 = vector.shape_cast %parallel_loop3A_209 : vector<1x16xf32> to vector<16xf32>
        %parallel_loop3A_211 = arith.mulf %parallel_loop3A_206, %parallel_loop3A_210 : vector<16xf32>
        %parallel_loop3A_212 = arith.addf %parallel_loop3A_203, %parallel_loop3A_211 : vector<16xf32>
        %parallel_loop3A_213 = vector.extract_strided_slice %parallel_loop3A_123 {offsets = [10], sizes = [1], strides = [1]} : vector<16xf32> to vector<1xf32>
        %parallel_loop3A_214 = vector.extract %parallel_loop3A_213[0] : f32 from vector<1xf32>
        %parallel_loop3A_215 = vector.broadcast %parallel_loop3A_214 : f32 to vector<16xf32>
        %parallel_loop3A_216 = arith.index_cast %parallel_loop3A_119 : i32 to index
        %parallel_loop3A_217 = arith.constant 160 : index
        %parallel_loop3A_218 = tpu.vector_load %arg14[%parallel_loop3A_216, %parallel_loop3A_217] {strides = array<i32>} : memref<128x272xf32, #tpu.memory_space<vmem>>, vector<1x16xf32>,
        %parallel_loop3A_219 = vector.shape_cast %parallel_loop3A_218 : vector<1x16xf32> to vector<16xf32>
        %parallel_loop3A_220 = arith.mulf %parallel_loop3A_215, %parallel_loop3A_219 : vector<16xf32>
        %parallel_loop3A_221 = arith.addf %parallel_loop3A_212, %parallel_loop3A_220 : vector<16xf32>
        %parallel_loop3A_222 = vector.extract_strided_slice %parallel_loop3A_123 {offsets = [11], sizes = [1], strides = [1]} : vector<16xf32> to vector<1xf32>
        %parallel_loop3A_223 = vector.extract %parallel_loop3A_222[0] : f32 from vector<1xf32>
        %parallel_loop3A_224 = vector.broadcast %parallel_loop3A_223 : f32 to vector<16xf32>
        %parallel_loop3A_225 = arith.index_cast %parallel_loop3A_119 : i32 to index
        %parallel_loop3A_226 = arith.constant 176 : index
        %parallel_loop3A_227 = tpu.vector_load %arg14[%parallel_loop3A_225, %parallel_loop3A_226] {strides = array<i32>} : memref<128x272xf32, #tpu.memory_space<vmem>>, vector<1x16xf32>,
        %parallel_loop3A_228 = vector.shape_cast %parallel_loop3A_227 : vector<1x16xf32> to vector<16xf32>
        %parallel_loop3A_229 = arith.mulf %parallel_loop3A_224, %parallel_loop3A_228 : vector<16xf32>
        %parallel_loop3A_230 = arith.addf %parallel_loop3A_221, %parallel_loop3A_229 : vector<16xf32>
        %parallel_loop3A_231 = vector.extract_strided_slice %parallel_loop3A_123 {offsets = [12], sizes = [1], strides = [1]} : vector<16xf32> to vector<1xf32>
        %parallel_loop3A_232 = vector.extract %parallel_loop3A_231[0] : f32 from vector<1xf32>
        %parallel_loop3A_233 = vector.broadcast %parallel_loop3A_232 : f32 to vector<16xf32>
        %parallel_loop3A_234 = arith.index_cast %parallel_loop3A_119 : i32 to index
        %parallel_loop3A_235 = arith.constant 192 : index
        %parallel_loop3A_236 = tpu.vector_load %arg14[%parallel_loop3A_234, %parallel_loop3A_235] {strides = array<i32>} : memref<128x272xf32, #tpu.memory_space<vmem>>, vector<1x16xf32>,
        %parallel_loop3A_237 = vector.shape_cast %parallel_loop3A_236 : vector<1x16xf32> to vector<16xf32>
        %parallel_loop3A_238 = arith.mulf %parallel_loop3A_233, %parallel_loop3A_237 : vector<16xf32>
        %parallel_loop3A_239 = arith.addf %parallel_loop3A_230, %parallel_loop3A_238 : vector<16xf32>
        %parallel_loop3A_240 = vector.extract_strided_slice %parallel_loop3A_123 {offsets = [13], sizes = [1], strides = [1]} : vector<16xf32> to vector<1xf32>
        %parallel_loop3A_241 = vector.extract %parallel_loop3A_240[0] : f32 from vector<1xf32>
        %parallel_loop3A_242 = vector.broadcast %parallel_loop3A_241 : f32 to vector<16xf32>
        %parallel_loop3A_243 = arith.index_cast %parallel_loop3A_119 : i32 to index
        %parallel_loop3A_244 = arith.constant 208 : index
        %parallel_loop3A_245 = tpu.vector_load %arg14[%parallel_loop3A_243, %parallel_loop3A_244] {strides = array<i32>} : memref<128x272xf32, #tpu.memory_space<vmem>>, vector<1x16xf32>,
        %parallel_loop3A_246 = vector.shape_cast %parallel_loop3A_245 : vector<1x16xf32> to vector<16xf32>
        %parallel_loop3A_247 = arith.mulf %parallel_loop3A_242, %parallel_loop3A_246 : vector<16xf32>
        %parallel_loop3A_248 = arith.addf %parallel_loop3A_239, %parallel_loop3A_247 : vector<16xf32>
        %parallel_loop3A_249 = vector.extract_strided_slice %parallel_loop3A_123 {offsets = [14], sizes = [1], strides = [1]} : vector<16xf32> to vector<1xf32>
        %parallel_loop3A_250 = vector.extract %parallel_loop3A_249[0] : f32 from vector<1xf32>
        %parallel_loop3A_251 = vector.broadcast %parallel_loop3A_250 : f32 to vector<16xf32>
        %parallel_loop3A_252 = arith.index_cast %parallel_loop3A_119 : i32 to index
        %parallel_loop3A_253 = arith.constant 224 : index
        %parallel_loop3A_254 = tpu.vector_load %arg14[%parallel_loop3A_252, %parallel_loop3A_253] {strides = array<i32>} : memref<128x272xf32, #tpu.memory_space<vmem>>, vector<1x16xf32>,
        %parallel_loop3A_255 = vector.shape_cast %parallel_loop3A_254 : vector<1x16xf32> to vector<16xf32>
        %parallel_loop3A_256 = arith.mulf %parallel_loop3A_251, %parallel_loop3A_255 : vector<16xf32>
        %parallel_loop3A_257 = arith.addf %parallel_loop3A_248, %parallel_loop3A_256 : vector<16xf32>
        %parallel_loop3A_258 = vector.extract_strided_slice %parallel_loop3A_123 {offsets = [15], sizes = [1], strides = [1]} : vector<16xf32> to vector<1xf32>
        %parallel_loop3A_259 = vector.extract %parallel_loop3A_258[0] : f32 from vector<1xf32>
        %parallel_loop3A_260 = vector.broadcast %parallel_loop3A_259 : f32 to vector<16xf32>
        %parallel_loop3A_261 = arith.index_cast %parallel_loop3A_119 : i32 to index
        %parallel_loop3A_262 = arith.constant 240 : index
        %parallel_loop3A_263 = tpu.vector_load %arg14[%parallel_loop3A_261, %parallel_loop3A_262] {strides = array<i32>} : memref<128x272xf32, #tpu.memory_space<vmem>>, vector<1x16xf32>,
        %parallel_loop3A_264 = vector.shape_cast %parallel_loop3A_263 : vector<1x16xf32> to vector<16xf32>
        %parallel_loop3A_265 = arith.mulf %parallel_loop3A_260, %parallel_loop3A_264 : vector<16xf32>
        %parallel_loop3A_266 = arith.addf %parallel_loop3A_257, %parallel_loop3A_265 : vector<16xf32>
        %parallel_loop3A_267 = arith.index_cast %parallel_loop3A_119 : i32 to index
        %parallel_loop3A_268 = arith.constant 256 : index
        %parallel_loop3A_269 = tpu.vector_load %arg14[%parallel_loop3A_267, %parallel_loop3A_268] {strides = array<i32>} : memref<128x272xf32, #tpu.memory_space<vmem>>, vector<1x16xf32>,
        %parallel_loop3A_270 = vector.shape_cast %parallel_loop3A_269 : vector<1x16xf32> to vector<16xf32>
        %parallel_loop3A_271 = arith.addf %parallel_loop3A_266, %parallel_loop3A_270 : vector<16xf32>
        %parallel_loop3A_272 = arith.index_cast %parallel_loop3A_119 : i32 to index
        %parallel_loop3A_273 = arith.constant 0 : index
        %parallel_loop3A_274 = tpu.vector_load %arg16[%parallel_loop3A_272, %parallel_loop3A_273] {strides = array<i32>} : memref<128x16xf32, #tpu.memory_space<vmem>>, vector<1x16xf32>,
        %parallel_loop3A_275 = vector.shape_cast %parallel_loop3A_274 : vector<1x16xf32> to vector<16xf32>
        %parallel_loop3A_276 = vector.shape_cast %parallel_loop3A_271 : vector<16xf32> to vector<1x16xf32>
        tpu.vector_store %arg16[%parallel_loop3A_272, %parallel_loop3A_273], %parallel_loop3A_276 {strides = array<i32>} : memref<128x16xf32, #tpu.memory_space<vmem>>, vector<1x16xf32>,
      } {sc.loop_unroll_factor = 4 : i64, sc.parallel_access}
      %dma_wait3A_111 = arith.constant 1 : i32
      %dma_wait3A_112 = tpu.memref_slice %arg4[%dma_wait3A_111, %mul3A_2] : memref<2x163840xi32, #tpu.memory_space<hbm>> -> memref<1x128xi32, #tpu.memory_space<hbm>>
      %dma_wait3A_113 = tpu.memref_squeeze %dma_wait3A_112 : memref<1x128xi32, #tpu.memory_space<hbm>> -> memref<128xi32, #tpu.memory_space<hbm>>
      %dma_wait3A_114 = tpu.memref_slice %arg4[%dma_wait3A_111, %mul3A_2] : memref<2x163840xi32, #tpu.memory_space<hbm>> -> memref<1x128xi32, #tpu.memory_space<hbm>>
      %dma_wait3A_115 = tpu.memref_squeeze %dma_wait3A_114 : memref<1x128xi32, #tpu.memory_space<hbm>> -> memref<128xi32, #tpu.memory_space<hbm>>
      tpu.wait_dma2 semaphore(%arg21 : memref<!tpu.dma_semaphore, #tpu.memory_space<semaphore_mem>>) src(%dma_wait3A_115 : memref<128xi32, #tpu.memory_space<hbm>>) dst(%arg10 : memref<128xi32, #tpu.memory_space<vmem>>)
      %dma_start3A_116 = arith.constant 0 : i32
      %dma_start3A_117 = arith.constant 0 : i32
      %dma_start3A_118 = tpu.memref_slice %arg17[%dma_start3A_116, %dma_start3A_117] : memref<10112x16xf32, #tpu.memory_space<vmem_shared>> -> memref<10112x16xf32, #tpu.memory_space<vmem_shared>>
      tpu.enqueue_indirect_dma source(%arg16 : memref<128x16xf32, #tpu.memory_space<vmem>>) target(%dma_start3A_118 : memref<10112x16xf32, #tpu.memory_space<vmem_shared>>) offsets(%arg10 : memref<128xi32, #tpu.memory_space<vmem>>) semaphore(%arg27 : memref<!tpu.dma_semaphore, #tpu.memory_space<semaphore_mem>>) {add = true}
    }
    %scan3A_42 = arith.constant 20 : i32
    %dma_wait3A_43 = arith.constant 0 : i32
    %dma_wait3A_44 = arith.constant 0 : i32
    %dma_wait3A_45 = tpu.memref_slice %arg17[%dma_wait3A_43, %dma_wait3A_44] : memref<10112x16xf32, #tpu.memory_space<vmem_shared>> -> memref<10112x16xf32, #tpu.memory_space<vmem_shared>>
    tpu.wait_indirect_dma semaphore(%arg26 : memref<!tpu.dma_semaphore, #tpu.memory_space<semaphore_mem>>) src(%arg15 : memref<128x16xf32, #tpu.memory_space<vmem>>) dst(%dma_wait3A_45 : memref<10112x16xf32, #tpu.memory_space<vmem_shared>>)
    %dma_wait3A_46 = arith.constant 0 : i32
    %dma_wait3A_47 = arith.constant 0 : i32
    %dma_wait3A_48 = tpu.memref_slice %arg17[%dma_wait3A_46, %dma_wait3A_47] : memref<10112x16xf32, #tpu.memory_space<vmem_shared>> -> memref<10112x16xf32, #tpu.memory_space<vmem_shared>>
    tpu.wait_indirect_dma semaphore(%arg27 : memref<!tpu.dma_semaphore, #tpu.memory_space<semaphore_mem>>) src(%arg16 : memref<128x16xf32, #tpu.memory_space<vmem>>) dst(%dma_wait3A_48 : memref<10112x16xf32, #tpu.memory_space<vmem_shared>>)
    %barrier3A_49 = arith.constant 0 : index
    tpu.barrier barrier_id(%barrier3A_49)
    "tpu.region"() ({
      %run_scoped3A = tpu.sem_alloc : memref<!tpu.dma_semaphore, #tpu.memory_space<semaphore_mem>>
      %dma_start3A_50 = arith.constant 0 : i32
      %dma_start3A_51 = tpu.memref_slice %arg6[%arg0, %mul3A_4, %dma_start3A_50] : memref<2x10112x16xf32, #tpu.memory_space<hbm>> -> memref<1x632x16xf32, #tpu.memory_space<hbm>>
      %dma_start3A_52 = tpu.memref_squeeze %dma_start3A_51 : memref<1x632x16xf32, #tpu.memory_space<hbm>> -> memref<632x16xf32, #tpu.memory_space<hbm>>
      %dma_start3A_53 = arith.constant 0 : i32
      %dma_start3A_54 = tpu.memref_slice %arg17[%mul3A_4, %dma_start3A_53] : memref<10112x16xf32, #tpu.memory_space<vmem_shared>> -> memref<632x16xf32, #tpu.memory_space<vmem_shared>>
      tpu.enqueue_dma source(%dma_start3A_54 : memref<632x16xf32, #tpu.memory_space<vmem_shared>>) target(%dma_start3A_52 : memref<632x16xf32, #tpu.memory_space<hbm>>) target_semaphore(%run_scoped3A : memref<!tpu.dma_semaphore, #tpu.memory_space<semaphore_mem>>)
      %dma_wait3A_55 = arith.constant 0 : i32
      %dma_wait3A_56 = tpu.memref_slice %arg6[%arg0, %mul3A_4, %dma_wait3A_55] : memref<2x10112x16xf32, #tpu.memory_space<hbm>> -> memref<1x632x16xf32, #tpu.memory_space<hbm>>
      %dma_wait3A_57 = tpu.memref_squeeze %dma_wait3A_56 : memref<1x632x16xf32, #tpu.memory_space<hbm>> -> memref<632x16xf32, #tpu.memory_space<hbm>>
      %dma_wait3A_58 = arith.constant 0 : i32
      %dma_wait3A_59 = tpu.memref_slice %arg17[%mul3A_4, %dma_wait3A_58] : memref<10112x16xf32, #tpu.memory_space<vmem_shared>> -> memref<632x16xf32, #tpu.memory_space<vmem_shared>>
      tpu.wait_dma2 semaphore(%run_scoped3A : memref<!tpu.dma_semaphore, #tpu.memory_space<semaphore_mem>>) src(%dma_wait3A_59 : memref<632x16xf32, #tpu.memory_space<vmem_shared>>) dst(%dma_wait3A_57 : memref<632x16xf32, #tpu.memory_space<hbm>>)
      tpu.yield
    }) : () -> ()
    return
  }
}

module attributes {stable_mosaic.version = 14 : i64} {
  func.func @_h_body(%arg0: i32, %arg1: memref<2048x16xf32, #tpu.memory_space<vmem>>, %arg2: memref<16x48xf32, #tpu.memory_space<vmem>>, %arg3: memref<1x48xf32, #tpu.memory_space<vmem>>, %arg4: memref<2048x16xf32, #tpu.memory_space<vmem>>, %arg5: memref<2048x16xf32, #tpu.memory_space<vmem>>, %arg6: memref<2048x16xf32, #tpu.memory_space<vmem>>) attributes {dimension_semantics = [#tpu.dimension_semantics<arbitrary>], iteration_bounds = array<i64: 80>, scalar_prefetch = 0 : i64, scratch_operands = 0 : i64, tpu.core_type = #tpu.core_type<tc>, window_params = [{transform_indices = @transform_0, window_bounds = array<i64: 2048, 16>}, {pipeline_mode = #tpu.pipeline_mode<synchronous>, transform_indices = @transform_1, window_bounds = array<i64: 16, 48>}, {pipeline_mode = #tpu.pipeline_mode<synchronous>, transform_indices = @transform_2, window_bounds = array<i64: 1, 48>}, {transform_indices = @transform_3, window_bounds = array<i64: 2048, 16>}, {transform_indices = @transform_4, window_bounds = array<i64: 2048, 16>}, {transform_indices = @transform_5, window_bounds = array<i64: 2048, 16>}]} {
    %get3A = arith.constant 0 : index
    %get3A_0 = arith.constant 0 : index
    %get3A_1 = vector.load %arg1[%get3A, %get3A_0] : memref<2048x16xf32, #tpu.memory_space<vmem>>, vector<2048x16xf32>
    %get3A_2 = arith.constant 0 : index
    %get3A_3 = arith.constant 0 : index
    %get3A_4 = vector.load %arg2[%get3A_2, %get3A_3] : memref<16x48xf32, #tpu.memory_space<vmem>>, vector<16x48xf32>
    %dot_general3A = arith.constant dense<0.000000e+00> : vector<2048x48xf32>
    %dot_general3A_5 = tpu.matmul %get3A_1, %get3A_4, %dot_general3A {dimension_numbers = #tpu.dot_dimension_numbers<[1], [0], [0], [1], [0, 0, 1, 1], [], []>, transpose_lhs_hint = false} : vector<2048x16xf32>, vector<16x48xf32>, vector<2048x48xf32> -> vector<2048x48xf32>
    %get3A_6 = arith.constant 0 : index
    %get3A_7 = arith.constant 0 : index
    %get3A_8 = vector.load %arg3[%get3A_6, %get3A_7] : memref<1x48xf32, #tpu.memory_space<vmem>>, vector<1x48xf32>
    %add3A = vector.broadcast %get3A_8 : vector<1x48xf32> to vector<2048x48xf32>
    %add3A_9 = arith.addf %dot_general3A_5, %add3A : vector<2048x48xf32>
    %max3A = arith.constant 0.000000e+00 : f32
    %max3A_10 = vector.broadcast %max3A : f32 to vector<2048x48xf32>
    %max3A_11 = arith.maximumf %add3A_9, %max3A_10 : vector<2048x48xf32>
    %slice3A = vector.extract_strided_slice %max3A_11 {offsets = [0, 0], sizes = [2048, 16], strides = [1, 1]} : vector<2048x48xf32> to vector<2048x16xf32>
    %swap3A = arith.constant 0 : index
    %swap3A_12 = arith.constant 0 : index
    %swap3A_13 = vector.load %arg4[%swap3A, %swap3A_12] : memref<2048x16xf32, #tpu.memory_space<vmem>>, vector<2048x16xf32>
    tpu.vector_store %arg4[%swap3A, %swap3A_12], %slice3A {strides = array<i32>} : memref<2048x16xf32, #tpu.memory_space<vmem>>, vector<2048x16xf32>,
    %slice3A_14 = vector.extract_strided_slice %max3A_11 {offsets = [0, 16], sizes = [2048, 16], strides = [1, 1]} : vector<2048x48xf32> to vector<2048x16xf32>
    %swap3A_15 = arith.constant 0 : index
    %swap3A_16 = arith.constant 0 : index
    %swap3A_17 = vector.load %arg5[%swap3A_15, %swap3A_16] : memref<2048x16xf32, #tpu.memory_space<vmem>>, vector<2048x16xf32>
    tpu.vector_store %arg5[%swap3A_15, %swap3A_16], %slice3A_14 {strides = array<i32>} : memref<2048x16xf32, #tpu.memory_space<vmem>>, vector<2048x16xf32>,
    %slice3A_18 = vector.extract_strided_slice %max3A_11 {offsets = [0, 32], sizes = [2048, 16], strides = [1, 1]} : vector<2048x48xf32> to vector<2048x16xf32>
    %swap3A_19 = arith.constant 0 : index
    %swap3A_20 = arith.constant 0 : index
    %swap3A_21 = vector.load %arg6[%swap3A_19, %swap3A_20] : memref<2048x16xf32, #tpu.memory_space<vmem>>, vector<2048x16xf32>
    tpu.vector_store %arg6[%swap3A_19, %swap3A_20], %slice3A_18 {strides = array<i32>} : memref<2048x16xf32, #tpu.memory_space<vmem>>, vector<2048x16xf32>,
    return
  }
  func.func @transform_0(%arg0: i32) -> (i32, i32) {
    %c0_i32 = arith.constant 0 : i32
    %c0_i32_0 = arith.constant 0 : i32
    return %arg0, %c0_i32 : i32, i32
  }
  func.func @transform_1(%arg0: i32) -> (i32, i32) {
    %c0_i32 = arith.constant 0 : i32
    %c0_i32_0 = arith.constant 0 : i32
    %c0_i32_1 = arith.constant 0 : i32
    return %c0_i32, %c0_i32_0 : i32, i32
  }
  func.func @transform_2(%arg0: i32) -> (i32, i32) {
    %c0_i32 = arith.constant 0 : i32
    %c0_i32_0 = arith.constant 0 : i32
    %c0_i32_1 = arith.constant 0 : i32
    return %c0_i32, %c0_i32_0 : i32, i32
  }
  func.func @transform_3(%arg0: i32) -> (i32, i32) {
    %c0_i32 = arith.constant 0 : i32
    %c0_i32_0 = arith.constant 0 : i32
    return %arg0, %c0_i32 : i32, i32
  }
  func.func @transform_4(%arg0: i32) -> (i32, i32) {
    %c0_i32 = arith.constant 0 : i32
    %c0_i32_0 = arith.constant 0 : i32
    return %arg0, %c0_i32 : i32, i32
  }
  func.func @transform_5(%arg0: i32) -> (i32, i32) {
    %c0_i32 = arith.constant 0 : i32
    %c0_i32_0 = arith.constant 0 : i32
    return %arg0, %c0_i32 : i32, i32
  }
}

module attributes {stable_mosaic.version = 14 : i64} {
  func.func @_t1_body(%arg0: i32, %arg1: memref<2000x128xf32, #tpu.memory_space<vmem>>, %arg2: memref<128x288xf32, #tpu.memory_space<vmem>>, %arg3: memref<2000x272xf32, #tpu.memory_space<vmem>>, %arg4: memref<2000x16xf32, #tpu.memory_space<vmem>>) attributes {dimension_semantics = [#tpu.dimension_semantics<arbitrary>], iteration_bounds = array<i64: 5>, scalar_prefetch = 0 : i64, scratch_operands = 0 : i64, tpu.core_type = #tpu.core_type<tc>, window_params = [{transform_indices = @transform_0, window_bounds = array<i64: 2000, 128>}, {pipeline_mode = #tpu.pipeline_mode<synchronous>, transform_indices = @transform_1, window_bounds = array<i64: 128, 288>}, {transform_indices = @transform_2, window_bounds = array<i64: 2000, 272>}, {transform_indices = @transform_3, window_bounds = array<i64: 2000, 16>}]} {
    %get3A = arith.constant 0 : index
    %get3A_0 = arith.constant 0 : index
    %get3A_1 = vector.load %arg1[%get3A, %get3A_0] : memref<2000x128xf32, #tpu.memory_space<vmem>>, vector<2000x128xf32>
    %get3A_2 = arith.constant 0 : index
    %get3A_3 = arith.constant 0 : index
    %get3A_4 = vector.load %arg2[%get3A_2, %get3A_3] : memref<128x288xf32, #tpu.memory_space<vmem>>, vector<128x288xf32>
    %dot_general3A = arith.constant dense<0.000000e+00> : vector<2000x288xf32>
    %dot_general3A_5 = tpu.matmul %get3A_1, %get3A_4, %dot_general3A {dimension_numbers = #tpu.dot_dimension_numbers<[1], [0], [0], [1], [0, 0, 1, 1], [], []>, transpose_lhs_hint = false} : vector<2000x128xf32>, vector<128x288xf32>, vector<2000x288xf32> -> vector<2000x288xf32>
    %slice3A = vector.extract_strided_slice %dot_general3A_5 {offsets = [0, 0], sizes = [2000, 272], strides = [1, 1]} : vector<2000x288xf32> to vector<2000x272xf32>
    %swap3A = arith.constant 0 : index
    %swap3A_6 = arith.constant 0 : index
    %swap3A_7 = vector.load %arg3[%swap3A, %swap3A_6] : memref<2000x272xf32, #tpu.memory_space<vmem>>, vector<2000x272xf32>
    tpu.vector_store %arg3[%swap3A, %swap3A_6], %slice3A {strides = array<i32>} : memref<2000x272xf32, #tpu.memory_space<vmem>>, vector<2000x272xf32>,
    %slice3A_8 = vector.extract_strided_slice %dot_general3A_5 {offsets = [0, 272], sizes = [2000, 16], strides = [1, 1]} : vector<2000x288xf32> to vector<2000x16xf32>
    %swap3A_9 = arith.constant 0 : index
    %swap3A_10 = arith.constant 0 : index
    %swap3A_11 = vector.load %arg4[%swap3A_9, %swap3A_10] : memref<2000x16xf32, #tpu.memory_space<vmem>>, vector<2000x16xf32>
    tpu.vector_store %arg4[%swap3A_9, %swap3A_10], %slice3A_8 {strides = array<i32>} : memref<2000x16xf32, #tpu.memory_space<vmem>>, vector<2000x16xf32>,
    return
  }
  func.func @transform_0(%arg0: i32) -> (i32, i32) {
    %c0_i32 = arith.constant 0 : i32
    %c0_i32_0 = arith.constant 0 : i32
    return %arg0, %c0_i32 : i32, i32
  }
  func.func @transform_1(%arg0: i32) -> (i32, i32) {
    %c0_i32 = arith.constant 0 : i32
    %c0_i32_0 = arith.constant 0 : i32
    %c0_i32_1 = arith.constant 0 : i32
    return %c0_i32, %c0_i32_0 : i32, i32
  }
  func.func @transform_2(%arg0: i32) -> (i32, i32) {
    %c0_i32 = arith.constant 0 : i32
    %c0_i32_0 = arith.constant 0 : i32
    return %arg0, %c0_i32 : i32, i32
  }
  func.func @transform_3(%arg0: i32) -> (i32, i32) {
    %c0_i32 = arith.constant 0 : i32
    %c0_i32_0 = arith.constant 0 : i32
    return %arg0, %c0_i32 : i32, i32
  }
}

module attributes {stable_mosaic.version = 14 : i64} {
  func.func @_tn_body(%arg0: i32, %arg1: memref<2000x16xf32, #tpu.memory_space<vmem>>, %arg2: memref<2000x16xf32, #tpu.memory_space<vmem>>, %arg3: memref<2000x16xf32, #tpu.memory_space<vmem>>, %arg4: memref<1x16xf32, #tpu.memory_space<vmem>>, %arg5: memref<16x288xf32, #tpu.memory_space<vmem>>, %arg6: memref<2000x272xf32, #tpu.memory_space<vmem>>, %arg7: memref<2000x16xf32, #tpu.memory_space<vmem>>) attributes {dimension_semantics = [#tpu.dimension_semantics<arbitrary>], iteration_bounds = array<i64: 5>, scalar_prefetch = 0 : i64, scratch_operands = 0 : i64, tpu.core_type = #tpu.core_type<tc>, window_params = [{transform_indices = @transform_0, window_bounds = array<i64: 2000, 16>}, {transform_indices = @transform_1, window_bounds = array<i64: 2000, 16>}, {transform_indices = @transform_2, window_bounds = array<i64: 2000, 16>}, {pipeline_mode = #tpu.pipeline_mode<synchronous>, transform_indices = @transform_3, window_bounds = array<i64: 1, 16>}, {pipeline_mode = #tpu.pipeline_mode<synchronous>, transform_indices = @transform_4, window_bounds = array<i64: 16, 288>}, {transform_indices = @transform_5, window_bounds = array<i64: 2000, 272>}, {transform_indices = @transform_6, window_bounds = array<i64: 2000, 16>}]} {
    %get3A = arith.constant 0 : index
    %get3A_0 = arith.constant 0 : index
    %get3A_1 = vector.load %arg1[%get3A, %get3A_0] : memref<2000x16xf32, #tpu.memory_space<vmem>>, vector<2000x16xf32>
    %get3A_2 = arith.constant 0 : index
    %get3A_3 = arith.constant 0 : index
    %get3A_4 = vector.load %arg2[%get3A_2, %get3A_3] : memref<2000x16xf32, #tpu.memory_space<vmem>>, vector<2000x16xf32>
    %add3A = arith.addf %get3A_1, %get3A_4 : vector<2000x16xf32>
    %get3A_5 = arith.constant 0 : index
    %get3A_6 = arith.constant 0 : index
    %get3A_7 = vector.load %arg3[%get3A_5, %get3A_6] : memref<2000x16xf32, #tpu.memory_space<vmem>>, vector<2000x16xf32>
    %add3A_8 = arith.addf %add3A, %get3A_7 : vector<2000x16xf32>
    %get3A_9 = arith.constant 0 : index
    %get3A_10 = arith.constant 0 : index
    %get3A_11 = vector.load %arg4[%get3A_9, %get3A_10] : memref<1x16xf32, #tpu.memory_space<vmem>>, vector<1x16xf32>
    %add3A_12 = vector.broadcast %get3A_11 : vector<1x16xf32> to vector<2000x16xf32>
    %add3A_13 = arith.addf %add3A_8, %add3A_12 : vector<2000x16xf32>
    %max3A = arith.constant 0.000000e+00 : f32
    %max3A_14 = vector.broadcast %max3A : f32 to vector<2000x16xf32>
    %max3A_15 = arith.maximumf %add3A_13, %max3A_14 : vector<2000x16xf32>
    %get3A_16 = arith.constant 0 : index
    %get3A_17 = arith.constant 0 : index
    %get3A_18 = vector.load %arg5[%get3A_16, %get3A_17] : memref<16x288xf32, #tpu.memory_space<vmem>>, vector<16x288xf32>
    %dot_general3A = arith.constant dense<0.000000e+00> : vector<2000x288xf32>
    %dot_general3A_19 = tpu.matmul %max3A_15, %get3A_18, %dot_general3A {dimension_numbers = #tpu.dot_dimension_numbers<[1], [0], [0], [1], [0, 0, 1, 1], [], []>, transpose_lhs_hint = false} : vector<2000x16xf32>, vector<16x288xf32>, vector<2000x288xf32> -> vector<2000x288xf32>
    %slice3A = vector.extract_strided_slice %dot_general3A_19 {offsets = [0, 0], sizes = [2000, 272], strides = [1, 1]} : vector<2000x288xf32> to vector<2000x272xf32>
    %swap3A = arith.constant 0 : index
    %swap3A_20 = arith.constant 0 : index
    %swap3A_21 = vector.load %arg6[%swap3A, %swap3A_20] : memref<2000x272xf32, #tpu.memory_space<vmem>>, vector<2000x272xf32>
    tpu.vector_store %arg6[%swap3A, %swap3A_20], %slice3A {strides = array<i32>} : memref<2000x272xf32, #tpu.memory_space<vmem>>, vector<2000x272xf32>,
    %slice3A_22 = vector.extract_strided_slice %dot_general3A_19 {offsets = [0, 272], sizes = [2000, 16], strides = [1, 1]} : vector<2000x288xf32> to vector<2000x16xf32>
    %swap3A_23 = arith.constant 0 : index
    %swap3A_24 = arith.constant 0 : index
    %swap3A_25 = vector.load %arg7[%swap3A_23, %swap3A_24] : memref<2000x16xf32, #tpu.memory_space<vmem>>, vector<2000x16xf32>
    tpu.vector_store %arg7[%swap3A_23, %swap3A_24], %slice3A_22 {strides = array<i32>} : memref<2000x16xf32, #tpu.memory_space<vmem>>, vector<2000x16xf32>,
    return
  }
  func.func @transform_0(%arg0: i32) -> (i32, i32) {
    %c0_i32 = arith.constant 0 : i32
    %c0_i32_0 = arith.constant 0 : i32
    return %arg0, %c0_i32 : i32, i32
  }
  func.func @transform_1(%arg0: i32) -> (i32, i32) {
    %c0_i32 = arith.constant 0 : i32
    %c0_i32_0 = arith.constant 0 : i32
    return %arg0, %c0_i32 : i32, i32
  }
  func.func @transform_2(%arg0: i32) -> (i32, i32) {
    %c0_i32 = arith.constant 0 : i32
    %c0_i32_0 = arith.constant 0 : i32
    return %arg0, %c0_i32 : i32, i32
  }
  func.func @transform_3(%arg0: i32) -> (i32, i32) {
    %c0_i32 = arith.constant 0 : i32
    %c0_i32_0 = arith.constant 0 : i32
    %c0_i32_1 = arith.constant 0 : i32
    return %c0_i32, %c0_i32_0 : i32, i32
  }
  func.func @transform_4(%arg0: i32) -> (i32, i32) {
    %c0_i32 = arith.constant 0 : i32
    %c0_i32_0 = arith.constant 0 : i32
    %c0_i32_1 = arith.constant 0 : i32
    return %c0_i32, %c0_i32_0 : i32, i32
  }
  func.func @transform_5(%arg0: i32) -> (i32, i32) {
    %c0_i32 = arith.constant 0 : i32
    %c0_i32_0 = arith.constant 0 : i32
    return %arg0, %c0_i32 : i32, i32
  }
  func.func @transform_6(%arg0: i32) -> (i32, i32) {
    %c0_i32 = arith.constant 0 : i32
    %c0_i32_0 = arith.constant 0 : i32
    return %arg0, %c0_i32 : i32, i32
  }
}

module attributes {stable_mosaic.version = 14 : i64} {
  func.func @_pool_body(%arg0: i32, %arg1: memref<10000x16xf32, #tpu.memory_space<vmem>>, %arg2: memref<10000x16xf32, #tpu.memory_space<vmem>>, %arg3: memref<10000x16xf32, #tpu.memory_space<vmem>>, %arg4: memref<1x16xf32, #tpu.memory_space<vmem>>, %arg5: memref<1x10000xi32, #tpu.memory_space<vmem>>, %arg6: memref<16x16xf32, #tpu.memory_space<vmem>>, %arg7: memref<1x16xf32, #tpu.memory_space<vmem>>, %arg8: memref<16x1xf32, #tpu.memory_space<vmem>>, %arg9: memref<1x1xf32, #tpu.memory_space<vmem>>, %arg10: memref<64x1xf32, #tpu.memory_space<vmem>>) attributes {dimension_semantics = [#tpu.dimension_semantics<arbitrary>], iteration_bounds = array<i64: 1>, scalar_prefetch = 0 : i64, scratch_operands = 0 : i64, tpu.core_type = #tpu.core_type<tc>, window_params = [{transform_indices = @transform_0, window_bounds = array<i64: 10000, 16>}, {transform_indices = @transform_1, window_bounds = array<i64: 10000, 16>}, {pipeline_mode = #tpu.pipeline_mode<synchronous>, transform_indices = @transform_2, window_bounds = array<i64: 10000, 16>}, {pipeline_mode = #tpu.pipeline_mode<synchronous>, transform_indices = @transform_3, window_bounds = array<i64: 1, 16>}, {pipeline_mode = #tpu.pipeline_mode<synchronous>, transform_indices = @transform_4, window_bounds = array<i64: 1, 10000>}, {pipeline_mode = #tpu.pipeline_mode<synchronous>, transform_indices = @transform_5, window_bounds = array<i64: 16, 16>}, {pipeline_mode = #tpu.pipeline_mode<synchronous>, transform_indices = @transform_6, window_bounds = array<i64: 1, 16>}, {pipeline_mode = #tpu.pipeline_mode<synchronous>, transform_indices = @transform_7, window_bounds = array<i64: 16, 1>}, {pipeline_mode = #tpu.pipeline_mode<synchronous>, transform_indices = @transform_8, window_bounds = array<i64: 1, 1>}, {pipeline_mode = #tpu.pipeline_mode<synchronous>, transform_indices = @transform_9, window_bounds = array<i64: 64, 1>}]} {
    %get3A = arith.constant 0 : index
    %get3A_0 = arith.constant 0 : index
    %get3A_1 = vector.load %arg1[%get3A, %get3A_0] : memref<10000x16xf32, #tpu.memory_space<vmem>>, vector<10000x16xf32>
    %get3A_2 = arith.constant 0 : index
    %get3A_3 = arith.constant 0 : index
    %get3A_4 = vector.load %arg2[%get3A_2, %get3A_3] : memref<10000x16xf32, #tpu.memory_space<vmem>>, vector<10000x16xf32>
    %add3A = arith.addf %get3A_1, %get3A_4 : vector<10000x16xf32>
    %get3A_5 = arith.constant 0 : index
    %get3A_6 = arith.constant 0 : index
    %get3A_7 = vector.load %arg3[%get3A_5, %get3A_6] : memref<10000x16xf32, #tpu.memory_space<vmem>>, vector<10000x16xf32>
    %add3A_8 = arith.addf %add3A, %get3A_7 : vector<10000x16xf32>
    %get3A_9 = arith.constant 0 : index
    %get3A_10 = arith.constant 0 : index
    %get3A_11 = vector.load %arg4[%get3A_9, %get3A_10] : memref<1x16xf32, #tpu.memory_space<vmem>>, vector<1x16xf32>
    %add3A_12 = vector.broadcast %get3A_11 : vector<1x16xf32> to vector<10000x16xf32>
    %add3A_13 = arith.addf %add3A_8, %add3A_12 : vector<10000x16xf32>
    %iota3A = tpu.iota {dimensions = array<i32: 0>} : vector<64x10000xi32>
    %get3A_14 = arith.constant 0 : index
    %get3A_15 = arith.constant 0 : index
    %get3A_16 = vector.load %arg5[%get3A_14, %get3A_15] : memref<1x10000xi32, #tpu.memory_space<vmem>>, vector<1x10000xi32>
    %eq3A = vector.broadcast %get3A_16 : vector<1x10000xi32> to vector<64x10000xi32>
    %eq3A_17 = arith.cmpi eq, %iota3A, %eq3A : vector<64x10000xi32>
    %convert_element_type3A = arith.extui %eq3A_17 : vector<64x10000xi1> to vector<64x10000xi32>
    %convert_element_type3A_18 = arith.sitofp %convert_element_type3A : vector<64x10000xi32> to vector<64x10000xf32>
    %dot_general3A = arith.constant dense<0.000000e+00> : vector<64x16xf32>
    %dot_general3A_19 = tpu.matmul %convert_element_type3A_18, %add3A_13, %dot_general3A {dimension_numbers = #tpu.dot_dimension_numbers<[1], [0], [0], [1], [0, 0, 1, 1], [], []>, transpose_lhs_hint = false} : vector<64x10000xf32>, vector<10000x16xf32>, vector<64x16xf32> -> vector<64x16xf32>
    %reduce_sum3A = arith.constant dense<0.000000e+00> : vector<64xf32>
    %reduce_sum3A_20 = vector.multi_reduction <add>, %convert_element_type3A_18, %reduce_sum3A [1] : vector<64x10000xf32> to vector<64xf32>
    %broadcast_in_dim3A = vector.shape_cast %reduce_sum3A_20 : vector<64xf32> to vector<64x1xf32>
    %max3A = arith.constant 1.000000e+00 : f32
    %max3A_21 = vector.broadcast %max3A : f32 to vector<64x1xf32>
    %max3A_22 = arith.maximumf %broadcast_in_dim3A, %max3A_21 : vector<64x1xf32>
    %div3A = vector.broadcast %max3A_22 : vector<64x1xf32> to vector<64x16xf32>
    %div3A_23 = arith.divf %dot_general3A_19, %div3A : vector<64x16xf32>
    %get3A_24 = arith.constant 0 : index
    %get3A_25 = arith.constant 0 : index
    %get3A_26 = vector.load %arg6[%get3A_24, %get3A_25] : memref<16x16xf32, #tpu.memory_space<vmem>>, vector<16x16xf32>
    %dot_general3A_27 = arith.constant dense<0.000000e+00> : vector<64x16xf32>
    %dot_general3A_28 = tpu.matmul %div3A_23, %get3A_26, %dot_general3A_27 {dimension_numbers = #tpu.dot_dimension_numbers<[1], [0], [0], [1], [0, 0, 1, 1], [], []>, transpose_lhs_hint = false} : vector<64x16xf32>, vector<16x16xf32>, vector<64x16xf32> -> vector<64x16xf32>
    %get3A_29 = arith.constant 0 : index
    %get3A_30 = arith.constant 0 : index
    %get3A_31 = vector.load %arg7[%get3A_29, %get3A_30] : memref<1x16xf32, #tpu.memory_space<vmem>>, vector<1x16xf32>
    %add3A_32 = vector.broadcast %get3A_31 : vector<1x16xf32> to vector<64x16xf32>
    %add3A_33 = arith.addf %dot_general3A_28, %add3A_32 : vector<64x16xf32>
    %max3A_34 = arith.constant 0.000000e+00 : f32
    %max3A_35 = vector.broadcast %max3A_34 : f32 to vector<64x16xf32>
    %max3A_36 = arith.maximumf %add3A_33, %max3A_35 : vector<64x16xf32>
    %get3A_37 = arith.constant 0 : index
    %get3A_38 = arith.constant 0 : index
    %get3A_39 = vector.load %arg8[%get3A_37, %get3A_38] : memref<16x1xf32, #tpu.memory_space<vmem>>, vector<16x1xf32>
    %dot_general3A_40 = arith.constant dense<0.000000e+00> : vector<64x1xf32>
    %dot_general3A_41 = tpu.matmul %max3A_36, %get3A_39, %dot_general3A_40 {dimension_numbers = #tpu.dot_dimension_numbers<[1], [0], [0], [1], [0, 0, 1, 1], [], []>, transpose_lhs_hint = false} : vector<64x16xf32>, vector<16x1xf32>, vector<64x1xf32> -> vector<64x1xf32>
    %get3A_42 = arith.constant 0 : index
    %get3A_43 = arith.constant 0 : index
    %get3A_44 = vector.load %arg9[%get3A_42, %get3A_43] : memref<1x1xf32, #tpu.memory_space<vmem>>, vector<1x1xf32>
    %add3A_45 = vector.broadcast %get3A_44 : vector<1x1xf32> to vector<64x1xf32>
    %add3A_46 = arith.addf %dot_general3A_41, %add3A_45 : vector<64x1xf32>
    %swap3A = arith.constant 0 : index
    %swap3A_47 = arith.constant 0 : index
    %swap3A_48 = vector.load %arg10[%swap3A, %swap3A_47] : memref<64x1xf32, #tpu.memory_space<vmem>>, vector<64x1xf32>
    tpu.vector_store %arg10[%swap3A, %swap3A_47], %add3A_46 {strides = array<i32>} : memref<64x1xf32, #tpu.memory_space<vmem>>, vector<64x1xf32>,
    return
  }
  func.func @transform_0(%arg0: i32) -> (i32, i32) {
    %c0_i32 = arith.constant 0 : i32
    %c0_i32_0 = arith.constant 0 : i32
    %c0_i32_1 = arith.constant 0 : i32
    return %c0_i32, %c0_i32_0 : i32, i32
  }
  func.func @transform_1(%arg0: i32) -> (i32, i32) {
    %c0_i32 = arith.constant 0 : i32
    %c0_i32_0 = arith.constant 0 : i32
    %c0_i32_1 = arith.constant 0 : i32
    return %c0_i32, %c0_i32_0 : i32, i32
  }
  func.func @transform_2(%arg0: i32) -> (i32, i32) {
    %c0_i32 = arith.constant 0 : i32
    %c0_i32_0 = arith.constant 0 : i32
    %c0_i32_1 = arith.constant 0 : i32
    return %c0_i32, %c0_i32_0 : i32, i32
  }
  func.func @transform_3(%arg0: i32) -> (i32, i32) {
    %c0_i32 = arith.constant 0 : i32
    %c0_i32_0 = arith.constant 0 : i32
    %c0_i32_1 = arith.constant 0 : i32
    return %c0_i32, %c0_i32_0 : i32, i32
  }
  func.func @transform_4(%arg0: i32) -> (i32, i32) {
    %c0_i32 = arith.constant 0 : i32
    %c0_i32_0 = arith.constant 0 : i32
    %c0_i32_1 = arith.constant 0 : i32
    return %c0_i32, %c0_i32_0 : i32, i32
  }
  func.func @transform_5(%arg0: i32) -> (i32, i32) {
    %c0_i32 = arith.constant 0 : i32
    %c0_i32_0 = arith.constant 0 : i32
    %c0_i32_1 = arith.constant 0 : i32
    return %c0_i32, %c0_i32_0 : i32, i32
  }
  func.func @transform_6(%arg0: i32) -> (i32, i32) {
    %c0_i32 = arith.constant 0 : i32
    %c0_i32_0 = arith.constant 0 : i32
    %c0_i32_1 = arith.constant 0 : i32
    return %c0_i32, %c0_i32_0 : i32, i32
  }
  func.func @transform_7(%arg0: i32) -> (i32, i32) {
    %c0_i32 = arith.constant 0 : i32
    %c0_i32_0 = arith.constant 0 : i32
    %c0_i32_1 = arith.constant 0 : i32
    return %c0_i32, %c0_i32_0 : i32, i32
  }
  func.func @transform_8(%arg0: i32) -> (i32, i32) {
    %c0_i32 = arith.constant 0 : i32
    %c0_i32_0 = arith.constant 0 : i32
    %c0_i32_1 = arith.constant 0 : i32
    return %c0_i32, %c0_i32_0 : i32, i32
  }
  func.func @transform_9(%arg0: i32) -> (i32, i32) {
    %c0_i32 = arith.constant 0 : i32
    %c0_i32_0 = arith.constant 0 : i32
    %c0_i32_1 = arith.constant 0 : i32
    return %c0_i32, %c0_i32_0 : i32, i32
  }
}

</mosaic_0001>

<sc_bundles>
// kernel: kernel.10.cloned.1.call-start
scs
__scs_entry_jumppad:
0x0: {  	(pc) =	sbr.rel $0x88, $3  }
0x1: {  	(tag) =	ssettag $0x0;
	lr =	simm.s32 $0x1  }
0x2: {  	[smem:$0x3F87] =	sst lr;
	_ =	strace $0xD0000000  }
0x3: {  	_ = 	snop  }
0x4: {  	_ = 	snop  }
0x5: {  	_ = 	snop  }
0x6: {  	_ = 	snop  }
0x7: {  	_ = 	snop  }
__scs_overlays_trampoline_lowered:
0x8: {  	[smem:$0x3F96] =	sst s0  }
0x9: {  	[smem:$0x3F97] =	sst s1  }
0xa: {  	[smem:$0x3F98] =	sst s2  }
0xb: {  	[smem:$0x3F99] =	sst s3  }
0xc: {  	[smem:$0x3F9A] =	sst s4  }
0xd: {  	[smem:$0x3F9B] =	sst s5  }
0xe: {  	[smem:$0x3F9C] =	sst s6  }
0xf: {  	[smem:$0x3F9D] =	sst s7  }
0x10: {  	[smem:$0x3F9E] =	sst s8  }
0x11: {  	[smem:$0x3F9F] =	sst s9;
	s0 =	simm.s32 @!p0 $0x0  }
0x12: {  	s1 =	sld [smem:$0x3F85];
	s0 =	simm.s32 @p0 $0x1  }
0x13: {  	[smem:$0x3FA0] =	sst s0;
	s0 =	simm.s32 @!p1 $0x0  }
0x14: {  	s2 =	sld [smem:$0x3F84];
	s0 =	simm.s32 @p1 $0x1  }
0x15: {  	[smem:$0x3FA1] =	sst s0;
	s0 =	simm.s32 @!p2 $0x0  }
0x16: {  	s3 =	sld [smem:$0x3FDB];
	s0 =	simm.s32 @p2 $0x1  }
0x17: {  	s4 =	simm.s32 $0x1BF5;
	[smem:$0x3FA3] =	sst s0  }
0x18: {  	s0 =	sld [smem:$0x3F86];
	_ =	swait.ge [sflag:s4], $0x0  }
0x19: {  	s7 =	sld [smem:$0x3F87]  }
0x1a: {  	s8 =	sadd.s32 $0xFFFFE003, lr  }
0x1b: {  	s9 =	sadd.s32 $0xFFFFFEF7, lr;
	s5 =	simm.s32 $0xFFFFFFFF;
	p2 =	slt.u32 s8, $0xFFFFF086  }
0x1c: {  	p1 =	slt.u32 s9, $0xF7A;
	s5 =	simm.s32 @!p2 $0x0  }
0x1d: {  	s5 =	simm.s32 @p1 $0x1;
	p0 =	seq.s32 s7, s2  }
0x1e: {  	s7 =	smul.u32 @!p0 $0xF7A, s2;
	p2 =	seq.s32 @!p0 s5, $0x0  }
0x1f: {  	s9 =	smul.u32 $0xF7A, s1;
	s8 =	simm.s32 @!p0 $0x1BF5;
	p2 =	por !p2, p0  }
0x20: {  	[sflag:s8] =	ssyncset.s32 @!p0 $0xFFFFF086;
	s6 =	sadd.s32 @!p0 s3, s7;
	s7 =	simm.s32 @!p0 $0x108  }
0x21: {  	s3 =	sadd.s32 s3, s9;
	s6 =	sadd.s32 @!p0 $0x88, s6;
	s7 =	simm.s32 @p2 $0x1082  }
0x22: {  	[simem:s7], [sflag:s8] =	dma.local @!p0 [hbm:s6], $0xF7A  }
0x23: {  	s9 =	sor.u32 $0xD0000000, s2;
	s6 =	simm.s32 $0x108;
	_ =	swait.ge @!p0 [sflag:s8], $0x0  }
0x24: {  	s3 =	sadd.s32 $0x88, s3;
	s6 =	simm.s32 @!p1 $0x1082;
	[sflag:s4] =	ssyncset.s32 $0xFFFFF086  }
0x25: {  	[simem:s6], [sflag:s4] =	dma.local [hbm:s3], $0xF7A  }
0x26: {  	[smem:$0x3F87] =	sst s1;
	(tag) =	ssettag s2;
	_ =	strace s9  }
0x27: {  	s1 =	sld [smem:$0x3F97]  }
0x28: {  	s2 =	sld [smem:$0x3F98]  }
0x29: {  	s4 =	sld [smem:$0x3F9A]  }
0x2a: {  	p0 =	seq.s32 s5, $0x0;
	s5 =	sld [smem:$0x3F9B]  }
0x2b: {  	s6 =	sld [smem:$0x3F9C]  }
0x2c: {  	s7 =	sld [smem:$0x3F9D]  }
0x2d: {  	s3 =	simm.s32 $0x108;
	s8 =	sld [smem:$0x3F9E]  }
0x2e: {  	s3 =	simm.s32 @!p0 $0x1082;
	s9 =	sld [smem:$0x3F9F]  }
0x2f: {  	lr =	sadd.s32 s0, s3;
	s0 =	sld [smem:$0x3F96]  }
0x30: {  	s3 =	sld [smem:$0x3F99]  }
0x31: {  	[smem:$0x3FA2] =	sst s10  }
0x32: {  	s10 =	sld [smem:$0x3FA0];
	_ =	sdelay $0x3  }
0x33: {  	p0 =	seq.s32 s10, $0x1;
	s10 =	sld [smem:$0x3FA2];
	_ =	sdelay $0x3  }
0x34: {  	[smem:$0x3FA2] =	sst s10  }
0x35: {  	s10 =	sld [smem:$0x3FA1];
	_ =	sdelay $0x3  }
0x36: {  	p1 =	seq.s32 s10, $0x1;
	s10 =	sld [smem:$0x3FA2];
	_ =	sdelay $0x3  }
0x37: {  	[smem:$0x3FA2] =	sst s10  }
0x38: {  	s10 =	sld [smem:$0x3FA3]  }
0x39: {  	_ = 	snop;
	(pc) =	sbr.ind lr, $3  }
0x3a: {  	_ = 	snop  }
0x3b: {  	_ = 	snop  }
0x3c: {  	p2 =	seq.s32 s10, $0x1;
	s10 =	sld [smem:$0x3FA2]  }
0x3d: {  	_ =	shalt  }
0x3e: {  	_ =	shalt  }
0x3f: {  	_ =	shalt  }
0x40: {  	_ =	shalt  }
0x41: {  	_ =	shalt  }
0x42: {  	_ =	shalt  }
0x43: {  	_ =	shalt  }
0x44: {  	_ =	shalt  }
0x45: {  	_ =	shalt  }
0x46: {  	_ =	shalt  }
0x47: {  	_ =	shalt  }
0x48: {  	_ =	shalt  }
0x49: {  	_ =	shalt  }
0x4a: {  	_ =	shalt  }
0x4b: {  	_ =	shalt  }
0x4c: {  	_ =	shalt  }
0x4d: {  	_ =	shalt  }
0x4e: {  	_ =	shalt  }
0x4f: {  	_ =	shalt  }
0x50: {  	_ =	shalt  }
0x51: {  	_ =	shalt  }
0x52: {  	_ =	shalt  }
0x53: {  	_ =	shalt  }
0x54: {  	_ =	shalt  }
0x55: {  	_ =	shalt  }
0x56: {  	_ =	shalt  }
0x57: {  	_ =	shalt  }
0x58: {  	_ =	shalt  }
0x59: {  	_ =	shalt  }
0x5a: {  	_ =	shalt  }
0x5b: {  	_ =	shalt  }
0x5c: {  	_ =	shalt  }
0x5d: {  	_ =	shalt  }
0x5e: {  	_ =	shalt  }
0x5f: {  	_ =	shalt  }
0x60: {  	_ =	shalt  }
0x61: {  	_ =	shalt  }
0x62: {  	_ =	shalt  }
0x63: {  	_ =	shalt  }
0x64: {  	_ =	shalt  }
0x65: {  	_ =	shalt  }
0x66: {  	_ =	shalt  }
0x67: {  	_ =	shalt  }
0x68: {  	_ =	shalt  }
0x69: {  	_ =	shalt  }
0x6a: {  	_ =	shalt  }
0x6b: {  	_ =	shalt  }
0x6c: {  	_ =	shalt  }
0x6d: {  	_ =	shalt  }
0x6e: {  	_ =	shalt  }
0x6f: {  	_ =	shalt  }
0x70: {  	_ =	shalt  }
0x71: {  	_ =	shalt  }
0x72: {  	_ =	shalt  }
0x73: {  	_ =	shalt  }
0x74: {  	_ =	shalt  }
0x75: {  	_ =	shalt  }
0x76: {  	_ =	shalt  }
0x77: {  	_ =	shalt  }
0x78: {  	_ =	shalt  }
0x79: {  	_ =	shalt  }
0x7a: {  	_ =	shalt  }
0x7b: {  	_ =	shalt  }
0x7c: {  	_ =	shalt  }
0x7d: {  	_ =	shalt  }
0x7e: {  	_ =	shalt  }
0x7f: {  	_ =	shalt  }
0x80: {  	_ =	shalt  }
0x81: {  	_ =	shalt  }
0x82: {  	_ =	shalt  }
0x83: {  	_ =	shalt  }
0x84: {  	_ =	shalt  }
0x85: {  	_ =	shalt  }
0x86: {  	_ =	shalt  }
0x87: {  	_ =	shalt  }
.Lfunc_end0:
.L_simem_size_0:
called_computation_lowered:
.L_overlay_start_0:
0x88: {  	s2 =	sld [smem:$0x3FD9]  }
0x89: {  	s3 =	sld [smem:$0x3FFE];
	_ =	sdelay $0x1  }
0x8a: {  	s1 =	srdreg.scid  }
0x8b: {  	s0 =	sand.u32 $0x1, s1  }
0x8c: {  	s16 =	sshll.u32 s0, $0xA;
	s2 =	sadd.s32 s3, s2  }
0x8d: {  	s2 =	sadd.s32 s2, s16  }
0x8e: {  	[smem:$0x3FAE] =	sst s2  }
0x8f: {  	_ = 	snop  }
0x90: {  	(tm) =	ssettm $0x1  }
0x91: {  	s17 =	sld [smem:$0x3FFB];
	_ =	sdelay $0x3  }
0x92: {  	_ =	strace s17  }
0x93: {  	s2 =	sld [smem:$0x3FFC];
	_ =	sdelay $0x3  }
0x94: {  	_ =	strace s2  }
0x95: {  	s2 =	sld [smem:$0x3FFD];
	_ =	sdelay $0x3  }
0x96: {  	_ =	strace s2  }
0x97: {  	_ =	strace $0x8FFFFFFF  }
0x98: {  	s18 =	sld [smem:$0x3FDB];
	_ =	sdelay $0x1  }
0x99: {  	s19 =	simm.s32 $_scs_section_size  }
0x9a: {  	s4 =	simm.s32 $_size__tile_overlayer_lowered;
	s5 =	simm.s32 $_tile_overlayer_lowered  }
0x9b: {  	s22 =	simm.s32 $0x1BFF;
	s21 =	sshll.u32 s5, $0x1;
	s2 =	sadd.s32 s19, s18  }
0x9c: {  	s6 =	simm.s32 $0x0;
	s20 =	sshll.u32 s4, $0x1;
	s4 =	sadd.s32 s21, s2  }
0x9d: {  	[timem:s6], [sflag:s22] =	dma.local [hbm:s4], s20  }
0x9e: {  	_ =	swait.ge [sflag:s22], s20  }
0x9f: {  	s3 =	ssub.s32 $0x0, s20;
	[sflag:s22] =	ssyncset.done $0x0  }
0xa0: {  	[sflag:s22] =	ssyncadd.s32 s3;
	_ =	sdelay $0x1  }
0xa1: {  	s23 =	simm.s32 $0x1B8B  }
0xa2: {  	_ =	swait.ge [sflag:s23], $0x1  }
0xa3: {  	[sflag:s23] =	ssyncset.done $0x0  }
0xa4: {  	s25 =	simm.s32 $0x1B8E;
	s24 =	sld [smem:$0x3FFE];
	[sflag:s23] =	ssyncadd.s32 $0xFFFFFFFF  }
0xa5: {  	s26 =	simm.s32 $execute0_lowered;
	[smem:$0x3FD2] =	sst s25  }
0xa6: {  	s4 =	sshll.u32 s26, $0x1;
	_ =	strace $0x80000046;
	[dreg:$0x1] =	wrdreg $0xFFFFFFFF  }
0xa7: {  	s28 =	simm.s32 $_size_execute0_lowered;
	s2 =	sadd.s32 s2, s4;
	[dreg:$0x0] =	wrdreg $0x0  }
0xa8: {  	s4 =	sshll.u32 s28, $0x1;
	[dreg:$0x2] =	wrdreg s2  }
0xa9: {  	[dreg:$0x3] =	wrdreg s4  }
0xaa: {  	[dreg:$0x4] =	wrdreg $0xC0  }
0xab: {  	_ =	task [dreg:s6], $0x5FFFF  }
0xac: {  	[dreg:$0x1] =	wrdreg $0xFFFFFFFF  }
0xad: {  	[dreg:$0x0] =	wrdreg $0x60  }
0xae: {  	[dreg:$0x2] =	wrdreg s24  }
0xaf: {  	[dreg:$0x3] =	wrdreg $0x132000  }
0xb0: {  	[dreg:$0x4] =	wrdreg $0x9  }
0xb1: {  	_ =	task.clear_ibuf [dreg:s6], $0x5FFFF;
	_ =	strace $0x90000046  }
0xb2: {  	s29 =	simm.s32 $0x9;
	_ =	strace $0x80000048  }
0xb3: {  	_ =	swait.ge [sflag:s29], $0x1  }
0xb4: {  	[sflag:s29] =	ssyncadd.s32 $0xFFFFFFFF  }
0xb5: {  	_ =	strace $0x90000048  }
0xb6: {  	_ =	sfence  }
0xb7: {  	s30 =	sld [smem:$0x0];
	_ =	sdelay $0x2  }
0xb8: {  	s31 =	sshll.u32 s1, $0xD;
	s1 =	sshrl.u32 s1, $0x2  }
0xb9: {  	s3 =	sand.u32 $0x4000, s31;
	s1 =	sadd.s32 s1, s30  }
0xba: {  	s0 =	sor.u32 s3, s0;
	s1 =	sshll.u32 s1, $0x11  }
0xbb: {  	s0 =	sor.u32 s1, s0  }
0xbc: {  	s0 =	sadd.s32 $0x8F2B, s0  }
0xbd: {  	[sflag:s0] =	ssyncadd.remote.s32 $0x1  }
0xbe: {  	_ =	sfence.sel $0xFFFF  }
0xbf: {  	[dreg:$0x0] =	wrdreg $0xFFFFFFFF;
	(pc) =	sbr.abs _section_cstart, $3  }
0xc0: {  	[dreg:$0x1] =	wrdreg $0xFFFFFFFF  }
0xc1: {  	_ =	task.clear_ibuf [dreg:s6], $0x2FFFF;
	_ =	strace $0x9FFFFFFF  }
0xc2: {  	(tm) =	ssettm $0x7FFFFFFF  }
0xc3: {  	_ =	shalt  }
tec
execute0_lowered:
.L_overlay_start_1:
0x0: {  	(tag) =	ssettag $0x1  }
0x1: {  	s0 =	rddreg [dreg:$0x0]  }
0x2: {  	s1 =	rddreg [dreg:$0x1];
	s3 =	simm.s32 $0x0;
	s2 =	srdreg.scid  }
0x3: {  	s12 =	stileid.u32;
	s18 =	simm.s32 $0xB;
	s20 =	simm.s32 $0x80  }
0x4: {  	s28 =	simm.s32 $0x180;
	s29 =	simm.s32 $0xA00;
	s30 =	simm.s32 $0x5  }
0x5: {  	s31 =	simm.s32 $0x3;
	s13 =	simm.s32 $0x0;
	[smem:$0x7FF] =	sst s3  }
0x6: {  	s2 =	sand.u32 $0x1, s2;
	s8 =	smul.u32 $0x2780, s12;
	s4 =	sadd.s32 $0xD4600, s0  }
0x7: {  	s5 =	sadd.s32 $0x5200, s0;
	s6 =	sadd.s32 $0x55200, s0;
	s11 =	sadd.s32 $0x5F200, s0  }
0x8: {  	s23 =	sshll.u32 s12, $0x6;
	_ =	strace $0x80000047;
	s7 =	smul.u32 $0x27800, s2  }
0x9: {  	s9 =	sshll.u32 s2, $0x4;
	s2 =	ssub.s32 $0x2, s2;
	[dreg:$0x3] =	wrdreg s11  }
0xa: {  	s11 =	sor.u32 $0x1C0B, s23;
	s23 =	simm.s32 $0x4;
	s9 =	sor.u32 s12, s9  }
0xb: {  	s21 =	sshrl.u32 s2, $0x1;
	s10 =	sadd.s32 s8, s7;
	s7 =	smul.u32 $0x1400, s9  }
0xc: {  	[dreg:$0x5] =	wrdreg s11;
	s2 =	ssub.s32 s2, s21;
	s9 =	smul.u32 $0x2800, s9  }
0xd: {  	s8 =	sadd.s32 s8, s1;
	s21 =	simm.s32 $0x6;
	s10 =	sshrl.u32 s10, $0x3  }
0xe: {  	s26 =	smax.u32 s2, $0x1;
	s2 =	simm.s32 $0x8;
	s0 =	sadd.s32 s10, s0  }
0xf: {  	s22 =	sshrl.u32 s7, $0x3;
	s9 =	sadd.s32 s5, s9;
	[dreg:$0xa] =	wrdreg s26  }
0x10: {  	s14 =	sor.u32 $0x180, s7;
	s10 =	sadd.s32 s6, s22;
	[dreg:$0x7] =	wrdreg s9  }
0x11: {  	s26 =	simm.s32 $0x9A00;
	s0 =	sadd.s32 $0x5F800, s0;
	[dreg:$0x4] =	wrdreg s10  }
0x12: {  	s22 =	simm.s32 $0x100;
	s24 =	sadd.s32 $0x5000, s10;
	[dreg:$0x9] =	wrdreg s0  }
0x13: {  	s25 =	sadd.s32 $0x10, s10;
	s10 =	sshrl.u32 s8, $0x3;
	[dreg:$0x6] =	wrdreg s24  }
0x14: {  	s0 =	simm.s32 $0x12200;
	s8 =	simm.s32 $0x12A00;
	[dreg:$0x8] =	wrdreg s25  }
0x15: {  	s24 =	simm.s32 $0x7;
	s25 =	simm.s32 $0x2;
	[dreg:$0xb] =	wrdreg s10  }
.LBB2_1:
0x16: {  	s9 =	rddreg [dreg:$0x3]  }
0x17: {  	[spmem:s10], [sflag:s11] =	dma.local [hbm:s9], $0x4F0  }
0x18: {  	_ =	swait.ge [sflag:s18], $0x4F0  }
0x19: {  	[sflag:s18] =	ssyncset.done $0x0  }
0x1a: {  	[sflag:s18] =	ssyncadd.s32 $0xFFFFFB10  }
0x1b: {  	[bflag:$0x0] =	sbarrier.arrive $0xFFFF  }
0x1c: {  	s11 =	simm.s32 $0x1;
	s10 =	rddreg [dreg:$0x4]  }
0x1d: {  	[tilespmem:s3], [sflag:$0x1] =	stream.linear.gather [hbm4b:s10+s3], $0x80, $0x38;
	[tilespmem:$0x15980] =	vst v63  }
0x1e: {  	_ =	swait.ge [sflag:s11], $0x80  }
0x1f: {  	[sflag:s11] =	ssyncset.done $0x0  }
0x20: {  	s12 =	simm.s32 $0x1200;
	[sflag:s11] =	ssyncadd.s32 $0xFFFFFF80  }
0x21: {  	[tilespmem:s12], [sflag:$0x7] =	stream.indirect.gather [hbm4b:s4+s20], $0x110, s3, s20, $0xb8;
	[tilespmem:$0x15980] =	vst v63  }
0x22: {  	s15 =	rddreg [dreg:$0x6]  }
0x23: {  	[tilespmem:s22], [sflag:$0x3] =	stream.linear.gather [hbm4b:s15+s3], $0x80, $0x38;
	[tilespmem:$0x15980] =	vst v63  }
0x24: {  	s17 =	simm.s32 $0x200;
	s16 =	rddreg [dreg:$0x7]  }
0x25: {  	[tilespmem:s17], [sflag:$0x5] =	stream.linear.gather [hbm4b:s16+s3], $0x800, $0x38;
	[tilespmem:$0x15980] =	vst v63  }
0x26: {  	s19 =	rddreg [dreg:$0x8];
	s15 =	simm.s32 $0x0  }
0x27: {  	[tilespmem:s20], [sflag:$0x2] =	stream.linear.gather [hbm4b:s19+s3], $0x80, $0x38;
	[tilespmem:$0x15980] =	vst v63  }
.LBB2_2:
0x28: {  	s9 =	sshll.u32 s15, $0x1  }
0x29: {  	p0 =	seq.s32 s15, $0x13;
	s9 =	sadd.s32 $0x2, s9  }
0x2a: {  	s9 =	sshll.u32 @!p0 s9, $0x7  }
0x2b: {  	_ =	swait.ge [sflag:s24], $0x8800;
	s16 =	sadd.s32 @!p0 s7, s9  }
0x2c: {  	[sflag:s24] =	ssyncset.done $0x0;
	s9 =	sshrl.u32 @!p0 s16, $0x3  }
0x2d: {  	s10 =	simm.s32 @!p0 $0x0;
	[sflag:s24] =	ssyncadd.s32 $0xFFFF7800;
	s9 =	sadd.s32 @!p0 s6, s9  }
0x2e: {  	[tilespmem:s10], [sflag:$0x1] =	stream.linear.gather @!p0 [hbm4b:s9+s10], $0x80, $0x38;
	[tilespmem:$0x15980] =	vst v63  }
0x2f: {  	s19 =	sshll.u32 s15, $0x8;
	_ =	swait.ge [sflag:s25], $0x80  }
0x30: {  	p1 =	seq.s32 s15, $0x0;
	s17 =	sadd.s32 s19, s7;
	[sflag:s25] =	ssyncset.done $0x0  }
0x31: {  	s11 =	simm.s32 @!p1 $0xA;
	s10 =	sadd.s32 $0x80, s17;
	[sflag:s25] =	ssyncadd.s32 $0xFFFFFF80  }
0x32: {  	[tilespmem:s26], [sflag:$0x8] =	stream.indirect.gather [hbm4b:s4+s20], $0x110, s20, s20, $0xb8;
	[tilespmem:$0x15980] =	vst v63  }
0x33: {  	s12 =	sshrl.u32 s10, $0x3;
	_ =	swait.ge @!p1 [sflag:s11], $0x800  }
0x34: {  	s10 =	sshll.u32 s10, $0x1;
	s12 =	sadd.s32 s6, s12;
	[sflag:s11] =	ssyncset.done @!p1 $0x0  }
0x35: {  	s10 =	sand.u32 $0x1FFFFF00, s10;
	s12 =	sadd.s32 $0x5000, s12;
	[sflag:s11] =	ssyncadd.s32 @!p1 $0xFFFFF800  }
0x36: {  	[tilespmem:s28], [sflag:$0x4] =	stream.linear.gather [hbm4b:s12+s3], $0x80, $0x38;
	[tilespmem:$0x15980] =	vst v63  }
0x37: {  	s10 =	sadd.s32 s5, s10  }
0x38: {  	[tilespmem:s29], [sflag:$0x6] =	stream.linear.gather [hbm4b:s10+s3], $0x800, $0x38;
	[tilespmem:$0x15980] =	vst v63  }
0x39: {  	_ =	swait.ge [sflag:s30], $0x800  }
0x3a: {  	[sflag:s30] =	ssyncset.done $0x0  }
0x3b: {  	s17 =	simm.s32 $0x220;
	[sflag:s30] =	ssyncadd.s32 $0xFFFFF800  }
0x3c: {  	v3 =	vld [tilespmem:s17+$0x10]  }
0x3d: {  	v1 =	vld [tilespmem:s17+$0xFFFFFFF0]  }
0x3e: {  	v0 =	vld [tilespmem:s17+$0x0]  }
0x3f: {  	s11 =	simm.s32 $0x1420;
	v2 =	vld [tilespmem:s17+$0xFFFFFFE0]  }
0x40: {  	v4 =	vld [tilespmem:s11+$0x110]  }
0x41: {  	v5 =	vld [tilespmem:s11+$0x120];
	v8 =	vbroadcast v3, $0x0  }
0x42: {  	v6 =	vld [tilespmem:s11+$0x130];
	v9 =	vbroadcast v3, $0x1;
	v10 =	vbroadcast v3, $0x2  }
0x43: {  	v7 =	vld [tilespmem:s11+$0x140];
	v12 =	vbroadcast v1, $0x1;
	v15 =	vbroadcast v0, $0x1  }
0x44: {  	v11 =	vld [tilespmem:s11+$0x150];
	v18 =	vbroadcast v2, $0x1;
	v47 =	vbroadcast v3, $0x7  }
0x45: {  	v13 =	vld [tilespmem:s11+$0x160];
	v49 =	vbroadcast v3, $0x8;
	v51 =	vbroadcast v3, $0x9  }
0x46: {  	v14 =	vld [tilespmem:s11+$0xFFFFFDF0];
	v52 =	vbroadcast v1, $0x3;
	v54 =	vbroadcast v3, $0xA  }
0x47: {  	v16 =	vld [tilespmem:s11+$0x170];
	v57 =	vbroadcast v3, $0xB;
	v60 =	vbroadcast v3, $0xC  }
0x48: {  	v20 =	vld [tilespmem:s11+$0xFFFFFF00];
	v63 =	vbroadcast v3, $0xD;
	v27 =	vbroadcast v3, $0xE  }
0x49: {  	v17 =	vld [tilespmem:s11+$0xFFFFFEF0];
	v31 =	vbroadcast v1, $0x5;
	v37 =	vbroadcast v1, $0x7  }
0x4a: {  	v19 =	vld [tilespmem:s11+$0x180];
	v40 =	vbroadcast v2, $0x8;
	v42 =	vbroadcast v0, $0x8  }
0x4b: {  	v21 =	vld [tilespmem:s11+$0x0];
	v4 =	vmul.f32 v4, v8;
	v5 =	vmul.f32 v5, v9  }
0x4c: {  	v48 =	vld [tilespmem:s11+$0x1B0];
	v6 =	vmul.f32 v6, v10;
	v10 =	vbroadcast v3, $0x3  }
0x4d: {  	v41 =	vld [tilespmem:s11+$0xFFFFFE60];
	v9 =	vbroadcast v1, $0x0;
	v12 =	vmul.f32 v20, v12  }
0x4e: {  	v8 =	vld [tilespmem:s11+$0xFFFFFDE0];
	v4 =	vadd.f32 v5, v4;
	v7 =	vmul.f32 v7, v10;
	v10 =	vbroadcast v3, $0x4  }
0x4f: {  	v46 =	vld [tilespmem:s11+$0x1A0];
	v5 =	vbroadcast v0, $0x0;
	v9 =	vmul.f32 v17, v9  }
0x50: {  	v22 =	vld [tilespmem:s11+$0x10];
	v4 =	vadd.f32 v6, v4;
	v6 =	vbroadcast v2, $0x0;
	v10 =	vmul.f32 v11, v10  }
0x51: {  	v23 =	vld [tilespmem:s11+$0xFFFFFE00];
	v11 =	vbroadcast v3, $0x5;
	v5 =	vmul.f32 v21, v5  }
0x52: {  	v62 =	vld [tilespmem:s11+$0x200];
	v9 =	vadd.f32 v12, v9;
	v12 =	vmul.f32 v48, v54;
	v21 =	vmul.f32 v41, v40  }
0x53: {  	v39 =	vld [tilespmem:s11+$0xFFFFFF60];
	v4 =	vadd.f32 v7, v4;
	v6 =	vmul.f32 v8, v6;
	v7 =	vbroadcast v2, $0x2  }
0x54: {  	v50 =	vld [tilespmem:s11+$0x1C0];
	v11 =	vmul.f32 v13, v11;
	v13 =	vbroadcast v3, $0x6  }
0x55: {  	v24 =	vld [tilespmem:s11+$0xFFFFFF10];
	v3 =	vbroadcast v3, $0xF;
	v4 =	vadd.f32 v10, v4;
	v10 =	vmul.f32 v14, v18  }
0x56: {  	v8 =	vld [tilespmem:s11+$0x190];
	v14 =	vbroadcast v1, $0x2;
	v13 =	vmul.f32 v16, v13  }
0x57: {  	v53 =	vld [tilespmem:s11+$0x1D0];
	v16 =	vmul.f32 v19, v47;
	v7 =	vmul.f32 v23, v7;
	v4 =	vadd.f32 v11, v4  }
0x58: {  	v55 =	vld [tilespmem:s11+$0x20];
	v3 =	vmul.f32 v62, v3;
	v18 =	vmul.f32 v39, v37  }
0x59: {  	v56 =	vld [tilespmem:s11+$0x1E0];
	v47 =	vbroadcast v0, $0xA;
	v62 =	vbroadcast v2, $0xF;
	v4 =	vadd.f32 v13, v4  }
0x5a: {  	v33 =	vld [tilespmem:s11+$0xFFFFFF40];
	v11 =	vbroadcast v0, $0x2;
	v6 =	vadd.f32 v10, v6;
	v10 =	vmul.f32 v46, v51  }
0x5b: {  	v25 =	vld [tilespmem:s11+$0x30];
	v46 =	vbroadcast v2, $0xA;
	v8 =	vmul.f32 v8, v49;
	v4 =	vadd.f32 v16, v4  }
0x5c: {  	v58 =	vld [tilespmem:s11+$0xFFFFFE10];
	v49 =	vbroadcast v2, $0xB;
	v13 =	vbroadcast v2, $0x3;
	v6 =	vadd.f32 v7, v6  }
0x5d: {  	v26 =	vld [tilespmem:s11+$0xFFFFFE20];
	v7 =	vmul.f32 v53, v60;
	v53 =	vbroadcast v2, $0xC;
	v4 =	vadd.f32 v8, v4  }
0x5e: {  	v59 =	vld [tilespmem:s11+$0x1F0];
	v8 =	vmul.f32 v22, v15;
	v15 =	vbroadcast v0, $0x3  }
0x5f: {  	v61 =	vld [tilespmem:s11+$0xFFFFFF20];
	v16 =	vmul.f32 v33, v31;
	v4 =	vadd.f32 v10, v4;
	v10 =	vbroadcast v2, $0x4  }
0x60: {  	v28 =	vld [tilespmem:s11+$0xFFFFFF30];
	v5 =	vadd.f32 v8, v5;
	v8 =	vmul.f32 v50, v57;
	v15 =	vmul.f32 v25, v15  }
0x61: {  	v30 =	vld [tilespmem:s11+$0x40];
	v50 =	vbroadcast v1, $0xB;
	v4 =	vadd.f32 v12, v4;
	v12 =	vmul.f32 v24, v14  }
0x62: {  	v29 =	vld [tilespmem:s11+$0x210];
	v14 =	vbroadcast v1, $0x4;
	v10 =	vmul.f32 v26, v10  }
0x63: {  	v32 =	vld [tilespmem:s11+$0xFFFFFE30];
	v4 =	vadd.f32 v8, v4;
	v8 =	vmul.f32 v55, v11;
	v11 =	vbroadcast v0, $0x4  }
0x64: {  	v34 =	vld [tilespmem:s11+$0x50];
	v9 =	vadd.f32 v12, v9;
	v12 =	vmul.f32 v56, v63;
	v55 =	vbroadcast v2, $0xD  }
0x65: {  	v35 =	vld [tilespmem:s11+$0xFFFFFE40];
	v4 =	vadd.f32 v7, v4;
	v7 =	vmul.f32 v58, v13;
	v13 =	vbroadcast v2, $0x5  }
0x66: {  	v36 =	vld [tilespmem:s11+$0x60];
	v5 =	vadd.f32 v8, v5;
	v8 =	vmul.f32 v59, v27;
	v11 =	vmul.f32 v30, v11  }
0x67: {  	v38 =	vld [tilespmem:s11+$0xFFFFFE50];
	v58 =	vbroadcast v2, $0xE;
	v59 =	vbroadcast v1, $0xE;
	v4 =	vadd.f32 v12, v4  }
0x68: {  	v43 =	vld [tilespmem:s11+$0xFFFFFF70];
	v12 =	vmul.f32 v61, v52;
	v6 =	vadd.f32 v7, v6;
	v7 =	vbroadcast v0, $0x5  }
0x69: {  	v44 =	vld [tilespmem:s11+$0xFFFFFE70];
	v5 =	vadd.f32 v15, v5;
	v15 =	vbroadcast v0, $0x6;
	v61 =	vbroadcast v0, $0xE  }
0x6a: {  	v51 =	vld [tilespmem:s11+$0xFFFFFE90];
	v4 =	vadd.f32 v8, v4;
	v8 =	vbroadcast v2, $0x6;
	v9 =	vadd.f32 v12, v9  }
0x6b: {  	v12 =	vbroadcast v1, $0x6;
	v5 =	vadd.f32 v11, v5;
	v11 =	vld [tilespmem:s11+$0x70];
	v7 =	vmul.f32 v34, v7  }
0x6c: {  	v6 =	vadd.f32 v10, v6;
	v3 =	vadd.f32 v3, v4;
	v4 =	vmul.f32 v28, v14;
	v14 =	vld [tilespmem:s11+$0xFFFFFF50]  }
0x6d: {  	v10 =	vbroadcast v2, $0x7;
	v15 =	vmul.f32 v36, v15;
	v5 =	vadd.f32 v7, v5;
	v7 =	vld [tilespmem:s11+$0x80]  }
0x6e: {  	v45 =	vld [tilespmem:s11+$0xFFFFFF80];
	v4 =	vadd.f32 v4, v9;
	v9 =	vmul.f32 v32, v13;
	v13 =	vbroadcast v0, $0x7  }
0x6f: {  	v48 =	vld [tilespmem:s11+$0xFFFFFF90];
	v8 =	vmul.f32 v35, v8;
	v10 =	vmul.f32 v38, v10;
	v5 =	vadd.f32 v15, v5  }
0x70: {  	v54 =	vld [tilespmem:s11+$0xFFFFFFB0];
	v6 =	vadd.f32 v9, v6;
	v9 =	vbroadcast v1, $0x8;
	v11 =	vmul.f32 v11, v13  }
0x71: {  	v15 =	vld [tilespmem:s11+$0x90];
	v4 =	vadd.f32 v16, v4;
	v16 =	vmul.f32 v51, v49;
	v12 =	vmul.f32 v14, v12  }
0x72: {  	v13 =	vld [tilespmem:s11+$0xFFFFFE80];
	v14 =	vbroadcast v2, $0x9;
	v7 =	vmul.f32 v7, v42;
	v6 =	vadd.f32 v8, v6  }
0x73: {  	v52 =	vld [tilespmem:s11+$0xFFFFFFA0];
	v8 =	vbroadcast v1, $0x9;
	v9 =	vmul.f32 v43, v9;
	v5 =	vadd.f32 v11, v5  }
0x74: {  	v11 =	vld [tilespmem:s11+$0xA0];
	v4 =	vadd.f32 v12, v4;
	v12 =	vbroadcast v0, $0x9;
	v14 =	vmul.f32 v44, v14  }
0x75: {  	v60 =	vld [tilespmem:s11+$0xFFFFFFD0];
	v6 =	vadd.f32 v10, v6;
	v10 =	vbroadcast v1, $0xA;
	v8 =	vmul.f32 v45, v8  }
0x76: {  	v5 =	vadd.f32 v7, v5;
	v7 =	vld [tilespmem:s11+$0xB0];
	v4 =	vadd.f32 v18, v4;
	v12 =	vmul.f32 v15, v12  }
0x77: {  	v15 =	vld [tilespmem:s11+$0xFFFFFEA0];
	v13 =	vmul.f32 v13, v46;
	v6 =	vadd.f32 v21, v6;
	v10 =	vmul.f32 v48, v10  }
0x78: {  	v57 =	vld [tilespmem:s11+$0xFFFFFFC0];
	v21 =	vmul.f32 v52, v50;
	v4 =	vadd.f32 v9, v4;
	v9 =	vbroadcast v0, $0xB  }
0x79: {  	v5 =	vadd.f32 v12, v5;
	v12 =	vld [tilespmem:s11+$0xC0];
	v11 =	vmul.f32 v11, v47;
	v6 =	vadd.f32 v14, v6  }
0x7a: {  	v56 =	vld [tilespmem:s11+$0xFFFFFEB0];
	v14 =	vbroadcast v1, $0xC;
	v4 =	vadd.f32 v8, v4;
	v8 =	vbroadcast v0, $0xC  }
0x7b: {  	v5 =	vadd.f32 v11, v5;
	v11 =	vld [tilespmem:s11+$0xD0];
	v7 =	vmul.f32 v7, v9;
	v6 =	vadd.f32 v13, v6  }
0x7c: {  	v13 =	vbroadcast v1, $0xD;
	v9 =	vmul.f32 v15, v53;
	v15 =	vld [tilespmem:s11+$0xFFFFFEC0];
	v4 =	vadd.f32 v10, v4  }
0x7d: {  	v14 =	vmul.f32 v54, v14;
	v10 =	vbroadcast v0, $0xD;
	v6 =	vadd.f32 v16, v6  }
0x7e: {  	v5 =	vadd.f32 v7, v5;
	v7 =	vmul.f32 v12, v8;
	v12 =	vld [tilespmem:s11+$0xE0];
	v4 =	vadd.f32 v21, v4  }
0x7f: {  	v63 =	vld [tilespmem:s11+$0xFFFFFED0];
	v2 =	vadd.f32 v9, v6;
	v6 =	vmul.f32 v56, v55;
	v9 =	vmul.f32 v57, v13  }
0x80: {  	v7 =	vadd.f32 v7, v5;
	v5 =	vld [tilespmem:s11+$0xFFFFFFE0];
	v10 =	vmul.f32 v11, v10;
	v8 =	vadd.f32 v14, v4  }
0x81: {  	v3 =	vadd.f32 v3, v29;
	v11 =	vmul.f32 v15, v58;
	v4 =	vld [tilespmem:s11+$0xF0];
	v14 =	vmul.f32 v60, v59  }
0x82: {  	v6 =	vadd.f32 v6, v2;
	v2 =	vbroadcast v1, $0xF;
	v1 =	vld [tilespmem:s11+$0xFFFFFEE0];
	v13 =	vadd.f32 v9, v8  }
0x83: {  	s12 =	simm.s32 $0x12220;
	v0 =	vbroadcast v0, $0xF;
	v9 =	vadd.f32 v10, v7;
	v12 =	vmul.f32 v12, v61;
	v7 =	vld [tilespmem:s11+$0x100]  }
0x84: {  	s10 =	simm.s32 $0x0;
	s17 =	simm.s32 $0x260;
	[tilespmem:s12+$0x10] =	vst v3;
	v8 =	vadd.f32 v11, v6;
	v6 =	vld [tilespmem:s11+$0xFFFFFFF0];
	v11 =	vmul.f32 v63, v62;
	v10 =	vadd.f32 v14, v13  }
.LBB2_3:
0x85: {  	v3 =	vld [tilespmem:s17+$0x10];
	s10 =	sadd.s32 $0x4, s10;
	v2 =	vmul.f32 v5, v2;
	v5 =	vadd.f32 v12, v9;
	s11 =	sadd.s32 $0x440, s11  }
0x86: {  	v9 =	vld [tilespmem:s11+$0x110];
	p1 =	slt.u32 s10, $0x7C;
	v8 =	vadd.f32 v11, v8;
	v4 =	vmul.f32 v4, v0  }
0x87: {  	v11 =	vld [tilespmem:s11+$0x120];
	v2 =	vadd.f32 v2, v10  }
0x88: {  	v0 =	vld [tilespmem:s17+$0xFFFFFFF0];
	v8 =	vadd.f32 v8, v1;
	v4 =	vadd.f32 v4, v5  }
0x89: {  	v5 =	vld [tilespmem:s11+$0x130];
	v2 =	vadd.f32 v2, v6  }
0x8a: {  	v1 =	vld [tilespmem:s17+$0x0];
	v6 =	vbroadcast v3, $0x0;
	v10 =	vbroadcast v3, $0x1;
	[tilespmem:s12+$0xFFFFFFE0] =	vst v8;
	v4 =	vadd.f32 v4, v7  }
0x8b: {  	v7 =	vbroadcast v3, $0x2;
	v8 =	vld [tilespmem:s11+$0x140];
	[tilespmem:s12+$0xFFFFFFF0] =	vst v2  }
0x8c: {  	v2 =	vld [tilespmem:s17+$0xFFFFFFE0];
	v6 =	vmul.f32 v9, v6;
	v9 =	vmul.f32 v11, v10;
	[tilespmem:s12+$0x0] =	vst v4  }
0x8d: {  	v4 =	vbroadcast v0, $0x0;
	v10 =	vbroadcast v0, $0x1;
	v11 =	vld [tilespmem:s11+$0x150]  }
0x8e: {  	v12 =	vld [tilespmem:s11+$0xFFFFFDE0];
	v6 =	vadd.f32 v9, v6;
	v5 =	vmul.f32 v5, v7;
	v7 =	vbroadcast v3, $0x3  }
0x8f: {  	v9 =	vbroadcast v1, $0x0;
	v13 =	vbroadcast v1, $0x1;
	v14 =	vld [tilespmem:s11+$0x160]  }
0x90: {  	v15 =	vld [tilespmem:s11+$0xFFFFFDF0];
	v5 =	vadd.f32 v5, v6;
	v6 =	vmul.f32 v8, v7;
	v7 =	vbroadcast v3, $0x4  }
0x91: {  	v8 =	vbroadcast v2, $0x0;
	v16 =	vbroadcast v2, $0x1;
	v17 =	vld [tilespmem:s11+$0x170]  }
0x92: {  	v18 =	vld [tilespmem:s11+$0xFFFFFEF0];
	v5 =	vadd.f32 v6, v5;
	v6 =	vmul.f32 v11, v7;
	v7 =	vbroadcast v3, $0x5  }
0x93: {  	v11 =	vbroadcast v2, $0x2;
	v8 =	vmul.f32 v12, v8;
	v12 =	vld [tilespmem:s11+$0x180]  }
0x94: {  	v19 =	vld [tilespmem:s11+$0xFFFFFF00];
	v5 =	vadd.f32 v6, v5;
	v6 =	vmul.f32 v14, v7;
	v7 =	vbroadcast v3, $0x6  }
0x95: {  	v14 =	vmul.f32 v15, v16;
	v15 =	vbroadcast v0, $0x2;
	v16 =	vld [tilespmem:s11+$0x190]  }
0x96: {  	v20 =	vld [tilespmem:s11+$0x0];
	v5 =	vadd.f32 v6, v5;
	v6 =	vmul.f32 v17, v7;
	v7 =	vbroadcast v3, $0x7  }
0x97: {  	v8 =	vadd.f32 v14, v8;
	v4 =	vmul.f32 v18, v4;
	v14 =	vbroadcast v1, $0x2;
	v17 =	vld [tilespmem:s11+$0x1A0]  }
0x98: {  	v18 =	vld [tilespmem:s11+$0x10];
	v5 =	vadd.f32 v6, v5;
	v6 =	vmul.f32 v12, v7;
	v7 =	vbroadcast v3, $0x8  }
0x99: {  	v12 =	vbroadcast v2, $0x3;
	v10 =	vmul.f32 v19, v10;
	v19 =	vld [tilespmem:s11+$0x1B0]  }
0x9a: {  	v21 =	vld [tilespmem:s11+$0xFFFFFE00];
	v5 =	vadd.f32 v6, v5;
	v6 =	vmul.f32 v16, v7;
	v7 =	vbroadcast v3, $0x9  }
0x9b: {  	v4 =	vadd.f32 v10, v4;
	v10 =	vbroadcast v0, $0x3;
	v9 =	vmul.f32 v20, v9;
	v16 =	vld [tilespmem:s11+$0x1C0]  }
0x9c: {  	v20 =	vld [tilespmem:s11+$0xFFFFFF10];
	v5 =	vadd.f32 v6, v5;
	v6 =	vmul.f32 v17, v7;
	v7 =	vbroadcast v3, $0xA  }
0x9d: {  	v17 =	vbroadcast v1, $0x3;
	v13 =	vmul.f32 v18, v13;
	v18 =	vld [tilespmem:s11+$0x1D0]  }
0x9e: {  	v22 =	vld [tilespmem:s11+$0x20];
	v5 =	vadd.f32 v6, v5;
	v6 =	vmul.f32 v19, v7;
	v7 =	vbroadcast v3, $0xB  }
0x9f: {  	v19 =	vbroadcast v2, $0x4;
	v11 =	vmul.f32 v21, v11;
	v9 =	vadd.f32 v13, v9;
	v13 =	vld [tilespmem:s11+$0x1E0]  }
0xa0: {  	v21 =	vld [tilespmem:s11+$0xFFFFFE10];
	v5 =	vadd.f32 v6, v5;
	v6 =	vmul.f32 v16, v7;
	v7 =	vbroadcast v3, $0xC  }
0xa1: {  	v8 =	vadd.f32 v11, v8;
	v11 =	vmul.f32 v20, v15;
	v15 =	vbroadcast v0, $0x4;
	v16 =	vld [tilespmem:s11+$0x1F0]  }
0xa2: {  	v20 =	vld [tilespmem:s11+$0xFFFFFF20];
	v5 =	vadd.f32 v6, v5;
	v6 =	vmul.f32 v18, v7;
	v7 =	vbroadcast v3, $0xD  }
0xa3: {  	v4 =	vadd.f32 v11, v4;
	v11 =	vmul.f32 v22, v14;
	v14 =	vbroadcast v1, $0x4;
	v18 =	vld [tilespmem:s11+$0x200]  }
0xa4: {  	v22 =	vld [tilespmem:s11+$0x30];
	v5 =	vadd.f32 v6, v5;
	v6 =	vmul.f32 v13, v7;
	v7 =	vbroadcast v3, $0xE  }
0xa5: {  	v12 =	vmul.f32 v21, v12;
	v13 =	vld [tilespmem:s11+$0xFFFFFE20];
	v21 =	vbroadcast v2, $0x5;
	v9 =	vadd.f32 v11, v9  }
0xa6: {  	v3 =	vbroadcast v3, $0xF;
	v11 =	vld [tilespmem:s11+$0xFFFFFF30];
	v5 =	vadd.f32 v6, v5;
	v6 =	vmul.f32 v16, v7  }
0xa7: {  	v7 =	vadd.f32 v12, v8;
	v8 =	vmul.f32 v20, v10;
	v10 =	vbroadcast v0, $0x5;
	v12 =	vld [tilespmem:s11+$0x210]  }
0xa8: {  	v20 =	vbroadcast v1, $0x5;
	v16 =	vld [tilespmem:s11+$0x40];
	v5 =	vadd.f32 v6, v5;
	v3 =	vmul.f32 v18, v3  }
0xa9: {  	v18 =	vbroadcast v2, $0x6;
	v6 =	vld [tilespmem:s11+$0xFFFFFE30];
	v4 =	vadd.f32 v8, v4;
	v8 =	vmul.f32 v22, v17  }
0xaa: {  	v13 =	vmul.f32 v13, v19;
	v17 =	vld [tilespmem:s11+$0xFFFFFF40];
	v19 =	vbroadcast v0, $0x6;
	v3 =	vadd.f32 v3, v5  }
0xab: {  	v5 =	vmul.f32 v11, v15;
	v8 =	vadd.f32 v8, v9;
	v9 =	vld [tilespmem:s11+$0x50];
	v11 =	vbroadcast v1, $0x6  }
0xac: {  	v15 =	vbroadcast v2, $0x7;
	v7 =	vadd.f32 v13, v7;
	v13 =	vld [tilespmem:s11+$0xFFFFFE40];
	v3 =	vadd.f32 v3, v12  }
0xad: {  	s12 =	sadd.s32 $0x40, s12;
	v12 =	vbroadcast v0, $0x7;
	v4 =	vadd.f32 v5, v4;
	v5 =	vld [tilespmem:s11+$0xFFFFFF50];
	v14 =	vmul.f32 v16, v14  }
0xae: {  	v6 =	vmul.f32 v6, v21;
	v16 =	vld [tilespmem:s11+$0x60];
	v21 =	vbroadcast v1, $0x7;
	[tilespmem:s12+$0x10] =	vst v3  }
0xaf: {  	v22 =	vbroadcast v2, $0x8;
	v3 =	vld [tilespmem:s11+$0xFFFFFE50];
	v10 =	vmul.f32 v17, v10;
	v8 =	vadd.f32 v14, v8  }
0xb0: {  	v14 =	vbroadcast v0, $0x8;
	v6 =	vadd.f32 v6, v7;
	v7 =	vld [tilespmem:s11+$0xFFFFFF60];
	v9 =	vmul.f32 v9, v20  }
0xb1: {  	v17 =	vbroadcast v1, $0x8;
	v13 =	vmul.f32 v13, v18;
	v4 =	vadd.f32 v10, v4;
	v10 =	vld [tilespmem:s11+$0x70]  }
0xb2: {  	v20 =	vbroadcast v2, $0x9;
	v18 =	vld [tilespmem:s11+$0xFFFFFE60];
	v5 =	vmul.f32 v5, v19;
	v8 =	vadd.f32 v9, v8  }
0xb3: {  	v6 =	vadd.f32 v13, v6;
	v9 =	vld [tilespmem:s11+$0xFFFFFF70];
	v13 =	vbroadcast v0, $0x9;
	v11 =	vmul.f32 v16, v11  }
0xb4: {  	v3 =	vmul.f32 v3, v15;
	v4 =	vadd.f32 v5, v4;
	v5 =	vld [tilespmem:s11+$0x80];
	v15 =	vbroadcast v1, $0x9  }
0xb5: {  	v19 =	vbroadcast v2, $0xA;
	v16 =	vld [tilespmem:s11+$0xFFFFFE70];
	v7 =	vmul.f32 v7, v12;
	v8 =	vadd.f32 v11, v8  }
0xb6: {  	v11 =	vbroadcast v0, $0xA;
	v3 =	vadd.f32 v3, v6;
	v6 =	vld [tilespmem:s11+$0xFFFFFF80];
	v10 =	vmul.f32 v10, v21  }
0xb7: {  	v12 =	vmul.f32 v18, v22;
	v4 =	vadd.f32 v7, v4;
	v7 =	vld [tilespmem:s11+$0x90];
	v18 =	vbroadcast v1, $0xA  }
0xb8: {  	v22 =	vbroadcast v2, $0xB;
	v21 =	vld [tilespmem:s11+$0xFFFFFE80];
	v9 =	vmul.f32 v9, v14;
	v8 =	vadd.f32 v10, v8  }
0xb9: {  	v3 =	vadd.f32 v12, v3;
	v10 =	vld [tilespmem:s11+$0xFFFFFF90];
	v12 =	vbroadcast v0, $0xB;
	v5 =	vmul.f32 v5, v17  }
0xba: {  	v14 =	vmul.f32 v16, v20;
	v4 =	vadd.f32 v9, v4;
	v9 =	vld [tilespmem:s11+$0xA0];
	v16 =	vbroadcast v1, $0xB  }
0xbb: {  	v20 =	vbroadcast v2, $0xC;
	v17 =	vld [tilespmem:s11+$0xFFFFFE90];
	v6 =	vmul.f32 v6, v13;
	v5 =	vadd.f32 v5, v8  }
0xbc: {  	v13 =	vbroadcast v0, $0xC;
	v3 =	vadd.f32 v14, v3;
	v8 =	vld [tilespmem:s11+$0xFFFFFFA0];
	v7 =	vmul.f32 v7, v15  }
0xbd: {  	v15 =	vbroadcast v1, $0xC;
	v14 =	vmul.f32 v21, v19;
	v4 =	vadd.f32 v6, v4;
	v6 =	vld [tilespmem:s11+$0xB0]  }
0xbe: {  	v21 =	vbroadcast v2, $0xD;
	v19 =	vld [tilespmem:s11+$0xFFFFFEA0];
	v10 =	vmul.f32 v10, v11;
	v5 =	vadd.f32 v7, v5  }
0xbf: {  	v11 =	vbroadcast v0, $0xD;
	v3 =	vadd.f32 v14, v3;
	v7 =	vld [tilespmem:s11+$0xFFFFFFB0];
	v9 =	vmul.f32 v9, v18  }
0xc0: {  	v14 =	vmul.f32 v17, v22;
	v4 =	vadd.f32 v10, v4;
	v10 =	vld [tilespmem:s11+$0xC0];
	v17 =	vbroadcast v1, $0xD  }
0xc1: {  	v22 =	vbroadcast v2, $0xE;
	v18 =	vld [tilespmem:s11+$0xFFFFFEB0];
	v8 =	vmul.f32 v8, v12;
	v5 =	vadd.f32 v9, v5  }
0xc2: {  	v12 =	vbroadcast v0, $0xE;
	v3 =	vadd.f32 v14, v3;
	v9 =	vld [tilespmem:s11+$0xFFFFFFC0];
	v6 =	vmul.f32 v6, v16  }
0xc3: {  	v16 =	vbroadcast v1, $0xE;
	v14 =	vmul.f32 v19, v20;
	v4 =	vadd.f32 v8, v4;
	v8 =	vld [tilespmem:s11+$0xD0]  }
0xc4: {  	v20 =	vbroadcast v2, $0xF;
	v19 =	vld [tilespmem:s11+$0xFFFFFEC0];
	v7 =	vmul.f32 v7, v13;
	v5 =	vadd.f32 v6, v5  }
0xc5: {  	v2 =	vbroadcast v0, $0xF;
	v3 =	vadd.f32 v14, v3;
	v6 =	vld [tilespmem:s11+$0xFFFFFFD0];
	v10 =	vmul.f32 v10, v15  }
0xc6: {  	v0 =	vbroadcast v1, $0xF;
	v13 =	vmul.f32 v18, v21;
	v4 =	vadd.f32 v7, v4;
	v7 =	vld [tilespmem:s11+$0xE0]  }
0xc7: {  	v14 =	vld [tilespmem:s11+$0xFFFFFED0];
	v1 =	vmul.f32 v9, v11;
	v9 =	vadd.f32 v10, v5  }
.Ltmp0:
0xc8: {  	v3 =	vadd.f32 v13, v3;
	v5 =	vld [tilespmem:s11+$0xFFFFFFE0];
	v8 =	vmul.f32 v8, v17;
	(pc) =	sbr.rel @p1 .LBB2_3-.Ltmp0, $4  }
0xc9: {  	v10 =	vmul.f32 v19, v22;
	v13 =	vadd.f32 v1, v4;
	v4 =	vld [tilespmem:s11+$0xF0]  }
0xca: {  	v1 =	vld [tilespmem:s11+$0xFFFFFEE0];
	v15 =	vmul.f32 v6, v12;
	v9 =	vadd.f32 v8, v9  }
0xcb: {  	v8 =	vadd.f32 v10, v3;
	v6 =	vld [tilespmem:s11+$0xFFFFFFF0];
	v12 =	vmul.f32 v7, v16  }
0xcc: {  	s17 =	sadd.s32 $0x40, s17;
	v11 =	vmul.f32 v14, v20;
	v10 =	vadd.f32 v15, v13;
	v7 =	vld [tilespmem:s11+$0x100]  }
0xcd: {  	v2 =	vmul.f32 v5, v2  }
0xce: {  	v3 =	vadd.f32 v12, v9;
	v5 =	vadd.f32 v11, v8;
	v0 =	vmul.f32 v4, v0  }
0xcf: {  	v2 =	vadd.f32 v2, v10  }
0xd0: {  	v1 =	vadd.f32 v5, v1;
	v0 =	vadd.f32 v0, v3  }
0xd1: {  	v2 =	vadd.f32 v2, v6  }
0xd2: {  	[tilespmem:s12+$0xFFFFFFE0] =	vst v1;
	v0 =	vadd.f32 v0, v7  }
0xd3: {  	[tilespmem:s12+$0xFFFFFFF0] =	vst v2  }
0xd4: {  	[tilespmem:s12+$0x0] =	vst v0  }
0xd5: {  	_ =	swait.ge [sflag:s31], $0x80  }
0xd6: {  	[sflag:s31] =	ssyncset.done $0x0  }
0xd7: {  	[sflag:s31] =	ssyncadd.s32 $0xFFFFFF80  }
0xd8: {  	[spmem:s1] =	stream.indirect.scatter.add.f32 [tilespmem:s0], [sflag:$0x9], $0x10, s22, s20, $0xb8;
	[tilespmem:$0x15980] =	vst v63  }
0xd9: {  	s10 =	sadd.s32 @!p0 s19, s14;
	_ =	swait.ge [sflag:s2], $0x8800  }
0xda: {  	s11 =	simm.s32 @!p0 $0x0;
	s10 =	sshrl.u32 @!p0 s10, $0x3;
	[sflag:s2] =	ssyncset.done $0x0  }
0xdb: {  	s10 =	sadd.s32 @!p0 s6, s10;
	s12 =	simm.s32 @!p0 $0x80;
	[sflag:s2] =	ssyncadd.s32 $0xFFFF7800  }
0xdc: {  	[tilespmem:s12], [sflag:$0x2] =	stream.linear.gather @!p0 [hbm4b:s10+s11], $0x80, $0x38;
	[tilespmem:$0x15980] =	vst v63  }
0xdd: {  	s10 =	simm.s32 @!p0 $0x1  }
0xde: {  	_ =	swait.ge @!p0 [sflag:s10], $0x80  }
0xdf: {  	[sflag:s10] =	ssyncset.done @!p0 $0x0  }
0xe0: {  	[sflag:s10] =	ssyncadd.s32 @!p0 $0xFFFFFF80;
	s10 =	simm.s32 @!p0 $0x1200  }
0xe1: {  	[tilespmem:s10], [sflag:$0x7] =	stream.indirect.gather @!p0 [hbm4b:s4+s12], $0x110, s11, s12, $0xb8;
	[tilespmem:$0x15980] =	vst v63  }
0xe2: {  	s10 =	simm.s32 @!p0 $0x9  }
0xe3: {  	_ =	swait.ge @!p0 [sflag:s10], $0x800  }
0xe4: {  	[sflag:s10] =	ssyncset.done @!p0 $0x0  }
0xe5: {  	s9 =	sadd.s32 @!p0 $0x5000, s9;
	[sflag:s10] =	ssyncadd.s32 @!p0 $0xFFFFF800;
	s10 =	simm.s32 @!p0 $0x100  }
0xe6: {  	[tilespmem:s10], [sflag:$0x3] =	stream.linear.gather @!p0 [hbm4b:s9+s11], $0x80, $0x38;
	[tilespmem:$0x15980] =	vst v63  }
0xe7: {  	s9 =	sshll.u32 @!p0 s16, $0x1  }
0xe8: {  	s9 =	sand.u32 @!p0 $0x1FFFFE00, s9  }
0xe9: {  	s10 =	simm.s32 @!p0 $0x200;
	s9 =	sadd.s32 @!p0 s5, s9  }
0xea: {  	[tilespmem:s10], [sflag:$0x5] =	stream.linear.gather @!p0 [hbm4b:s9+s11], $0x800, $0x38;
	[tilespmem:$0x15980] =	vst v63  }
0xeb: {  	_ =	swait.ge [sflag:s21], $0x800  }
0xec: {  	[sflag:s21] =	ssyncset.done $0x0  }
0xed: {  	s19 =	simm.s32 $0xA20;
	[sflag:s21] =	ssyncadd.s32 $0xFFFFF800  }
0xee: {  	v3 =	vld [tilespmem:s19+$0x10]  }
0xef: {  	v1 =	vld [tilespmem:s19+$0xFFFFFFF0]  }
0xf0: {  	v0 =	vld [tilespmem:s19+$0x0]  }
0xf1: {  	s9 =	simm.s32 $0x9C20;
	v2 =	vld [tilespmem:s19+$0xFFFFFFE0]  }
0xf2: {  	v4 =	vld [tilespmem:s9+$0x110]  }
0xf3: {  	v5 =	vld [tilespmem:s9+$0x120];
	v8 =	vbroadcast v3, $0x0  }
0xf4: {  	v6 =	vld [tilespmem:s9+$0x130];
	v9 =	vbroadcast v3, $0x1;
	v10 =	vbroadcast v3, $0x2  }
0xf5: {  	v7 =	vld [tilespmem:s9+$0x140];
	v12 =	vbroadcast v1, $0x1;
	v15 =	vbroadcast v0, $0x1  }
0xf6: {  	v11 =	vld [tilespmem:s9+$0x150];
	v18 =	vbroadcast v2, $0x1;
	v47 =	vbroadcast v3, $0x7  }
0xf7: {  	v13 =	vld [tilespmem:s9+$0x160];
	v49 =	vbroadcast v3, $0x8;
	v51 =	vbroadcast v3, $0x9  }
0xf8: {  	v14 =	vld [tilespmem:s9+$0xFFFFFDF0];
	v52 =	vbroadcast v1, $0x3;
	v54 =	vbroadcast v3, $0xA  }
0xf9: {  	v16 =	vld [tilespmem:s9+$0x170];
	v57 =	vbroadcast v3, $0xB;
	v60 =	vbroadcast v3, $0xC  }
0xfa: {  	v20 =	vld [tilespmem:s9+$0xFFFFFF00];
	v63 =	vbroadcast v3, $0xD;
	v27 =	vbroadcast v3, $0xE  }
0xfb: {  	v17 =	vld [tilespmem:s9+$0xFFFFFEF0];
	v31 =	vbroadcast v1, $0x5;
	v37 =	vbroadcast v1, $0x7  }
0xfc: {  	v19 =	vld [tilespmem:s9+$0x180];
	v40 =	vbroadcast v2, $0x8;
	v42 =	vbroadcast v0, $0x8  }
0xfd: {  	v21 =	vld [tilespmem:s9+$0x0];
	v4 =	vmul.f32 v4, v8;
	v5 =	vmul.f32 v5, v9  }
0xfe: {  	v48 =	vld [tilespmem:s9+$0x1B0];
	v6 =	vmul.f32 v6, v10;
	v10 =	vbroadcast v3, $0x3  }
0xff: {  	v41 =	vld [tilespmem:s9+$0xFFFFFE60];
	v9 =	vbroadcast v1, $0x0;
	v12 =	vmul.f32 v20, v12  }
0x100: {  	v8 =	vld [tilespmem:s9+$0xFFFFFDE0];
	v4 =	vadd.f32 v5, v4;
	v7 =	vmul.f32 v7, v10;
	v10 =	vbroadcast v3, $0x4  }
0x101: {  	v46 =	vld [tilespmem:s9+$0x1A0];
	v5 =	vbroadcast v0, $0x0;
	v9 =	vmul.f32 v17, v9  }
0x102: {  	v22 =	vld [tilespmem:s9+$0x10];
	v4 =	vadd.f32 v6, v4;
	v6 =	vbroadcast v2, $0x0;
	v10 =	vmul.f32 v11, v10  }
0x103: {  	v23 =	vld [tilespmem:s9+$0xFFFFFE00];
	v11 =	vbroadcast v3, $0x5;
	v5 =	vmul.f32 v21, v5  }
0x104: {  	v62 =	vld [tilespmem:s9+$0x200];
	v9 =	vadd.f32 v12, v9;
	v12 =	vmul.f32 v48, v54;
	v21 =	vmul.f32 v41, v40  }
0x105: {  	v39 =	vld [tilespmem:s9+$0xFFFFFF60];
	v4 =	vadd.f32 v7, v4;
	v6 =	vmul.f32 v8, v6;
	v7 =	vbroadcast v2, $0x2  }
0x106: {  	v50 =	vld [tilespmem:s9+$0x1C0];
	v11 =	vmul.f32 v13, v11;
	v13 =	vbroadcast v3, $0x6  }
0x107: {  	v24 =	vld [tilespmem:s9+$0xFFFFFF10];
	v3 =	vbroadcast v3, $0xF;
	v4 =	vadd.f32 v10, v4;
	v10 =	vmul.f32 v14, v18  }
0x108: {  	v8 =	vld [tilespmem:s9+$0x190];
	v14 =	vbroadcast v1, $0x2;
	v13 =	vmul.f32 v16, v13  }
0x109: {  	v53 =	vld [tilespmem:s9+$0x1D0];
	v16 =	vmul.f32 v19, v47;
	v7 =	vmul.f32 v23, v7;
	v4 =	vadd.f32 v11, v4  }
0x10a: {  	v55 =	vld [tilespmem:s9+$0x20];
	v3 =	vmul.f32 v62, v3;
	v18 =	vmul.f32 v39, v37  }
0x10b: {  	v56 =	vld [tilespmem:s9+$0x1E0];
	v47 =	vbroadcast v0, $0xA;
	v62 =	vbroadcast v2, $0xF;
	v4 =	vadd.f32 v13, v4  }
0x10c: {  	v33 =	vld [tilespmem:s9+$0xFFFFFF40];
	v11 =	vbroadcast v0, $0x2;
	v6 =	vadd.f32 v10, v6;
	v10 =	vmul.f32 v46, v51  }
0x10d: {  	v25 =	vld [tilespmem:s9+$0x30];
	v46 =	vbroadcast v2, $0xA;
	v8 =	vmul.f32 v8, v49;
	v4 =	vadd.f32 v16, v4  }
0x10e: {  	v58 =	vld [tilespmem:s9+$0xFFFFFE10];
	v49 =	vbroadcast v2, $0xB;
	v13 =	vbroadcast v2, $0x3;
	v6 =	vadd.f32 v7, v6  }
0x10f: {  	v26 =	vld [tilespmem:s9+$0xFFFFFE20];
	v7 =	vmul.f32 v53, v60;
	v53 =	vbroadcast v2, $0xC;
	v4 =	vadd.f32 v8, v4  }
0x110: {  	v59 =	vld [tilespmem:s9+$0x1F0];
	v8 =	vmul.f32 v22, v15;
	v15 =	vbroadcast v0, $0x3  }
0x111: {  	v61 =	vld [tilespmem:s9+$0xFFFFFF20];
	v16 =	vmul.f32 v33, v31;
	v4 =	vadd.f32 v10, v4;
	v10 =	vbroadcast v2, $0x4  }
0x112: {  	v28 =	vld [tilespmem:s9+$0xFFFFFF30];
	v5 =	vadd.f32 v8, v5;
	v8 =	vmul.f32 v50, v57;
	v15 =	vmul.f32 v25, v15  }
0x113: {  	v30 =	vld [tilespmem:s9+$0x40];
	v50 =	vbroadcast v1, $0xB;
	v4 =	vadd.f32 v12, v4;
	v12 =	vmul.f32 v24, v14  }
0x114: {  	v29 =	vld [tilespmem:s9+$0x210];
	v14 =	vbroadcast v1, $0x4;
	v10 =	vmul.f32 v26, v10  }
0x115: {  	v32 =	vld [tilespmem:s9+$0xFFFFFE30];
	v4 =	vadd.f32 v8, v4;
	v8 =	vmul.f32 v55, v11;
	v11 =	vbroadcast v0, $0x4  }
0x116: {  	v34 =	vld [tilespmem:s9+$0x50];
	v9 =	vadd.f32 v12, v9;
	v12 =	vmul.f32 v56, v63;
	v55 =	vbroadcast v2, $0xD  }
0x117: {  	v35 =	vld [tilespmem:s9+$0xFFFFFE40];
	v4 =	vadd.f32 v7, v4;
	v7 =	vmul.f32 v58, v13;
	v13 =	vbroadcast v2, $0x5  }
0x118: {  	v36 =	vld [tilespmem:s9+$0x60];
	v5 =	vadd.f32 v8, v5;
	v8 =	vmul.f32 v59, v27;
	v11 =	vmul.f32 v30, v11  }
0x119: {  	v38 =	vld [tilespmem:s9+$0xFFFFFE50];
	v58 =	vbroadcast v2, $0xE;
	v59 =	vbroadcast v1, $0xE;
	v4 =	vadd.f32 v12, v4  }
0x11a: {  	v43 =	vld [tilespmem:s9+$0xFFFFFF70];
	v12 =	vmul.f32 v61, v52;
	v6 =	vadd.f32 v7, v6;
	v7 =	vbroadcast v0, $0x5  }
0x11b: {  	v44 =	vld [tilespmem:s9+$0xFFFFFE70];
	v5 =	vadd.f32 v15, v5;
	v15 =	vbroadcast v0, $0x6;
	v61 =	vbroadcast v0, $0xE  }
0x11c: {  	v51 =	vld [tilespmem:s9+$0xFFFFFE90];
	v4 =	vadd.f32 v8, v4;
	v8 =	vbroadcast v2, $0x6;
	v9 =	vadd.f32 v12, v9  }
0x11d: {  	v12 =	vbroadcast v1, $0x6;
	v5 =	vadd.f32 v11, v5;
	v11 =	vld [tilespmem:s9+$0x70];
	v7 =	vmul.f32 v34, v7  }
0x11e: {  	v6 =	vadd.f32 v10, v6;
	v3 =	vadd.f32 v3, v4;
	v4 =	vmul.f32 v28, v14;
	v14 =	vld [tilespmem:s9+$0xFFFFFF50]  }
0x11f: {  	v10 =	vbroadcast v2, $0x7;
	v15 =	vmul.f32 v36, v15;
	v5 =	vadd.f32 v7, v5;
	v7 =	vld [tilespmem:s9+$0x80]  }
0x120: {  	v45 =	vld [tilespmem:s9+$0xFFFFFF80];
	v4 =	vadd.f32 v4, v9;
	v9 =	vmul.f32 v32, v13;
	v13 =	vbroadcast v0, $0x7  }
0x121: {  	v48 =	vld [tilespmem:s9+$0xFFFFFF90];
	v8 =	vmul.f32 v35, v8;
	v10 =	vmul.f32 v38, v10;
	v5 =	vadd.f32 v15, v5  }
0x122: {  	v54 =	vld [tilespmem:s9+$0xFFFFFFB0];
	v6 =	vadd.f32 v9, v6;
	v9 =	vbroadcast v1, $0x8;
	v11 =	vmul.f32 v11, v13  }
0x123: {  	v15 =	vld [tilespmem:s9+$0x90];
	v4 =	vadd.f32 v16, v4;
	v16 =	vmul.f32 v51, v49;
	v12 =	vmul.f32 v14, v12  }
0x124: {  	v13 =	vld [tilespmem:s9+$0xFFFFFE80];
	v14 =	vbroadcast v2, $0x9;
	v7 =	vmul.f32 v7, v42;
	v6 =	vadd.f32 v8, v6  }
0x125: {  	v52 =	vld [tilespmem:s9+$0xFFFFFFA0];
	v8 =	vbroadcast v1, $0x9;
	v9 =	vmul.f32 v43, v9;
	v5 =	vadd.f32 v11, v5  }
0x126: {  	v11 =	vld [tilespmem:s9+$0xA0];
	v4 =	vadd.f32 v12, v4;
	v12 =	vbroadcast v0, $0x9;
	v14 =	vmul.f32 v44, v14  }
0x127: {  	v60 =	vld [tilespmem:s9+$0xFFFFFFD0];
	v6 =	vadd.f32 v10, v6;
	v10 =	vbroadcast v1, $0xA;
	v8 =	vmul.f32 v45, v8  }
0x128: {  	v5 =	vadd.f32 v7, v5;
	v7 =	vld [tilespmem:s9+$0xB0];
	v4 =	vadd.f32 v18, v4;
	v12 =	vmul.f32 v15, v12  }
0x129: {  	v15 =	vld [tilespmem:s9+$0xFFFFFEA0];
	v13 =	vmul.f32 v13, v46;
	v6 =	vadd.f32 v21, v6;
	v10 =	vmul.f32 v48, v10  }
0x12a: {  	v57 =	vld [tilespmem:s9+$0xFFFFFFC0];
	v21 =	vmul.f32 v52, v50;
	v4 =	vadd.f32 v9, v4;
	v9 =	vbroadcast v0, $0xB  }
0x12b: {  	v5 =	vadd.f32 v12, v5;
	v12 =	vld [tilespmem:s9+$0xC0];
	v11 =	vmul.f32 v11, v47;
	v6 =	vadd.f32 v14, v6  }
0x12c: {  	v56 =	vld [tilespmem:s9+$0xFFFFFEB0];
	v14 =	vbroadcast v1, $0xC;
	v4 =	vadd.f32 v8, v4;
	v8 =	vbroadcast v0, $0xC  }
0x12d: {  	v5 =	vadd.f32 v11, v5;
	v11 =	vld [tilespmem:s9+$0xD0];
	v7 =	vmul.f32 v7, v9;
	v6 =	vadd.f32 v13, v6  }
0x12e: {  	v13 =	vbroadcast v1, $0xD;
	v9 =	vmul.f32 v15, v53;
	v15 =	vld [tilespmem:s9+$0xFFFFFEC0];
	v4 =	vadd.f32 v10, v4  }
0x12f: {  	v14 =	vmul.f32 v54, v14;
	v10 =	vbroadcast v0, $0xD;
	v6 =	vadd.f32 v16, v6  }
0x130: {  	v5 =	vadd.f32 v7, v5;
	v7 =	vmul.f32 v12, v8;
	v12 =	vld [tilespmem:s9+$0xE0];
	v4 =	vadd.f32 v21, v4  }
0x131: {  	v63 =	vld [tilespmem:s9+$0xFFFFFED0];
	v2 =	vadd.f32 v9, v6;
	v6 =	vmul.f32 v56, v55;
	v9 =	vmul.f32 v57, v13  }
0x132: {  	v7 =	vadd.f32 v7, v5;
	v5 =	vld [tilespmem:s9+$0xFFFFFFE0];
	v10 =	vmul.f32 v11, v10;
	v8 =	vadd.f32 v14, v4  }
0x133: {  	v3 =	vadd.f32 v3, v29;
	v11 =	vmul.f32 v15, v58;
	v4 =	vld [tilespmem:s9+$0xF0];
	v14 =	vmul.f32 v60, v59  }
0x134: {  	v6 =	vadd.f32 v6, v2;
	v2 =	vbroadcast v1, $0xF;
	v1 =	vld [tilespmem:s9+$0xFFFFFEE0];
	v13 =	vadd.f32 v9, v8  }
0x135: {  	s11 =	simm.s32 $0x12A20;
	v0 =	vbroadcast v0, $0xF;
	v9 =	vadd.f32 v10, v7;
	v12 =	vmul.f32 v12, v61;
	v7 =	vld [tilespmem:s9+$0x100]  }
0x136: {  	s12 =	simm.s32 $0xA60;
	s10 =	simm.s32 $0x0;
	[tilespmem:s11+$0x10] =	vst v3;
	v8 =	vadd.f32 v11, v6;
	v6 =	vld [tilespmem:s9+$0xFFFFFFF0];
	v11 =	vmul.f32 v63, v62;
	v10 =	vadd.f32 v14, v13  }
.LBB2_5:
0x137: {  	v3 =	vld [tilespmem:s12+$0x10];
	s10 =	sadd.s32 $0x4, s10;
	v2 =	vmul.f32 v5, v2;
	v5 =	vadd.f32 v12, v9;
	s9 =	sadd.s32 $0x440, s9  }
0x138: {  	v9 =	vld [tilespmem:s9+$0x110];
	p0 =	slt.u32 s10, $0x7C;
	v8 =	vadd.f32 v11, v8;
	v4 =	vmul.f32 v4, v0  }
0x139: {  	v11 =	vld [tilespmem:s9+$0x120];
	v2 =	vadd.f32 v2, v10  }
0x13a: {  	v0 =	vld [tilespmem:s12+$0xFFFFFFF0];
	v8 =	vadd.f32 v8, v1;
	v4 =	vadd.f32 v4, v5  }
0x13b: {  	v5 =	vld [tilespmem:s9+$0x130];
	v2 =	vadd.f32 v2, v6  }
0x13c: {  	v1 =	vld [tilespmem:s12+$0x0];
	v6 =	vbroadcast v3, $0x0;
	v10 =	vbroadcast v3, $0x1;
	[tilespmem:s11+$0xFFFFFFE0] =	vst v8;
	v4 =	vadd.f32 v4, v7  }
0x13d: {  	v7 =	vbroadcast v3, $0x2;
	v8 =	vld [tilespmem:s9+$0x140];
	[tilespmem:s11+$0xFFFFFFF0] =	vst v2  }
0x13e: {  	v2 =	vld [tilespmem:s12+$0xFFFFFFE0];
	v6 =	vmul.f32 v9, v6;
	v9 =	vmul.f32 v11, v10;
	[tilespmem:s11+$0x0] =	vst v4  }
0x13f: {  	v4 =	vbroadcast v0, $0x0;
	v10 =	vbroadcast v0, $0x1;
	v11 =	vld [tilespmem:s9+$0x150]  }
0x140: {  	v12 =	vld [tilespmem:s9+$0xFFFFFDE0];
	v6 =	vadd.f32 v9, v6;
	v5 =	vmul.f32 v5, v7;
	v7 =	vbroadcast v3, $0x3  }
0x141: {  	v9 =	vbroadcast v1, $0x0;
	v13 =	vbroadcast v1, $0x1;
	v14 =	vld [tilespmem:s9+$0x160]  }
0x142: {  	v15 =	vld [tilespmem:s9+$0xFFFFFDF0];
	v5 =	vadd.f32 v5, v6;
	v6 =	vmul.f32 v8, v7;
	v7 =	vbroadcast v3, $0x4  }
0x143: {  	v8 =	vbroadcast v2, $0x0;
	v16 =	vbroadcast v2, $0x1;
	v17 =	vld [tilespmem:s9+$0x170]  }
0x144: {  	v18 =	vld [tilespmem:s9+$0xFFFFFEF0];
	v5 =	vadd.f32 v6, v5;
	v6 =	vmul.f32 v11, v7;
	v7 =	vbroadcast v3, $0x5  }
0x145: {  	v11 =	vbroadcast v2, $0x2;
	v8 =	vmul.f32 v12, v8;
	v12 =	vld [tilespmem:s9+$0x180]  }
0x146: {  	v19 =	vld [tilespmem:s9+$0xFFFFFF00];
	v5 =	vadd.f32 v6, v5;
	v6 =	vmul.f32 v14, v7;
	v7 =	vbroadcast v3, $0x6  }
0x147: {  	v14 =	vmul.f32 v15, v16;
	v15 =	vbroadcast v0, $0x2;
	v16 =	vld [tilespmem:s9+$0x190]  }
0x148: {  	v20 =	vld [tilespmem:s9+$0x0];
	v5 =	vadd.f32 v6, v5;
	v6 =	vmul.f32 v17, v7;
	v7 =	vbroadcast v3, $0x7  }
0x149: {  	v8 =	vadd.f32 v14, v8;
	v4 =	vmul.f32 v18, v4;
	v14 =	vbroadcast v1, $0x2;
	v17 =	vld [tilespmem:s9+$0x1A0]  }
0x14a: {  	v18 =	vld [tilespmem:s9+$0x10];
	v5 =	vadd.f32 v6, v5;
	v6 =	vmul.f32 v12, v7;
	v7 =	vbroadcast v3, $0x8  }
0x14b: {  	v12 =	vbroadcast v2, $0x3;
	v10 =	vmul.f32 v19, v10;
	v19 =	vld [tilespmem:s9+$0x1B0]  }
0x14c: {  	v21 =	vld [tilespmem:s9+$0xFFFFFE00];
	v5 =	vadd.f32 v6, v5;
	v6 =	vmul.f32 v16, v7;
	v7 =	vbroadcast v3, $0x9  }
0x14d: {  	v4 =	vadd.f32 v10, v4;
	v10 =	vbroadcast v0, $0x3;
	v9 =	vmul.f32 v20, v9;
	v16 =	vld [tilespmem:s9+$0x1C0]  }
0x14e: {  	v20 =	vld [tilespmem:s9+$0xFFFFFF10];
	v5 =	vadd.f32 v6, v5;
	v6 =	vmul.f32 v17, v7;
	v7 =	vbroadcast v3, $0xA  }
0x14f: {  	v17 =	vbroadcast v1, $0x3;
	v13 =	vmul.f32 v18, v13;
	v18 =	vld [tilespmem:s9+$0x1D0]  }
0x150: {  	v22 =	vld [tilespmem:s9+$0x20];
	v5 =	vadd.f32 v6, v5;
	v6 =	vmul.f32 v19, v7;
	v7 =	vbroadcast v3, $0xB  }
0x151: {  	v19 =	vbroadcast v2, $0x4;
	v11 =	vmul.f32 v21, v11;
	v9 =	vadd.f32 v13, v9;
	v13 =	vld [tilespmem:s9+$0x1E0]  }
0x152: {  	v21 =	vld [tilespmem:s9+$0xFFFFFE10];
	v5 =	vadd.f32 v6, v5;
	v6 =	vmul.f32 v16, v7;
	v7 =	vbroadcast v3, $0xC  }
0x153: {  	v8 =	vadd.f32 v11, v8;
	v11 =	vmul.f32 v20, v15;
	v15 =	vbroadcast v0, $0x4;
	v16 =	vld [tilespmem:s9+$0x1F0]  }
0x154: {  	v20 =	vld [tilespmem:s9+$0xFFFFFF20];
	v5 =	vadd.f32 v6, v5;
	v6 =	vmul.f32 v18, v7;
	v7 =	vbroadcast v3, $0xD  }
0x155: {  	v4 =	vadd.f32 v11, v4;
	v11 =	vmul.f32 v22, v14;
	v14 =	vbroadcast v1, $0x4;
	v18 =	vld [tilespmem:s9+$0x200]  }
0x156: {  	v22 =	vld [tilespmem:s9+$0x30];
	v5 =	vadd.f32 v6, v5;
	v6 =	vmul.f32 v13, v7;
	v7 =	vbroadcast v3, $0xE  }
0x157: {  	v12 =	vmul.f32 v21, v12;
	v13 =	vld [tilespmem:s9+$0xFFFFFE20];
	v21 =	vbroadcast v2, $0x5;
	v9 =	vadd.f32 v11, v9  }
0x158: {  	v3 =	vbroadcast v3, $0xF;
	v11 =	vld [tilespmem:s9+$0xFFFFFF30];
	v5 =	vadd.f32 v6, v5;
	v6 =	vmul.f32 v16, v7  }
0x159: {  	v7 =	vadd.f32 v12, v8;
	v8 =	vmul.f32 v20, v10;
	v10 =	vbroadcast v0, $0x5;
	v12 =	vld [tilespmem:s9+$0x210]  }
0x15a: {  	v20 =	vbroadcast v1, $0x5;
	v16 =	vld [tilespmem:s9+$0x40];
	v5 =	vadd.f32 v6, v5;
	v3 =	vmul.f32 v18, v3  }
0x15b: {  	v18 =	vbroadcast v2, $0x6;
	v6 =	vld [tilespmem:s9+$0xFFFFFE30];
	v4 =	vadd.f32 v8, v4;
	v8 =	vmul.f32 v22, v17  }
0x15c: {  	v13 =	vmul.f32 v13, v19;
	v17 =	vld [tilespmem:s9+$0xFFFFFF40];
	v19 =	vbroadcast v0, $0x6;
	v3 =	vadd.f32 v3, v5  }
0x15d: {  	v5 =	vmul.f32 v11, v15;
	v8 =	vadd.f32 v8, v9;
	v9 =	vld [tilespmem:s9+$0x50];
	v11 =	vbroadcast v1, $0x6  }
0x15e: {  	v15 =	vbroadcast v2, $0x7;
	v7 =	vadd.f32 v13, v7;
	v13 =	vld [tilespmem:s9+$0xFFFFFE40];
	v3 =	vadd.f32 v3, v12  }
0x15f: {  	s11 =	sadd.s32 $0x40, s11;
	v12 =	vbroadcast v0, $0x7;
	v4 =	vadd.f32 v5, v4;
	v5 =	vld [tilespmem:s9+$0xFFFFFF50];
	v14 =	vmul.f32 v16, v14  }
0x160: {  	v6 =	vmul.f32 v6, v21;
	v16 =	vld [tilespmem:s9+$0x60];
	v21 =	vbroadcast v1, $0x7;
	[tilespmem:s11+$0x10] =	vst v3  }
0x161: {  	v22 =	vbroadcast v2, $0x8;
	v3 =	vld [tilespmem:s9+$0xFFFFFE50];
	v10 =	vmul.f32 v17, v10;
	v8 =	vadd.f32 v14, v8  }
0x162: {  	v14 =	vbroadcast v0, $0x8;
	v6 =	vadd.f32 v6, v7;
	v7 =	vld [tilespmem:s9+$0xFFFFFF60];
	v9 =	vmul.f32 v9, v20  }
0x163: {  	v17 =	vbroadcast v1, $0x8;
	v13 =	vmul.f32 v13, v18;
	v4 =	vadd.f32 v10, v4;
	v10 =	vld [tilespmem:s9+$0x70]  }
0x164: {  	v20 =	vbroadcast v2, $0x9;
	v18 =	vld [tilespmem:s9+$0xFFFFFE60];
	v5 =	vmul.f32 v5, v19;
	v8 =	vadd.f32 v9, v8  }
0x165: {  	v6 =	vadd.f32 v13, v6;
	v9 =	vld [tilespmem:s9+$0xFFFFFF70];
	v13 =	vbroadcast v0, $0x9;
	v11 =	vmul.f32 v16, v11  }
0x166: {  	v3 =	vmul.f32 v3, v15;
	v4 =	vadd.f32 v5, v4;
	v5 =	vld [tilespmem:s9+$0x80];
	v15 =	vbroadcast v1, $0x9  }
0x167: {  	v19 =	vbroadcast v2, $0xA;
	v16 =	vld [tilespmem:s9+$0xFFFFFE70];
	v7 =	vmul.f32 v7, v12;
	v8 =	vadd.f32 v11, v8  }
0x168: {  	v11 =	vbroadcast v0, $0xA;
	v3 =	vadd.f32 v3, v6;
	v6 =	vld [tilespmem:s9+$0xFFFFFF80];
	v10 =	vmul.f32 v10, v21  }
0x169: {  	v12 =	vmul.f32 v18, v22;
	v4 =	vadd.f32 v7, v4;
	v7 =	vld [tilespmem:s9+$0x90];
	v18 =	vbroadcast v1, $0xA  }
0x16a: {  	v22 =	vbroadcast v2, $0xB;
	v21 =	vld [tilespmem:s9+$0xFFFFFE80];
	v9 =	vmul.f32 v9, v14;
	v8 =	vadd.f32 v10, v8  }
0x16b: {  	v3 =	vadd.f32 v12, v3;
	v10 =	vld [tilespmem:s9+$0xFFFFFF90];
	v12 =	vbroadcast v0, $0xB;
	v5 =	vmul.f32 v5, v17  }
0x16c: {  	v14 =	vmul.f32 v16, v20;
	v4 =	vadd.f32 v9, v4;
	v9 =	vld [tilespmem:s9+$0xA0];
	v16 =	vbroadcast v1, $0xB  }
0x16d: {  	v20 =	vbroadcast v2, $0xC;
	v17 =	vld [tilespmem:s9+$0xFFFFFE90];
	v6 =	vmul.f32 v6, v13;
	v5 =	vadd.f32 v5, v8  }
0x16e: {  	v13 =	vbroadcast v0, $0xC;
	v3 =	vadd.f32 v14, v3;
	v8 =	vld [tilespmem:s9+$0xFFFFFFA0];
	v7 =	vmul.f32 v7, v15  }
0x16f: {  	v15 =	vbroadcast v1, $0xC;
	v14 =	vmul.f32 v21, v19;
	v4 =	vadd.f32 v6, v4;
	v6 =	vld [tilespmem:s9+$0xB0]  }
0x170: {  	v21 =	vbroadcast v2, $0xD;
	v19 =	vld [tilespmem:s9+$0xFFFFFEA0];
	v10 =	vmul.f32 v10, v11;
	v5 =	vadd.f32 v7, v5  }
0x171: {  	v11 =	vbroadcast v0, $0xD;
	v3 =	vadd.f32 v14, v3;
	v7 =	vld [tilespmem:s9+$0xFFFFFFB0];
	v9 =	vmul.f32 v9, v18  }
0x172: {  	v14 =	vmul.f32 v17, v22;
	v4 =	vadd.f32 v10, v4;
	v10 =	vld [tilespmem:s9+$0xC0];
	v17 =	vbroadcast v1, $0xD  }
0x173: {  	v22 =	vbroadcast v2, $0xE;
	v18 =	vld [tilespmem:s9+$0xFFFFFEB0];
	v8 =	vmul.f32 v8, v12;
	v5 =	vadd.f32 v9, v5  }
0x174: {  	v12 =	vbroadcast v0, $0xE;
	v3 =	vadd.f32 v14, v3;
	v9 =	vld [tilespmem:s9+$0xFFFFFFC0];
	v6 =	vmul.f32 v6, v16  }
0x175: {  	v16 =	vbroadcast v1, $0xE;
	v14 =	vmul.f32 v19, v20;
	v4 =	vadd.f32 v8, v4;
	v8 =	vld [tilespmem:s9+$0xD0]  }
0x176: {  	v20 =	vbroadcast v2, $0xF;
	v19 =	vld [tilespmem:s9+$0xFFFFFEC0];
	v7 =	vmul.f32 v7, v13;
	v5 =	vadd.f32 v6, v5  }
0x177: {  	v2 =	vbroadcast v0, $0xF;
	v3 =	vadd.f32 v14, v3;
	v6 =	vld [tilespmem:s9+$0xFFFFFFD0];
	v10 =	vmul.f32 v10, v15  }
0x178: {  	v0 =	vbroadcast v1, $0xF;
	v13 =	vmul.f32 v18, v21;
	v4 =	vadd.f32 v7, v4;
	v7 =	vld [tilespmem:s9+$0xE0]  }
0x179: {  	v14 =	vld [tilespmem:s9+$0xFFFFFED0];
	v1 =	vmul.f32 v9, v11;
	v9 =	vadd.f32 v10, v5  }
.Ltmp1:
0x17a: {  	v3 =	vadd.f32 v13, v3;
	v5 =	vld [tilespmem:s9+$0xFFFFFFE0];
	v8 =	vmul.f32 v8, v17;
	(pc) =	sbr.rel @p0 .LBB2_5-.Ltmp1, $4  }
0x17b: {  	v10 =	vmul.f32 v19, v22;
	v13 =	vadd.f32 v1, v4;
	v4 =	vld [tilespmem:s9+$0xF0]  }
0x17c: {  	v1 =	vld [tilespmem:s9+$0xFFFFFEE0];
	v15 =	vmul.f32 v6, v12;
	v9 =	vadd.f32 v8, v9  }
0x17d: {  	v8 =	vadd.f32 v10, v3;
	v6 =	vld [tilespmem:s9+$0xFFFFFFF0];
	v12 =	vmul.f32 v7, v16  }
0x17e: {  	s12 =	sadd.s32 $0x40, s12;
	v11 =	vmul.f32 v14, v20;
	v10 =	vadd.f32 v15, v13;
	v7 =	vld [tilespmem:s9+$0x100]  }
0x17f: {  	v2 =	vmul.f32 v5, v2  }
0x180: {  	v3 =	vadd.f32 v12, v9;
	v63 =	vadd.f32 v11, v8;
	v0 =	vmul.f32 v4, v0  }
0x181: {  	v2 =	vadd.f32 v2, v10  }
0x182: {  	v1 =	vadd.f32 v63, v1;
	v0 =	vadd.f32 v0, v3  }
0x183: {  	v2 =	vadd.f32 v2, v6  }
0x184: {  	s15 =	sadd.s32 $0x1, s15;
	[tilespmem:s11+$0xFFFFFFE0] =	vst v1;
	v0 =	vadd.f32 v0, v7  }
0x185: {  	p0 =	sne.s32 s15, $0x14;
	[tilespmem:s11+$0xFFFFFFF0] =	vst v2  }
.Ltmp2:
0x186: {  	[tilespmem:s11+$0x0] =	vst v0;
	(pc) =	sbr.rel @p0 .LBB2_2-.Ltmp2, $4  }
0x187: {  	_ =	swait.ge [sflag:s23], $0x80  }
0x188: {  	[sflag:s23] =	ssyncset.done $0x0  }
0x189: {  	[sflag:s23] =	ssyncadd.s32 $0xFFFFFF80  }
0x18a: {  	[spmem:s1] =	stream.indirect.scatter.add.f32 [tilespmem:s8], [sflag:$0xA], $0x10, s28, s20, $0xb8;
	[tilespmem:$0x15980] =	vst v63  }
0x18b: {  	s9 =	simm.s32 $0x9  }
0x18c: {  	_ =	swait.ge [sflag:s9], $0x800  }
0x18d: {  	[sflag:s9] =	ssyncset.done $0x0  }
0x18e: {  	s16 =	simm.s32 $0xA;
	[sflag:s9] =	ssyncadd.s32 $0xFFFFF800  }
0x18f: {  	_ =	swait.ge [sflag:s16], $0x800  }
0x190: {  	[sflag:s16] =	ssyncset.done $0x0  }
0x191: {  	[sflag:s16] =	ssyncadd.s32 $0xFFFFF800  }
0x192: {  	[bflag:$0x0] =	sbarrier.arrive $0xFFFF  }
0x193: {  	s11 =	rddreg [dreg:$0x5]  }
0x194: {  	s17 =	rddreg [dreg:$0x9]  }
0x195: {  	s10 =	rddreg [dreg:$0xb]  }
0x196: {  	[hbm:s17], [sflag:s11] =	dma.local [spmem:s10], $0x4F0  }
0x197: {  	_ =	swait.ge [sflag:s18], $0x4F0  }
0x198: {  	s13 =	sadd.s32 $0x1, s13;
	s19 =	rddreg [dreg:$0xa]  }
0x199: {  	p0 =	sne.s32 s13, s19  }
.Ltmp3:
0x19a: {  	_ = 	snop;
	(pc) =	sbr.rel @p0 .LBB2_1-.Ltmp3, $3  }
0x19b: {  	_ =	sdelay $0x1  }
0x19c: {  	[sflag:s18] =	ssyncset.done $0x0  }
0x19d: {  	[sflag:s18] =	ssyncadd.s32 $0xFFFFFB10  }
0x19e: {  	_ =	sfence.sel $0x180000  }
0x19f: {  	[bflag:$0x0] =	sbarrier.arrive $0xFFFF  }
0x1a0: {  	_ =	strace $0x90000047  }
0x1a1: {  	s0 =	stileid.u32;
	[bflag:$0x2] =	sbarrier.arrive $0xFFFF  }
0x1a2: {  	p0 =	sne.s32 s0, $0x0;
	s0 =	rddreg [dreg:$0x2]  }
0x1a3: {  	s0 =	sadd.s32 @!p0 $0x100000, s0  }
0x1a4: {  	[sflag:s0] =	ssyncadd.tile.s32 @!p0 $0x1;
	_ =	shalt  }
.Lfunc_end2:
_tile_overlayer_lowered:
.L_overlay_start_2:
0x1a5: {  	(tag) =	ssettag $0x2  }
0x1a6: {  	s0 =	rddreg [dreg:$0x0];
	s2 =	stileid.u32  }
0x1a7: {  	s1 =	rddreg [dreg:$0x1];
	p0 =	sne.s32 s2, $0x0  }
0x1a8: {  	s3 =	rddreg [dreg:$0x2];
	[bflag:$0x3] =	sbarrier.arrive $0xFFFF;
	s2 =	simm.s32 @!p0 $0x1C0B  }
0x1a9: {  	[timem:s3], [sflag:s2] =	dma.local @!p0 [hbm:s0], s1  }
0x1aa: {  	s0 =	simm.s32 @!p0 $0xB  }
0x1ab: {  	_ =	swait.ge @!p0 [sflag:s0], s1  }
0x1ac: {  	s1 =	ssub.s32 @!p0 $0x0, s1;
	[sflag:s0] =	ssyncset.done @!p0 $0x0  }
0x1ad: {  	[sflag:s0] =	ssyncadd.s32 @!p0 s1  }
0x1ae: {  	[bflag:$0x3] =	sbarrier.arrive $0xFFFF  }
0x1af: {  	_ =	shalt  }

// kernel: kernel.13.cloned.1.call-start
scs
__scs_entry_jumppad:
0x0: {  	(pc) =	sbr.rel $0x88, $3  }
0x1: {  	(tag) =	ssettag $0x0;
	lr =	simm.s32 $0x1  }
0x2: {  	[smem:$0x3F87] =	sst lr;
	_ =	strace $0xD0000000  }
0x3: {  	_ = 	snop  }
0x4: {  	_ = 	snop  }
0x5: {  	_ = 	snop  }
0x6: {  	_ = 	snop  }
0x7: {  	_ = 	snop  }
__scs_overlays_trampoline_lowered:
0x8: {  	[smem:$0x3F96] =	sst s0  }
0x9: {  	[smem:$0x3F97] =	sst s1  }
0xa: {  	[smem:$0x3F98] =	sst s2  }
0xb: {  	[smem:$0x3F99] =	sst s3  }
0xc: {  	[smem:$0x3F9A] =	sst s4  }
0xd: {  	[smem:$0x3F9B] =	sst s5  }
0xe: {  	[smem:$0x3F9C] =	sst s6  }
0xf: {  	[smem:$0x3F9D] =	sst s7  }
0x10: {  	[smem:$0x3F9E] =	sst s8  }
0x11: {  	[smem:$0x3F9F] =	sst s9;
	s0 =	simm.s32 @!p0 $0x0  }
0x12: {  	s1 =	sld [smem:$0x3F85];
	s0 =	simm.s32 @p0 $0x1  }
0x13: {  	[smem:$0x3FA0] =	sst s0;
	s0 =	simm.s32 @!p1 $0x0  }
0x14: {  	s2 =	sld [smem:$0x3F84];
	s0 =	simm.s32 @p1 $0x1  }
0x15: {  	[smem:$0x3FA1] =	sst s0;
	s0 =	simm.s32 @!p2 $0x0  }
0x16: {  	s3 =	sld [smem:$0x3FDB];
	s0 =	simm.s32 @p2 $0x1  }
0x17: {  	s4 =	simm.s32 $0x1BF5;
	[smem:$0x3FA3] =	sst s0  }
0x18: {  	s0 =	sld [smem:$0x3F86];
	_ =	swait.ge [sflag:s4], $0x0  }
0x19: {  	s7 =	sld [smem:$0x3F87]  }
0x1a: {  	s8 =	sadd.s32 $0xFFFFE003, lr  }
0x1b: {  	s9 =	sadd.s32 $0xFFFFFEF7, lr;
	s5 =	simm.s32 $0xFFFFFFFF;
	p2 =	slt.u32 s8, $0xFFFFF086  }
0x1c: {  	p1 =	slt.u32 s9, $0xF7A;
	s5 =	simm.s32 @!p2 $0x0  }
0x1d: {  	s5 =	simm.s32 @p1 $0x1;
	p0 =	seq.s32 s7, s2  }
0x1e: {  	s7 =	smul.u32 @!p0 $0xF7A, s2;
	p2 =	seq.s32 @!p0 s5, $0x0  }
0x1f: {  	s9 =	smul.u32 $0xF7A, s1;
	s8 =	simm.s32 @!p0 $0x1BF5;
	p2 =	por !p2, p0  }
0x20: {  	[sflag:s8] =	ssyncset.s32 @!p0 $0xFFFFF086;
	s6 =	sadd.s32 @!p0 s3, s7;
	s7 =	simm.s32 @!p0 $0x108  }
0x21: {  	s3 =	sadd.s32 s3, s9;
	s6 =	sadd.s32 @!p0 $0x88, s6;
	s7 =	simm.s32 @p2 $0x1082  }
0x22: {  	[simem:s7], [sflag:s8] =	dma.local @!p0 [hbm:s6], $0xF7A  }
0x23: {  	s9 =	sor.u32 $0xD0000000, s2;
	s6 =	simm.s32 $0x108;
	_ =	swait.ge @!p0 [sflag:s8], $0x0  }
0x24: {  	s3 =	sadd.s32 $0x88, s3;
	s6 =	simm.s32 @!p1 $0x1082;
	[sflag:s4] =	ssyncset.s32 $0xFFFFF086  }
0x25: {  	[simem:s6], [sflag:s4] =	dma.local [hbm:s3], $0xF7A  }
0x26: {  	[smem:$0x3F87] =	sst s1;
	(tag) =	ssettag s2;
	_ =	strace s9  }
0x27: {  	s1 =	sld [smem:$0x3F97]  }
0x28: {  	s2 =	sld [smem:$0x3F98]  }
0x29: {  	s4 =	sld [smem:$0x3F9A]  }
0x2a: {  	p0 =	seq.s32 s5, $0x0;
	s5 =	sld [smem:$0x3F9B]  }
0x2b: {  	s6 =	sld [smem:$0x3F9C]  }
0x2c: {  	s7 =	sld [smem:$0x3F9D]  }
0x2d: {  	s3 =	simm.s32 $0x108;
	s8 =	sld [smem:$0x3F9E]  }
0x2e: {  	s3 =	simm.s32 @!p0 $0x1082;
	s9 =	sld [smem:$0x3F9F]  }
0x2f: {  	lr =	sadd.s32 s0, s3;
	s0 =	sld [smem:$0x3F96]  }
0x30: {  	s3 =	sld [smem:$0x3F99]  }
0x31: {  	[smem:$0x3FA2] =	sst s10  }
0x32: {  	s10 =	sld [smem:$0x3FA0];
	_ =	sdelay $0x3  }
0x33: {  	p0 =	seq.s32 s10, $0x1;
	s10 =	sld [smem:$0x3FA2];
	_ =	sdelay $0x3  }
0x34: {  	[smem:$0x3FA2] =	sst s10  }
0x35: {  	s10 =	sld [smem:$0x3FA1];
	_ =	sdelay $0x3  }
0x36: {  	p1 =	seq.s32 s10, $0x1;
	s10 =	sld [smem:$0x3FA2];
	_ =	sdelay $0x3  }
0x37: {  	[smem:$0x3FA2] =	sst s10  }
0x38: {  	s10 =	sld [smem:$0x3FA3]  }
0x39: {  	_ = 	snop;
	(pc) =	sbr.ind lr, $3  }
0x3a: {  	_ = 	snop  }
0x3b: {  	_ = 	snop  }
0x3c: {  	p2 =	seq.s32 s10, $0x1;
	s10 =	sld [smem:$0x3FA2]  }
0x3d: {  	_ =	shalt  }
0x3e: {  	_ =	shalt  }
0x3f: {  	_ =	shalt  }
0x40: {  	_ =	shalt  }
0x41: {  	_ =	shalt  }
0x42: {  	_ =	shalt  }
0x43: {  	_ =	shalt  }
0x44: {  	_ =	shalt  }
0x45: {  	_ =	shalt  }
0x46: {  	_ =	shalt  }
0x47: {  	_ =	shalt  }
0x48: {  	_ =	shalt  }
0x49: {  	_ =	shalt  }
0x4a: {  	_ =	shalt  }
0x4b: {  	_ =	shalt  }
0x4c: {  	_ =	shalt  }
0x4d: {  	_ =	shalt  }
0x4e: {  	_ =	shalt  }
0x4f: {  	_ =	shalt  }
0x50: {  	_ =	shalt  }
0x51: {  	_ =	shalt  }
0x52: {  	_ =	shalt  }
0x53: {  	_ =	shalt  }
0x54: {  	_ =	shalt  }
0x55: {  	_ =	shalt  }
0x56: {  	_ =	shalt  }
0x57: {  	_ =	shalt  }
0x58: {  	_ =	shalt  }
0x59: {  	_ =	shalt  }
0x5a: {  	_ =	shalt  }
0x5b: {  	_ =	shalt  }
0x5c: {  	_ =	shalt  }
0x5d: {  	_ =	shalt  }
0x5e: {  	_ =	shalt  }
0x5f: {  	_ =	shalt  }
0x60: {  	_ =	shalt  }
0x61: {  	_ =	shalt  }
0x62: {  	_ =	shalt  }
0x63: {  	_ =	shalt  }
0x64: {  	_ =	shalt  }
0x65: {  	_ =	shalt  }
0x66: {  	_ =	shalt  }
0x67: {  	_ =	shalt  }
0x68: {  	_ =	shalt  }
0x69: {  	_ =	shalt  }
0x6a: {  	_ =	shalt  }
0x6b: {  	_ =	shalt  }
0x6c: {  	_ =	shalt  }
0x6d: {  	_ =	shalt  }
0x6e: {  	_ =	shalt  }
0x6f: {  	_ =	shalt  }
0x70: {  	_ =	shalt  }
0x71: {  	_ =	shalt  }
0x72: {  	_ =	shalt  }
0x73: {  	_ =	shalt  }
0x74: {  	_ =	shalt  }
0x75: {  	_ =	shalt  }
0x76: {  	_ =	shalt  }
0x77: {  	_ =	shalt  }
0x78: {  	_ =	shalt  }
0x79: {  	_ =	shalt  }
0x7a: {  	_ =	shalt  }
0x7b: {  	_ =	shalt  }
0x7c: {  	_ =	shalt  }
0x7d: {  	_ =	shalt  }
0x7e: {  	_ =	shalt  }
0x7f: {  	_ =	shalt  }
0x80: {  	_ =	shalt  }
0x81: {  	_ =	shalt  }
0x82: {  	_ =	shalt  }
0x83: {  	_ =	shalt  }
0x84: {  	_ =	shalt  }
0x85: {  	_ =	shalt  }
0x86: {  	_ =	shalt  }
0x87: {  	_ =	shalt  }
.Lfunc_end0:
.L_simem_size_0:
called_computation.1_lowered:
.L_overlay_start_0:
0x88: {  	s2 =	sld [smem:$0x3FD9]  }
0x89: {  	s3 =	sld [smem:$0x3FFE];
	_ =	sdelay $0x1  }
0x8a: {  	s1 =	srdreg.scid  }
0x8b: {  	s0 =	sand.u32 $0x1, s1  }
0x8c: {  	s16 =	sshll.u32 s0, $0xA;
	s2 =	sadd.s32 s3, s2  }
0x8d: {  	s2 =	sadd.s32 s2, s16  }
0x8e: {  	[smem:$0x3FAE] =	sst s2  }
0x8f: {  	_ = 	snop  }
0x90: {  	(tm) =	ssettm $0x1  }
0x91: {  	s17 =	sld [smem:$0x3FFB];
	_ =	sdelay $0x3  }
0x92: {  	_ =	strace s17  }
0x93: {  	s2 =	sld [smem:$0x3FFC];
	_ =	sdelay $0x3  }
0x94: {  	_ =	strace s2  }
0x95: {  	s2 =	sld [smem:$0x3FFD];
	_ =	sdelay $0x3  }
0x96: {  	_ =	strace s2  }
0x97: {  	_ =	strace $0x8FFFFFFF  }
0x98: {  	s18 =	sld [smem:$0x3FDB];
	_ =	sdelay $0x1  }
0x99: {  	s19 =	simm.s32 $_scs_section_size  }
0x9a: {  	s4 =	simm.s32 $_size__tile_overlayer_lowered;
	s5 =	simm.s32 $_tile_overlayer_lowered  }
0x9b: {  	s22 =	simm.s32 $0x1BFF;
	s21 =	sshll.u32 s5, $0x1;
	s2 =	sadd.s32 s19, s18  }
0x9c: {  	s6 =	simm.s32 $0x0;
	s20 =	sshll.u32 s4, $0x1;
	s4 =	sadd.s32 s21, s2  }
0x9d: {  	[timem:s6], [sflag:s22] =	dma.local [hbm:s4], s20  }
0x9e: {  	_ =	swait.ge [sflag:s22], s20  }
0x9f: {  	s3 =	ssub.s32 $0x0, s20;
	[sflag:s22] =	ssyncset.done $0x0  }
0xa0: {  	[sflag:s22] =	ssyncadd.s32 s3;
	_ =	sdelay $0x1  }
0xa1: {  	s23 =	simm.s32 $0x1B8B  }
0xa2: {  	_ =	swait.ge [sflag:s23], $0x1  }
0xa3: {  	[sflag:s23] =	ssyncset.done $0x0  }
0xa4: {  	s25 =	simm.s32 $0x1B8E;
	s24 =	sld [smem:$0x3FFE];
	[sflag:s23] =	ssyncadd.s32 $0xFFFFFFFF  }
0xa5: {  	s26 =	simm.s32 $execute0_lowered;
	[smem:$0x3FD2] =	sst s25  }
0xa6: {  	s4 =	sshll.u32 s26, $0x1;
	_ =	strace $0x80000049;
	[dreg:$0x1] =	wrdreg $0xFFFFFFFF  }
0xa7: {  	s28 =	simm.s32 $_size_execute0_lowered;
	s2 =	sadd.s32 s2, s4;
	[dreg:$0x0] =	wrdreg $0x0  }
0xa8: {  	s4 =	sshll.u32 s28, $0x1;
	[dreg:$0x2] =	wrdreg s2  }
0xa9: {  	[dreg:$0x3] =	wrdreg s4  }
0xaa: {  	[dreg:$0x4] =	wrdreg $0xC0  }
0xab: {  	_ =	task [dreg:s6], $0x5FFFF  }
0xac: {  	[dreg:$0x1] =	wrdreg $0xFFFFFFFF  }
0xad: {  	[dreg:$0x0] =	wrdreg $0x60  }
0xae: {  	[dreg:$0x2] =	wrdreg s24  }
0xaf: {  	[dreg:$0x3] =	wrdreg $0x132000  }
0xb0: {  	[dreg:$0x4] =	wrdreg $0x9  }
0xb1: {  	_ =	task.clear_ibuf [dreg:s6], $0x5FFFF;
	_ =	strace $0x90000049  }
0xb2: {  	s29 =	simm.s32 $0x9;
	_ =	strace $0x8000004B  }
0xb3: {  	_ =	swait.ge [sflag:s29], $0x1  }
0xb4: {  	[sflag:s29] =	ssyncadd.s32 $0xFFFFFFFF  }
0xb5: {  	_ =	strace $0x9000004B  }
0xb6: {  	_ =	sfence  }
0xb7: {  	s30 =	sld [smem:$0x0];
	_ =	sdelay $0x2  }
0xb8: {  	s31 =	sshll.u32 s1, $0xD;
	s1 =	sshrl.u32 s1, $0x2  }
0xb9: {  	s3 =	sand.u32 $0x4000, s31;
	s1 =	sadd.s32 s1, s30  }
0xba: {  	s0 =	sor.u32 s3, s0;
	s1 =	sshll.u32 s1, $0x11  }
0xbb: {  	s0 =	sor.u32 s1, s0  }
0xbc: {  	s0 =	sadd.s32 $0x8F2B, s0  }
0xbd: {  	[sflag:s0] =	ssyncadd.remote.s32 $0x1  }
0xbe: {  	_ =	sfence.sel $0xFFFF  }
0xbf: {  	[dreg:$0x0] =	wrdreg $0xFFFFFFFF;
	(pc) =	sbr.abs _section_cstart, $3  }
0xc0: {  	[dreg:$0x1] =	wrdreg $0xFFFFFFFF  }
0xc1: {  	_ =	task.clear_ibuf [dreg:s6], $0x2FFFF;
	_ =	strace $0x9FFFFFFF  }
0xc2: {  	(tm) =	ssettm $0x7FFFFFFF  }
0xc3: {  	_ =	shalt  }
tec
execute0_lowered:
.L_overlay_start_1:
0x0: {  	(tag) =	ssettag $0x1  }
0x1: {  	s0 =	rddreg [dreg:$0x0]  }
0x2: {  	s1 =	rddreg [dreg:$0x1];
	s3 =	simm.s32 $0x0;
	s2 =	srdreg.scid  }
0x3: {  	s12 =	stileid.u32;
	s18 =	simm.s32 $0xB;
	s20 =	simm.s32 $0x80  }
0x4: {  	s28 =	simm.s32 $0x180;
	s29 =	simm.s32 $0xA00;
	s30 =	simm.s32 $0x5  }
0x5: {  	s31 =	simm.s32 $0x3;
	s13 =	simm.s32 $0x0;
	[smem:$0x7FF] =	sst s3  }
0x6: {  	s2 =	sand.u32 $0x1, s2;
	s8 =	smul.u32 $0x2780, s12;
	s4 =	sadd.s32 $0x12EA00, s0  }
0x7: {  	s5 =	sadd.s32 $0x69600, s0;
	s6 =	sadd.s32 $0x55200, s0;
	s11 =	sadd.s32 $0x5F200, s0  }
0x8: {  	s23 =	sshll.u32 s12, $0x6;
	_ =	strace $0x8000004A;
	s7 =	smul.u32 $0x27800, s2  }
0x9: {  	s9 =	sshll.u32 s2, $0x4;
	s2 =	ssub.s32 $0x2, s2;
	[dreg:$0x3] =	wrdreg s11  }
0xa: {  	s11 =	sor.u32 $0x1C0B, s23;
	s23 =	simm.s32 $0x4;
	s9 =	sor.u32 s12, s9  }
0xb: {  	s21 =	sshrl.u32 s2, $0x1;
	s10 =	sadd.s32 s8, s7;
	s7 =	smul.u32 $0x1400, s9  }
0xc: {  	[dreg:$0x5] =	wrdreg s11;
	s2 =	ssub.s32 s2, s21;
	s9 =	smul.u32 $0x2800, s9  }
0xd: {  	s8 =	sadd.s32 s8, s1;
	s21 =	simm.s32 $0x6;
	s10 =	sshrl.u32 s10, $0x3  }
0xe: {  	s26 =	smax.u32 s2, $0x1;
	s2 =	simm.s32 $0x8;
	s0 =	sadd.s32 s10, s0  }
0xf: {  	s22 =	sshrl.u32 s7, $0x3;
	s9 =	sadd.s32 s5, s9;
	[dreg:$0xa] =	wrdreg s26  }
0x10: {  	s14 =	sor.u32 $0x180, s7;
	s10 =	sadd.s32 s6, s22;
	[dreg:$0x7] =	wrdreg s9  }
0x11: {  	s26 =	simm.s32 $0x9A00;
	s0 =	sadd.s32 $0x5F800, s0;
	[dreg:$0x4] =	wrdreg s10  }
0x12: {  	s22 =	simm.s32 $0x100;
	s24 =	sadd.s32 $0x5000, s10;
	[dreg:$0x9] =	wrdreg s0  }
0x13: {  	s25 =	sadd.s32 $0x10, s10;
	s10 =	sshrl.u32 s8, $0x3;
	[dreg:$0x6] =	wrdreg s24  }
0x14: {  	s0 =	simm.s32 $0x12200;
	s8 =	simm.s32 $0x12A00;
	[dreg:$0x8] =	wrdreg s25  }
0x15: {  	s24 =	simm.s32 $0x7;
	s25 =	simm.s32 $0x2;
	[dreg:$0xb] =	wrdreg s10  }
.LBB2_1:
0x16: {  	s9 =	rddreg [dreg:$0x3]  }
0x17: {  	[spmem:s10], [sflag:s11] =	dma.local [hbm:s9], $0x4F0  }
0x18: {  	_ =	swait.ge [sflag:s18], $0x4F0  }
0x19: {  	[sflag:s18] =	ssyncset.done $0x0  }
0x1a: {  	[sflag:s18] =	ssyncadd.s32 $0xFFFFFB10  }
0x1b: {  	[bflag:$0x0] =	sbarrier.arrive $0xFFFF  }
0x1c: {  	s11 =	simm.s32 $0x1;
	s10 =	rddreg [dreg:$0x4]  }
0x1d: {  	[tilespmem:s3], [sflag:$0x1] =	stream.linear.gather [hbm4b:s10+s3], $0x80, $0x38;
	[tilespmem:$0x15980] =	vst v63  }
0x1e: {  	_ =	swait.ge [sflag:s11], $0x80  }
0x1f: {  	[sflag:s11] =	ssyncset.done $0x0  }
0x20: {  	s12 =	simm.s32 $0x1200;
	[sflag:s11] =	ssyncadd.s32 $0xFFFFFF80  }
0x21: {  	[tilespmem:s12], [sflag:$0x7] =	stream.indirect.gather [hbm4b:s4+s20], $0x110, s3, s20, $0xb8;
	[tilespmem:$0x15980] =	vst v63  }
0x22: {  	s15 =	rddreg [dreg:$0x6]  }
0x23: {  	[tilespmem:s22], [sflag:$0x3] =	stream.linear.gather [hbm4b:s15+s3], $0x80, $0x38;
	[tilespmem:$0x15980] =	vst v63  }
0x24: {  	s17 =	simm.s32 $0x200;
	s16 =	rddreg [dreg:$0x7]  }
0x25: {  	[tilespmem:s17], [sflag:$0x5] =	stream.linear.gather [hbm4b:s16+s3], $0x800, $0x38;
	[tilespmem:$0x15980] =	vst v63  }
0x26: {  	s19 =	rddreg [dreg:$0x8];
	s15 =	simm.s32 $0x0  }
0x27: {  	[tilespmem:s20], [sflag:$0x2] =	stream.linear.gather [hbm4b:s19+s3], $0x80, $0x38;
	[tilespmem:$0x15980] =	vst v63  }
.LBB2_2:
0x28: {  	s9 =	sshll.u32 s15, $0x1  }
0x29: {  	p0 =	seq.s32 s15, $0x13;
	s9 =	sadd.s32 $0x2, s9  }
0x2a: {  	s9 =	sshll.u32 @!p0 s9, $0x7  }
0x2b: {  	_ =	swait.ge [sflag:s24], $0x8800;
	s16 =	sadd.s32 @!p0 s7, s9  }
0x2c: {  	[sflag:s24] =	ssyncset.done $0x0;
	s9 =	sshrl.u32 @!p0 s16, $0x3  }
0x2d: {  	s10 =	simm.s32 @!p0 $0x0;
	[sflag:s24] =	ssyncadd.s32 $0xFFFF7800;
	s9 =	sadd.s32 @!p0 s6, s9  }
0x2e: {  	[tilespmem:s10], [sflag:$0x1] =	stream.linear.gather @!p0 [hbm4b:s9+s10], $0x80, $0x38;
	[tilespmem:$0x15980] =	vst v63  }
0x2f: {  	s19 =	sshll.u32 s15, $0x8;
	_ =	swait.ge [sflag:s25], $0x80  }
0x30: {  	p1 =	seq.s32 s15, $0x0;
	s17 =	sadd.s32 s19, s7;
	[sflag:s25] =	ssyncset.done $0x0  }
0x31: {  	s11 =	simm.s32 @!p1 $0xA;
	s10 =	sadd.s32 $0x80, s17;
	[sflag:s25] =	ssyncadd.s32 $0xFFFFFF80  }
0x32: {  	[tilespmem:s26], [sflag:$0x8] =	stream.indirect.gather [hbm4b:s4+s20], $0x110, s20, s20, $0xb8;
	[tilespmem:$0x15980] =	vst v63  }
0x33: {  	s12 =	sshrl.u32 s10, $0x3;
	_ =	swait.ge @!p1 [sflag:s11], $0x800  }
0x34: {  	s10 =	sshll.u32 s10, $0x1;
	s12 =	sadd.s32 s6, s12;
	[sflag:s11] =	ssyncset.done @!p1 $0x0  }
0x35: {  	s10 =	sand.u32 $0x1FFFFF00, s10;
	s12 =	sadd.s32 $0x5000, s12;
	[sflag:s11] =	ssyncadd.s32 @!p1 $0xFFFFF800  }
0x36: {  	[tilespmem:s28], [sflag:$0x4] =	stream.linear.gather [hbm4b:s12+s3], $0x80, $0x38;
	[tilespmem:$0x15980] =	vst v63  }
0x37: {  	s10 =	sadd.s32 s5, s10  }
0x38: {  	[tilespmem:s29], [sflag:$0x6] =	stream.linear.gather [hbm4b:s10+s3], $0x800, $0x38;
	[tilespmem:$0x15980] =	vst v63  }
0x39: {  	_ =	swait.ge [sflag:s30], $0x800  }
0x3a: {  	[sflag:s30] =	ssyncset.done $0x0  }
0x3b: {  	s17 =	simm.s32 $0x220;
	[sflag:s30] =	ssyncadd.s32 $0xFFFFF800  }
0x3c: {  	v3 =	vld [tilespmem:s17+$0x10]  }
0x3d: {  	v1 =	vld [tilespmem:s17+$0xFFFFFFF0]  }
0x3e: {  	v0 =	vld [tilespmem:s17+$0x0]  }
0x3f: {  	s11 =	simm.s32 $0x1420;
	v2 =	vld [tilespmem:s17+$0xFFFFFFE0]  }
0x40: {  	v4 =	vld [tilespmem:s11+$0x110]  }
0x41: {  	v5 =	vld [tilespmem:s11+$0x120];
	v8 =	vbroadcast v3, $0x0  }
0x42: {  	v6 =	vld [tilespmem:s11+$0x130];
	v9 =	vbroadcast v3, $0x1;
	v10 =	vbroadcast v3, $0x2  }
0x43: {  	v7 =	vld [tilespmem:s11+$0x140];
	v12 =	vbroadcast v1, $0x1;
	v15 =	vbroadcast v0, $0x1  }
0x44: {  	v11 =	vld [tilespmem:s11+$0x150];
	v18 =	vbroadcast v2, $0x1;
	v47 =	vbroadcast v3, $0x7  }
0x45: {  	v13 =	vld [tilespmem:s11+$0x160];
	v49 =	vbroadcast v3, $0x8;
	v51 =	vbroadcast v3, $0x9  }
0x46: {  	v14 =	vld [tilespmem:s11+$0xFFFFFDF0];
	v52 =	vbroadcast v1, $0x3;
	v54 =	vbroadcast v3, $0xA  }
0x47: {  	v16 =	vld [tilespmem:s11+$0x170];
	v57 =	vbroadcast v3, $0xB;
	v60 =	vbroadcast v3, $0xC  }
0x48: {  	v20 =	vld [tilespmem:s11+$0xFFFFFF00];
	v63 =	vbroadcast v3, $0xD;
	v27 =	vbroadcast v3, $0xE  }
0x49: {  	v17 =	vld [tilespmem:s11+$0xFFFFFEF0];
	v31 =	vbroadcast v1, $0x5;
	v37 =	vbroadcast v1, $0x7  }
0x4a: {  	v19 =	vld [tilespmem:s11+$0x180];
	v40 =	vbroadcast v2, $0x8;
	v42 =	vbroadcast v0, $0x8  }
0x4b: {  	v21 =	vld [tilespmem:s11+$0x0];
	v4 =	vmul.f32 v4, v8;
	v5 =	vmul.f32 v5, v9  }
0x4c: {  	v48 =	vld [tilespmem:s11+$0x1B0];
	v6 =	vmul.f32 v6, v10;
	v10 =	vbroadcast v3, $0x3  }
0x4d: {  	v41 =	vld [tilespmem:s11+$0xFFFFFE60];
	v9 =	vbroadcast v1, $0x0;
	v12 =	vmul.f32 v20, v12  }
0x4e: {  	v8 =	vld [tilespmem:s11+$0xFFFFFDE0];
	v4 =	vadd.f32 v5, v4;
	v7 =	vmul.f32 v7, v10;
	v10 =	vbroadcast v3, $0x4  }
0x4f: {  	v46 =	vld [tilespmem:s11+$0x1A0];
	v5 =	vbroadcast v0, $0x0;
	v9 =	vmul.f32 v17, v9  }
0x50: {  	v22 =	vld [tilespmem:s11+$0x10];
	v4 =	vadd.f32 v6, v4;
	v6 =	vbroadcast v2, $0x0;
	v10 =	vmul.f32 v11, v10  }
0x51: {  	v23 =	vld [tilespmem:s11+$0xFFFFFE00];
	v11 =	vbroadcast v3, $0x5;
	v5 =	vmul.f32 v21, v5  }
0x52: {  	v62 =	vld [tilespmem:s11+$0x200];
	v9 =	vadd.f32 v12, v9;
	v12 =	vmul.f32 v48, v54;
	v21 =	vmul.f32 v41, v40  }
0x53: {  	v39 =	vld [tilespmem:s11+$0xFFFFFF60];
	v4 =	vadd.f32 v7, v4;
	v6 =	vmul.f32 v8, v6;
	v7 =	vbroadcast v2, $0x2  }
0x54: {  	v50 =	vld [tilespmem:s11+$0x1C0];
	v11 =	vmul.f32 v13, v11;
	v13 =	vbroadcast v3, $0x6  }
0x55: {  	v24 =	vld [tilespmem:s11+$0xFFFFFF10];
	v3 =	vbroadcast v3, $0xF;
	v4 =	vadd.f32 v10, v4;
	v10 =	vmul.f32 v14, v18  }
0x56: {  	v8 =	vld [tilespmem:s11+$0x190];
	v14 =	vbroadcast v1, $0x2;
	v13 =	vmul.f32 v16, v13  }
0x57: {  	v53 =	vld [tilespmem:s11+$0x1D0];
	v16 =	vmul.f32 v19, v47;
	v7 =	vmul.f32 v23, v7;
	v4 =	vadd.f32 v11, v4  }
0x58: {  	v55 =	vld [tilespmem:s11+$0x20];
	v3 =	vmul.f32 v62, v3;
	v18 =	vmul.f32 v39, v37  }
0x59: {  	v56 =	vld [tilespmem:s11+$0x1E0];
	v47 =	vbroadcast v0, $0xA;
	v62 =	vbroadcast v2, $0xF;
	v4 =	vadd.f32 v13, v4  }
0x5a: {  	v33 =	vld [tilespmem:s11+$0xFFFFFF40];
	v11 =	vbroadcast v0, $0x2;
	v6 =	vadd.f32 v10, v6;
	v10 =	vmul.f32 v46, v51  }
0x5b: {  	v25 =	vld [tilespmem:s11+$0x30];
	v46 =	vbroadcast v2, $0xA;
	v8 =	vmul.f32 v8, v49;
	v4 =	vadd.f32 v16, v4  }
0x5c: {  	v58 =	vld [tilespmem:s11+$0xFFFFFE10];
	v49 =	vbroadcast v2, $0xB;
	v13 =	vbroadcast v2, $0x3;
	v6 =	vadd.f32 v7, v6  }
0x5d: {  	v26 =	vld [tilespmem:s11+$0xFFFFFE20];
	v7 =	vmul.f32 v53, v60;
	v53 =	vbroadcast v2, $0xC;
	v4 =	vadd.f32 v8, v4  }
0x5e: {  	v59 =	vld [tilespmem:s11+$0x1F0];
	v8 =	vmul.f32 v22, v15;
	v15 =	vbroadcast v0, $0x3  }
0x5f: {  	v61 =	vld [tilespmem:s11+$0xFFFFFF20];
	v16 =	vmul.f32 v33, v31;
	v4 =	vadd.f32 v10, v4;
	v10 =	vbroadcast v2, $0x4  }
0x60: {  	v28 =	vld [tilespmem:s11+$0xFFFFFF30];
	v5 =	vadd.f32 v8, v5;
	v8 =	vmul.f32 v50, v57;
	v15 =	vmul.f32 v25, v15  }
0x61: {  	v30 =	vld [tilespmem:s11+$0x40];
	v50 =	vbroadcast v1, $0xB;
	v4 =	vadd.f32 v12, v4;
	v12 =	vmul.f32 v24, v14  }
0x62: {  	v29 =	vld [tilespmem:s11+$0x210];
	v14 =	vbroadcast v1, $0x4;
	v10 =	vmul.f32 v26, v10  }
0x63: {  	v32 =	vld [tilespmem:s11+$0xFFFFFE30];
	v4 =	vadd.f32 v8, v4;
	v8 =	vmul.f32 v55, v11;
	v11 =	vbroadcast v0, $0x4  }
0x64: {  	v34 =	vld [tilespmem:s11+$0x50];
	v9 =	vadd.f32 v12, v9;
	v12 =	vmul.f32 v56, v63;
	v55 =	vbroadcast v2, $0xD  }
0x65: {  	v35 =	vld [tilespmem:s11+$0xFFFFFE40];
	v4 =	vadd.f32 v7, v4;
	v7 =	vmul.f32 v58, v13;
	v13 =	vbroadcast v2, $0x5  }
0x66: {  	v36 =	vld [tilespmem:s11+$0x60];
	v5 =	vadd.f32 v8, v5;
	v8 =	vmul.f32 v59, v27;
	v11 =	vmul.f32 v30, v11  }
0x67: {  	v38 =	vld [tilespmem:s11+$0xFFFFFE50];
	v58 =	vbroadcast v2, $0xE;
	v59 =	vbroadcast v1, $0xE;
	v4 =	vadd.f32 v12, v4  }
0x68: {  	v43 =	vld [tilespmem:s11+$0xFFFFFF70];
	v12 =	vmul.f32 v61, v52;
	v6 =	vadd.f32 v7, v6;
	v7 =	vbroadcast v0, $0x5  }
0x69: {  	v44 =	vld [tilespmem:s11+$0xFFFFFE70];
	v5 =	vadd.f32 v15, v5;
	v15 =	vbroadcast v0, $0x6;
	v61 =	vbroadcast v0, $0xE  }
0x6a: {  	v51 =	vld [tilespmem:s11+$0xFFFFFE90];
	v4 =	vadd.f32 v8, v4;
	v8 =	vbroadcast v2, $0x6;
	v9 =	vadd.f32 v12, v9  }
0x6b: {  	v12 =	vbroadcast v1, $0x6;
	v5 =	vadd.f32 v11, v5;
	v11 =	vld [tilespmem:s11+$0x70];
	v7 =	vmul.f32 v34, v7  }
0x6c: {  	v6 =	vadd.f32 v10, v6;
	v3 =	vadd.f32 v3, v4;
	v4 =	vmul.f32 v28, v14;
	v14 =	vld [tilespmem:s11+$0xFFFFFF50]  }
0x6d: {  	v10 =	vbroadcast v2, $0x7;
	v15 =	vmul.f32 v36, v15;
	v5 =	vadd.f32 v7, v5;
	v7 =	vld [tilespmem:s11+$0x80]  }
0x6e: {  	v45 =	vld [tilespmem:s11+$0xFFFFFF80];
	v4 =	vadd.f32 v4, v9;
	v9 =	vmul.f32 v32, v13;
	v13 =	vbroadcast v0, $0x7  }
0x6f: {  	v48 =	vld [tilespmem:s11+$0xFFFFFF90];
	v8 =	vmul.f32 v35, v8;
	v10 =	vmul.f32 v38, v10;
	v5 =	vadd.f32 v15, v5  }
0x70: {  	v54 =	vld [tilespmem:s11+$0xFFFFFFB0];
	v6 =	vadd.f32 v9, v6;
	v9 =	vbroadcast v1, $0x8;
	v11 =	vmul.f32 v11, v13  }
0x71: {  	v15 =	vld [tilespmem:s11+$0x90];
	v4 =	vadd.f32 v16, v4;
	v16 =	vmul.f32 v51, v49;
	v12 =	vmul.f32 v14, v12  }
0x72: {  	v13 =	vld [tilespmem:s11+$0xFFFFFE80];
	v14 =	vbroadcast v2, $0x9;
	v7 =	vmul.f32 v7, v42;
	v6 =	vadd.f32 v8, v6  }
0x73: {  	v52 =	vld [tilespmem:s11+$0xFFFFFFA0];
	v8 =	vbroadcast v1, $0x9;
	v9 =	vmul.f32 v43, v9;
	v5 =	vadd.f32 v11, v5  }
0x74: {  	v11 =	vld [tilespmem:s11+$0xA0];
	v4 =	vadd.f32 v12, v4;
	v12 =	vbroadcast v0, $0x9;
	v14 =	vmul.f32 v44, v14  }
0x75: {  	v60 =	vld [tilespmem:s11+$0xFFFFFFD0];
	v6 =	vadd.f32 v10, v6;
	v10 =	vbroadcast v1, $0xA;
	v8 =	vmul.f32 v45, v8  }
0x76: {  	v5 =	vadd.f32 v7, v5;
	v7 =	vld [tilespmem:s11+$0xB0];
	v4 =	vadd.f32 v18, v4;
	v12 =	vmul.f32 v15, v12  }
0x77: {  	v15 =	vld [tilespmem:s11+$0xFFFFFEA0];
	v13 =	vmul.f32 v13, v46;
	v6 =	vadd.f32 v21, v6;
	v10 =	vmul.f32 v48, v10  }
0x78: {  	v57 =	vld [tilespmem:s11+$0xFFFFFFC0];
	v21 =	vmul.f32 v52, v50;
	v4 =	vadd.f32 v9, v4;
	v9 =	vbroadcast v0, $0xB  }
0x79: {  	v5 =	vadd.f32 v12, v5;
	v12 =	vld [tilespmem:s11+$0xC0];
	v11 =	vmul.f32 v11, v47;
	v6 =	vadd.f32 v14, v6  }
0x7a: {  	v56 =	vld [tilespmem:s11+$0xFFFFFEB0];
	v14 =	vbroadcast v1, $0xC;
	v4 =	vadd.f32 v8, v4;
	v8 =	vbroadcast v0, $0xC  }
0x7b: {  	v5 =	vadd.f32 v11, v5;
	v11 =	vld [tilespmem:s11+$0xD0];
	v7 =	vmul.f32 v7, v9;
	v6 =	vadd.f32 v13, v6  }
0x7c: {  	v13 =	vbroadcast v1, $0xD;
	v9 =	vmul.f32 v15, v53;
	v15 =	vld [tilespmem:s11+$0xFFFFFEC0];
	v4 =	vadd.f32 v10, v4  }
0x7d: {  	v14 =	vmul.f32 v54, v14;
	v10 =	vbroadcast v0, $0xD;
	v6 =	vadd.f32 v16, v6  }
0x7e: {  	v5 =	vadd.f32 v7, v5;
	v7 =	vmul.f32 v12, v8;
	v12 =	vld [tilespmem:s11+$0xE0];
	v4 =	vadd.f32 v21, v4  }
0x7f: {  	v63 =	vld [tilespmem:s11+$0xFFFFFED0];
	v2 =	vadd.f32 v9, v6;
	v6 =	vmul.f32 v56, v55;
	v9 =	vmul.f32 v57, v13  }
0x80: {  	v7 =	vadd.f32 v7, v5;
	v5 =	vld [tilespmem:s11+$0xFFFFFFE0];
	v10 =	vmul.f32 v11, v10;
	v8 =	vadd.f32 v14, v4  }
0x81: {  	v3 =	vadd.f32 v3, v29;
	v11 =	vmul.f32 v15, v58;
	v4 =	vld [tilespmem:s11+$0xF0];
	v14 =	vmul.f32 v60, v59  }
0x82: {  	v6 =	vadd.f32 v6, v2;
	v2 =	vbroadcast v1, $0xF;
	v1 =	vld [tilespmem:s11+$0xFFFFFEE0];
	v13 =	vadd.f32 v9, v8  }
0x83: {  	s12 =	simm.s32 $0x12220;
	v0 =	vbroadcast v0, $0xF;
	v9 =	vadd.f32 v10, v7;
	v12 =	vmul.f32 v12, v61;
	v7 =	vld [tilespmem:s11+$0x100]  }
0x84: {  	s10 =	simm.s32 $0x0;
	s17 =	simm.s32 $0x260;
	[tilespmem:s12+$0x10] =	vst v3;
	v8 =	vadd.f32 v11, v6;
	v6 =	vld [tilespmem:s11+$0xFFFFFFF0];
	v11 =	vmul.f32 v63, v62;
	v10 =	vadd.f32 v14, v13  }
.LBB2_3:
0x85: {  	v3 =	vld [tilespmem:s17+$0x10];
	s10 =	sadd.s32 $0x4, s10;
	v2 =	vmul.f32 v5, v2;
	v5 =	vadd.f32 v12, v9;
	s11 =	sadd.s32 $0x440, s11  }
0x86: {  	v9 =	vld [tilespmem:s11+$0x110];
	p1 =	slt.u32 s10, $0x7C;
	v8 =	vadd.f32 v11, v8;
	v4 =	vmul.f32 v4, v0  }
0x87: {  	v11 =	vld [tilespmem:s11+$0x120];
	v2 =	vadd.f32 v2, v10  }
0x88: {  	v0 =	vld [tilespmem:s17+$0xFFFFFFF0];
	v8 =	vadd.f32 v8, v1;
	v4 =	vadd.f32 v4, v5  }
0x89: {  	v5 =	vld [tilespmem:s11+$0x130];
	v2 =	vadd.f32 v2, v6  }
0x8a: {  	v1 =	vld [tilespmem:s17+$0x0];
	v6 =	vbroadcast v3, $0x0;
	v10 =	vbroadcast v3, $0x1;
	[tilespmem:s12+$0xFFFFFFE0] =	vst v8;
	v4 =	vadd.f32 v4, v7  }
0x8b: {  	v7 =	vbroadcast v3, $0x2;
	v8 =	vld [tilespmem:s11+$0x140];
	[tilespmem:s12+$0xFFFFFFF0] =	vst v2  }
0x8c: {  	v2 =	vld [tilespmem:s17+$0xFFFFFFE0];
	v6 =	vmul.f32 v9, v6;
	v9 =	vmul.f32 v11, v10;
	[tilespmem:s12+$0x0] =	vst v4  }
0x8d: {  	v4 =	vbroadcast v0, $0x0;
	v10 =	vbroadcast v0, $0x1;
	v11 =	vld [tilespmem:s11+$0x150]  }
0x8e: {  	v12 =	vld [tilespmem:s11+$0xFFFFFDE0];
	v6 =	vadd.f32 v9, v6;
	v5 =	vmul.f32 v5, v7;
	v7 =	vbroadcast v3, $0x3  }
0x8f: {  	v9 =	vbroadcast v1, $0x0;
	v13 =	vbroadcast v1, $0x1;
	v14 =	vld [tilespmem:s11+$0x160]  }
0x90: {  	v15 =	vld [tilespmem:s11+$0xFFFFFDF0];
	v5 =	vadd.f32 v5, v6;
	v6 =	vmul.f32 v8, v7;
	v7 =	vbroadcast v3, $0x4  }
0x91: {  	v8 =	vbroadcast v2, $0x0;
	v16 =	vbroadcast v2, $0x1;
	v17 =	vld [tilespmem:s11+$0x170]  }
0x92: {  	v18 =	vld [tilespmem:s11+$0xFFFFFEF0];
	v5 =	vadd.f32 v6, v5;
	v6 =	vmul.f32 v11, v7;
	v7 =	vbroadcast v3, $0x5  }
0x93: {  	v11 =	vbroadcast v2, $0x2;
	v8 =	vmul.f32 v12, v8;
	v12 =	vld [tilespmem:s11+$0x180]  }
0x94: {  	v19 =	vld [tilespmem:s11+$0xFFFFFF00];
	v5 =	vadd.f32 v6, v5;
	v6 =	vmul.f32 v14, v7;
	v7 =	vbroadcast v3, $0x6  }
0x95: {  	v14 =	vmul.f32 v15, v16;
	v15 =	vbroadcast v0, $0x2;
	v16 =	vld [tilespmem:s11+$0x190]  }
0x96: {  	v20 =	vld [tilespmem:s11+$0x0];
	v5 =	vadd.f32 v6, v5;
	v6 =	vmul.f32 v17, v7;
	v7 =	vbroadcast v3, $0x7  }
0x97: {  	v8 =	vadd.f32 v14, v8;
	v4 =	vmul.f32 v18, v4;
	v14 =	vbroadcast v1, $0x2;
	v17 =	vld [tilespmem:s11+$0x1A0]  }
0x98: {  	v18 =	vld [tilespmem:s11+$0x10];
	v5 =	vadd.f32 v6, v5;
	v6 =	vmul.f32 v12, v7;
	v7 =	vbroadcast v3, $0x8  }
0x99: {  	v12 =	vbroadcast v2, $0x3;
	v10 =	vmul.f32 v19, v10;
	v19 =	vld [tilespmem:s11+$0x1B0]  }
0x9a: {  	v21 =	vld [tilespmem:s11+$0xFFFFFE00];
	v5 =	vadd.f32 v6, v5;
	v6 =	vmul.f32 v16, v7;
	v7 =	vbroadcast v3, $0x9  }
0x9b: {  	v4 =	vadd.f32 v10, v4;
	v10 =	vbroadcast v0, $0x3;
	v9 =	vmul.f32 v20, v9;
	v16 =	vld [tilespmem:s11+$0x1C0]  }
0x9c: {  	v20 =	vld [tilespmem:s11+$0xFFFFFF10];
	v5 =	vadd.f32 v6, v5;
	v6 =	vmul.f32 v17, v7;
	v7 =	vbroadcast v3, $0xA  }
0x9d: {  	v17 =	vbroadcast v1, $0x3;
	v13 =	vmul.f32 v18, v13;
	v18 =	vld [tilespmem:s11+$0x1D0]  }
0x9e: {  	v22 =	vld [tilespmem:s11+$0x20];
	v5 =	vadd.f32 v6, v5;
	v6 =	vmul.f32 v19, v7;
	v7 =	vbroadcast v3, $0xB  }
0x9f: {  	v19 =	vbroadcast v2, $0x4;
	v11 =	vmul.f32 v21, v11;
	v9 =	vadd.f32 v13, v9;
	v13 =	vld [tilespmem:s11+$0x1E0]  }
0xa0: {  	v21 =	vld [tilespmem:s11+$0xFFFFFE10];
	v5 =	vadd.f32 v6, v5;
	v6 =	vmul.f32 v16, v7;
	v7 =	vbroadcast v3, $0xC  }
0xa1: {  	v8 =	vadd.f32 v11, v8;
	v11 =	vmul.f32 v20, v15;
	v15 =	vbroadcast v0, $0x4;
	v16 =	vld [tilespmem:s11+$0x1F0]  }
0xa2: {  	v20 =	vld [tilespmem:s11+$0xFFFFFF20];
	v5 =	vadd.f32 v6, v5;
	v6 =	vmul.f32 v18, v7;
	v7 =	vbroadcast v3, $0xD  }
0xa3: {  	v4 =	vadd.f32 v11, v4;
	v11 =	vmul.f32 v22, v14;
	v14 =	vbroadcast v1, $0x4;
	v18 =	vld [tilespmem:s11+$0x200]  }
0xa4: {  	v22 =	vld [tilespmem:s11+$0x30];
	v5 =	vadd.f32 v6, v5;
	v6 =	vmul.f32 v13, v7;
	v7 =	vbroadcast v3, $0xE  }
0xa5: {  	v12 =	vmul.f32 v21, v12;
	v13 =	vld [tilespmem:s11+$0xFFFFFE20];
	v21 =	vbroadcast v2, $0x5;
	v9 =	vadd.f32 v11, v9  }
0xa6: {  	v3 =	vbroadcast v3, $0xF;
	v11 =	vld [tilespmem:s11+$0xFFFFFF30];
	v5 =	vadd.f32 v6, v5;
	v6 =	vmul.f32 v16, v7  }
0xa7: {  	v7 =	vadd.f32 v12, v8;
	v8 =	vmul.f32 v20, v10;
	v10 =	vbroadcast v0, $0x5;
	v12 =	vld [tilespmem:s11+$0x210]  }
0xa8: {  	v20 =	vbroadcast v1, $0x5;
	v16 =	vld [tilespmem:s11+$0x40];
	v5 =	vadd.f32 v6, v5;
	v3 =	vmul.f32 v18, v3  }
0xa9: {  	v18 =	vbroadcast v2, $0x6;
	v6 =	vld [tilespmem:s11+$0xFFFFFE30];
	v4 =	vadd.f32 v8, v4;
	v8 =	vmul.f32 v22, v17  }
0xaa: {  	v13 =	vmul.f32 v13, v19;
	v17 =	vld [tilespmem:s11+$0xFFFFFF40];
	v19 =	vbroadcast v0, $0x6;
	v3 =	vadd.f32 v3, v5  }
0xab: {  	v5 =	vmul.f32 v11, v15;
	v8 =	vadd.f32 v8, v9;
	v9 =	vld [tilespmem:s11+$0x50];
	v11 =	vbroadcast v1, $0x6  }
0xac: {  	v15 =	vbroadcast v2, $0x7;
	v7 =	vadd.f32 v13, v7;
	v13 =	vld [tilespmem:s11+$0xFFFFFE40];
	v3 =	vadd.f32 v3, v12  }
0xad: {  	s12 =	sadd.s32 $0x40, s12;
	v12 =	vbroadcast v0, $0x7;
	v4 =	vadd.f32 v5, v4;
	v5 =	vld [tilespmem:s11+$0xFFFFFF50];
	v14 =	vmul.f32 v16, v14  }
0xae: {  	v6 =	vmul.f32 v6, v21;
	v16 =	vld [tilespmem:s11+$0x60];
	v21 =	vbroadcast v1, $0x7;
	[tilespmem:s12+$0x10] =	vst v3  }
0xaf: {  	v22 =	vbroadcast v2, $0x8;
	v3 =	vld [tilespmem:s11+$0xFFFFFE50];
	v10 =	vmul.f32 v17, v10;
	v8 =	vadd.f32 v14, v8  }
0xb0: {  	v14 =	vbroadcast v0, $0x8;
	v6 =	vadd.f32 v6, v7;
	v7 =	vld [tilespmem:s11+$0xFFFFFF60];
	v9 =	vmul.f32 v9, v20  }
0xb1: {  	v17 =	vbroadcast v1, $0x8;
	v13 =	vmul.f32 v13, v18;
	v4 =	vadd.f32 v10, v4;
	v10 =	vld [tilespmem:s11+$0x70]  }
0xb2: {  	v20 =	vbroadcast v2, $0x9;
	v18 =	vld [tilespmem:s11+$0xFFFFFE60];
	v5 =	vmul.f32 v5, v19;
	v8 =	vadd.f32 v9, v8  }
0xb3: {  	v6 =	vadd.f32 v13, v6;
	v9 =	vld [tilespmem:s11+$0xFFFFFF70];
	v13 =	vbroadcast v0, $0x9;
	v11 =	vmul.f32 v16, v11  }
0xb4: {  	v3 =	vmul.f32 v3, v15;
	v4 =	vadd.f32 v5, v4;
	v5 =	vld [tilespmem:s11+$0x80];
	v15 =	vbroadcast v1, $0x9  }
0xb5: {  	v19 =	vbroadcast v2, $0xA;
	v16 =	vld [tilespmem:s11+$0xFFFFFE70];
	v7 =	vmul.f32 v7, v12;
	v8 =	vadd.f32 v11, v8  }
0xb6: {  	v11 =	vbroadcast v0, $0xA;
	v3 =	vadd.f32 v3, v6;
	v6 =	vld [tilespmem:s11+$0xFFFFFF80];
	v10 =	vmul.f32 v10, v21  }
0xb7: {  	v12 =	vmul.f32 v18, v22;
	v4 =	vadd.f32 v7, v4;
	v7 =	vld [tilespmem:s11+$0x90];
	v18 =	vbroadcast v1, $0xA  }
0xb8: {  	v22 =	vbroadcast v2, $0xB;
	v21 =	vld [tilespmem:s11+$0xFFFFFE80];
	v9 =	vmul.f32 v9, v14;
	v8 =	vadd.f32 v10, v8  }
0xb9: {  	v3 =	vadd.f32 v12, v3;
	v10 =	vld [tilespmem:s11+$0xFFFFFF90];
	v12 =	vbroadcast v0, $0xB;
	v5 =	vmul.f32 v5, v17  }
0xba: {  	v14 =	vmul.f32 v16, v20;
	v4 =	vadd.f32 v9, v4;
	v9 =	vld [tilespmem:s11+$0xA0];
	v16 =	vbroadcast v1, $0xB  }
0xbb: {  	v20 =	vbroadcast v2, $0xC;
	v17 =	vld [tilespmem:s11+$0xFFFFFE90];
	v6 =	vmul.f32 v6, v13;
	v5 =	vadd.f32 v5, v8  }
0xbc: {  	v13 =	vbroadcast v0, $0xC;
	v3 =	vadd.f32 v14, v3;
	v8 =	vld [tilespmem:s11+$0xFFFFFFA0];
	v7 =	vmul.f32 v7, v15  }
0xbd: {  	v15 =	vbroadcast v1, $0xC;
	v14 =	vmul.f32 v21, v19;
	v4 =	vadd.f32 v6, v4;
	v6 =	vld [tilespmem:s11+$0xB0]  }
0xbe: {  	v21 =	vbroadcast v2, $0xD;
	v19 =	vld [tilespmem:s11+$0xFFFFFEA0];
	v10 =	vmul.f32 v10, v11;
	v5 =	vadd.f32 v7, v5  }
0xbf: {  	v11 =	vbroadcast v0, $0xD;
	v3 =	vadd.f32 v14, v3;
	v7 =	vld [tilespmem:s11+$0xFFFFFFB0];
	v9 =	vmul.f32 v9, v18  }
0xc0: {  	v14 =	vmul.f32 v17, v22;
	v4 =	vadd.f32 v10, v4;
	v10 =	vld [tilespmem:s11+$0xC0];
	v17 =	vbroadcast v1, $0xD  }
0xc1: {  	v22 =	vbroadcast v2, $0xE;
	v18 =	vld [tilespmem:s11+$0xFFFFFEB0];
	v8 =	vmul.f32 v8, v12;
	v5 =	vadd.f32 v9, v5  }
0xc2: {  	v12 =	vbroadcast v0, $0xE;
	v3 =	vadd.f32 v14, v3;
	v9 =	vld [tilespmem:s11+$0xFFFFFFC0];
	v6 =	vmul.f32 v6, v16  }
0xc3: {  	v16 =	vbroadcast v1, $0xE;
	v14 =	vmul.f32 v19, v20;
	v4 =	vadd.f32 v8, v4;
	v8 =	vld [tilespmem:s11+$0xD0]  }
0xc4: {  	v20 =	vbroadcast v2, $0xF;
	v19 =	vld [tilespmem:s11+$0xFFFFFEC0];
	v7 =	vmul.f32 v7, v13;
	v5 =	vadd.f32 v6, v5  }
0xc5: {  	v2 =	vbroadcast v0, $0xF;
	v3 =	vadd.f32 v14, v3;
	v6 =	vld [tilespmem:s11+$0xFFFFFFD0];
	v10 =	vmul.f32 v10, v15  }
0xc6: {  	v0 =	vbroadcast v1, $0xF;
	v13 =	vmul.f32 v18, v21;
	v4 =	vadd.f32 v7, v4;
	v7 =	vld [tilespmem:s11+$0xE0]  }
0xc7: {  	v14 =	vld [tilespmem:s11+$0xFFFFFED0];
	v1 =	vmul.f32 v9, v11;
	v9 =	vadd.f32 v10, v5  }
.Ltmp0:
0xc8: {  	v3 =	vadd.f32 v13, v3;
	v5 =	vld [tilespmem:s11+$0xFFFFFFE0];
	v8 =	vmul.f32 v8, v17;
	(pc) =	sbr.rel @p1 .LBB2_3-.Ltmp0, $4  }
0xc9: {  	v10 =	vmul.f32 v19, v22;
	v13 =	vadd.f32 v1, v4;
	v4 =	vld [tilespmem:s11+$0xF0]  }
0xca: {  	v1 =	vld [tilespmem:s11+$0xFFFFFEE0];
	v15 =	vmul.f32 v6, v12;
	v9 =	vadd.f32 v8, v9  }
0xcb: {  	v8 =	vadd.f32 v10, v3;
	v6 =	vld [tilespmem:s11+$0xFFFFFFF0];
	v12 =	vmul.f32 v7, v16  }
0xcc: {  	s17 =	sadd.s32 $0x40, s17;
	v11 =	vmul.f32 v14, v20;
	v10 =	vadd.f32 v15, v13;
	v7 =	vld [tilespmem:s11+$0x100]  }
0xcd: {  	v2 =	vmul.f32 v5, v2  }
0xce: {  	v3 =	vadd.f32 v12, v9;
	v5 =	vadd.f32 v11, v8;
	v0 =	vmul.f32 v4, v0  }
0xcf: {  	v2 =	vadd.f32 v2, v10  }
0xd0: {  	v1 =	vadd.f32 v5, v1;
	v0 =	vadd.f32 v0, v3  }
0xd1: {  	v2 =	vadd.f32 v2, v6  }
0xd2: {  	[tilespmem:s12+$0xFFFFFFE0] =	vst v1;
	v0 =	vadd.f32 v0, v7  }
0xd3: {  	[tilespmem:s12+$0xFFFFFFF0] =	vst v2  }
0xd4: {  	[tilespmem:s12+$0x0] =	vst v0  }
0xd5: {  	_ =	swait.ge [sflag:s31], $0x80  }
0xd6: {  	[sflag:s31] =	ssyncset.done $0x0  }
0xd7: {  	[sflag:s31] =	ssyncadd.s32 $0xFFFFFF80  }
0xd8: {  	[spmem:s1] =	stream.indirect.scatter.add.f32 [tilespmem:s0], [sflag:$0x9], $0x10, s22, s20, $0xb8;
	[tilespmem:$0x15980] =	vst v63  }
0xd9: {  	s10 =	sadd.s32 @!p0 s19, s14;
	_ =	swait.ge [sflag:s2], $0x8800  }
0xda: {  	s11 =	simm.s32 @!p0 $0x0;
	s10 =	sshrl.u32 @!p0 s10, $0x3;
	[sflag:s2] =	ssyncset.done $0x0  }
0xdb: {  	s10 =	sadd.s32 @!p0 s6, s10;
	s12 =	simm.s32 @!p0 $0x80;
	[sflag:s2] =	ssyncadd.s32 $0xFFFF7800  }
0xdc: {  	[tilespmem:s12], [sflag:$0x2] =	stream.linear.gather @!p0 [hbm4b:s10+s11], $0x80, $0x38;
	[tilespmem:$0x15980] =	vst v63  }
0xdd: {  	s10 =	simm.s32 @!p0 $0x1  }
0xde: {  	_ =	swait.ge @!p0 [sflag:s10], $0x80  }
0xdf: {  	[sflag:s10] =	ssyncset.done @!p0 $0x0  }
0xe0: {  	[sflag:s10] =	ssyncadd.s32 @!p0 $0xFFFFFF80;
	s10 =	simm.s32 @!p0 $0x1200  }
0xe1: {  	[tilespmem:s10], [sflag:$0x7] =	stream.indirect.gather @!p0 [hbm4b:s4+s12], $0x110, s11, s12, $0xb8;
	[tilespmem:$0x15980] =	vst v63  }
0xe2: {  	s10 =	simm.s32 @!p0 $0x9  }
0xe3: {  	_ =	swait.ge @!p0 [sflag:s10], $0x800  }
0xe4: {  	[sflag:s10] =	ssyncset.done @!p0 $0x0  }
0xe5: {  	s9 =	sadd.s32 @!p0 $0x5000, s9;
	[sflag:s10] =	ssyncadd.s32 @!p0 $0xFFFFF800;
	s10 =	simm.s32 @!p0 $0x100  }
0xe6: {  	[tilespmem:s10], [sflag:$0x3] =	stream.linear.gather @!p0 [hbm4b:s9+s11], $0x80, $0x38;
	[tilespmem:$0x15980] =	vst v63  }
0xe7: {  	s9 =	sshll.u32 @!p0 s16, $0x1  }
0xe8: {  	s9 =	sand.u32 @!p0 $0x1FFFFE00, s9  }
0xe9: {  	s10 =	simm.s32 @!p0 $0x200;
	s9 =	sadd.s32 @!p0 s5, s9  }
0xea: {  	[tilespmem:s10], [sflag:$0x5] =	stream.linear.gather @!p0 [hbm4b:s9+s11], $0x800, $0x38;
	[tilespmem:$0x15980] =	vst v63  }
0xeb: {  	_ =	swait.ge [sflag:s21], $0x800  }
0xec: {  	[sflag:s21] =	ssyncset.done $0x0  }
0xed: {  	s19 =	simm.s32 $0xA20;
	[sflag:s21] =	ssyncadd.s32 $0xFFFFF800  }
0xee: {  	v3 =	vld [tilespmem:s19+$0x10]  }
0xef: {  	v1 =	vld [tilespmem:s19+$0xFFFFFFF0]  }
0xf0: {  	v0 =	vld [tilespmem:s19+$0x0]  }
0xf1: {  	s9 =	simm.s32 $0x9C20;
	v2 =	vld [tilespmem:s19+$0xFFFFFFE0]  }
0xf2: {  	v4 =	vld [tilespmem:s9+$0x110]  }
0xf3: {  	v5 =	vld [tilespmem:s9+$0x120];
	v8 =	vbroadcast v3, $0x0  }
0xf4: {  	v6 =	vld [tilespmem:s9+$0x130];
	v9 =	vbroadcast v3, $0x1;
	v10 =	vbroadcast v3, $0x2  }
0xf5: {  	v7 =	vld [tilespmem:s9+$0x140];
	v12 =	vbroadcast v1, $0x1;
	v15 =	vbroadcast v0, $0x1  }
0xf6: {  	v11 =	vld [tilespmem:s9+$0x150];
	v18 =	vbroadcast v2, $0x1;
	v47 =	vbroadcast v3, $0x7  }
0xf7: {  	v13 =	vld [tilespmem:s9+$0x160];
	v49 =	vbroadcast v3, $0x8;
	v51 =	vbroadcast v3, $0x9  }
0xf8: {  	v14 =	vld [tilespmem:s9+$0xFFFFFDF0];
	v52 =	vbroadcast v1, $0x3;
	v54 =	vbroadcast v3, $0xA  }
0xf9: {  	v16 =	vld [tilespmem:s9+$0x170];
	v57 =	vbroadcast v3, $0xB;
	v60 =	vbroadcast v3, $0xC  }
0xfa: {  	v20 =	vld [tilespmem:s9+$0xFFFFFF00];
	v63 =	vbroadcast v3, $0xD;
	v27 =	vbroadcast v3, $0xE  }
0xfb: {  	v17 =	vld [tilespmem:s9+$0xFFFFFEF0];
	v31 =	vbroadcast v1, $0x5;
	v37 =	vbroadcast v1, $0x7  }
0xfc: {  	v19 =	vld [tilespmem:s9+$0x180];
	v40 =	vbroadcast v2, $0x8;
	v42 =	vbroadcast v0, $0x8  }
0xfd: {  	v21 =	vld [tilespmem:s9+$0x0];
	v4 =	vmul.f32 v4, v8;
	v5 =	vmul.f32 v5, v9  }
0xfe: {  	v48 =	vld [tilespmem:s9+$0x1B0];
	v6 =	vmul.f32 v6, v10;
	v10 =	vbroadcast v3, $0x3  }
0xff: {  	v41 =	vld [tilespmem:s9+$0xFFFFFE60];
	v9 =	vbroadcast v1, $0x0;
	v12 =	vmul.f32 v20, v12  }
0x100: {  	v8 =	vld [tilespmem:s9+$0xFFFFFDE0];
	v4 =	vadd.f32 v5, v4;
	v7 =	vmul.f32 v7, v10;
	v10 =	vbroadcast v3, $0x4  }
0x101: {  	v46 =	vld [tilespmem:s9+$0x1A0];
	v5 =	vbroadcast v0, $0x0;
	v9 =	vmul.f32 v17, v9  }
0x102: {  	v22 =	vld [tilespmem:s9+$0x10];
	v4 =	vadd.f32 v6, v4;
	v6 =	vbroadcast v2, $0x0;
	v10 =	vmul.f32 v11, v10  }
0x103: {  	v23 =	vld [tilespmem:s9+$0xFFFFFE00];
	v11 =	vbroadcast v3, $0x5;
	v5 =	vmul.f32 v21, v5  }
0x104: {  	v62 =	vld [tilespmem:s9+$0x200];
	v9 =	vadd.f32 v12, v9;
	v12 =	vmul.f32 v48, v54;
	v21 =	vmul.f32 v41, v40  }
0x105: {  	v39 =	vld [tilespmem:s9+$0xFFFFFF60];
	v4 =	vadd.f32 v7, v4;
	v6 =	vmul.f32 v8, v6;
	v7 =	vbroadcast v2, $0x2  }
0x106: {  	v50 =	vld [tilespmem:s9+$0x1C0];
	v11 =	vmul.f32 v13, v11;
	v13 =	vbroadcast v3, $0x6  }
0x107: {  	v24 =	vld [tilespmem:s9+$0xFFFFFF10];
	v3 =	vbroadcast v3, $0xF;
	v4 =	vadd.f32 v10, v4;
	v10 =	vmul.f32 v14, v18  }
0x108: {  	v8 =	vld [tilespmem:s9+$0x190];
	v14 =	vbroadcast v1, $0x2;
	v13 =	vmul.f32 v16, v13  }
0x109: {  	v53 =	vld [tilespmem:s9+$0x1D0];
	v16 =	vmul.f32 v19, v47;
	v7 =	vmul.f32 v23, v7;
	v4 =	vadd.f32 v11, v4  }
0x10a: {  	v55 =	vld [tilespmem:s9+$0x20];
	v3 =	vmul.f32 v62, v3;
	v18 =	vmul.f32 v39, v37  }
0x10b: {  	v56 =	vld [tilespmem:s9+$0x1E0];
	v47 =	vbroadcast v0, $0xA;
	v62 =	vbroadcast v2, $0xF;
	v4 =	vadd.f32 v13, v4  }
0x10c: {  	v33 =	vld [tilespmem:s9+$0xFFFFFF40];
	v11 =	vbroadcast v0, $0x2;
	v6 =	vadd.f32 v10, v6;
	v10 =	vmul.f32 v46, v51  }
0x10d: {  	v25 =	vld [tilespmem:s9+$0x30];
	v46 =	vbroadcast v2, $0xA;
	v8 =	vmul.f32 v8, v49;
	v4 =	vadd.f32 v16, v4  }
0x10e: {  	v58 =	vld [tilespmem:s9+$0xFFFFFE10];
	v49 =	vbroadcast v2, $0xB;
	v13 =	vbroadcast v2, $0x3;
	v6 =	vadd.f32 v7, v6  }
0x10f: {  	v26 =	vld [tilespmem:s9+$0xFFFFFE20];
	v7 =	vmul.f32 v53, v60;
	v53 =	vbroadcast v2, $0xC;
	v4 =	vadd.f32 v8, v4  }
0x110: {  	v59 =	vld [tilespmem:s9+$0x1F0];
	v8 =	vmul.f32 v22, v15;
	v15 =	vbroadcast v0, $0x3  }
0x111: {  	v61 =	vld [tilespmem:s9+$0xFFFFFF20];
	v16 =	vmul.f32 v33, v31;
	v4 =	vadd.f32 v10, v4;
	v10 =	vbroadcast v2, $0x4  }
0x112: {  	v28 =	vld [tilespmem:s9+$0xFFFFFF30];
	v5 =	vadd.f32 v8, v5;
	v8 =	vmul.f32 v50, v57;
	v15 =	vmul.f32 v25, v15  }
0x113: {  	v30 =	vld [tilespmem:s9+$0x40];
	v50 =	vbroadcast v1, $0xB;
	v4 =	vadd.f32 v12, v4;
	v12 =	vmul.f32 v24, v14  }
0x114: {  	v29 =	vld [tilespmem:s9+$0x210];
	v14 =	vbroadcast v1, $0x4;
	v10 =	vmul.f32 v26, v10  }
0x115: {  	v32 =	vld [tilespmem:s9+$0xFFFFFE30];
	v4 =	vadd.f32 v8, v4;
	v8 =	vmul.f32 v55, v11;
	v11 =	vbroadcast v0, $0x4  }
0x116: {  	v34 =	vld [tilespmem:s9+$0x50];
	v9 =	vadd.f32 v12, v9;
	v12 =	vmul.f32 v56, v63;
	v55 =	vbroadcast v2, $0xD  }
0x117: {  	v35 =	vld [tilespmem:s9+$0xFFFFFE40];
	v4 =	vadd.f32 v7, v4;
	v7 =	vmul.f32 v58, v13;
	v13 =	vbroadcast v2, $0x5  }
0x118: {  	v36 =	vld [tilespmem:s9+$0x60];
	v5 =	vadd.f32 v8, v5;
	v8 =	vmul.f32 v59, v27;
	v11 =	vmul.f32 v30, v11  }
0x119: {  	v38 =	vld [tilespmem:s9+$0xFFFFFE50];
	v58 =	vbroadcast v2, $0xE;
	v59 =	vbroadcast v1, $0xE;
	v4 =	vadd.f32 v12, v4  }
0x11a: {  	v43 =	vld [tilespmem:s9+$0xFFFFFF70];
	v12 =	vmul.f32 v61, v52;
	v6 =	vadd.f32 v7, v6;
	v7 =	vbroadcast v0, $0x5  }
0x11b: {  	v44 =	vld [tilespmem:s9+$0xFFFFFE70];
	v5 =	vadd.f32 v15, v5;
	v15 =	vbroadcast v0, $0x6;
	v61 =	vbroadcast v0, $0xE  }
0x11c: {  	v51 =	vld [tilespmem:s9+$0xFFFFFE90];
	v4 =	vadd.f32 v8, v4;
	v8 =	vbroadcast v2, $0x6;
	v9 =	vadd.f32 v12, v9  }
0x11d: {  	v12 =	vbroadcast v1, $0x6;
	v5 =	vadd.f32 v11, v5;
	v11 =	vld [tilespmem:s9+$0x70];
	v7 =	vmul.f32 v34, v7  }
0x11e: {  	v6 =	vadd.f32 v10, v6;
	v3 =	vadd.f32 v3, v4;
	v4 =	vmul.f32 v28, v14;
	v14 =	vld [tilespmem:s9+$0xFFFFFF50]  }
0x11f: {  	v10 =	vbroadcast v2, $0x7;
	v15 =	vmul.f32 v36, v15;
	v5 =	vadd.f32 v7, v5;
	v7 =	vld [tilespmem:s9+$0x80]  }
0x120: {  	v45 =	vld [tilespmem:s9+$0xFFFFFF80];
	v4 =	vadd.f32 v4, v9;
	v9 =	vmul.f32 v32, v13;
	v13 =	vbroadcast v0, $0x7  }
0x121: {  	v48 =	vld [tilespmem:s9+$0xFFFFFF90];
	v8 =	vmul.f32 v35, v8;
	v10 =	vmul.f32 v38, v10;
	v5 =	vadd.f32 v15, v5  }
0x122: {  	v54 =	vld [tilespmem:s9+$0xFFFFFFB0];
	v6 =	vadd.f32 v9, v6;
	v9 =	vbroadcast v1, $0x8;
	v11 =	vmul.f32 v11, v13  }
0x123: {  	v15 =	vld [tilespmem:s9+$0x90];
	v4 =	vadd.f32 v16, v4;
	v16 =	vmul.f32 v51, v49;
	v12 =	vmul.f32 v14, v12  }
0x124: {  	v13 =	vld [tilespmem:s9+$0xFFFFFE80];
	v14 =	vbroadcast v2, $0x9;
	v7 =	vmul.f32 v7, v42;
	v6 =	vadd.f32 v8, v6  }
0x125: {  	v52 =	vld [tilespmem:s9+$0xFFFFFFA0];
	v8 =	vbroadcast v1, $0x9;
	v9 =	vmul.f32 v43, v9;
	v5 =	vadd.f32 v11, v5  }
0x126: {  	v11 =	vld [tilespmem:s9+$0xA0];
	v4 =	vadd.f32 v12, v4;
	v12 =	vbroadcast v0, $0x9;
	v14 =	vmul.f32 v44, v14  }
0x127: {  	v60 =	vld [tilespmem:s9+$0xFFFFFFD0];
	v6 =	vadd.f32 v10, v6;
	v10 =	vbroadcast v1, $0xA;
	v8 =	vmul.f32 v45, v8  }
0x128: {  	v5 =	vadd.f32 v7, v5;
	v7 =	vld [tilespmem:s9+$0xB0];
	v4 =	vadd.f32 v18, v4;
	v12 =	vmul.f32 v15, v12  }
0x129: {  	v15 =	vld [tilespmem:s9+$0xFFFFFEA0];
	v13 =	vmul.f32 v13, v46;
	v6 =	vadd.f32 v21, v6;
	v10 =	vmul.f32 v48, v10  }
0x12a: {  	v57 =	vld [tilespmem:s9+$0xFFFFFFC0];
	v21 =	vmul.f32 v52, v50;
	v4 =	vadd.f32 v9, v4;
	v9 =	vbroadcast v0, $0xB  }
0x12b: {  	v5 =	vadd.f32 v12, v5;
	v12 =	vld [tilespmem:s9+$0xC0];
	v11 =	vmul.f32 v11, v47;
	v6 =	vadd.f32 v14, v6  }
0x12c: {  	v56 =	vld [tilespmem:s9+$0xFFFFFEB0];
	v14 =	vbroadcast v1, $0xC;
	v4 =	vadd.f32 v8, v4;
	v8 =	vbroadcast v0, $0xC  }
0x12d: {  	v5 =	vadd.f32 v11, v5;
	v11 =	vld [tilespmem:s9+$0xD0];
	v7 =	vmul.f32 v7, v9;
	v6 =	vadd.f32 v13, v6  }
0x12e: {  	v13 =	vbroadcast v1, $0xD;
	v9 =	vmul.f32 v15, v53;
	v15 =	vld [tilespmem:s9+$0xFFFFFEC0];
	v4 =	vadd.f32 v10, v4  }
0x12f: {  	v14 =	vmul.f32 v54, v14;
	v10 =	vbroadcast v0, $0xD;
	v6 =	vadd.f32 v16, v6  }
0x130: {  	v5 =	vadd.f32 v7, v5;
	v7 =	vmul.f32 v12, v8;
	v12 =	vld [tilespmem:s9+$0xE0];
	v4 =	vadd.f32 v21, v4  }
0x131: {  	v63 =	vld [tilespmem:s9+$0xFFFFFED0];
	v2 =	vadd.f32 v9, v6;
	v6 =	vmul.f32 v56, v55;
	v9 =	vmul.f32 v57, v13  }
0x132: {  	v7 =	vadd.f32 v7, v5;
	v5 =	vld [tilespmem:s9+$0xFFFFFFE0];
	v10 =	vmul.f32 v11, v10;
	v8 =	vadd.f32 v14, v4  }
0x133: {  	v3 =	vadd.f32 v3, v29;
	v11 =	vmul.f32 v15, v58;
	v4 =	vld [tilespmem:s9+$0xF0];
	v14 =	vmul.f32 v60, v59  }
0x134: {  	v6 =	vadd.f32 v6, v2;
	v2 =	vbroadcast v1, $0xF;
	v1 =	vld [tilespmem:s9+$0xFFFFFEE0];
	v13 =	vadd.f32 v9, v8  }
0x135: {  	s11 =	simm.s32 $0x12A20;
	v0 =	vbroadcast v0, $0xF;
	v9 =	vadd.f32 v10, v7;
	v12 =	vmul.f32 v12, v61;
	v7 =	vld [tilespmem:s9+$0x100]  }
0x136: {  	s12 =	simm.s32 $0xA60;
	s10 =	simm.s32 $0x0;
	[tilespmem:s11+$0x10] =	vst v3;
	v8 =	vadd.f32 v11, v6;
	v6 =	vld [tilespmem:s9+$0xFFFFFFF0];
	v11 =	vmul.f32 v63, v62;
	v10 =	vadd.f32 v14, v13  }
.LBB2_5:
0x137: {  	v3 =	vld [tilespmem:s12+$0x10];
	s10 =	sadd.s32 $0x4, s10;
	v2 =	vmul.f32 v5, v2;
	v5 =	vadd.f32 v12, v9;
	s9 =	sadd.s32 $0x440, s9  }
0x138: {  	v9 =	vld [tilespmem:s9+$0x110];
	p0 =	slt.u32 s10, $0x7C;
	v8 =	vadd.f32 v11, v8;
	v4 =	vmul.f32 v4, v0  }
0x139: {  	v11 =	vld [tilespmem:s9+$0x120];
	v2 =	vadd.f32 v2, v10  }
0x13a: {  	v0 =	vld [tilespmem:s12+$0xFFFFFFF0];
	v8 =	vadd.f32 v8, v1;
	v4 =	vadd.f32 v4, v5  }
0x13b: {  	v5 =	vld [tilespmem:s9+$0x130];
	v2 =	vadd.f32 v2, v6  }
0x13c: {  	v1 =	vld [tilespmem:s12+$0x0];
	v6 =	vbroadcast v3, $0x0;
	v10 =	vbroadcast v3, $0x1;
	[tilespmem:s11+$0xFFFFFFE0] =	vst v8;
	v4 =	vadd.f32 v4, v7  }
0x13d: {  	v7 =	vbroadcast v3, $0x2;
	v8 =	vld [tilespmem:s9+$0x140];
	[tilespmem:s11+$0xFFFFFFF0] =	vst v2  }
0x13e: {  	v2 =	vld [tilespmem:s12+$0xFFFFFFE0];
	v6 =	vmul.f32 v9, v6;
	v9 =	vmul.f32 v11, v10;
	[tilespmem:s11+$0x0] =	vst v4  }
0x13f: {  	v4 =	vbroadcast v0, $0x0;
	v10 =	vbroadcast v0, $0x1;
	v11 =	vld [tilespmem:s9+$0x150]  }
0x140: {  	v12 =	vld [tilespmem:s9+$0xFFFFFDE0];
	v6 =	vadd.f32 v9, v6;
	v5 =	vmul.f32 v5, v7;
	v7 =	vbroadcast v3, $0x3  }
0x141: {  	v9 =	vbroadcast v1, $0x0;
	v13 =	vbroadcast v1, $0x1;
	v14 =	vld [tilespmem:s9+$0x160]  }
0x142: {  	v15 =	vld [tilespmem:s9+$0xFFFFFDF0];
	v5 =	vadd.f32 v5, v6;
	v6 =	vmul.f32 v8, v7;
	v7 =	vbroadcast v3, $0x4  }
0x143: {  	v8 =	vbroadcast v2, $0x0;
	v16 =	vbroadcast v2, $0x1;
	v17 =	vld [tilespmem:s9+$0x170]  }
0x144: {  	v18 =	vld [tilespmem:s9+$0xFFFFFEF0];
	v5 =	vadd.f32 v6, v5;
	v6 =	vmul.f32 v11, v7;
	v7 =	vbroadcast v3, $0x5  }
0x145: {  	v11 =	vbroadcast v2, $0x2;
	v8 =	vmul.f32 v12, v8;
	v12 =	vld [tilespmem:s9+$0x180]  }
0x146: {  	v19 =	vld [tilespmem:s9+$0xFFFFFF00];
	v5 =	vadd.f32 v6, v5;
	v6 =	vmul.f32 v14, v7;
	v7 =	vbroadcast v3, $0x6  }
0x147: {  	v14 =	vmul.f32 v15, v16;
	v15 =	vbroadcast v0, $0x2;
	v16 =	vld [tilespmem:s9+$0x190]  }
0x148: {  	v20 =	vld [tilespmem:s9+$0x0];
	v5 =	vadd.f32 v6, v5;
	v6 =	vmul.f32 v17, v7;
	v7 =	vbroadcast v3, $0x7  }
0x149: {  	v8 =	vadd.f32 v14, v8;
	v4 =	vmul.f32 v18, v4;
	v14 =	vbroadcast v1, $0x2;
	v17 =	vld [tilespmem:s9+$0x1A0]  }
0x14a: {  	v18 =	vld [tilespmem:s9+$0x10];
	v5 =	vadd.f32 v6, v5;
	v6 =	vmul.f32 v12, v7;
	v7 =	vbroadcast v3, $0x8  }
0x14b: {  	v12 =	vbroadcast v2, $0x3;
	v10 =	vmul.f32 v19, v10;
	v19 =	vld [tilespmem:s9+$0x1B0]  }
0x14c: {  	v21 =	vld [tilespmem:s9+$0xFFFFFE00];
	v5 =	vadd.f32 v6, v5;
	v6 =	vmul.f32 v16, v7;
	v7 =	vbroadcast v3, $0x9  }
0x14d: {  	v4 =	vadd.f32 v10, v4;
	v10 =	vbroadcast v0, $0x3;
	v9 =	vmul.f32 v20, v9;
	v16 =	vld [tilespmem:s9+$0x1C0]  }
0x14e: {  	v20 =	vld [tilespmem:s9+$0xFFFFFF10];
	v5 =	vadd.f32 v6, v5;
	v6 =	vmul.f32 v17, v7;
	v7 =	vbroadcast v3, $0xA  }
0x14f: {  	v17 =	vbroadcast v1, $0x3;
	v13 =	vmul.f32 v18, v13;
	v18 =	vld [tilespmem:s9+$0x1D0]  }
0x150: {  	v22 =	vld [tilespmem:s9+$0x20];
	v5 =	vadd.f32 v6, v5;
	v6 =	vmul.f32 v19, v7;
	v7 =	vbroadcast v3, $0xB  }
0x151: {  	v19 =	vbroadcast v2, $0x4;
	v11 =	vmul.f32 v21, v11;
	v9 =	vadd.f32 v13, v9;
	v13 =	vld [tilespmem:s9+$0x1E0]  }
0x152: {  	v21 =	vld [tilespmem:s9+$0xFFFFFE10];
	v5 =	vadd.f32 v6, v5;
	v6 =	vmul.f32 v16, v7;
	v7 =	vbroadcast v3, $0xC  }
0x153: {  	v8 =	vadd.f32 v11, v8;
	v11 =	vmul.f32 v20, v15;
	v15 =	vbroadcast v0, $0x4;
	v16 =	vld [tilespmem:s9+$0x1F0]  }
0x154: {  	v20 =	vld [tilespmem:s9+$0xFFFFFF20];
	v5 =	vadd.f32 v6, v5;
	v6 =	vmul.f32 v18, v7;
	v7 =	vbroadcast v3, $0xD  }
0x155: {  	v4 =	vadd.f32 v11, v4;
	v11 =	vmul.f32 v22, v14;
	v14 =	vbroadcast v1, $0x4;
	v18 =	vld [tilespmem:s9+$0x200]  }
0x156: {  	v22 =	vld [tilespmem:s9+$0x30];
	v5 =	vadd.f32 v6, v5;
	v6 =	vmul.f32 v13, v7;
	v7 =	vbroadcast v3, $0xE  }
0x157: {  	v12 =	vmul.f32 v21, v12;
	v13 =	vld [tilespmem:s9+$0xFFFFFE20];
	v21 =	vbroadcast v2, $0x5;
	v9 =	vadd.f32 v11, v9  }
0x158: {  	v3 =	vbroadcast v3, $0xF;
	v11 =	vld [tilespmem:s9+$0xFFFFFF30];
	v5 =	vadd.f32 v6, v5;
	v6 =	vmul.f32 v16, v7  }
0x159: {  	v7 =	vadd.f32 v12, v8;
	v8 =	vmul.f32 v20, v10;
	v10 =	vbroadcast v0, $0x5;
	v12 =	vld [tilespmem:s9+$0x210]  }
0x15a: {  	v20 =	vbroadcast v1, $0x5;
	v16 =	vld [tilespmem:s9+$0x40];
	v5 =	vadd.f32 v6, v5;
	v3 =	vmul.f32 v18, v3  }
0x15b: {  	v18 =	vbroadcast v2, $0x6;
	v6 =	vld [tilespmem:s9+$0xFFFFFE30];
	v4 =	vadd.f32 v8, v4;
	v8 =	vmul.f32 v22, v17  }
0x15c: {  	v13 =	vmul.f32 v13, v19;
	v17 =	vld [tilespmem:s9+$0xFFFFFF40];
	v19 =	vbroadcast v0, $0x6;
	v3 =	vadd.f32 v3, v5  }
0x15d: {  	v5 =	vmul.f32 v11, v15;
	v8 =	vadd.f32 v8, v9;
	v9 =	vld [tilespmem:s9+$0x50];
	v11 =	vbroadcast v1, $0x6  }
0x15e: {  	v15 =	vbroadcast v2, $0x7;
	v7 =	vadd.f32 v13, v7;
	v13 =	vld [tilespmem:s9+$0xFFFFFE40];
	v3 =	vadd.f32 v3, v12  }
0x15f: {  	s11 =	sadd.s32 $0x40, s11;
	v12 =	vbroadcast v0, $0x7;
	v4 =	vadd.f32 v5, v4;
	v5 =	vld [tilespmem:s9+$0xFFFFFF50];
	v14 =	vmul.f32 v16, v14  }
0x160: {  	v6 =	vmul.f32 v6, v21;
	v16 =	vld [tilespmem:s9+$0x60];
	v21 =	vbroadcast v1, $0x7;
	[tilespmem:s11+$0x10] =	vst v3  }
0x161: {  	v22 =	vbroadcast v2, $0x8;
	v3 =	vld [tilespmem:s9+$0xFFFFFE50];
	v10 =	vmul.f32 v17, v10;
	v8 =	vadd.f32 v14, v8  }
0x162: {  	v14 =	vbroadcast v0, $0x8;
	v6 =	vadd.f32 v6, v7;
	v7 =	vld [tilespmem:s9+$0xFFFFFF60];
	v9 =	vmul.f32 v9, v20  }
0x163: {  	v17 =	vbroadcast v1, $0x8;
	v13 =	vmul.f32 v13, v18;
	v4 =	vadd.f32 v10, v4;
	v10 =	vld [tilespmem:s9+$0x70]  }
0x164: {  	v20 =	vbroadcast v2, $0x9;
	v18 =	vld [tilespmem:s9+$0xFFFFFE60];
	v5 =	vmul.f32 v5, v19;
	v8 =	vadd.f32 v9, v8  }
0x165: {  	v6 =	vadd.f32 v13, v6;
	v9 =	vld [tilespmem:s9+$0xFFFFFF70];
	v13 =	vbroadcast v0, $0x9;
	v11 =	vmul.f32 v16, v11  }
0x166: {  	v3 =	vmul.f32 v3, v15;
	v4 =	vadd.f32 v5, v4;
	v5 =	vld [tilespmem:s9+$0x80];
	v15 =	vbroadcast v1, $0x9  }
0x167: {  	v19 =	vbroadcast v2, $0xA;
	v16 =	vld [tilespmem:s9+$0xFFFFFE70];
	v7 =	vmul.f32 v7, v12;
	v8 =	vadd.f32 v11, v8  }
0x168: {  	v11 =	vbroadcast v0, $0xA;
	v3 =	vadd.f32 v3, v6;
	v6 =	vld [tilespmem:s9+$0xFFFFFF80];
	v10 =	vmul.f32 v10, v21  }
0x169: {  	v12 =	vmul.f32 v18, v22;
	v4 =	vadd.f32 v7, v4;
	v7 =	vld [tilespmem:s9+$0x90];
	v18 =	vbroadcast v1, $0xA  }
0x16a: {  	v22 =	vbroadcast v2, $0xB;
	v21 =	vld [tilespmem:s9+$0xFFFFFE80];
	v9 =	vmul.f32 v9, v14;
	v8 =	vadd.f32 v10, v8  }
0x16b: {  	v3 =	vadd.f32 v12, v3;
	v10 =	vld [tilespmem:s9+$0xFFFFFF90];
	v12 =	vbroadcast v0, $0xB;
	v5 =	vmul.f32 v5, v17  }
0x16c: {  	v14 =	vmul.f32 v16, v20;
	v4 =	vadd.f32 v9, v4;
	v9 =	vld [tilespmem:s9+$0xA0];
	v16 =	vbroadcast v1, $0xB  }
0x16d: {  	v20 =	vbroadcast v2, $0xC;
	v17 =	vld [tilespmem:s9+$0xFFFFFE90];
	v6 =	vmul.f32 v6, v13;
	v5 =	vadd.f32 v5, v8  }
0x16e: {  	v13 =	vbroadcast v0, $0xC;
	v3 =	vadd.f32 v14, v3;
	v8 =	vld [tilespmem:s9+$0xFFFFFFA0];
	v7 =	vmul.f32 v7, v15  }
0x16f: {  	v15 =	vbroadcast v1, $0xC;
	v14 =	vmul.f32 v21, v19;
	v4 =	vadd.f32 v6, v4;
	v6 =	vld [tilespmem:s9+$0xB0]  }
0x170: {  	v21 =	vbroadcast v2, $0xD;
	v19 =	vld [tilespmem:s9+$0xFFFFFEA0];
	v10 =	vmul.f32 v10, v11;
	v5 =	vadd.f32 v7, v5  }
0x171: {  	v11 =	vbroadcast v0, $0xD;
	v3 =	vadd.f32 v14, v3;
	v7 =	vld [tilespmem:s9+$0xFFFFFFB0];
	v9 =	vmul.f32 v9, v18  }
0x172: {  	v14 =	vmul.f32 v17, v22;
	v4 =	vadd.f32 v10, v4;
	v10 =	vld [tilespmem:s9+$0xC0];
	v17 =	vbroadcast v1, $0xD  }
0x173: {  	v22 =	vbroadcast v2, $0xE;
	v18 =	vld [tilespmem:s9+$0xFFFFFEB0];
	v8 =	vmul.f32 v8, v12;
	v5 =	vadd.f32 v9, v5  }
0x174: {  	v12 =	vbroadcast v0, $0xE;
	v3 =	vadd.f32 v14, v3;
	v9 =	vld [tilespmem:s9+$0xFFFFFFC0];
	v6 =	vmul.f32 v6, v16  }
0x175: {  	v16 =	vbroadcast v1, $0xE;
	v14 =	vmul.f32 v19, v20;
	v4 =	vadd.f32 v8, v4;
	v8 =	vld [tilespmem:s9+$0xD0]  }
0x176: {  	v20 =	vbroadcast v2, $0xF;
	v19 =	vld [tilespmem:s9+$0xFFFFFEC0];
	v7 =	vmul.f32 v7, v13;
	v5 =	vadd.f32 v6, v5  }
0x177: {  	v2 =	vbroadcast v0, $0xF;
	v3 =	vadd.f32 v14, v3;
	v6 =	vld [tilespmem:s9+$0xFFFFFFD0];
	v10 =	vmul.f32 v10, v15  }
0x178: {  	v0 =	vbroadcast v1, $0xF;
	v13 =	vmul.f32 v18, v21;
	v4 =	vadd.f32 v7, v4;
	v7 =	vld [tilespmem:s9+$0xE0]  }
0x179: {  	v14 =	vld [tilespmem:s9+$0xFFFFFED0];
	v1 =	vmul.f32 v9, v11;
	v9 =	vadd.f32 v10, v5  }
.Ltmp1:
0x17a: {  	v3 =	vadd.f32 v13, v3;
	v5 =	vld [tilespmem:s9+$0xFFFFFFE0];
	v8 =	vmul.f32 v8, v17;
	(pc) =	sbr.rel @p0 .LBB2_5-.Ltmp1, $4  }
0x17b: {  	v10 =	vmul.f32 v19, v22;
	v13 =	vadd.f32 v1, v4;
	v4 =	vld [tilespmem:s9+$0xF0]  }
0x17c: {  	v1 =	vld [tilespmem:s9+$0xFFFFFEE0];
	v15 =	vmul.f32 v6, v12;
	v9 =	vadd.f32 v8, v9  }
0x17d: {  	v8 =	vadd.f32 v10, v3;
	v6 =	vld [tilespmem:s9+$0xFFFFFFF0];
	v12 =	vmul.f32 v7, v16  }
0x17e: {  	s12 =	sadd.s32 $0x40, s12;
	v11 =	vmul.f32 v14, v20;
	v10 =	vadd.f32 v15, v13;
	v7 =	vld [tilespmem:s9+$0x100]  }
0x17f: {  	v2 =	vmul.f32 v5, v2  }
0x180: {  	v3 =	vadd.f32 v12, v9;
	v63 =	vadd.f32 v11, v8;
	v0 =	vmul.f32 v4, v0  }
0x181: {  	v2 =	vadd.f32 v2, v10  }
0x182: {  	v1 =	vadd.f32 v63, v1;
	v0 =	vadd.f32 v0, v3  }
0x183: {  	v2 =	vadd.f32 v2, v6  }
0x184: {  	s15 =	sadd.s32 $0x1, s15;
	[tilespmem:s11+$0xFFFFFFE0] =	vst v1;
	v0 =	vadd.f32 v0, v7  }
0x185: {  	p0 =	sne.s32 s15, $0x14;
	[tilespmem:s11+$0xFFFFFFF0] =	vst v2  }
.Ltmp2:
0x186: {  	[tilespmem:s11+$0x0] =	vst v0;
	(pc) =	sbr.rel @p0 .LBB2_2-.Ltmp2, $4  }
0x187: {  	_ =	swait.ge [sflag:s23], $0x80  }
0x188: {  	[sflag:s23] =	ssyncset.done $0x0  }
0x189: {  	[sflag:s23] =	ssyncadd.s32 $0xFFFFFF80  }
0x18a: {  	[spmem:s1] =	stream.indirect.scatter.add.f32 [tilespmem:s8], [sflag:$0xA], $0x10, s28, s20, $0xb8;
	[tilespmem:$0x15980] =	vst v63  }
0x18b: {  	s9 =	simm.s32 $0x9  }
0x18c: {  	_ =	swait.ge [sflag:s9], $0x800  }
0x18d: {  	[sflag:s9] =	ssyncset.done $0x0  }
0x18e: {  	s16 =	simm.s32 $0xA;
	[sflag:s9] =	ssyncadd.s32 $0xFFFFF800  }
0x18f: {  	_ =	swait.ge [sflag:s16], $0x800  }
0x190: {  	[sflag:s16] =	ssyncset.done $0x0  }
0x191: {  	[sflag:s16] =	ssyncadd.s32 $0xFFFFF800  }
0x192: {  	[bflag:$0x0] =	sbarrier.arrive $0xFFFF  }
0x193: {  	s11 =	rddreg [dreg:$0x5]  }
0x194: {  	s17 =	rddreg [dreg:$0x9]  }
0x195: {  	s10 =	rddreg [dreg:$0xb]  }
0x196: {  	[hbm:s17], [sflag:s11] =	dma.local [spmem:s10], $0x4F0  }
0x197: {  	_ =	swait.ge [sflag:s18], $0x4F0  }
0x198: {  	s13 =	sadd.s32 $0x1, s13;
	s19 =	rddreg [dreg:$0xa]  }
0x199: {  	p0 =	sne.s32 s13, s19  }
.Ltmp3:
0x19a: {  	_ = 	snop;
	(pc) =	sbr.rel @p0 .LBB2_1-.Ltmp3, $3  }
0x19b: {  	_ =	sdelay $0x1  }
0x19c: {  	[sflag:s18] =	ssyncset.done $0x0  }
0x19d: {  	[sflag:s18] =	ssyncadd.s32 $0xFFFFFB10  }
0x19e: {  	_ =	sfence.sel $0x180000  }
0x19f: {  	[bflag:$0x0] =	sbarrier.arrive $0xFFFF  }
0x1a0: {  	_ =	strace $0x9000004A  }
0x1a1: {  	s0 =	stileid.u32;
	[bflag:$0x2] =	sbarrier.arrive $0xFFFF  }
0x1a2: {  	p0 =	sne.s32 s0, $0x0;
	s0 =	rddreg [dreg:$0x2]  }
0x1a3: {  	s0 =	sadd.s32 @!p0 $0x100000, s0  }
0x1a4: {  	[sflag:s0] =	ssyncadd.tile.s32 @!p0 $0x1;
	_ =	shalt  }
.Lfunc_end2:
_tile_overlayer_lowered:
.L_overlay_start_2:
0x1a5: {  	(tag) =	ssettag $0x2  }
0x1a6: {  	s0 =	rddreg [dreg:$0x0];
	s2 =	stileid.u32  }
0x1a7: {  	s1 =	rddreg [dreg:$0x1];
	p0 =	sne.s32 s2, $0x0  }
0x1a8: {  	s3 =	rddreg [dreg:$0x2];
	[bflag:$0x3] =	sbarrier.arrive $0xFFFF;
	s2 =	simm.s32 @!p0 $0x1C0B  }
0x1a9: {  	[timem:s3], [sflag:s2] =	dma.local @!p0 [hbm:s0], s1  }
0x1aa: {  	s0 =	simm.s32 @!p0 $0xB  }
0x1ab: {  	_ =	swait.ge @!p0 [sflag:s0], s1  }
0x1ac: {  	s1 =	ssub.s32 @!p0 $0x0, s1;
	[sflag:s0] =	ssyncset.done @!p0 $0x0  }
0x1ad: {  	[sflag:s0] =	ssyncadd.s32 @!p0 s1  }
0x1ae: {  	[bflag:$0x3] =	sbarrier.arrive $0xFFFF  }
0x1af: {  	_ =	shalt  }

// kernel: kernel.16.cloned.1.call-start
scs
__scs_entry_jumppad:
0x0: {  	(pc) =	sbr.rel $0x88, $3  }
0x1: {  	(tag) =	ssettag $0x0;
	lr =	simm.s32 $0x1  }
0x2: {  	[smem:$0x3F87] =	sst lr;
	_ =	strace $0xD0000000  }
0x3: {  	_ = 	snop  }
0x4: {  	_ = 	snop  }
0x5: {  	_ = 	snop  }
0x6: {  	_ = 	snop  }
0x7: {  	_ = 	snop  }
__scs_overlays_trampoline_lowered:
0x8: {  	[smem:$0x3F96] =	sst s0  }
0x9: {  	[smem:$0x3F97] =	sst s1  }
0xa: {  	[smem:$0x3F98] =	sst s2  }
0xb: {  	[smem:$0x3F99] =	sst s3  }
0xc: {  	[smem:$0x3F9A] =	sst s4  }
0xd: {  	[smem:$0x3F9B] =	sst s5  }
0xe: {  	[smem:$0x3F9C] =	sst s6  }
0xf: {  	[smem:$0x3F9D] =	sst s7  }
0x10: {  	[smem:$0x3F9E] =	sst s8  }
0x11: {  	[smem:$0x3F9F] =	sst s9;
	s0 =	simm.s32 @!p0 $0x0  }
0x12: {  	s1 =	sld [smem:$0x3F85];
	s0 =	simm.s32 @p0 $0x1  }
0x13: {  	[smem:$0x3FA0] =	sst s0;
	s0 =	simm.s32 @!p1 $0x0  }
0x14: {  	s2 =	sld [smem:$0x3F84];
	s0 =	simm.s32 @p1 $0x1  }
0x15: {  	[smem:$0x3FA1] =	sst s0;
	s0 =	simm.s32 @!p2 $0x0  }
0x16: {  	s3 =	sld [smem:$0x3FDB];
	s0 =	simm.s32 @p2 $0x1  }
0x17: {  	s4 =	simm.s32 $0x1BF5;
	[smem:$0x3FA3] =	sst s0  }
0x18: {  	s0 =	sld [smem:$0x3F86];
	_ =	swait.ge [sflag:s4], $0x0  }
0x19: {  	s7 =	sld [smem:$0x3F87]  }
0x1a: {  	s8 =	sadd.s32 $0xFFFFE003, lr  }
0x1b: {  	s9 =	sadd.s32 $0xFFFFFEF7, lr;
	s5 =	simm.s32 $0xFFFFFFFF;
	p2 =	slt.u32 s8, $0xFFFFF086  }
0x1c: {  	p1 =	slt.u32 s9, $0xF7A;
	s5 =	simm.s32 @!p2 $0x0  }
0x1d: {  	s5 =	simm.s32 @p1 $0x1;
	p0 =	seq.s32 s7, s2  }
0x1e: {  	s7 =	smul.u32 @!p0 $0xF7A, s2;
	p2 =	seq.s32 @!p0 s5, $0x0  }
0x1f: {  	s9 =	smul.u32 $0xF7A, s1;
	s8 =	simm.s32 @!p0 $0x1BF5;
	p2 =	por !p2, p0  }
0x20: {  	[sflag:s8] =	ssyncset.s32 @!p0 $0xFFFFF086;
	s6 =	sadd.s32 @!p0 s3, s7;
	s7 =	simm.s32 @!p0 $0x108  }
0x21: {  	s3 =	sadd.s32 s3, s9;
	s6 =	sadd.s32 @!p0 $0x88, s6;
	s7 =	simm.s32 @p2 $0x1082  }
0x22: {  	[simem:s7], [sflag:s8] =	dma.local @!p0 [hbm:s6], $0xF7A  }
0x23: {  	s9 =	sor.u32 $0xD0000000, s2;
	s6 =	simm.s32 $0x108;
	_ =	swait.ge @!p0 [sflag:s8], $0x0  }
0x24: {  	s3 =	sadd.s32 $0x88, s3;
	s6 =	simm.s32 @!p1 $0x1082;
	[sflag:s4] =	ssyncset.s32 $0xFFFFF086  }
0x25: {  	[simem:s6], [sflag:s4] =	dma.local [hbm:s3], $0xF7A  }
0x26: {  	[smem:$0x3F87] =	sst s1;
	(tag) =	ssettag s2;
	_ =	strace s9  }
0x27: {  	s1 =	sld [smem:$0x3F97]  }
0x28: {  	s2 =	sld [smem:$0x3F98]  }
0x29: {  	s4 =	sld [smem:$0x3F9A]  }
0x2a: {  	p0 =	seq.s32 s5, $0x0;
	s5 =	sld [smem:$0x3F9B]  }
0x2b: {  	s6 =	sld [smem:$0x3F9C]  }
0x2c: {  	s7 =	sld [smem:$0x3F9D]  }
0x2d: {  	s3 =	simm.s32 $0x108;
	s8 =	sld [smem:$0x3F9E]  }
0x2e: {  	s3 =	simm.s32 @!p0 $0x1082;
	s9 =	sld [smem:$0x3F9F]  }
0x2f: {  	lr =	sadd.s32 s0, s3;
	s0 =	sld [smem:$0x3F96]  }
0x30: {  	s3 =	sld [smem:$0x3F99]  }
0x31: {  	[smem:$0x3FA2] =	sst s10  }
0x32: {  	s10 =	sld [smem:$0x3FA0];
	_ =	sdelay $0x3  }
0x33: {  	p0 =	seq.s32 s10, $0x1;
	s10 =	sld [smem:$0x3FA2];
	_ =	sdelay $0x3  }
0x34: {  	[smem:$0x3FA2] =	sst s10  }
0x35: {  	s10 =	sld [smem:$0x3FA1];
	_ =	sdelay $0x3  }
0x36: {  	p1 =	seq.s32 s10, $0x1;
	s10 =	sld [smem:$0x3FA2];
	_ =	sdelay $0x3  }
0x37: {  	[smem:$0x3FA2] =	sst s10  }
0x38: {  	s10 =	sld [smem:$0x3FA3]  }
0x39: {  	_ = 	snop;
	(pc) =	sbr.ind lr, $3  }
0x3a: {  	_ = 	snop  }
0x3b: {  	_ = 	snop  }
0x3c: {  	p2 =	seq.s32 s10, $0x1;
	s10 =	sld [smem:$0x3FA2]  }
0x3d: {  	_ =	shalt  }
0x3e: {  	_ =	shalt  }
0x3f: {  	_ =	shalt  }
0x40: {  	_ =	shalt  }
0x41: {  	_ =	shalt  }
0x42: {  	_ =	shalt  }
0x43: {  	_ =	shalt  }
0x44: {  	_ =	shalt  }
0x45: {  	_ =	shalt  }
0x46: {  	_ =	shalt  }
0x47: {  	_ =	shalt  }
0x48: {  	_ =	shalt  }
0x49: {  	_ =	shalt  }
0x4a: {  	_ =	shalt  }
0x4b: {  	_ =	shalt  }
0x4c: {  	_ =	shalt  }
0x4d: {  	_ =	shalt  }
0x4e: {  	_ =	shalt  }
0x4f: {  	_ =	shalt  }
0x50: {  	_ =	shalt  }
0x51: {  	_ =	shalt  }
0x52: {  	_ =	shalt  }
0x53: {  	_ =	shalt  }
0x54: {  	_ =	shalt  }
0x55: {  	_ =	shalt  }
0x56: {  	_ =	shalt  }
0x57: {  	_ =	shalt  }
0x58: {  	_ =	shalt  }
0x59: {  	_ =	shalt  }
0x5a: {  	_ =	shalt  }
0x5b: {  	_ =	shalt  }
0x5c: {  	_ =	shalt  }
0x5d: {  	_ =	shalt  }
0x5e: {  	_ =	shalt  }
0x5f: {  	_ =	shalt  }
0x60: {  	_ =	shalt  }
0x61: {  	_ =	shalt  }
0x62: {  	_ =	shalt  }
0x63: {  	_ =	shalt  }
0x64: {  	_ =	shalt  }
0x65: {  	_ =	shalt  }
0x66: {  	_ =	shalt  }
0x67: {  	_ =	shalt  }
0x68: {  	_ =	shalt  }
0x69: {  	_ =	shalt  }
0x6a: {  	_ =	shalt  }
0x6b: {  	_ =	shalt  }
0x6c: {  	_ =	shalt  }
0x6d: {  	_ =	shalt  }
0x6e: {  	_ =	shalt  }
0x6f: {  	_ =	shalt  }
0x70: {  	_ =	shalt  }
0x71: {  	_ =	shalt  }
0x72: {  	_ =	shalt  }
0x73: {  	_ =	shalt  }
0x74: {  	_ =	shalt  }
0x75: {  	_ =	shalt  }
0x76: {  	_ =	shalt  }
0x77: {  	_ =	shalt  }
0x78: {  	_ =	shalt  }
0x79: {  	_ =	shalt  }
0x7a: {  	_ =	shalt  }
0x7b: {  	_ =	shalt  }
0x7c: {  	_ =	shalt  }
0x7d: {  	_ =	shalt  }
0x7e: {  	_ =	shalt  }
0x7f: {  	_ =	shalt  }
0x80: {  	_ =	shalt  }
0x81: {  	_ =	shalt  }
0x82: {  	_ =	shalt  }
0x83: {  	_ =	shalt  }
0x84: {  	_ =	shalt  }
0x85: {  	_ =	shalt  }
0x86: {  	_ =	shalt  }
0x87: {  	_ =	shalt  }
.Lfunc_end0:
.L_simem_size_0:
called_computation.2_lowered:
.L_overlay_start_0:
0x88: {  	s2 =	sld [smem:$0x3FD9]  }
0x89: {  	s3 =	sld [smem:$0x3FFE];
	_ =	sdelay $0x1  }
0x8a: {  	s1 =	srdreg.scid  }
0x8b: {  	s0 =	sand.u32 $0x1, s1  }
0x8c: {  	s16 =	sshll.u32 s0, $0xA;
	s2 =	sadd.s32 s3, s2  }
0x8d: {  	s2 =	sadd.s32 s2, s16  }
0x8e: {  	[smem:$0x3FAE] =	sst s2  }
0x8f: {  	_ = 	snop  }
0x90: {  	(tm) =	ssettm $0x1  }
0x91: {  	s17 =	sld [smem:$0x3FFB];
	_ =	sdelay $0x3  }
0x92: {  	_ =	strace s17  }
0x93: {  	s2 =	sld [smem:$0x3FFC];
	_ =	sdelay $0x3  }
0x94: {  	_ =	strace s2  }
0x95: {  	s2 =	sld [smem:$0x3FFD];
	_ =	sdelay $0x3  }
0x96: {  	_ =	strace s2  }
0x97: {  	_ =	strace $0x8FFFFFFF  }
0x98: {  	s18 =	sld [smem:$0x3FDB];
	_ =	sdelay $0x1  }
0x99: {  	s19 =	simm.s32 $_scs_section_size  }
0x9a: {  	s4 =	simm.s32 $_size__tile_overlayer_lowered;
	s5 =	simm.s32 $_tile_overlayer_lowered  }
0x9b: {  	s22 =	simm.s32 $0x1BFF;
	s21 =	sshll.u32 s5, $0x1;
	s2 =	sadd.s32 s19, s18  }
0x9c: {  	s6 =	simm.s32 $0x0;
	s20 =	sshll.u32 s4, $0x1;
	s4 =	sadd.s32 s21, s2  }
0x9d: {  	[timem:s6], [sflag:s22] =	dma.local [hbm:s4], s20  }
0x9e: {  	_ =	swait.ge [sflag:s22], s20  }
0x9f: {  	s3 =	ssub.s32 $0x0, s20;
	[sflag:s22] =	ssyncset.done $0x0  }
0xa0: {  	[sflag:s22] =	ssyncadd.s32 s3;
	_ =	sdelay $0x1  }
0xa1: {  	s23 =	simm.s32 $0x1B8B  }
0xa2: {  	_ =	swait.ge [sflag:s23], $0x1  }
0xa3: {  	[sflag:s23] =	ssyncset.done $0x0  }
0xa4: {  	s25 =	simm.s32 $0x1B8E;
	s24 =	sld [smem:$0x3FFE];
	[sflag:s23] =	ssyncadd.s32 $0xFFFFFFFF  }
0xa5: {  	s26 =	simm.s32 $execute0_lowered;
	[smem:$0x3FD2] =	sst s25  }
0xa6: {  	s4 =	sshll.u32 s26, $0x1;
	_ =	strace $0x8000004C;
	[dreg:$0x1] =	wrdreg $0xFFFFFFFF  }
0xa7: {  	s28 =	simm.s32 $_size_execute0_lowered;
	s2 =	sadd.s32 s2, s4;
	[dreg:$0x0] =	wrdreg $0x0  }
0xa8: {  	s4 =	sshll.u32 s28, $0x1;
	[dreg:$0x2] =	wrdreg s2  }
0xa9: {  	[dreg:$0x3] =	wrdreg s4  }
0xaa: {  	[dreg:$0x4] =	wrdreg $0xC0  }
0xab: {  	_ =	task [dreg:s6], $0x5FFFF  }
0xac: {  	[dreg:$0x1] =	wrdreg $0xFFFFFFFF  }
0xad: {  	[dreg:$0x0] =	wrdreg $0x60  }
0xae: {  	[dreg:$0x2] =	wrdreg s24  }
0xaf: {  	[dreg:$0x3] =	wrdreg $0x132000  }
0xb0: {  	[dreg:$0x4] =	wrdreg $0x9  }
0xb1: {  	_ =	task.clear_ibuf [dreg:s6], $0x5FFFF;
	_ =	strace $0x9000004C  }
0xb2: {  	s29 =	simm.s32 $0x9;
	_ =	strace $0x8000004E  }
0xb3: {  	_ =	swait.ge [sflag:s29], $0x1  }
0xb4: {  	[sflag:s29] =	ssyncadd.s32 $0xFFFFFFFF  }
0xb5: {  	_ =	strace $0x9000004E  }
0xb6: {  	_ =	sfence  }
0xb7: {  	s30 =	sld [smem:$0x0];
	_ =	sdelay $0x2  }
0xb8: {  	s31 =	sshll.u32 s1, $0xD;
	s1 =	sshrl.u32 s1, $0x2  }
0xb9: {  	s3 =	sand.u32 $0x4000, s31;
	s1 =	sadd.s32 s1, s30  }
0xba: {  	s0 =	sor.u32 s3, s0;
	s1 =	sshll.u32 s1, $0x11  }
0xbb: {  	s0 =	sor.u32 s1, s0  }
0xbc: {  	s0 =	sadd.s32 $0x8F2B, s0  }
0xbd: {  	[sflag:s0] =	ssyncadd.remote.s32 $0x1  }
0xbe: {  	_ =	sfence.sel $0xFFFF  }
0xbf: {  	[dreg:$0x0] =	wrdreg $0xFFFFFFFF;
	(pc) =	sbr.abs _section_cstart, $3  }
0xc0: {  	[dreg:$0x1] =	wrdreg $0xFFFFFFFF  }
0xc1: {  	_ =	task.clear_ibuf [dreg:s6], $0x2FFFF;
	_ =	strace $0x9FFFFFFF  }
0xc2: {  	(tm) =	ssettm $0x7FFFFFFF  }
0xc3: {  	_ =	shalt  }
tec
execute0_lowered:
.L_overlay_start_1:
0x0: {  	(tag) =	ssettag $0x1  }
0x1: {  	s0 =	rddreg [dreg:$0x0]  }
0x2: {  	s1 =	rddreg [dreg:$0x1];
	s3 =	simm.s32 $0x0;
	s2 =	srdreg.scid  }
0x3: {  	s12 =	stileid.u32;
	s18 =	simm.s32 $0xB;
	s20 =	simm.s32 $0x80  }
0x4: {  	s28 =	simm.s32 $0x180;
	s29 =	simm.s32 $0xA00;
	s30 =	simm.s32 $0x5  }
0x5: {  	s31 =	simm.s32 $0x3;
	s13 =	simm.s32 $0x0;
	[smem:$0x7FF] =	sst s3  }
0x6: {  	s2 =	sand.u32 $0x1, s2;
	s8 =	smul.u32 $0x2780, s12;
	s4 =	sadd.s32 $0xD4C00, s0  }
0x7: {  	s5 =	sadd.s32 $0x5200, s0;
	s6 =	sadd.s32 $0x55200, s0;
	s11 =	sadd.s32 $0x5F200, s0  }
0x8: {  	s23 =	sshll.u32 s12, $0x6;
	_ =	strace $0x8000004D;
	s7 =	smul.u32 $0x27800, s2  }
0x9: {  	s9 =	sshll.u32 s2, $0x4;
	s2 =	ssub.s32 $0x2, s2;
	[dreg:$0x3] =	wrdreg s11  }
0xa: {  	s11 =	sor.u32 $0x1C0B, s23;
	s23 =	simm.s32 $0x4;
	s9 =	sor.u32 s12, s9  }
0xb: {  	s21 =	sshrl.u32 s2, $0x1;
	s10 =	sadd.s32 s8, s7;
	s7 =	smul.u32 $0x1400, s9  }
0xc: {  	[dreg:$0x5] =	wrdreg s11;
	s2 =	ssub.s32 s2, s21;
	s9 =	smul.u32 $0x2800, s9  }
0xd: {  	s8 =	sadd.s32 s8, s1;
	s21 =	simm.s32 $0x6;
	s10 =	sshrl.u32 s10, $0x3  }
0xe: {  	s26 =	smax.u32 s2, $0x1;
	s2 =	simm.s32 $0x8;
	s0 =	sadd.s32 s10, s0  }
0xf: {  	s22 =	sshrl.u32 s7, $0x3;
	s9 =	sadd.s32 s5, s9;
	[dreg:$0xa] =	wrdreg s26  }
0x10: {  	s14 =	sor.u32 $0x180, s7;
	s10 =	sadd.s32 s6, s22;
	[dreg:$0x7] =	wrdreg s9  }
0x11: {  	s26 =	simm.s32 $0x9A00;
	s0 =	sadd.s32 $0x5F800, s0;
	[dreg:$0x4] =	wrdreg s10  }
0x12: {  	s22 =	simm.s32 $0x100;
	s24 =	sadd.s32 $0x5000, s10;
	[dreg:$0x9] =	wrdreg s0  }
0x13: {  	s25 =	sadd.s32 $0x10, s10;
	s10 =	sshrl.u32 s8, $0x3;
	[dreg:$0x6] =	wrdreg s24  }
0x14: {  	s0 =	simm.s32 $0x12200;
	s8 =	simm.s32 $0x12A00;
	[dreg:$0x8] =	wrdreg s25  }
0x15: {  	s24 =	simm.s32 $0x7;
	s25 =	simm.s32 $0x2;
	[dreg:$0xb] =	wrdreg s10  }
.LBB2_1:
0x16: {  	s9 =	rddreg [dreg:$0x3]  }
0x17: {  	[spmem:s10], [sflag:s11] =	dma.local [hbm:s9], $0x4F0  }
0x18: {  	_ =	swait.ge [sflag:s18], $0x4F0  }
0x19: {  	[sflag:s18] =	ssyncset.done $0x0  }
0x1a: {  	[sflag:s18] =	ssyncadd.s32 $0xFFFFFB10  }
0x1b: {  	[bflag:$0x0] =	sbarrier.arrive $0xFFFF  }
0x1c: {  	s11 =	simm.s32 $0x1;
	s10 =	rddreg [dreg:$0x4]  }
0x1d: {  	[tilespmem:s3], [sflag:$0x1] =	stream.linear.gather [hbm4b:s10+s3], $0x80, $0x38;
	[tilespmem:$0x15980] =	vst v63  }
0x1e: {  	_ =	swait.ge [sflag:s11], $0x80  }
0x1f: {  	[sflag:s11] =	ssyncset.done $0x0  }
0x20: {  	s12 =	simm.s32 $0x1200;
	[sflag:s11] =	ssyncadd.s32 $0xFFFFFF80  }
0x21: {  	[tilespmem:s12], [sflag:$0x7] =	stream.indirect.gather [hbm4b:s4+s20], $0x110, s3, s20, $0xb8;
	[tilespmem:$0x15980] =	vst v63  }
0x22: {  	s15 =	rddreg [dreg:$0x6]  }
0x23: {  	[tilespmem:s22], [sflag:$0x3] =	stream.linear.gather [hbm4b:s15+s3], $0x80, $0x38;
	[tilespmem:$0x15980] =	vst v63  }
0x24: {  	s17 =	simm.s32 $0x200;
	s16 =	rddreg [dreg:$0x7]  }
0x25: {  	[tilespmem:s17], [sflag:$0x5] =	stream.linear.gather [hbm4b:s16+s3], $0x800, $0x38;
	[tilespmem:$0x15980] =	vst v63  }
0x26: {  	s19 =	rddreg [dreg:$0x8];
	s15 =	simm.s32 $0x0  }
0x27: {  	[tilespmem:s20], [sflag:$0x2] =	stream.linear.gather [hbm4b:s19+s3], $0x80, $0x38;
	[tilespmem:$0x15980] =	vst v63  }
.LBB2_2:
0x28: {  	s9 =	sshll.u32 s15, $0x1  }
0x29: {  	p0 =	seq.s32 s15, $0x13;
	s9 =	sadd.s32 $0x2, s9  }
0x2a: {  	s9 =	sshll.u32 @!p0 s9, $0x7  }
0x2b: {  	_ =	swait.ge [sflag:s24], $0x8800;
	s16 =	sadd.s32 @!p0 s7, s9  }
0x2c: {  	[sflag:s24] =	ssyncset.done $0x0;
	s9 =	sshrl.u32 @!p0 s16, $0x3  }
0x2d: {  	s10 =	simm.s32 @!p0 $0x0;
	[sflag:s24] =	ssyncadd.s32 $0xFFFF7800;
	s9 =	sadd.s32 @!p0 s6, s9  }
0x2e: {  	[tilespmem:s10], [sflag:$0x1] =	stream.linear.gather @!p0 [hbm4b:s9+s10], $0x80, $0x38;
	[tilespmem:$0x15980] =	vst v63  }
0x2f: {  	s19 =	sshll.u32 s15, $0x8;
	_ =	swait.ge [sflag:s25], $0x80  }
0x30: {  	p1 =	seq.s32 s15, $0x0;
	s17 =	sadd.s32 s19, s7;
	[sflag:s25] =	ssyncset.done $0x0  }
0x31: {  	s11 =	simm.s32 @!p1 $0xA;
	s10 =	sadd.s32 $0x80, s17;
	[sflag:s25] =	ssyncadd.s32 $0xFFFFFF80  }
0x32: {  	[tilespmem:s26], [sflag:$0x8] =	stream.indirect.gather [hbm4b:s4+s20], $0x110, s20, s20, $0xb8;
	[tilespmem:$0x15980] =	vst v63  }
0x33: {  	s12 =	sshrl.u32 s10, $0x3;
	_ =	swait.ge @!p1 [sflag:s11], $0x800  }
0x34: {  	s10 =	sshll.u32 s10, $0x1;
	s12 =	sadd.s32 s6, s12;
	[sflag:s11] =	ssyncset.done @!p1 $0x0  }
0x35: {  	s10 =	sand.u32 $0x1FFFFF00, s10;
	s12 =	sadd.s32 $0x5000, s12;
	[sflag:s11] =	ssyncadd.s32 @!p1 $0xFFFFF800  }
0x36: {  	[tilespmem:s28], [sflag:$0x4] =	stream.linear.gather [hbm4b:s12+s3], $0x80, $0x38;
	[tilespmem:$0x15980] =	vst v63  }
0x37: {  	s10 =	sadd.s32 s5, s10  }
0x38: {  	[tilespmem:s29], [sflag:$0x6] =	stream.linear.gather [hbm4b:s10+s3], $0x800, $0x38;
	[tilespmem:$0x15980] =	vst v63  }
0x39: {  	_ =	swait.ge [sflag:s30], $0x800  }
0x3a: {  	[sflag:s30] =	ssyncset.done $0x0  }
0x3b: {  	s17 =	simm.s32 $0x220;
	[sflag:s30] =	ssyncadd.s32 $0xFFFFF800  }
0x3c: {  	v3 =	vld [tilespmem:s17+$0x10]  }
0x3d: {  	v1 =	vld [tilespmem:s17+$0xFFFFFFF0]  }
0x3e: {  	v0 =	vld [tilespmem:s17+$0x0]  }
0x3f: {  	s11 =	simm.s32 $0x1420;
	v2 =	vld [tilespmem:s17+$0xFFFFFFE0]  }
0x40: {  	v4 =	vld [tilespmem:s11+$0x110]  }
0x41: {  	v5 =	vld [tilespmem:s11+$0x120];
	v8 =	vbroadcast v3, $0x0  }
0x42: {  	v6 =	vld [tilespmem:s11+$0x130];
	v9 =	vbroadcast v3, $0x1;
	v10 =	vbroadcast v3, $0x2  }
0x43: {  	v7 =	vld [tilespmem:s11+$0x140];
	v12 =	vbroadcast v1, $0x1;
	v15 =	vbroadcast v0, $0x1  }
0x44: {  	v11 =	vld [tilespmem:s11+$0x150];
	v18 =	vbroadcast v2, $0x1;
	v47 =	vbroadcast v3, $0x7  }
0x45: {  	v13 =	vld [tilespmem:s11+$0x160];
	v49 =	vbroadcast v3, $0x8;
	v51 =	vbroadcast v3, $0x9  }
0x46: {  	v14 =	vld [tilespmem:s11+$0xFFFFFDF0];
	v52 =	vbroadcast v1, $0x3;
	v54 =	vbroadcast v3, $0xA  }
0x47: {  	v16 =	vld [tilespmem:s11+$0x170];
	v57 =	vbroadcast v3, $0xB;
	v60 =	vbroadcast v3, $0xC  }
0x48: {  	v20 =	vld [tilespmem:s11+$0xFFFFFF00];
	v63 =	vbroadcast v3, $0xD;
	v27 =	vbroadcast v3, $0xE  }
0x49: {  	v17 =	vld [tilespmem:s11+$0xFFFFFEF0];
	v31 =	vbroadcast v1, $0x5;
	v37 =	vbroadcast v1, $0x7  }
0x4a: {  	v19 =	vld [tilespmem:s11+$0x180];
	v40 =	vbroadcast v2, $0x8;
	v42 =	vbroadcast v0, $0x8  }
0x4b: {  	v21 =	vld [tilespmem:s11+$0x0];
	v4 =	vmul.f32 v4, v8;
	v5 =	vmul.f32 v5, v9  }
0x4c: {  	v48 =	vld [tilespmem:s11+$0x1B0];
	v6 =	vmul.f32 v6, v10;
	v10 =	vbroadcast v3, $0x3  }
0x4d: {  	v41 =	vld [tilespmem:s11+$0xFFFFFE60];
	v9 =	vbroadcast v1, $0x0;
	v12 =	vmul.f32 v20, v12  }
0x4e: {  	v8 =	vld [tilespmem:s11+$0xFFFFFDE0];
	v4 =	vadd.f32 v5, v4;
	v7 =	vmul.f32 v7, v10;
	v10 =	vbroadcast v3, $0x4  }
0x4f: {  	v46 =	vld [tilespmem:s11+$0x1A0];
	v5 =	vbroadcast v0, $0x0;
	v9 =	vmul.f32 v17, v9  }
0x50: {  	v22 =	vld [tilespmem:s11+$0x10];
	v4 =	vadd.f32 v6, v4;
	v6 =	vbroadcast v2, $0x0;
	v10 =	vmul.f32 v11, v10  }
0x51: {  	v23 =	vld [tilespmem:s11+$0xFFFFFE00];
	v11 =	vbroadcast v3, $0x5;
	v5 =	vmul.f32 v21, v5  }
0x52: {  	v62 =	vld [tilespmem:s11+$0x200];
	v9 =	vadd.f32 v12, v9;
	v12 =	vmul.f32 v48, v54;
	v21 =	vmul.f32 v41, v40  }
0x53: {  	v39 =	vld [tilespmem:s11+$0xFFFFFF60];
	v4 =	vadd.f32 v7, v4;
	v6 =	vmul.f32 v8, v6;
	v7 =	vbroadcast v2, $0x2  }
0x54: {  	v50 =	vld [tilespmem:s11+$0x1C0];
	v11 =	vmul.f32 v13, v11;
	v13 =	vbroadcast v3, $0x6  }
0x55: {  	v24 =	vld [tilespmem:s11+$0xFFFFFF10];
	v3 =	vbroadcast v3, $0xF;
	v4 =	vadd.f32 v10, v4;
	v10 =	vmul.f32 v14, v18  }
0x56: {  	v8 =	vld [tilespmem:s11+$0x190];
	v14 =	vbroadcast v1, $0x2;
	v13 =	vmul.f32 v16, v13  }
0x57: {  	v53 =	vld [tilespmem:s11+$0x1D0];
	v16 =	vmul.f32 v19, v47;
	v7 =	vmul.f32 v23, v7;
	v4 =	vadd.f32 v11, v4  }
0x58: {  	v55 =	vld [tilespmem:s11+$0x20];
	v3 =	vmul.f32 v62, v3;
	v18 =	vmul.f32 v39, v37  }
0x59: {  	v56 =	vld [tilespmem:s11+$0x1E0];
	v47 =	vbroadcast v0, $0xA;
	v62 =	vbroadcast v2, $0xF;
	v4 =	vadd.f32 v13, v4  }
0x5a: {  	v33 =	vld [tilespmem:s11+$0xFFFFFF40];
	v11 =	vbroadcast v0, $0x2;
	v6 =	vadd.f32 v10, v6;
	v10 =	vmul.f32 v46, v51  }
0x5b: {  	v25 =	vld [tilespmem:s11+$0x30];
	v46 =	vbroadcast v2, $0xA;
	v8 =	vmul.f32 v8, v49;
	v4 =	vadd.f32 v16, v4  }
0x5c: {  	v58 =	vld [tilespmem:s11+$0xFFFFFE10];
	v49 =	vbroadcast v2, $0xB;
	v13 =	vbroadcast v2, $0x3;
	v6 =	vadd.f32 v7, v6  }
0x5d: {  	v26 =	vld [tilespmem:s11+$0xFFFFFE20];
	v7 =	vmul.f32 v53, v60;
	v53 =	vbroadcast v2, $0xC;
	v4 =	vadd.f32 v8, v4  }
0x5e: {  	v59 =	vld [tilespmem:s11+$0x1F0];
	v8 =	vmul.f32 v22, v15;
	v15 =	vbroadcast v0, $0x3  }
0x5f: {  	v61 =	vld [tilespmem:s11+$0xFFFFFF20];
	v16 =	vmul.f32 v33, v31;
	v4 =	vadd.f32 v10, v4;
	v10 =	vbroadcast v2, $0x4  }
0x60: {  	v28 =	vld [tilespmem:s11+$0xFFFFFF30];
	v5 =	vadd.f32 v8, v5;
	v8 =	vmul.f32 v50, v57;
	v15 =	vmul.f32 v25, v15  }
0x61: {  	v30 =	vld [tilespmem:s11+$0x40];
	v50 =	vbroadcast v1, $0xB;
	v4 =	vadd.f32 v12, v4;
	v12 =	vmul.f32 v24, v14  }
0x62: {  	v29 =	vld [tilespmem:s11+$0x210];
	v14 =	vbroadcast v1, $0x4;
	v10 =	vmul.f32 v26, v10  }
0x63: {  	v32 =	vld [tilespmem:s11+$0xFFFFFE30];
	v4 =	vadd.f32 v8, v4;
	v8 =	vmul.f32 v55, v11;
	v11 =	vbroadcast v0, $0x4  }
0x64: {  	v34 =	vld [tilespmem:s11+$0x50];
	v9 =	vadd.f32 v12, v9;
	v12 =	vmul.f32 v56, v63;
	v55 =	vbroadcast v2, $0xD  }
0x65: {  	v35 =	vld [tilespmem:s11+$0xFFFFFE40];
	v4 =	vadd.f32 v7, v4;
	v7 =	vmul.f32 v58, v13;
	v13 =	vbroadcast v2, $0x5  }
0x66: {  	v36 =	vld [tilespmem:s11+$0x60];
	v5 =	vadd.f32 v8, v5;
	v8 =	vmul.f32 v59, v27;
	v11 =	vmul.f32 v30, v11  }
0x67: {  	v38 =	vld [tilespmem:s11+$0xFFFFFE50];
	v58 =	vbroadcast v2, $0xE;
	v59 =	vbroadcast v1, $0xE;
	v4 =	vadd.f32 v12, v4  }
0x68: {  	v43 =	vld [tilespmem:s11+$0xFFFFFF70];
	v12 =	vmul.f32 v61, v52;
	v6 =	vadd.f32 v7, v6;
	v7 =	vbroadcast v0, $0x5  }
0x69: {  	v44 =	vld [tilespmem:s11+$0xFFFFFE70];
	v5 =	vadd.f32 v15, v5;
	v15 =	vbroadcast v0, $0x6;
	v61 =	vbroadcast v0, $0xE  }
0x6a: {  	v51 =	vld [tilespmem:s11+$0xFFFFFE90];
	v4 =	vadd.f32 v8, v4;
	v8 =	vbroadcast v2, $0x6;
	v9 =	vadd.f32 v12, v9  }
0x6b: {  	v12 =	vbroadcast v1, $0x6;
	v5 =	vadd.f32 v11, v5;
	v11 =	vld [tilespmem:s11+$0x70];
	v7 =	vmul.f32 v34, v7  }
0x6c: {  	v6 =	vadd.f32 v10, v6;
	v3 =	vadd.f32 v3, v4;
	v4 =	vmul.f32 v28, v14;
	v14 =	vld [tilespmem:s11+$0xFFFFFF50]  }
0x6d: {  	v10 =	vbroadcast v2, $0x7;
	v15 =	vmul.f32 v36, v15;
	v5 =	vadd.f32 v7, v5;
	v7 =	vld [tilespmem:s11+$0x80]  }
0x6e: {  	v45 =	vld [tilespmem:s11+$0xFFFFFF80];
	v4 =	vadd.f32 v4, v9;
	v9 =	vmul.f32 v32, v13;
	v13 =	vbroadcast v0, $0x7  }
0x6f: {  	v48 =	vld [tilespmem:s11+$0xFFFFFF90];
	v8 =	vmul.f32 v35, v8;
	v10 =	vmul.f32 v38, v10;
	v5 =	vadd.f32 v15, v5  }
0x70: {  	v54 =	vld [tilespmem:s11+$0xFFFFFFB0];
	v6 =	vadd.f32 v9, v6;
	v9 =	vbroadcast v1, $0x8;
	v11 =	vmul.f32 v11, v13  }
0x71: {  	v15 =	vld [tilespmem:s11+$0x90];
	v4 =	vadd.f32 v16, v4;
	v16 =	vmul.f32 v51, v49;
	v12 =	vmul.f32 v14, v12  }
0x72: {  	v13 =	vld [tilespmem:s11+$0xFFFFFE80];
	v14 =	vbroadcast v2, $0x9;
	v7 =	vmul.f32 v7, v42;
	v6 =	vadd.f32 v8, v6  }
0x73: {  	v52 =	vld [tilespmem:s11+$0xFFFFFFA0];
	v8 =	vbroadcast v1, $0x9;
	v9 =	vmul.f32 v43, v9;
	v5 =	vadd.f32 v11, v5  }
0x74: {  	v11 =	vld [tilespmem:s11+$0xA0];
	v4 =	vadd.f32 v12, v4;
	v12 =	vbroadcast v0, $0x9;
	v14 =	vmul.f32 v44, v14  }
0x75: {  	v60 =	vld [tilespmem:s11+$0xFFFFFFD0];
	v6 =	vadd.f32 v10, v6;
	v10 =	vbroadcast v1, $0xA;
	v8 =	vmul.f32 v45, v8  }
0x76: {  	v5 =	vadd.f32 v7, v5;
	v7 =	vld [tilespmem:s11+$0xB0];
	v4 =	vadd.f32 v18, v4;
	v12 =	vmul.f32 v15, v12  }
0x77: {  	v15 =	vld [tilespmem:s11+$0xFFFFFEA0];
	v13 =	vmul.f32 v13, v46;
	v6 =	vadd.f32 v21, v6;
	v10 =	vmul.f32 v48, v10  }
0x78: {  	v57 =	vld [tilespmem:s11+$0xFFFFFFC0];
	v21 =	vmul.f32 v52, v50;
	v4 =	vadd.f32 v9, v4;
	v9 =	vbroadcast v0, $0xB  }
0x79: {  	v5 =	vadd.f32 v12, v5;
	v12 =	vld [tilespmem:s11+$0xC0];
	v11 =	vmul.f32 v11, v47;
	v6 =	vadd.f32 v14, v6  }
0x7a: {  	v56 =	vld [tilespmem:s11+$0xFFFFFEB0];
	v14 =	vbroadcast v1, $0xC;
	v4 =	vadd.f32 v8, v4;
	v8 =	vbroadcast v0, $0xC  }
0x7b: {  	v5 =	vadd.f32 v11, v5;
	v11 =	vld [tilespmem:s11+$0xD0];
	v7 =	vmul.f32 v7, v9;
	v6 =	vadd.f32 v13, v6  }
0x7c: {  	v13 =	vbroadcast v1, $0xD;
	v9 =	vmul.f32 v15, v53;
	v15 =	vld [tilespmem:s11+$0xFFFFFEC0];
	v4 =	vadd.f32 v10, v4  }
0x7d: {  	v14 =	vmul.f32 v54, v14;
	v10 =	vbroadcast v0, $0xD;
	v6 =	vadd.f32 v16, v6  }
0x7e: {  	v5 =	vadd.f32 v7, v5;
	v7 =	vmul.f32 v12, v8;
	v12 =	vld [tilespmem:s11+$0xE0];
	v4 =	vadd.f32 v21, v4  }
0x7f: {  	v63 =	vld [tilespmem:s11+$0xFFFFFED0];
	v2 =	vadd.f32 v9, v6;
	v6 =	vmul.f32 v56, v55;
	v9 =	vmul.f32 v57, v13  }
0x80: {  	v7 =	vadd.f32 v7, v5;
	v5 =	vld [tilespmem:s11+$0xFFFFFFE0];
	v10 =	vmul.f32 v11, v10;
	v8 =	vadd.f32 v14, v4  }
0x81: {  	v3 =	vadd.f32 v3, v29;
	v11 =	vmul.f32 v15, v58;
	v4 =	vld [tilespmem:s11+$0xF0];
	v14 =	vmul.f32 v60, v59  }
0x82: {  	v6 =	vadd.f32 v6, v2;
	v2 =	vbroadcast v1, $0xF;
	v1 =	vld [tilespmem:s11+$0xFFFFFEE0];
	v13 =	vadd.f32 v9, v8  }
0x83: {  	s12 =	simm.s32 $0x12220;
	v0 =	vbroadcast v0, $0xF;
	v9 =	vadd.f32 v10, v7;
	v12 =	vmul.f32 v12, v61;
	v7 =	vld [tilespmem:s11+$0x100]  }
0x84: {  	s10 =	simm.s32 $0x0;
	s17 =	simm.s32 $0x260;
	[tilespmem:s12+$0x10] =	vst v3;
	v8 =	vadd.f32 v11, v6;
	v6 =	vld [tilespmem:s11+$0xFFFFFFF0];
	v11 =	vmul.f32 v63, v62;
	v10 =	vadd.f32 v14, v13  }
.LBB2_3:
0x85: {  	v3 =	vld [tilespmem:s17+$0x10];
	s10 =	sadd.s32 $0x4, s10;
	v2 =	vmul.f32 v5, v2;
	v5 =	vadd.f32 v12, v9;
	s11 =	sadd.s32 $0x440, s11  }
0x86: {  	v9 =	vld [tilespmem:s11+$0x110];
	p1 =	slt.u32 s10, $0x7C;
	v8 =	vadd.f32 v11, v8;
	v4 =	vmul.f32 v4, v0  }
0x87: {  	v11 =	vld [tilespmem:s11+$0x120];
	v2 =	vadd.f32 v2, v10  }
0x88: {  	v0 =	vld [tilespmem:s17+$0xFFFFFFF0];
	v8 =	vadd.f32 v8, v1;
	v4 =	vadd.f32 v4, v5  }
0x89: {  	v5 =	vld [tilespmem:s11+$0x130];
	v2 =	vadd.f32 v2, v6  }
0x8a: {  	v1 =	vld [tilespmem:s17+$0x0];
	v6 =	vbroadcast v3, $0x0;
	v10 =	vbroadcast v3, $0x1;
	[tilespmem:s12+$0xFFFFFFE0] =	vst v8;
	v4 =	vadd.f32 v4, v7  }
0x8b: {  	v7 =	vbroadcast v3, $0x2;
	v8 =	vld [tilespmem:s11+$0x140];
	[tilespmem:s12+$0xFFFFFFF0] =	vst v2  }
0x8c: {  	v2 =	vld [tilespmem:s17+$0xFFFFFFE0];
	v6 =	vmul.f32 v9, v6;
	v9 =	vmul.f32 v11, v10;
	[tilespmem:s12+$0x0] =	vst v4  }
0x8d: {  	v4 =	vbroadcast v0, $0x0;
	v10 =	vbroadcast v0, $0x1;
	v11 =	vld [tilespmem:s11+$0x150]  }
0x8e: {  	v12 =	vld [tilespmem:s11+$0xFFFFFDE0];
	v6 =	vadd.f32 v9, v6;
	v5 =	vmul.f32 v5, v7;
	v7 =	vbroadcast v3, $0x3  }
0x8f: {  	v9 =	vbroadcast v1, $0x0;
	v13 =	vbroadcast v1, $0x1;
	v14 =	vld [tilespmem:s11+$0x160]  }
0x90: {  	v15 =	vld [tilespmem:s11+$0xFFFFFDF0];
	v5 =	vadd.f32 v5, v6;
	v6 =	vmul.f32 v8, v7;
	v7 =	vbroadcast v3, $0x4  }
0x91: {  	v8 =	vbroadcast v2, $0x0;
	v16 =	vbroadcast v2, $0x1;
	v17 =	vld [tilespmem:s11+$0x170]  }
0x92: {  	v18 =	vld [tilespmem:s11+$0xFFFFFEF0];
	v5 =	vadd.f32 v6, v5;
	v6 =	vmul.f32 v11, v7;
	v7 =	vbroadcast v3, $0x5  }
0x93: {  	v11 =	vbroadcast v2, $0x2;
	v8 =	vmul.f32 v12, v8;
	v12 =	vld [tilespmem:s11+$0x180]  }
0x94: {  	v19 =	vld [tilespmem:s11+$0xFFFFFF00];
	v5 =	vadd.f32 v6, v5;
	v6 =	vmul.f32 v14, v7;
	v7 =	vbroadcast v3, $0x6  }
0x95: {  	v14 =	vmul.f32 v15, v16;
	v15 =	vbroadcast v0, $0x2;
	v16 =	vld [tilespmem:s11+$0x190]  }
0x96: {  	v20 =	vld [tilespmem:s11+$0x0];
	v5 =	vadd.f32 v6, v5;
	v6 =	vmul.f32 v17, v7;
	v7 =	vbroadcast v3, $0x7  }
0x97: {  	v8 =	vadd.f32 v14, v8;
	v4 =	vmul.f32 v18, v4;
	v14 =	vbroadcast v1, $0x2;
	v17 =	vld [tilespmem:s11+$0x1A0]  }
0x98: {  	v18 =	vld [tilespmem:s11+$0x10];
	v5 =	vadd.f32 v6, v5;
	v6 =	vmul.f32 v12, v7;
	v7 =	vbroadcast v3, $0x8  }
0x99: {  	v12 =	vbroadcast v2, $0x3;
	v10 =	vmul.f32 v19, v10;
	v19 =	vld [tilespmem:s11+$0x1B0]  }
0x9a: {  	v21 =	vld [tilespmem:s11+$0xFFFFFE00];
	v5 =	vadd.f32 v6, v5;
	v6 =	vmul.f32 v16, v7;
	v7 =	vbroadcast v3, $0x9  }
0x9b: {  	v4 =	vadd.f32 v10, v4;
	v10 =	vbroadcast v0, $0x3;
	v9 =	vmul.f32 v20, v9;
	v16 =	vld [tilespmem:s11+$0x1C0]  }
0x9c: {  	v20 =	vld [tilespmem:s11+$0xFFFFFF10];
	v5 =	vadd.f32 v6, v5;
	v6 =	vmul.f32 v17, v7;
	v7 =	vbroadcast v3, $0xA  }
0x9d: {  	v17 =	vbroadcast v1, $0x3;
	v13 =	vmul.f32 v18, v13;
	v18 =	vld [tilespmem:s11+$0x1D0]  }
0x9e: {  	v22 =	vld [tilespmem:s11+$0x20];
	v5 =	vadd.f32 v6, v5;
	v6 =	vmul.f32 v19, v7;
	v7 =	vbroadcast v3, $0xB  }
0x9f: {  	v19 =	vbroadcast v2, $0x4;
	v11 =	vmul.f32 v21, v11;
	v9 =	vadd.f32 v13, v9;
	v13 =	vld [tilespmem:s11+$0x1E0]  }
0xa0: {  	v21 =	vld [tilespmem:s11+$0xFFFFFE10];
	v5 =	vadd.f32 v6, v5;
	v6 =	vmul.f32 v16, v7;
	v7 =	vbroadcast v3, $0xC  }
0xa1: {  	v8 =	vadd.f32 v11, v8;
	v11 =	vmul.f32 v20, v15;
	v15 =	vbroadcast v0, $0x4;
	v16 =	vld [tilespmem:s11+$0x1F0]  }
0xa2: {  	v20 =	vld [tilespmem:s11+$0xFFFFFF20];
	v5 =	vadd.f32 v6, v5;
	v6 =	vmul.f32 v18, v7;
	v7 =	vbroadcast v3, $0xD  }
0xa3: {  	v4 =	vadd.f32 v11, v4;
	v11 =	vmul.f32 v22, v14;
	v14 =	vbroadcast v1, $0x4;
	v18 =	vld [tilespmem:s11+$0x200]  }
0xa4: {  	v22 =	vld [tilespmem:s11+$0x30];
	v5 =	vadd.f32 v6, v5;
	v6 =	vmul.f32 v13, v7;
	v7 =	vbroadcast v3, $0xE  }
0xa5: {  	v12 =	vmul.f32 v21, v12;
	v13 =	vld [tilespmem:s11+$0xFFFFFE20];
	v21 =	vbroadcast v2, $0x5;
	v9 =	vadd.f32 v11, v9  }
0xa6: {  	v3 =	vbroadcast v3, $0xF;
	v11 =	vld [tilespmem:s11+$0xFFFFFF30];
	v5 =	vadd.f32 v6, v5;
	v6 =	vmul.f32 v16, v7  }
0xa7: {  	v7 =	vadd.f32 v12, v8;
	v8 =	vmul.f32 v20, v10;
	v10 =	vbroadcast v0, $0x5;
	v12 =	vld [tilespmem:s11+$0x210]  }
0xa8: {  	v20 =	vbroadcast v1, $0x5;
	v16 =	vld [tilespmem:s11+$0x40];
	v5 =	vadd.f32 v6, v5;
	v3 =	vmul.f32 v18, v3  }
0xa9: {  	v18 =	vbroadcast v2, $0x6;
	v6 =	vld [tilespmem:s11+$0xFFFFFE30];
	v4 =	vadd.f32 v8, v4;
	v8 =	vmul.f32 v22, v17  }
0xaa: {  	v13 =	vmul.f32 v13, v19;
	v17 =	vld [tilespmem:s11+$0xFFFFFF40];
	v19 =	vbroadcast v0, $0x6;
	v3 =	vadd.f32 v3, v5  }
0xab: {  	v5 =	vmul.f32 v11, v15;
	v8 =	vadd.f32 v8, v9;
	v9 =	vld [tilespmem:s11+$0x50];
	v11 =	vbroadcast v1, $0x6  }
0xac: {  	v15 =	vbroadcast v2, $0x7;
	v7 =	vadd.f32 v13, v7;
	v13 =	vld [tilespmem:s11+$0xFFFFFE40];
	v3 =	vadd.f32 v3, v12  }
0xad: {  	s12 =	sadd.s32 $0x40, s12;
	v12 =	vbroadcast v0, $0x7;
	v4 =	vadd.f32 v5, v4;
	v5 =	vld [tilespmem:s11+$0xFFFFFF50];
	v14 =	vmul.f32 v16, v14  }
0xae: {  	v6 =	vmul.f32 v6, v21;
	v16 =	vld [tilespmem:s11+$0x60];
	v21 =	vbroadcast v1, $0x7;
	[tilespmem:s12+$0x10] =	vst v3  }
0xaf: {  	v22 =	vbroadcast v2, $0x8;
	v3 =	vld [tilespmem:s11+$0xFFFFFE50];
	v10 =	vmul.f32 v17, v10;
	v8 =	vadd.f32 v14, v8  }
0xb0: {  	v14 =	vbroadcast v0, $0x8;
	v6 =	vadd.f32 v6, v7;
	v7 =	vld [tilespmem:s11+$0xFFFFFF60];
	v9 =	vmul.f32 v9, v20  }
0xb1: {  	v17 =	vbroadcast v1, $0x8;
	v13 =	vmul.f32 v13, v18;
	v4 =	vadd.f32 v10, v4;
	v10 =	vld [tilespmem:s11+$0x70]  }
0xb2: {  	v20 =	vbroadcast v2, $0x9;
	v18 =	vld [tilespmem:s11+$0xFFFFFE60];
	v5 =	vmul.f32 v5, v19;
	v8 =	vadd.f32 v9, v8  }
0xb3: {  	v6 =	vadd.f32 v13, v6;
	v9 =	vld [tilespmem:s11+$0xFFFFFF70];
	v13 =	vbroadcast v0, $0x9;
	v11 =	vmul.f32 v16, v11  }
0xb4: {  	v3 =	vmul.f32 v3, v15;
	v4 =	vadd.f32 v5, v4;
	v5 =	vld [tilespmem:s11+$0x80];
	v15 =	vbroadcast v1, $0x9  }
0xb5: {  	v19 =	vbroadcast v2, $0xA;
	v16 =	vld [tilespmem:s11+$0xFFFFFE70];
	v7 =	vmul.f32 v7, v12;
	v8 =	vadd.f32 v11, v8  }
0xb6: {  	v11 =	vbroadcast v0, $0xA;
	v3 =	vadd.f32 v3, v6;
	v6 =	vld [tilespmem:s11+$0xFFFFFF80];
	v10 =	vmul.f32 v10, v21  }
0xb7: {  	v12 =	vmul.f32 v18, v22;
	v4 =	vadd.f32 v7, v4;
	v7 =	vld [tilespmem:s11+$0x90];
	v18 =	vbroadcast v1, $0xA  }
0xb8: {  	v22 =	vbroadcast v2, $0xB;
	v21 =	vld [tilespmem:s11+$0xFFFFFE80];
	v9 =	vmul.f32 v9, v14;
	v8 =	vadd.f32 v10, v8  }
0xb9: {  	v3 =	vadd.f32 v12, v3;
	v10 =	vld [tilespmem:s11+$0xFFFFFF90];
	v12 =	vbroadcast v0, $0xB;
	v5 =	vmul.f32 v5, v17  }
0xba: {  	v14 =	vmul.f32 v16, v20;
	v4 =	vadd.f32 v9, v4;
	v9 =	vld [tilespmem:s11+$0xA0];
	v16 =	vbroadcast v1, $0xB  }
0xbb: {  	v20 =	vbroadcast v2, $0xC;
	v17 =	vld [tilespmem:s11+$0xFFFFFE90];
	v6 =	vmul.f32 v6, v13;
	v5 =	vadd.f32 v5, v8  }
0xbc: {  	v13 =	vbroadcast v0, $0xC;
	v3 =	vadd.f32 v14, v3;
	v8 =	vld [tilespmem:s11+$0xFFFFFFA0];
	v7 =	vmul.f32 v7, v15  }
0xbd: {  	v15 =	vbroadcast v1, $0xC;
	v14 =	vmul.f32 v21, v19;
	v4 =	vadd.f32 v6, v4;
	v6 =	vld [tilespmem:s11+$0xB0]  }
0xbe: {  	v21 =	vbroadcast v2, $0xD;
	v19 =	vld [tilespmem:s11+$0xFFFFFEA0];
	v10 =	vmul.f32 v10, v11;
	v5 =	vadd.f32 v7, v5  }
0xbf: {  	v11 =	vbroadcast v0, $0xD;
	v3 =	vadd.f32 v14, v3;
	v7 =	vld [tilespmem:s11+$0xFFFFFFB0];
	v9 =	vmul.f32 v9, v18  }
0xc0: {  	v14 =	vmul.f32 v17, v22;
	v4 =	vadd.f32 v10, v4;
	v10 =	vld [tilespmem:s11+$0xC0];
	v17 =	vbroadcast v1, $0xD  }
0xc1: {  	v22 =	vbroadcast v2, $0xE;
	v18 =	vld [tilespmem:s11+$0xFFFFFEB0];
	v8 =	vmul.f32 v8, v12;
	v5 =	vadd.f32 v9, v5  }
0xc2: {  	v12 =	vbroadcast v0, $0xE;
	v3 =	vadd.f32 v14, v3;
	v9 =	vld [tilespmem:s11+$0xFFFFFFC0];
	v6 =	vmul.f32 v6, v16  }
0xc3: {  	v16 =	vbroadcast v1, $0xE;
	v14 =	vmul.f32 v19, v20;
	v4 =	vadd.f32 v8, v4;
	v8 =	vld [tilespmem:s11+$0xD0]  }
0xc4: {  	v20 =	vbroadcast v2, $0xF;
	v19 =	vld [tilespmem:s11+$0xFFFFFEC0];
	v7 =	vmul.f32 v7, v13;
	v5 =	vadd.f32 v6, v5  }
0xc5: {  	v2 =	vbroadcast v0, $0xF;
	v3 =	vadd.f32 v14, v3;
	v6 =	vld [tilespmem:s11+$0xFFFFFFD0];
	v10 =	vmul.f32 v10, v15  }
0xc6: {  	v0 =	vbroadcast v1, $0xF;
	v13 =	vmul.f32 v18, v21;
	v4 =	vadd.f32 v7, v4;
	v7 =	vld [tilespmem:s11+$0xE0]  }
0xc7: {  	v14 =	vld [tilespmem:s11+$0xFFFFFED0];
	v1 =	vmul.f32 v9, v11;
	v9 =	vadd.f32 v10, v5  }
.Ltmp0:
0xc8: {  	v3 =	vadd.f32 v13, v3;
	v5 =	vld [tilespmem:s11+$0xFFFFFFE0];
	v8 =	vmul.f32 v8, v17;
	(pc) =	sbr.rel @p1 .LBB2_3-.Ltmp0, $4  }
0xc9: {  	v10 =	vmul.f32 v19, v22;
	v13 =	vadd.f32 v1, v4;
	v4 =	vld [tilespmem:s11+$0xF0]  }
0xca: {  	v1 =	vld [tilespmem:s11+$0xFFFFFEE0];
	v15 =	vmul.f32 v6, v12;
	v9 =	vadd.f32 v8, v9  }
0xcb: {  	v8 =	vadd.f32 v10, v3;
	v6 =	vld [tilespmem:s11+$0xFFFFFFF0];
	v12 =	vmul.f32 v7, v16  }
0xcc: {  	s17 =	sadd.s32 $0x40, s17;
	v11 =	vmul.f32 v14, v20;
	v10 =	vadd.f32 v15, v13;
	v7 =	vld [tilespmem:s11+$0x100]  }
0xcd: {  	v2 =	vmul.f32 v5, v2  }
0xce: {  	v3 =	vadd.f32 v12, v9;
	v5 =	vadd.f32 v11, v8;
	v0 =	vmul.f32 v4, v0  }
0xcf: {  	v2 =	vadd.f32 v2, v10  }
0xd0: {  	v1 =	vadd.f32 v5, v1;
	v0 =	vadd.f32 v0, v3  }
0xd1: {  	v2 =	vadd.f32 v2, v6  }
0xd2: {  	[tilespmem:s12+$0xFFFFFFE0] =	vst v1;
	v0 =	vadd.f32 v0, v7  }
0xd3: {  	[tilespmem:s12+$0xFFFFFFF0] =	vst v2  }
0xd4: {  	[tilespmem:s12+$0x0] =	vst v0  }
0xd5: {  	_ =	swait.ge [sflag:s31], $0x80  }
0xd6: {  	[sflag:s31] =	ssyncset.done $0x0  }
0xd7: {  	[sflag:s31] =	ssyncadd.s32 $0xFFFFFF80  }
0xd8: {  	[spmem:s1] =	stream.indirect.scatter.add.f32 [tilespmem:s0], [sflag:$0x9], $0x10, s22, s20, $0xb8;
	[tilespmem:$0x15980] =	vst v63  }
0xd9: {  	s10 =	sadd.s32 @!p0 s19, s14;
	_ =	swait.ge [sflag:s2], $0x8800  }
0xda: {  	s11 =	simm.s32 @!p0 $0x0;
	s10 =	sshrl.u32 @!p0 s10, $0x3;
	[sflag:s2] =	ssyncset.done $0x0  }
0xdb: {  	s10 =	sadd.s32 @!p0 s6, s10;
	s12 =	simm.s32 @!p0 $0x80;
	[sflag:s2] =	ssyncadd.s32 $0xFFFF7800  }
0xdc: {  	[tilespmem:s12], [sflag:$0x2] =	stream.linear.gather @!p0 [hbm4b:s10+s11], $0x80, $0x38;
	[tilespmem:$0x15980] =	vst v63  }
0xdd: {  	s10 =	simm.s32 @!p0 $0x1  }
0xde: {  	_ =	swait.ge @!p0 [sflag:s10], $0x80  }
0xdf: {  	[sflag:s10] =	ssyncset.done @!p0 $0x0  }
0xe0: {  	[sflag:s10] =	ssyncadd.s32 @!p0 $0xFFFFFF80;
	s10 =	simm.s32 @!p0 $0x1200  }
0xe1: {  	[tilespmem:s10], [sflag:$0x7] =	stream.indirect.gather @!p0 [hbm4b:s4+s12], $0x110, s11, s12, $0xb8;
	[tilespmem:$0x15980] =	vst v63  }
0xe2: {  	s10 =	simm.s32 @!p0 $0x9  }
0xe3: {  	_ =	swait.ge @!p0 [sflag:s10], $0x800  }
0xe4: {  	[sflag:s10] =	ssyncset.done @!p0 $0x0  }
0xe5: {  	s9 =	sadd.s32 @!p0 $0x5000, s9;
	[sflag:s10] =	ssyncadd.s32 @!p0 $0xFFFFF800;
	s10 =	simm.s32 @!p0 $0x100  }
0xe6: {  	[tilespmem:s10], [sflag:$0x3] =	stream.linear.gather @!p0 [hbm4b:s9+s11], $0x80, $0x38;
	[tilespmem:$0x15980] =	vst v63  }
0xe7: {  	s9 =	sshll.u32 @!p0 s16, $0x1  }
0xe8: {  	s9 =	sand.u32 @!p0 $0x1FFFFE00, s9  }
0xe9: {  	s10 =	simm.s32 @!p0 $0x200;
	s9 =	sadd.s32 @!p0 s5, s9  }
0xea: {  	[tilespmem:s10], [sflag:$0x5] =	stream.linear.gather @!p0 [hbm4b:s9+s11], $0x800, $0x38;
	[tilespmem:$0x15980] =	vst v63  }
0xeb: {  	_ =	swait.ge [sflag:s21], $0x800  }
0xec: {  	[sflag:s21] =	ssyncset.done $0x0  }
0xed: {  	s19 =	simm.s32 $0xA20;
	[sflag:s21] =	ssyncadd.s32 $0xFFFFF800  }
0xee: {  	v3 =	vld [tilespmem:s19+$0x10]  }
0xef: {  	v1 =	vld [tilespmem:s19+$0xFFFFFFF0]  }
0xf0: {  	v0 =	vld [tilespmem:s19+$0x0]  }
0xf1: {  	s9 =	simm.s32 $0x9C20;
	v2 =	vld [tilespmem:s19+$0xFFFFFFE0]  }
0xf2: {  	v4 =	vld [tilespmem:s9+$0x110]  }
0xf3: {  	v5 =	vld [tilespmem:s9+$0x120];
	v8 =	vbroadcast v3, $0x0  }
0xf4: {  	v6 =	vld [tilespmem:s9+$0x130];
	v9 =	vbroadcast v3, $0x1;
	v10 =	vbroadcast v3, $0x2  }
0xf5: {  	v7 =	vld [tilespmem:s9+$0x140];
	v12 =	vbroadcast v1, $0x1;
	v15 =	vbroadcast v0, $0x1  }
0xf6: {  	v11 =	vld [tilespmem:s9+$0x150];
	v18 =	vbroadcast v2, $0x1;
	v47 =	vbroadcast v3, $0x7  }
0xf7: {  	v13 =	vld [tilespmem:s9+$0x160];
	v49 =	vbroadcast v3, $0x8;
	v51 =	vbroadcast v3, $0x9  }
0xf8: {  	v14 =	vld [tilespmem:s9+$0xFFFFFDF0];
	v52 =	vbroadcast v1, $0x3;
	v54 =	vbroadcast v3, $0xA  }
0xf9: {  	v16 =	vld [tilespmem:s9+$0x170];
	v57 =	vbroadcast v3, $0xB;
	v60 =	vbroadcast v3, $0xC  }
0xfa: {  	v20 =	vld [tilespmem:s9+$0xFFFFFF00];
	v63 =	vbroadcast v3, $0xD;
	v27 =	vbroadcast v3, $0xE  }
0xfb: {  	v17 =	vld [tilespmem:s9+$0xFFFFFEF0];
	v31 =	vbroadcast v1, $0x5;
	v37 =	vbroadcast v1, $0x7  }
0xfc: {  	v19 =	vld [tilespmem:s9+$0x180];
	v40 =	vbroadcast v2, $0x8;
	v42 =	vbroadcast v0, $0x8  }
0xfd: {  	v21 =	vld [tilespmem:s9+$0x0];
	v4 =	vmul.f32 v4, v8;
	v5 =	vmul.f32 v5, v9  }
0xfe: {  	v48 =	vld [tilespmem:s9+$0x1B0];
	v6 =	vmul.f32 v6, v10;
	v10 =	vbroadcast v3, $0x3  }
0xff: {  	v41 =	vld [tilespmem:s9+$0xFFFFFE60];
	v9 =	vbroadcast v1, $0x0;
	v12 =	vmul.f32 v20, v12  }
0x100: {  	v8 =	vld [tilespmem:s9+$0xFFFFFDE0];
	v4 =	vadd.f32 v5, v4;
	v7 =	vmul.f32 v7, v10;
	v10 =	vbroadcast v3, $0x4  }
0x101: {  	v46 =	vld [tilespmem:s9+$0x1A0];
	v5 =	vbroadcast v0, $0x0;
	v9 =	vmul.f32 v17, v9  }
0x102: {  	v22 =	vld [tilespmem:s9+$0x10];
	v4 =	vadd.f32 v6, v4;
	v6 =	vbroadcast v2, $0x0;
	v10 =	vmul.f32 v11, v10  }
0x103: {  	v23 =	vld [tilespmem:s9+$0xFFFFFE00];
	v11 =	vbroadcast v3, $0x5;
	v5 =	vmul.f32 v21, v5  }
0x104: {  	v62 =	vld [tilespmem:s9+$0x200];
	v9 =	vadd.f32 v12, v9;
	v12 =	vmul.f32 v48, v54;
	v21 =	vmul.f32 v41, v40  }
0x105: {  	v39 =	vld [tilespmem:s9+$0xFFFFFF60];
	v4 =	vadd.f32 v7, v4;
	v6 =	vmul.f32 v8, v6;
	v7 =	vbroadcast v2, $0x2  }
0x106: {  	v50 =	vld [tilespmem:s9+$0x1C0];
	v11 =	vmul.f32 v13, v11;
	v13 =	vbroadcast v3, $0x6  }
0x107: {  	v24 =	vld [tilespmem:s9+$0xFFFFFF10];
	v3 =	vbroadcast v3, $0xF;
	v4 =	vadd.f32 v10, v4;
	v10 =	vmul.f32 v14, v18  }
0x108: {  	v8 =	vld [tilespmem:s9+$0x190];
	v14 =	vbroadcast v1, $0x2;
	v13 =	vmul.f32 v16, v13  }
0x109: {  	v53 =	vld [tilespmem:s9+$0x1D0];
	v16 =	vmul.f32 v19, v47;
	v7 =	vmul.f32 v23, v7;
	v4 =	vadd.f32 v11, v4  }
0x10a: {  	v55 =	vld [tilespmem:s9+$0x20];
	v3 =	vmul.f32 v62, v3;
	v18 =	vmul.f32 v39, v37  }
0x10b: {  	v56 =	vld [tilespmem:s9+$0x1E0];
	v47 =	vbroadcast v0, $0xA;
	v62 =	vbroadcast v2, $0xF;
	v4 =	vadd.f32 v13, v4  }
0x10c: {  	v33 =	vld [tilespmem:s9+$0xFFFFFF40];
	v11 =	vbroadcast v0, $0x2;
	v6 =	vadd.f32 v10, v6;
	v10 =	vmul.f32 v46, v51  }
0x10d: {  	v25 =	vld [tilespmem:s9+$0x30];
	v46 =	vbroadcast v2, $0xA;
	v8 =	vmul.f32 v8, v49;
	v4 =	vadd.f32 v16, v4  }
0x10e: {  	v58 =	vld [tilespmem:s9+$0xFFFFFE10];
	v49 =	vbroadcast v2, $0xB;
	v13 =	vbroadcast v2, $0x3;
	v6 =	vadd.f32 v7, v6  }
0x10f: {  	v26 =	vld [tilespmem:s9+$0xFFFFFE20];
	v7 =	vmul.f32 v53, v60;
	v53 =	vbroadcast v2, $0xC;
	v4 =	vadd.f32 v8, v4  }
0x110: {  	v59 =	vld [tilespmem:s9+$0x1F0];
	v8 =	vmul.f32 v22, v15;
	v15 =	vbroadcast v0, $0x3  }
0x111: {  	v61 =	vld [tilespmem:s9+$0xFFFFFF20];
	v16 =	vmul.f32 v33, v31;
	v4 =	vadd.f32 v10, v4;
	v10 =	vbroadcast v2, $0x4  }
0x112: {  	v28 =	vld [tilespmem:s9+$0xFFFFFF30];
	v5 =	vadd.f32 v8, v5;
	v8 =	vmul.f32 v50, v57;
	v15 =	vmul.f32 v25, v15  }
0x113: {  	v30 =	vld [tilespmem:s9+$0x40];
	v50 =	vbroadcast v1, $0xB;
	v4 =	vadd.f32 v12, v4;
	v12 =	vmul.f32 v24, v14  }
0x114: {  	v29 =	vld [tilespmem:s9+$0x210];
	v14 =	vbroadcast v1, $0x4;
	v10 =	vmul.f32 v26, v10  }
0x115: {  	v32 =	vld [tilespmem:s9+$0xFFFFFE30];
	v4 =	vadd.f32 v8, v4;
	v8 =	vmul.f32 v55, v11;
	v11 =	vbroadcast v0, $0x4  }
0x116: {  	v34 =	vld [tilespmem:s9+$0x50];
	v9 =	vadd.f32 v12, v9;
	v12 =	vmul.f32 v56, v63;
	v55 =	vbroadcast v2, $0xD  }
0x117: {  	v35 =	vld [tilespmem:s9+$0xFFFFFE40];
	v4 =	vadd.f32 v7, v4;
	v7 =	vmul.f32 v58, v13;
	v13 =	vbroadcast v2, $0x5  }
0x118: {  	v36 =	vld [tilespmem:s9+$0x60];
	v5 =	vadd.f32 v8, v5;
	v8 =	vmul.f32 v59, v27;
	v11 =	vmul.f32 v30, v11  }
0x119: {  	v38 =	vld [tilespmem:s9+$0xFFFFFE50];
	v58 =	vbroadcast v2, $0xE;
	v59 =	vbroadcast v1, $0xE;
	v4 =	vadd.f32 v12, v4  }
0x11a: {  	v43 =	vld [tilespmem:s9+$0xFFFFFF70];
	v12 =	vmul.f32 v61, v52;
	v6 =	vadd.f32 v7, v6;
	v7 =	vbroadcast v0, $0x5  }
0x11b: {  	v44 =	vld [tilespmem:s9+$0xFFFFFE70];
	v5 =	vadd.f32 v15, v5;
	v15 =	vbroadcast v0, $0x6;
	v61 =	vbroadcast v0, $0xE  }
0x11c: {  	v51 =	vld [tilespmem:s9+$0xFFFFFE90];
	v4 =	vadd.f32 v8, v4;
	v8 =	vbroadcast v2, $0x6;
	v9 =	vadd.f32 v12, v9  }
0x11d: {  	v12 =	vbroadcast v1, $0x6;
	v5 =	vadd.f32 v11, v5;
	v11 =	vld [tilespmem:s9+$0x70];
	v7 =	vmul.f32 v34, v7  }
0x11e: {  	v6 =	vadd.f32 v10, v6;
	v3 =	vadd.f32 v3, v4;
	v4 =	vmul.f32 v28, v14;
	v14 =	vld [tilespmem:s9+$0xFFFFFF50]  }
0x11f: {  	v10 =	vbroadcast v2, $0x7;
	v15 =	vmul.f32 v36, v15;
	v5 =	vadd.f32 v7, v5;
	v7 =	vld [tilespmem:s9+$0x80]  }
0x120: {  	v45 =	vld [tilespmem:s9+$0xFFFFFF80];
	v4 =	vadd.f32 v4, v9;
	v9 =	vmul.f32 v32, v13;
	v13 =	vbroadcast v0, $0x7  }
0x121: {  	v48 =	vld [tilespmem:s9+$0xFFFFFF90];
	v8 =	vmul.f32 v35, v8;
	v10 =	vmul.f32 v38, v10;
	v5 =	vadd.f32 v15, v5  }
0x122: {  	v54 =	vld [tilespmem:s9+$0xFFFFFFB0];
	v6 =	vadd.f32 v9, v6;
	v9 =	vbroadcast v1, $0x8;
	v11 =	vmul.f32 v11, v13  }
0x123: {  	v15 =	vld [tilespmem:s9+$0x90];
	v4 =	vadd.f32 v16, v4;
	v16 =	vmul.f32 v51, v49;
	v12 =	vmul.f32 v14, v12  }
0x124: {  	v13 =	vld [tilespmem:s9+$0xFFFFFE80];
	v14 =	vbroadcast v2, $0x9;
	v7 =	vmul.f32 v7, v42;
	v6 =	vadd.f32 v8, v6  }
0x125: {  	v52 =	vld [tilespmem:s9+$0xFFFFFFA0];
	v8 =	vbroadcast v1, $0x9;
	v9 =	vmul.f32 v43, v9;
	v5 =	vadd.f32 v11, v5  }
0x126: {  	v11 =	vld [tilespmem:s9+$0xA0];
	v4 =	vadd.f32 v12, v4;
	v12 =	vbroadcast v0, $0x9;
	v14 =	vmul.f32 v44, v14  }
0x127: {  	v60 =	vld [tilespmem:s9+$0xFFFFFFD0];
	v6 =	vadd.f32 v10, v6;
	v10 =	vbroadcast v1, $0xA;
	v8 =	vmul.f32 v45, v8  }
0x128: {  	v5 =	vadd.f32 v7, v5;
	v7 =	vld [tilespmem:s9+$0xB0];
	v4 =	vadd.f32 v18, v4;
	v12 =	vmul.f32 v15, v12  }
0x129: {  	v15 =	vld [tilespmem:s9+$0xFFFFFEA0];
	v13 =	vmul.f32 v13, v46;
	v6 =	vadd.f32 v21, v6;
	v10 =	vmul.f32 v48, v10  }
0x12a: {  	v57 =	vld [tilespmem:s9+$0xFFFFFFC0];
	v21 =	vmul.f32 v52, v50;
	v4 =	vadd.f32 v9, v4;
	v9 =	vbroadcast v0, $0xB  }
0x12b: {  	v5 =	vadd.f32 v12, v5;
	v12 =	vld [tilespmem:s9+$0xC0];
	v11 =	vmul.f32 v11, v47;
	v6 =	vadd.f32 v14, v6  }
0x12c: {  	v56 =	vld [tilespmem:s9+$0xFFFFFEB0];
	v14 =	vbroadcast v1, $0xC;
	v4 =	vadd.f32 v8, v4;
	v8 =	vbroadcast v0, $0xC  }
0x12d: {  	v5 =	vadd.f32 v11, v5;
	v11 =	vld [tilespmem:s9+$0xD0];
	v7 =	vmul.f32 v7, v9;
	v6 =	vadd.f32 v13, v6  }
0x12e: {  	v13 =	vbroadcast v1, $0xD;
	v9 =	vmul.f32 v15, v53;
	v15 =	vld [tilespmem:s9+$0xFFFFFEC0];
	v4 =	vadd.f32 v10, v4  }
0x12f: {  	v14 =	vmul.f32 v54, v14;
	v10 =	vbroadcast v0, $0xD;
	v6 =	vadd.f32 v16, v6  }
0x130: {  	v5 =	vadd.f32 v7, v5;
	v7 =	vmul.f32 v12, v8;
	v12 =	vld [tilespmem:s9+$0xE0];
	v4 =	vadd.f32 v21, v4  }
0x131: {  	v63 =	vld [tilespmem:s9+$0xFFFFFED0];
	v2 =	vadd.f32 v9, v6;
	v6 =	vmul.f32 v56, v55;
	v9 =	vmul.f32 v57, v13  }
0x132: {  	v7 =	vadd.f32 v7, v5;
	v5 =	vld [tilespmem:s9+$0xFFFFFFE0];
	v10 =	vmul.f32 v11, v10;
	v8 =	vadd.f32 v14, v4  }
0x133: {  	v3 =	vadd.f32 v3, v29;
	v11 =	vmul.f32 v15, v58;
	v4 =	vld [tilespmem:s9+$0xF0];
	v14 =	vmul.f32 v60, v59  }
0x134: {  	v6 =	vadd.f32 v6, v2;
	v2 =	vbroadcast v1, $0xF;
	v1 =	vld [tilespmem:s9+$0xFFFFFEE0];
	v13 =	vadd.f32 v9, v8  }
0x135: {  	s11 =	simm.s32 $0x12A20;
	v0 =	vbroadcast v0, $0xF;
	v9 =	vadd.f32 v10, v7;
	v12 =	vmul.f32 v12, v61;
	v7 =	vld [tilespmem:s9+$0x100]  }
0x136: {  	s12 =	simm.s32 $0xA60;
	s10 =	simm.s32 $0x0;
	[tilespmem:s11+$0x10] =	vst v3;
	v8 =	vadd.f32 v11, v6;
	v6 =	vld [tilespmem:s9+$0xFFFFFFF0];
	v11 =	vmul.f32 v63, v62;
	v10 =	vadd.f32 v14, v13  }
.LBB2_5:
0x137: {  	v3 =	vld [tilespmem:s12+$0x10];
	s10 =	sadd.s32 $0x4, s10;
	v2 =	vmul.f32 v5, v2;
	v5 =	vadd.f32 v12, v9;
	s9 =	sadd.s32 $0x440, s9  }
0x138: {  	v9 =	vld [tilespmem:s9+$0x110];
	p0 =	slt.u32 s10, $0x7C;
	v8 =	vadd.f32 v11, v8;
	v4 =	vmul.f32 v4, v0  }
0x139: {  	v11 =	vld [tilespmem:s9+$0x120];
	v2 =	vadd.f32 v2, v10  }
0x13a: {  	v0 =	vld [tilespmem:s12+$0xFFFFFFF0];
	v8 =	vadd.f32 v8, v1;
	v4 =	vadd.f32 v4, v5  }
0x13b: {  	v5 =	vld [tilespmem:s9+$0x130];
	v2 =	vadd.f32 v2, v6  }
0x13c: {  	v1 =	vld [tilespmem:s12+$0x0];
	v6 =	vbroadcast v3, $0x0;
	v10 =	vbroadcast v3, $0x1;
	[tilespmem:s11+$0xFFFFFFE0] =	vst v8;
	v4 =	vadd.f32 v4, v7  }
0x13d: {  	v7 =	vbroadcast v3, $0x2;
	v8 =	vld [tilespmem:s9+$0x140];
	[tilespmem:s11+$0xFFFFFFF0] =	vst v2  }
0x13e: {  	v2 =	vld [tilespmem:s12+$0xFFFFFFE0];
	v6 =	vmul.f32 v9, v6;
	v9 =	vmul.f32 v11, v10;
	[tilespmem:s11+$0x0] =	vst v4  }
0x13f: {  	v4 =	vbroadcast v0, $0x0;
	v10 =	vbroadcast v0, $0x1;
	v11 =	vld [tilespmem:s9+$0x150]  }
0x140: {  	v12 =	vld [tilespmem:s9+$0xFFFFFDE0];
	v6 =	vadd.f32 v9, v6;
	v5 =	vmul.f32 v5, v7;
	v7 =	vbroadcast v3, $0x3  }
0x141: {  	v9 =	vbroadcast v1, $0x0;
	v13 =	vbroadcast v1, $0x1;
	v14 =	vld [tilespmem:s9+$0x160]  }
0x142: {  	v15 =	vld [tilespmem:s9+$0xFFFFFDF0];
	v5 =	vadd.f32 v5, v6;
	v6 =	vmul.f32 v8, v7;
	v7 =	vbroadcast v3, $0x4  }
0x143: {  	v8 =	vbroadcast v2, $0x0;
	v16 =	vbroadcast v2, $0x1;
	v17 =	vld [tilespmem:s9+$0x170]  }
0x144: {  	v18 =	vld [tilespmem:s9+$0xFFFFFEF0];
	v5 =	vadd.f32 v6, v5;
	v6 =	vmul.f32 v11, v7;
	v7 =	vbroadcast v3, $0x5  }
0x145: {  	v11 =	vbroadcast v2, $0x2;
	v8 =	vmul.f32 v12, v8;
	v12 =	vld [tilespmem:s9+$0x180]  }
0x146: {  	v19 =	vld [tilespmem:s9+$0xFFFFFF00];
	v5 =	vadd.f32 v6, v5;
	v6 =	vmul.f32 v14, v7;
	v7 =	vbroadcast v3, $0x6  }
0x147: {  	v14 =	vmul.f32 v15, v16;
	v15 =	vbroadcast v0, $0x2;
	v16 =	vld [tilespmem:s9+$0x190]  }
0x148: {  	v20 =	vld [tilespmem:s9+$0x0];
	v5 =	vadd.f32 v6, v5;
	v6 =	vmul.f32 v17, v7;
	v7 =	vbroadcast v3, $0x7  }
0x149: {  	v8 =	vadd.f32 v14, v8;
	v4 =	vmul.f32 v18, v4;
	v14 =	vbroadcast v1, $0x2;
	v17 =	vld [tilespmem:s9+$0x1A0]  }
0x14a: {  	v18 =	vld [tilespmem:s9+$0x10];
	v5 =	vadd.f32 v6, v5;
	v6 =	vmul.f32 v12, v7;
	v7 =	vbroadcast v3, $0x8  }
0x14b: {  	v12 =	vbroadcast v2, $0x3;
	v10 =	vmul.f32 v19, v10;
	v19 =	vld [tilespmem:s9+$0x1B0]  }
0x14c: {  	v21 =	vld [tilespmem:s9+$0xFFFFFE00];
	v5 =	vadd.f32 v6, v5;
	v6 =	vmul.f32 v16, v7;
	v7 =	vbroadcast v3, $0x9  }
0x14d: {  	v4 =	vadd.f32 v10, v4;
	v10 =	vbroadcast v0, $0x3;
	v9 =	vmul.f32 v20, v9;
	v16 =	vld [tilespmem:s9+$0x1C0]  }
0x14e: {  	v20 =	vld [tilespmem:s9+$0xFFFFFF10];
	v5 =	vadd.f32 v6, v5;
	v6 =	vmul.f32 v17, v7;
	v7 =	vbroadcast v3, $0xA  }
0x14f: {  	v17 =	vbroadcast v1, $0x3;
	v13 =	vmul.f32 v18, v13;
	v18 =	vld [tilespmem:s9+$0x1D0]  }
0x150: {  	v22 =	vld [tilespmem:s9+$0x20];
	v5 =	vadd.f32 v6, v5;
	v6 =	vmul.f32 v19, v7;
	v7 =	vbroadcast v3, $0xB  }
0x151: {  	v19 =	vbroadcast v2, $0x4;
	v11 =	vmul.f32 v21, v11;
	v9 =	vadd.f32 v13, v9;
	v13 =	vld [tilespmem:s9+$0x1E0]  }
0x152: {  	v21 =	vld [tilespmem:s9+$0xFFFFFE10];
	v5 =	vadd.f32 v6, v5;
	v6 =	vmul.f32 v16, v7;
	v7 =	vbroadcast v3, $0xC  }
0x153: {  	v8 =	vadd.f32 v11, v8;
	v11 =	vmul.f32 v20, v15;
	v15 =	vbroadcast v0, $0x4;
	v16 =	vld [tilespmem:s9+$0x1F0]  }
0x154: {  	v20 =	vld [tilespmem:s9+$0xFFFFFF20];
	v5 =	vadd.f32 v6, v5;
	v6 =	vmul.f32 v18, v7;
	v7 =	vbroadcast v3, $0xD  }
0x155: {  	v4 =	vadd.f32 v11, v4;
	v11 =	vmul.f32 v22, v14;
	v14 =	vbroadcast v1, $0x4;
	v18 =	vld [tilespmem:s9+$0x200]  }
0x156: {  	v22 =	vld [tilespmem:s9+$0x30];
	v5 =	vadd.f32 v6, v5;
	v6 =	vmul.f32 v13, v7;
	v7 =	vbroadcast v3, $0xE  }
0x157: {  	v12 =	vmul.f32 v21, v12;
	v13 =	vld [tilespmem:s9+$0xFFFFFE20];
	v21 =	vbroadcast v2, $0x5;
	v9 =	vadd.f32 v11, v9  }
0x158: {  	v3 =	vbroadcast v3, $0xF;
	v11 =	vld [tilespmem:s9+$0xFFFFFF30];
	v5 =	vadd.f32 v6, v5;
	v6 =	vmul.f32 v16, v7  }
0x159: {  	v7 =	vadd.f32 v12, v8;
	v8 =	vmul.f32 v20, v10;
	v10 =	vbroadcast v0, $0x5;
	v12 =	vld [tilespmem:s9+$0x210]  }
0x15a: {  	v20 =	vbroadcast v1, $0x5;
	v16 =	vld [tilespmem:s9+$0x40];
	v5 =	vadd.f32 v6, v5;
	v3 =	vmul.f32 v18, v3  }
0x15b: {  	v18 =	vbroadcast v2, $0x6;
	v6 =	vld [tilespmem:s9+$0xFFFFFE30];
	v4 =	vadd.f32 v8, v4;
	v8 =	vmul.f32 v22, v17  }
0x15c: {  	v13 =	vmul.f32 v13, v19;
	v17 =	vld [tilespmem:s9+$0xFFFFFF40];
	v19 =	vbroadcast v0, $0x6;
	v3 =	vadd.f32 v3, v5  }
0x15d: {  	v5 =	vmul.f32 v11, v15;
	v8 =	vadd.f32 v8, v9;
	v9 =	vld [tilespmem:s9+$0x50];
	v11 =	vbroadcast v1, $0x6  }
0x15e: {  	v15 =	vbroadcast v2, $0x7;
	v7 =	vadd.f32 v13, v7;
	v13 =	vld [tilespmem:s9+$0xFFFFFE40];
	v3 =	vadd.f32 v3, v12  }
0x15f: {  	s11 =	sadd.s32 $0x40, s11;
	v12 =	vbroadcast v0, $0x7;
	v4 =	vadd.f32 v5, v4;
	v5 =	vld [tilespmem:s9+$0xFFFFFF50];
	v14 =	vmul.f32 v16, v14  }
0x160: {  	v6 =	vmul.f32 v6, v21;
	v16 =	vld [tilespmem:s9+$0x60];
	v21 =	vbroadcast v1, $0x7;
	[tilespmem:s11+$0x10] =	vst v3  }
0x161: {  	v22 =	vbroadcast v2, $0x8;
	v3 =	vld [tilespmem:s9+$0xFFFFFE50];
	v10 =	vmul.f32 v17, v10;
	v8 =	vadd.f32 v14, v8  }
0x162: {  	v14 =	vbroadcast v0, $0x8;
	v6 =	vadd.f32 v6, v7;
	v7 =	vld [tilespmem:s9+$0xFFFFFF60];
	v9 =	vmul.f32 v9, v20  }
0x163: {  	v17 =	vbroadcast v1, $0x8;
	v13 =	vmul.f32 v13, v18;
	v4 =	vadd.f32 v10, v4;
	v10 =	vld [tilespmem:s9+$0x70]  }
0x164: {  	v20 =	vbroadcast v2, $0x9;
	v18 =	vld [tilespmem:s9+$0xFFFFFE60];
	v5 =	vmul.f32 v5, v19;
	v8 =	vadd.f32 v9, v8  }
0x165: {  	v6 =	vadd.f32 v13, v6;
	v9 =	vld [tilespmem:s9+$0xFFFFFF70];
	v13 =	vbroadcast v0, $0x9;
	v11 =	vmul.f32 v16, v11  }
0x166: {  	v3 =	vmul.f32 v3, v15;
	v4 =	vadd.f32 v5, v4;
	v5 =	vld [tilespmem:s9+$0x80];
	v15 =	vbroadcast v1, $0x9  }
0x167: {  	v19 =	vbroadcast v2, $0xA;
	v16 =	vld [tilespmem:s9+$0xFFFFFE70];
	v7 =	vmul.f32 v7, v12;
	v8 =	vadd.f32 v11, v8  }
0x168: {  	v11 =	vbroadcast v0, $0xA;
	v3 =	vadd.f32 v3, v6;
	v6 =	vld [tilespmem:s9+$0xFFFFFF80];
	v10 =	vmul.f32 v10, v21  }
0x169: {  	v12 =	vmul.f32 v18, v22;
	v4 =	vadd.f32 v7, v4;
	v7 =	vld [tilespmem:s9+$0x90];
	v18 =	vbroadcast v1, $0xA  }
0x16a: {  	v22 =	vbroadcast v2, $0xB;
	v21 =	vld [tilespmem:s9+$0xFFFFFE80];
	v9 =	vmul.f32 v9, v14;
	v8 =	vadd.f32 v10, v8  }
0x16b: {  	v3 =	vadd.f32 v12, v3;
	v10 =	vld [tilespmem:s9+$0xFFFFFF90];
	v12 =	vbroadcast v0, $0xB;
	v5 =	vmul.f32 v5, v17  }
0x16c: {  	v14 =	vmul.f32 v16, v20;
	v4 =	vadd.f32 v9, v4;
	v9 =	vld [tilespmem:s9+$0xA0];
	v16 =	vbroadcast v1, $0xB  }
0x16d: {  	v20 =	vbroadcast v2, $0xC;
	v17 =	vld [tilespmem:s9+$0xFFFFFE90];
	v6 =	vmul.f32 v6, v13;
	v5 =	vadd.f32 v5, v8  }
0x16e: {  	v13 =	vbroadcast v0, $0xC;
	v3 =	vadd.f32 v14, v3;
	v8 =	vld [tilespmem:s9+$0xFFFFFFA0];
	v7 =	vmul.f32 v7, v15  }
0x16f: {  	v15 =	vbroadcast v1, $0xC;
	v14 =	vmul.f32 v21, v19;
	v4 =	vadd.f32 v6, v4;
	v6 =	vld [tilespmem:s9+$0xB0]  }
0x170: {  	v21 =	vbroadcast v2, $0xD;
	v19 =	vld [tilespmem:s9+$0xFFFFFEA0];
	v10 =	vmul.f32 v10, v11;
	v5 =	vadd.f32 v7, v5  }
0x171: {  	v11 =	vbroadcast v0, $0xD;
	v3 =	vadd.f32 v14, v3;
	v7 =	vld [tilespmem:s9+$0xFFFFFFB0];
	v9 =	vmul.f32 v9, v18  }
0x172: {  	v14 =	vmul.f32 v17, v22;
	v4 =	vadd.f32 v10, v4;
	v10 =	vld [tilespmem:s9+$0xC0];
	v17 =	vbroadcast v1, $0xD  }
0x173: {  	v22 =	vbroadcast v2, $0xE;
	v18 =	vld [tilespmem:s9+$0xFFFFFEB0];
	v8 =	vmul.f32 v8, v12;
	v5 =	vadd.f32 v9, v5  }
0x174: {  	v12 =	vbroadcast v0, $0xE;
	v3 =	vadd.f32 v14, v3;
	v9 =	vld [tilespmem:s9+$0xFFFFFFC0];
	v6 =	vmul.f32 v6, v16  }
0x175: {  	v16 =	vbroadcast v1, $0xE;
	v14 =	vmul.f32 v19, v20;
	v4 =	vadd.f32 v8, v4;
	v8 =	vld [tilespmem:s9+$0xD0]  }
0x176: {  	v20 =	vbroadcast v2, $0xF;
	v19 =	vld [tilespmem:s9+$0xFFFFFEC0];
	v7 =	vmul.f32 v7, v13;
	v5 =	vadd.f32 v6, v5  }
0x177: {  	v2 =	vbroadcast v0, $0xF;
	v3 =	vadd.f32 v14, v3;
	v6 =	vld [tilespmem:s9+$0xFFFFFFD0];
	v10 =	vmul.f32 v10, v15  }
0x178: {  	v0 =	vbroadcast v1, $0xF;
	v13 =	vmul.f32 v18, v21;
	v4 =	vadd.f32 v7, v4;
	v7 =	vld [tilespmem:s9+$0xE0]  }
0x179: {  	v14 =	vld [tilespmem:s9+$0xFFFFFED0];
	v1 =	vmul.f32 v9, v11;
	v9 =	vadd.f32 v10, v5  }
.Ltmp1:
0x17a: {  	v3 =	vadd.f32 v13, v3;
	v5 =	vld [tilespmem:s9+$0xFFFFFFE0];
	v8 =	vmul.f32 v8, v17;
	(pc) =	sbr.rel @p0 .LBB2_5-.Ltmp1, $4  }
0x17b: {  	v10 =	vmul.f32 v19, v22;
	v13 =	vadd.f32 v1, v4;
	v4 =	vld [tilespmem:s9+$0xF0]  }
0x17c: {  	v1 =	vld [tilespmem:s9+$0xFFFFFEE0];
	v15 =	vmul.f32 v6, v12;
	v9 =	vadd.f32 v8, v9  }
0x17d: {  	v8 =	vadd.f32 v10, v3;
	v6 =	vld [tilespmem:s9+$0xFFFFFFF0];
	v12 =	vmul.f32 v7, v16  }
0x17e: {  	s12 =	sadd.s32 $0x40, s12;
	v11 =	vmul.f32 v14, v20;
	v10 =	vadd.f32 v15, v13;
	v7 =	vld [tilespmem:s9+$0x100]  }
0x17f: {  	v2 =	vmul.f32 v5, v2  }
0x180: {  	v3 =	vadd.f32 v12, v9;
	v63 =	vadd.f32 v11, v8;
	v0 =	vmul.f32 v4, v0  }
0x181: {  	v2 =	vadd.f32 v2, v10  }
0x182: {  	v1 =	vadd.f32 v63, v1;
	v0 =	vadd.f32 v0, v3  }
0x183: {  	v2 =	vadd.f32 v2, v6  }
0x184: {  	s15 =	sadd.s32 $0x1, s15;
	[tilespmem:s11+$0xFFFFFFE0] =	vst v1;
	v0 =	vadd.f32 v0, v7  }
0x185: {  	p0 =	sne.s32 s15, $0x14;
	[tilespmem:s11+$0xFFFFFFF0] =	vst v2  }
.Ltmp2:
0x186: {  	[tilespmem:s11+$0x0] =	vst v0;
	(pc) =	sbr.rel @p0 .LBB2_2-.Ltmp2, $4  }
0x187: {  	_ =	swait.ge [sflag:s23], $0x80  }
0x188: {  	[sflag:s23] =	ssyncset.done $0x0  }
0x189: {  	[sflag:s23] =	ssyncadd.s32 $0xFFFFFF80  }
0x18a: {  	[spmem:s1] =	stream.indirect.scatter.add.f32 [tilespmem:s8], [sflag:$0xA], $0x10, s28, s20, $0xb8;
	[tilespmem:$0x15980] =	vst v63  }
0x18b: {  	s9 =	simm.s32 $0x9  }
0x18c: {  	_ =	swait.ge [sflag:s9], $0x800  }
0x18d: {  	[sflag:s9] =	ssyncset.done $0x0  }
0x18e: {  	s16 =	simm.s32 $0xA;
	[sflag:s9] =	ssyncadd.s32 $0xFFFFF800  }
0x18f: {  	_ =	swait.ge [sflag:s16], $0x800  }
0x190: {  	[sflag:s16] =	ssyncset.done $0x0  }
0x191: {  	[sflag:s16] =	ssyncadd.s32 $0xFFFFF800  }
0x192: {  	[bflag:$0x0] =	sbarrier.arrive $0xFFFF  }
0x193: {  	s11 =	rddreg [dreg:$0x5]  }
0x194: {  	s17 =	rddreg [dreg:$0x9]  }
0x195: {  	s10 =	rddreg [dreg:$0xb]  }
0x196: {  	[hbm:s17], [sflag:s11] =	dma.local [spmem:s10], $0x4F0  }
0x197: {  	_ =	swait.ge [sflag:s18], $0x4F0  }
0x198: {  	s13 =	sadd.s32 $0x1, s13;
	s19 =	rddreg [dreg:$0xa]  }
0x199: {  	p0 =	sne.s32 s13, s19  }
.Ltmp3:
0x19a: {  	_ = 	snop;
	(pc) =	sbr.rel @p0 .LBB2_1-.Ltmp3, $3  }
0x19b: {  	_ =	sdelay $0x1  }
0x19c: {  	[sflag:s18] =	ssyncset.done $0x0  }
0x19d: {  	[sflag:s18] =	ssyncadd.s32 $0xFFFFFB10  }
0x19e: {  	_ =	sfence.sel $0x180000  }
0x19f: {  	[bflag:$0x0] =	sbarrier.arrive $0xFFFF  }
0x1a0: {  	_ =	strace $0x9000004D  }
0x1a1: {  	s0 =	stileid.u32;
	[bflag:$0x2] =	sbarrier.arrive $0xFFFF  }
0x1a2: {  	p0 =	sne.s32 s0, $0x0;
	s0 =	rddreg [dreg:$0x2]  }
0x1a3: {  	s0 =	sadd.s32 @!p0 $0x100000, s0  }
0x1a4: {  	[sflag:s0] =	ssyncadd.tile.s32 @!p0 $0x1;
	_ =	shalt  }
.Lfunc_end2:
_tile_overlayer_lowered:
.L_overlay_start_2:
0x1a5: {  	(tag) =	ssettag $0x2  }
0x1a6: {  	s0 =	rddreg [dreg:$0x0];
	s2 =	stileid.u32  }
0x1a7: {  	s1 =	rddreg [dreg:$0x1];
	p0 =	sne.s32 s2, $0x0  }
0x1a8: {  	s3 =	rddreg [dreg:$0x2];
	[bflag:$0x3] =	sbarrier.arrive $0xFFFF;
	s2 =	simm.s32 @!p0 $0x1C0B  }
0x1a9: {  	[timem:s3], [sflag:s2] =	dma.local @!p0 [hbm:s0], s1  }
0x1aa: {  	s0 =	simm.s32 @!p0 $0xB  }
0x1ab: {  	_ =	swait.ge @!p0 [sflag:s0], s1  }
0x1ac: {  	s1 =	ssub.s32 @!p0 $0x0, s1;
	[sflag:s0] =	ssyncset.done @!p0 $0x0  }
0x1ad: {  	[sflag:s0] =	ssyncadd.s32 @!p0 s1  }
0x1ae: {  	[bflag:$0x3] =	sbarrier.arrive $0xFFFF  }
0x1af: {  	_ =	shalt  }

</sc_bundles>
